<compile_context>
chip_gen: v7x
topology: tpu7x:2x2x1
jax: 0.10.2.dev20260603
libtpu: 0.0.44.dev20260713+nightly
codegen_flags: <defaults>
</compile_context>

<pallas_src>
import functools

import jax
import jax.numpy as jnp
from jax import lax
from jax.experimental import pallas as pl
from jax.experimental.pallas import tpu as pltpu
from jax.experimental.pallas import tpu_sc as plsc

N = 10000
E = 320000
D = 128
H1 = 64
H2 = 32
OUT = 32

CH = 125
NW = 32
ROWS_PER_TILE = E // (NW * CH)
NPAD = 10240
STRIPE = NPAD // 16

_HIGH = jax.lax.Precision.HIGHEST


def _make_sc_agg(H, with_deg):
    mesh = plsc.VectorSubcoreMesh(core_axis_name="c", subcore_axis_name="s")
    out_type = [jax.ShapeDtypeStruct((2, NPAD, H), jnp.float32)]
    if with_deg:
        out_type.append(jax.ShapeDtypeStruct((NPAD,), jnp.float32))
        out_type.append(jax.ShapeDtypeStruct((NPAD,), jnp.float32))
    scratch = [
        pltpu.VMEM((ROWS_PER_TILE, CH), jnp.int32),
        pltpu.VMEM((ROWS_PER_TILE, CH), jnp.int32),
    ]
    nb = 5 if H > 32 else 8
    scratch += [pltpu.VMEM((CH, H), jnp.float32)] * nb
    scratch += [
        pltpu.VMEM((128, H), jnp.float32),
        pltpu.VMEM_SHARED((NPAD, H), jnp.float32),
    ] + [pltpu.SemaphoreType.DMA] * nb
    if with_deg:
        scratch += [
            pltpu.VMEM((CH,), jnp.float32),
            pltpu.VMEM((STRIPE,), jnp.float32),
            pltpu.VMEM_SHARED((NPAD,), jnp.float32),
        ]

    @functools.partial(pl.kernel, mesh=mesh, out_type=tuple(out_type),
                       scratch_types=scratch,
                       compiler_params=pltpu.CompilerParams(
                           use_tc_tiling_on_sc=False))
    def k(xl, src2, dst2, *refs):
        if with_deg:
            (agg_out, deg0_out, deg1_out, src_v, dst_v, *rest) = refs
        else:
            (agg_out, src_v, dst_v, *rest) = refs
        nb = 5 if H > 32 else 8
        bufs = tuple(rest[0:nb])
        zblk = rest[nb]
        acc = rest[nb + 1]
        sems = tuple(rest[nb + 2:2 * nb + 2])
        if with_deg:
            ones_v, zvec, dacc = rest[2 * nb + 2:2 * nb + 5]
        c = lax.axis_index("c")
        s = lax.axis_index("s")
        wid = s * 2 + c
        zero16 = jnp.zeros((16,), jnp.float32)

        def zfill(i, _):
            zblk[i // (H // 16), pl.ds((i % (H // 16)) * 16, 16)] = zero16
            return 0
        lax.fori_loop(0, 128 * (H // 16), zfill, 0)

        def zacc(t, _):
            pltpu.sync_copy(zblk, acc.at[pl.ds(s * STRIPE + t * 128, 128), :])
            return 0
        lax.fori_loop(0, STRIPE // 128, zacc, 0)

        if with_deg:
            def zdfill(i, _):
                zvec[pl.ds(i * 16, 16)] = zero16
                return 0
            lax.fori_loop(0, STRIPE // 16, zdfill, 0)
            pltpu.sync_copy(zvec, dacc.at[pl.ds(s * STRIPE, STRIPE)])
            one16 = jnp.ones((16,), jnp.float32)

            def ofill(i, _):
                ones_v[pl.ds(jnp.minimum(i * 16, CH - 16), 16)] = one16
                return 0
            lax.fori_loop(0, (CH + 15) // 16, ofill, 0)

        plsc.subcore_barrier()

        row0 = wid * ROWS_PER_TILE
        pltpu.sync_copy(src2.at[pl.ds(row0, ROWS_PER_TILE), :], src_v)
        pltpu.sync_copy(dst2.at[pl.ds(row0, ROWS_PER_TILE), :], dst_v)

        NB = nb

        def drain_g(b, sm):
            pltpu.make_async_copy(xl.at[pl.ds(0, CH), :], b, sm).wait()

        for b in range(NB):
            pltpu.async_copy(xl.at[src_v.at[b]], bufs[b], sems[b])

        def step(i, _):
            for b in range(NB):
                j = NB * i + b
                drain_g(bufs[b], sems[b])
                pltpu.sync_copy(bufs[b], acc.at[dst_v.at[j]], add=True)
                if with_deg:
                    pltpu.sync_copy(ones_v, dacc.at[dst_v.at[j]], add=True)
                jn = jnp.minimum(j + NB, ROWS_PER_TILE - 1)
                pltpu.async_copy(xl.at[src_v.at[jn]], bufs[b], sems[b])
            return 0
        lax.fori_loop(0, ROWS_PER_TILE // NB, step, 0)
        for b in range(NB):
            drain_g(bufs[b], sems[b])

        plsc.subcore_barrier()

        pltpu.sync_copy(acc.at[pl.ds(s * STRIPE, STRIPE), :],
                        agg_out.at[c].at[pl.ds(s * STRIPE, STRIPE), :])
        if with_deg:
            @pl.when(c == 0)
            def _():
                pltpu.sync_copy(dacc.at[pl.ds(s * STRIPE, STRIPE)],
                                deg0_out.at[pl.ds(s * STRIPE, STRIPE)])

            @pl.when(c == 1)
            def _():
                pltpu.sync_copy(dacc.at[pl.ds(s * STRIPE, STRIPE)],
                                deg1_out.at[pl.ds(s * STRIPE, STRIPE)])

    return k


_sc_agg64 = _make_sc_agg(H1, with_deg=True)
_sc_agg32 = _make_sc_agg(H2, with_deg=False)


_BR = 2000


def _mm2(x, Wl, Wr):
    Din, H = Wl.shape

    def body(x_ref, wl_ref, wr_ref, ol_ref, or_ref):
        xb = x_ref[...]
        ol_ref[...] = jnp.dot(xb, wl_ref[...], precision=None,
                              preferred_element_type=jnp.float32)
        or_ref[...] = jnp.dot(xb, wr_ref[...], precision=None,
                              preferred_element_type=jnp.float32)

    return pl.pallas_call(
        body,
        grid=(N // _BR,),
        in_specs=[pl.BlockSpec((_BR, Din), lambda i: (i, 0)),
                  pl.BlockSpec((Din, H), lambda i: (0, 0)),
                  pl.BlockSpec((Din, H), lambda i: (0, 0))],
        out_specs=[pl.BlockSpec((_BR, H), lambda i: (i, 0)),
                   pl.BlockSpec((_BR, H), lambda i: (i, 0))],
        out_shape=[jax.ShapeDtypeStruct((N, H), jnp.float32)] * 2,
    )(x, Wl, Wr)


def _layer_out(a0, a1, inv, xr, b):
    out = (a0 + a1) * inv + b + xr
    nrm = jnp.sqrt(jnp.sum(out * out, axis=1, keepdims=True))
    return out / jnp.maximum(nrm, 1e-12)


def _combine1(agg, d0, d1, xr, b, Wl, Wr):
    H, Hn = Wl.shape

    def body(a0_r, a1_r, d0_r, d1_r, xr_r, b_r, wl_r, wr_r,
             ol_r, or_r, oi_r):
        inv = 1.0 / jnp.maximum(d0_r[...] + d1_r[...], 1.0)
        h = _layer_out(a0_r[0], a1_r[0], inv, xr_r[...], b_r[...])
        h = jnp.maximum(h, 0.0)
        ol_r[...] = jnp.dot(h, wl_r[...], precision=None,
                            preferred_element_type=jnp.float32)
        or_r[...] = jnp.dot(h, wr_r[...], precision=None,
                            preferred_element_type=jnp.float32)
        oi_r[...] = inv

    return pl.pallas_call(
        body,
        grid=(N // _BR,),
        in_specs=[pl.BlockSpec((1, _BR, H), lambda i: (0, i, 0)),
                  pl.BlockSpec((1, _BR, H), lambda i: (1, i, 0)),
                  pl.BlockSpec((_BR, 1), lambda i: (i, 0)),
                  pl.BlockSpec((_BR, 1), lambda i: (i, 0)),
                  pl.BlockSpec((_BR, H), lambda i: (i, 0)),
                  pl.BlockSpec((1, H), lambda i: (0, 0)),
                  pl.BlockSpec((H, Hn), lambda i: (0, 0)),
                  pl.BlockSpec((H, Hn), lambda i: (0, 0))],
        out_specs=[pl.BlockSpec((_BR, Hn), lambda i: (i, 0)),
                   pl.BlockSpec((_BR, Hn), lambda i: (i, 0)),
                   pl.BlockSpec((_BR, 1), lambda i: (i, 0))],
        out_shape=[jax.ShapeDtypeStruct((N, Hn), jnp.float32),
                   jax.ShapeDtypeStruct((N, Hn), jnp.float32),
                   jax.ShapeDtypeStruct((N, 1), jnp.float32)],
    )(agg, agg, d0, d1, xr, b, Wl, Wr)


def _combine2(agg, inv, xr, b, Wl, Wr):
    H, Hn = Wl.shape

    def body(a0_r, a1_r, inv_r, xr_r, b_r, wl_r, wr_r, ol_r, or_r):
        h = _layer_out(a0_r[0], a1_r[0], inv_r[...], xr_r[...], b_r[...])
        h = jnp.maximum(h, 0.0)
        ol_r[...] = jnp.dot(h, wl_r[...], precision=None,
                            preferred_element_type=jnp.float32)
        or_r[...] = jnp.dot(h, wr_r[...], precision=None,
                            preferred_element_type=jnp.float32)

    return pl.pallas_call(
        body,
        grid=(N // _BR,),
        in_specs=[pl.BlockSpec((1, _BR, H), lambda i: (0, i, 0)),
                  pl.BlockSpec((1, _BR, H), lambda i: (1, i, 0)),
                  pl.BlockSpec((_BR, 1), lambda i: (i, 0)),
                  pl.BlockSpec((_BR, H), lambda i: (i, 0)),
                  pl.BlockSpec((1, H), lambda i: (0, 0)),
                  pl.BlockSpec((H, Hn), lambda i: (0, 0)),
                  pl.BlockSpec((H, Hn), lambda i: (0, 0))],
        out_specs=[pl.BlockSpec((_BR, Hn), lambda i: (i, 0)),
                   pl.BlockSpec((_BR, Hn), lambda i: (i, 0))],
        out_shape=[jax.ShapeDtypeStruct((N, Hn), jnp.float32)] * 2,
    )(agg, agg, inv, xr, b, Wl, Wr)


def _final(agg, inv, xr, b):
    H = xr.shape[1]

    def body(a0_r, a1_r, inv_r, xr_r, b_r, o_r):
        h = _layer_out(a0_r[0], a1_r[0], inv_r[...], xr_r[...], b_r[...])
        m = jnp.max(h, axis=1, keepdims=True)
        e = h - m
        o_r[...] = e - jnp.log(jnp.sum(jnp.exp(e), axis=1, keepdims=True))

    return pl.pallas_call(
        body,
        grid=(N // _BR,),
        in_specs=[pl.BlockSpec((1, _BR, H), lambda i: (0, i, 0)),
                  pl.BlockSpec((1, _BR, H), lambda i: (1, i, 0)),
                  pl.BlockSpec((_BR, 1), lambda i: (i, 0)),
                  pl.BlockSpec((_BR, H), lambda i: (i, 0)),
                  pl.BlockSpec((1, H), lambda i: (0, 0))],
        out_specs=[pl.BlockSpec((_BR, H), lambda i: (i, 0))],
        out_shape=[jax.ShapeDtypeStruct((N, H), jnp.float32)],
    )(agg, agg, inv, xr, b)[0]


def kernel(x, edge_index, W1l, b1, W1r, W2l, b2, W2r, W3l, b3, W3r):
    src2 = edge_index[0].reshape(E // CH, CH)
    dst2 = edge_index[1].reshape(E // CH, CH)

    x1l, x1r = _mm2(x, W1l, W1r)
    agg1, deg0, deg1 = _sc_agg64(x1l, src2, dst2)
    x2l, x2r, inv = _combine1(agg1, deg0[:N].reshape(N, 1),
                              deg1[:N].reshape(N, 1), x1r,
                              b1.reshape(1, H1), W2l, W2r)

    agg2, = _sc_agg32(x2l, src2, dst2)
    x3l, x3r = _combine2(agg2, inv, x2r, b2.reshape(1, H2), W3l, W3r)

    agg3, = _sc_agg32(x3l, src2, dst2)
    return _final(agg3, inv, x3r, b3.reshape(1, OUT))

# --- scband reference (transcript-rebuilt; emitter-appended) ---
"""Pipeline reference for scband-graph-sage-54039278518913 (READ-ONLY COPY).

The authoritative reference and input builder live on the scoring server;
editing this copy changes nothing except your own understanding.
"""

import jax, jax.numpy as jnp
import numpy as np

N = 10000
E = 320000
D = 128
H1 = 64  # hidden_channels // 2
H2 = 32  # hidden_channels // 4
OUT = 32  # output_dim


def setup_inputs(seed: int = 0):
    key = jax.random.key(seed)
    ks = jax.random.split(key, 12)
    x = jax.random.normal(ks[0], (N, D), dtype=jnp.float32)
    edge_index = jax.random.randint(ks[1], (2, E), 0, N, dtype=jnp.int32)
    # SAGEConv params: lin_l (applied to mean-aggregated neighbors, with bias),
    # lin_r (applied to root/self features, no bias). PyG default.
    W1l = jax.random.normal(ks[2], (D, H1), dtype=jnp.float32) / np.sqrt(D)
    b1 = jnp.zeros((H1,), dtype=jnp.float32)
    W1r = jax.random.normal(ks[3], (D, H1), dtype=jnp.float32) / np.sqrt(D)
    W2l = jax.random.normal(ks[4], (H1, H2), dtype=jnp.float32) / np.sqrt(H1)
    b2 = jnp.zeros((H2,), dtype=jnp.float32)
    W2r = jax.random.normal(ks[5], (H1, H2), dtype=jnp.float32) / np.sqrt(H1)
    W3l = jax.random.normal(ks[6], (H2, OUT), dtype=jnp.float32) / np.sqrt(H2)
    b3 = jnp.zeros((OUT,), dtype=jnp.float32)
    W3r = jax.random.normal(ks[7], (H2, OUT), dtype=jnp.float32) / np.sqrt(H2)
    return {"x": x, "edge_index": edge_index,
            "W1l": W1l, "b1": b1, "W1r": W1r,
            "W2l": W2l, "b2": b2, "W2r": W2r,
            "W3l": W3l, "b3": b3, "W3r": W3r}


def _sage_conv(x, edge_index, Wl, b, Wr):
    src = edge_index[0]
    dst = edge_index[1]
    # mean aggregation of source features onto destination nodes (gather + scatter-add)
    msgs = x[src]
    agg = jax.ops.segment_sum(msgs, dst, num_segments=N)
    deg = jax.ops.segment_sum(jnp.ones((edge_index.shape[1],), dtype=x.dtype), dst, num_segments=N)
    mean = agg / jnp.clip(deg, 1.0)[:, None]
    out = mean @ Wl + b + x @ Wr
    # normalize=True -> L2 normalize output rows
    nrm = jnp.linalg.norm(out, axis=-1, keepdims=True)
    return out / jnp.maximum(nrm, 1e-12)


def reference(x, edge_index, W1l, b1, W1r, W2l, b2, W2r, W3l, b3, W3r):
    h = jax.nn.relu(_sage_conv(x, edge_index, W1l, b1, W1r))
    h = jax.nn.relu(_sage_conv(h, edge_index, W2l, b2, W2r))
    h = _sage_conv(h, edge_index, W3l, b3, W3r)
    return jax.nn.log_softmax(h, axis=1)

if __name__ == "__main__":
    import jax
    _d = setup_inputs()
    print(jax.jit(kernel)(*tuple(_d.values())))

</pallas_src>

<mosaic_0001>
#map = affine_map<(d0, d1) -> (0, 0)>
#map1 = affine_map<(d0, d1) -> (0, 0, 0)>
module attributes {stable_mosaic.version = 14 : i64} {
  func.func @k(%arg0: i32, %arg1: i32, %arg2: memref<10000x32xf32, #tpu.memory_space<hbm>>, %arg3: memref<2560x125xi32, #tpu.memory_space<hbm>>, %arg4: memref<2560x125xi32, #tpu.memory_space<hbm>>, %arg5: memref<2x10240x32xf32, #tpu.memory_space<hbm>>, %arg6: memref<80x125xi32, #tpu.memory_space<vmem>>, %arg7: memref<80x125xi32, #tpu.memory_space<vmem>>, %arg8: memref<125x32xf32, #tpu.memory_space<vmem>>, %arg9: memref<125x32xf32, #tpu.memory_space<vmem>>, %arg10: memref<125x32xf32, #tpu.memory_space<vmem>>, %arg11: memref<125x32xf32, #tpu.memory_space<vmem>>, %arg12: memref<125x32xf32, #tpu.memory_space<vmem>>, %arg13: memref<125x32xf32, #tpu.memory_space<vmem>>, %arg14: memref<125x32xf32, #tpu.memory_space<vmem>>, %arg15: memref<125x32xf32, #tpu.memory_space<vmem>>, %arg16: memref<128x32xf32, #tpu.memory_space<vmem>>, %arg17: memref<10240x32xf32, #tpu.memory_space<vmem_shared>>, %arg18: memref<!tpu.dma_semaphore, #tpu.memory_space<semaphore_mem>>, %arg19: memref<!tpu.dma_semaphore, #tpu.memory_space<semaphore_mem>>, %arg20: memref<!tpu.dma_semaphore, #tpu.memory_space<semaphore_mem>>, %arg21: memref<!tpu.dma_semaphore, #tpu.memory_space<semaphore_mem>>, %arg22: memref<!tpu.dma_semaphore, #tpu.memory_space<semaphore_mem>>, %arg23: memref<!tpu.dma_semaphore, #tpu.memory_space<semaphore_mem>>, %arg24: memref<!tpu.dma_semaphore, #tpu.memory_space<semaphore_mem>>, %arg25: memref<!tpu.dma_semaphore, #tpu.memory_space<semaphore_mem>>) attributes {dimension_semantics = [#tpu.dimension_semantics<core_parallel>, #tpu.dimension_semantics<subcore_parallel>], iteration_bounds = array<i64: 2, 16>, scalar_prefetch = 0 : i64, scratch_operands = 20 : i64, tpu.core_type = #tpu.core_type<sc_vector_subcore>, window_params = [{transform_indices = #map}, {transform_indices = #map}, {transform_indices = #map}, {transform_indices = #map1}]} {
    %mul3A = arith.constant 2 : i32
    %mul3A_0 = arith.muli %arg1, %mul3A : i32
    %add3A = arith.addi %mul3A_0, %arg0 : i32
    %broadcast_in_dim3A = arith.constant 0.000000e+00 : f32
    %broadcast_in_dim3A_1 = vector.broadcast %broadcast_in_dim3A : f32 to vector<16xf32>
    %scan3A = arith.constant 0 : i32
    %scan3A_2 = arith.constant 0 : i32
    %scan3A_3 = arith.constant 256 : i32
    %scan3A_4 = arith.addi %scan3A_2, %scan3A_3 : i32
    %scan3A_5 = arith.constant 1 : i32
    %scan3A_6 = scf.for %scan3A_131 = %scan3A_2 to %scan3A_4 step %scan3A_5 iter_args(%scan3A_132 = %scan3A) -> (i32)  : i32 {
      %jit3A = arith.constant 2 : i32
      %div3A = arith.divsi %scan3A_131, %jit3A : i32
      %sign3A = arith.constant 0 : i32
      %sign3A_133 = arith.cmpi sgt, %scan3A_131, %sign3A : i32
      %sign3A_134 = arith.extui %sign3A_133 : i1 to i32
      %sign3A_135 = arith.constant 0 : i32
      %sign3A_136 = arith.cmpi slt, %scan3A_131, %sign3A_135 : i32
      %sign3A_137 = arith.extui %sign3A_136 : i1 to i32
      %sign3A_138 = arith.subi %sign3A_134, %sign3A_137 : i32
      %sign3A_139 = arith.constant 0 : i32
      %sign3A_140 = arith.cmpi sgt, %jit3A, %sign3A_139 : i32
      %sign3A_141 = arith.extui %sign3A_140 : i1 to i32
      %sign3A_142 = arith.constant 0 : i32
      %sign3A_143 = arith.cmpi slt, %jit3A, %sign3A_142 : i32
      %sign3A_144 = arith.extui %sign3A_143 : i1 to i32
      %sign3A_145 = arith.subi %sign3A_141, %sign3A_144 : i32
      %ne3A = arith.cmpi ne, %sign3A_138, %sign3A_145 : i32
      %rem3A = arith.remsi %scan3A_131, %jit3A : i32
      %ne3A_146 = arith.constant 0 : i32
      %ne3A_147 = arith.cmpi ne, %rem3A, %ne3A_146 : i32
      %and3A = arith.andi %ne3A, %ne3A_147 : i1
      %sub3A = arith.constant 1 : i32
      %sub3A_148 = arith.subi %div3A, %sub3A : i32
      %select_n3A = arith.select %and3A, %sub3A_148, %div3A : i32
      %jit3A_149 = arith.constant 2 : i32
      %eq3A = arith.constant 0 : i32
      %eq3A_150 = arith.cmpi eq, %jit3A_149, %eq3A : i32
      %jit3A_151 = arith.constant 1 : i32
      %select_n3A_152 = arith.select %eq3A_150, %jit3A_151, %jit3A_149 : i32
      %rem3A_153 = arith.remsi %scan3A_131, %select_n3A_152 : i32
      %ne3A_154 = arith.constant 0 : i32
      %ne3A_155 = arith.cmpi ne, %rem3A_153, %ne3A_154 : i32
      %lt3A = arith.constant 0 : i32
      %lt3A_156 = arith.cmpi slt, %rem3A_153, %lt3A : i32
      %lt3A_157 = arith.constant 0 : i32
      %lt3A_158 = arith.cmpi slt, %select_n3A_152, %lt3A_157 : i32
      %ne3A_159 = arith.xori %lt3A_156, %lt3A_158 : i1
      %and3A_160 = arith.andi %ne3A_159, %ne3A_155 : i1
      %add3A_161 = arith.addi %rem3A_153, %select_n3A_152 : i32
      %select_n3A_162 = arith.select %and3A_160, %add3A_161, %rem3A_153 : i32
      %mul3A_163 = arith.constant 16 : i32
      %mul3A_164 = arith.muli %select_n3A_162, %mul3A_163 : i32
      %swap3A = arith.index_cast %select_n3A : i32 to index
      %swap3A_165 = arith.index_cast %mul3A_164 : i32 to index
      %swap3A_166 = tpu.vector_load %arg16[%swap3A, %swap3A_165] {strides = array<i32>} : memref<128x32xf32, #tpu.memory_space<vmem>>, vector<1x16xf32>,
      %swap3A_167 = vector.shape_cast %swap3A_166 : vector<1x16xf32> to vector<16xf32>
      %swap3A_168 = vector.shape_cast %broadcast_in_dim3A_1 : vector<16xf32> to vector<1x16xf32>
      tpu.vector_store %arg16[%swap3A, %swap3A_165], %swap3A_168 {strides = array<i32>} : memref<128x32xf32, #tpu.memory_space<vmem>>, vector<1x16xf32>,
      %scan3A_169 = arith.constant 0 : i32
      scf.yield %scan3A_169 : i32
    }
    %scan3A_7 = arith.constant 256 : i32
    %scan3A_8 = arith.constant 0 : i32
    %scan3A_9 = arith.constant 0 : i32
    %scan3A_10 = arith.constant 5 : i32
    %scan3A_11 = arith.addi %scan3A_9, %scan3A_10 : i32
    %scan3A_12 = arith.constant 1 : i32
    %scan3A_13 = scf.for %scan3A_131 = %scan3A_9 to %scan3A_11 step %scan3A_12 iter_args(%scan3A_132 = %scan3A_8) -> (i32)  : i32 {
      %mul3A_133 = arith.constant 640 : i32
      %mul3A_134 = arith.muli %arg1, %mul3A_133 : i32
      %mul3A_135 = arith.constant 128 : i32
      %mul3A_136 = arith.muli %scan3A_131, %mul3A_135 : i32
      %add3A_137 = arith.addi %mul3A_134, %mul3A_136 : i32
      "tpu.region"() ({
        %run_scoped3A = tpu.sem_alloc : memref<!tpu.dma_semaphore, #tpu.memory_space<semaphore_mem>>
        %dma_start3A_139 = arith.constant 0 : i32
        %dma_start3A_140 = tpu.memref_slice %arg17[%add3A_137, %dma_start3A_139] : memref<10240x32xf32, #tpu.memory_space<vmem_shared>> -> memref<128x32xf32, #tpu.memory_space<vmem_shared>>
        %dma_start3A_141 = arith.constant 0 : i32
        %dma_start3A_142 = tpu.memref_slice %arg17[%add3A_137, %dma_start3A_141] : memref<10240x32xf32, #tpu.memory_space<vmem_shared>> -> memref<128x32xf32, #tpu.memory_space<vmem_shared>>
        tpu.enqueue_dma source(%arg16 : memref<128x32xf32, #tpu.memory_space<vmem>>) target(%dma_start3A_142 : memref<128x32xf32, #tpu.memory_space<vmem_shared>>) target_semaphore(%run_scoped3A : memref<!tpu.dma_semaphore, #tpu.memory_space<semaphore_mem>>)
        %dma_wait3A_143 = arith.constant 0 : i32
        %dma_wait3A_144 = tpu.memref_slice %arg17[%add3A_137, %dma_wait3A_143] : memref<10240x32xf32, #tpu.memory_space<vmem_shared>> -> memref<128x32xf32, #tpu.memory_space<vmem_shared>>
        %dma_wait3A_145 = arith.constant 0 : i32
        %dma_wait3A_146 = tpu.memref_slice %arg17[%add3A_137, %dma_wait3A_145] : memref<10240x32xf32, #tpu.memory_space<vmem_shared>> -> memref<128x32xf32, #tpu.memory_space<vmem_shared>>
        tpu.wait_dma2 semaphore(%run_scoped3A : memref<!tpu.dma_semaphore, #tpu.memory_space<semaphore_mem>>) src(%arg16 : memref<128x32xf32, #tpu.memory_space<vmem>>) dst(%dma_wait3A_146 : memref<128x32xf32, #tpu.memory_space<vmem_shared>>)
        tpu.yield
      }) : () -> ()
      %scan3A_138 = arith.constant 0 : i32
      scf.yield %scan3A_138 : i32
    }
    %scan3A_14 = arith.constant 5 : i32
    %barrier3A = arith.constant 0 : index
    tpu.barrier barrier_id(%barrier3A)
    %mul3A_15 = arith.constant 80 : i32
    %mul3A_16 = arith.muli %add3A, %mul3A_15 : i32
    "tpu.region"() ({
      %run_scoped3A = tpu.sem_alloc : memref<!tpu.dma_semaphore, #tpu.memory_space<semaphore_mem>>
      %dma_start3A_131 = arith.constant 0 : i32
      %dma_start3A_132 = tpu.memref_slice %arg3[%mul3A_16, %dma_start3A_131] : memref<2560x125xi32, #tpu.memory_space<hbm>> -> memref<80x125xi32, #tpu.memory_space<hbm>>
      %dma_start3A_133 = arith.constant 0 : i32
      %dma_start3A_134 = tpu.memref_slice %arg3[%mul3A_16, %dma_start3A_133] : memref<2560x125xi32, #tpu.memory_space<hbm>> -> memref<80x125xi32, #tpu.memory_space<hbm>>
      tpu.enqueue_dma source(%dma_start3A_134 : memref<80x125xi32, #tpu.memory_space<hbm>>) target(%arg6 : memref<80x125xi32, #tpu.memory_space<vmem>>) target_semaphore(%run_scoped3A : memref<!tpu.dma_semaphore, #tpu.memory_space<semaphore_mem>>)
      %dma_wait3A_135 = arith.constant 0 : i32
      %dma_wait3A_136 = tpu.memref_slice %arg3[%mul3A_16, %dma_wait3A_135] : memref<2560x125xi32, #tpu.memory_space<hbm>> -> memref<80x125xi32, #tpu.memory_space<hbm>>
      %dma_wait3A_137 = arith.constant 0 : i32
      %dma_wait3A_138 = tpu.memref_slice %arg3[%mul3A_16, %dma_wait3A_137] : memref<2560x125xi32, #tpu.memory_space<hbm>> -> memref<80x125xi32, #tpu.memory_space<hbm>>
      tpu.wait_dma2 semaphore(%run_scoped3A : memref<!tpu.dma_semaphore, #tpu.memory_space<semaphore_mem>>) src(%dma_wait3A_138 : memref<80x125xi32, #tpu.memory_space<hbm>>) dst(%arg6 : memref<80x125xi32, #tpu.memory_space<vmem>>)
      tpu.yield
    }) : () -> ()
    "tpu.region"() ({
      %run_scoped3A = tpu.sem_alloc : memref<!tpu.dma_semaphore, #tpu.memory_space<semaphore_mem>>
      %dma_start3A_131 = arith.constant 0 : i32
      %dma_start3A_132 = tpu.memref_slice %arg4[%mul3A_16, %dma_start3A_131] : memref<2560x125xi32, #tpu.memory_space<hbm>> -> memref<80x125xi32, #tpu.memory_space<hbm>>
      %dma_start3A_133 = arith.constant 0 : i32
      %dma_start3A_134 = tpu.memref_slice %arg4[%mul3A_16, %dma_start3A_133] : memref<2560x125xi32, #tpu.memory_space<hbm>> -> memref<80x125xi32, #tpu.memory_space<hbm>>
      tpu.enqueue_dma source(%dma_start3A_134 : memref<80x125xi32, #tpu.memory_space<hbm>>) target(%arg7 : memref<80x125xi32, #tpu.memory_space<vmem>>) target_semaphore(%run_scoped3A : memref<!tpu.dma_semaphore, #tpu.memory_space<semaphore_mem>>)
      %dma_wait3A_135 = arith.constant 0 : i32
      %dma_wait3A_136 = tpu.memref_slice %arg4[%mul3A_16, %dma_wait3A_135] : memref<2560x125xi32, #tpu.memory_space<hbm>> -> memref<80x125xi32, #tpu.memory_space<hbm>>
      %dma_wait3A_137 = arith.constant 0 : i32
      %dma_wait3A_138 = tpu.memref_slice %arg4[%mul3A_16, %dma_wait3A_137] : memref<2560x125xi32, #tpu.memory_space<hbm>> -> memref<80x125xi32, #tpu.memory_space<hbm>>
      tpu.wait_dma2 semaphore(%run_scoped3A : memref<!tpu.dma_semaphore, #tpu.memory_space<semaphore_mem>>) src(%dma_wait3A_138 : memref<80x125xi32, #tpu.memory_space<hbm>>) dst(%arg7 : memref<80x125xi32, #tpu.memory_space<vmem>>)
      tpu.yield
    }) : () -> ()
    %dma_start3A = arith.constant 0 : i32
    %dma_start3A_17 = arith.constant 0 : i32
    %dma_start3A_18 = tpu.memref_slice %arg6[%dma_start3A, %dma_start3A_17] : memref<80x125xi32, #tpu.memory_space<vmem>> -> memref<1x125xi32, #tpu.memory_space<vmem>>
    %dma_start3A_19 = tpu.memref_squeeze %dma_start3A_18 : memref<1x125xi32, #tpu.memory_space<vmem>> -> memref<125xi32, #tpu.memory_space<vmem>>
    %dma_start3A_20 = arith.constant 0 : i32
    %dma_start3A_21 = arith.constant 0 : i32
    %dma_start3A_22 = tpu.memref_slice %arg2[%dma_start3A_20, %dma_start3A_21] : memref<10000x32xf32, #tpu.memory_space<hbm>> -> memref<10000x32xf32, #tpu.memory_space<hbm>>
    tpu.enqueue_indirect_dma source(%dma_start3A_22 : memref<10000x32xf32, #tpu.memory_space<hbm>>) target(%arg8 : memref<125x32xf32, #tpu.memory_space<vmem>>) offsets(%dma_start3A_19 : memref<125xi32, #tpu.memory_space<vmem>>) semaphore(%arg18 : memref<!tpu.dma_semaphore, #tpu.memory_space<semaphore_mem>>)
    %dma_start3A_23 = arith.constant 1 : i32
    %dma_start3A_24 = arith.constant 0 : i32
    %dma_start3A_25 = tpu.memref_slice %arg6[%dma_start3A_23, %dma_start3A_24] : memref<80x125xi32, #tpu.memory_space<vmem>> -> memref<1x125xi32, #tpu.memory_space<vmem>>
    %dma_start3A_26 = tpu.memref_squeeze %dma_start3A_25 : memref<1x125xi32, #tpu.memory_space<vmem>> -> memref<125xi32, #tpu.memory_space<vmem>>
    %dma_start3A_27 = arith.constant 0 : i32
    %dma_start3A_28 = arith.constant 0 : i32
    %dma_start3A_29 = tpu.memref_slice %arg2[%dma_start3A_27, %dma_start3A_28] : memref<10000x32xf32, #tpu.memory_space<hbm>> -> memref<10000x32xf32, #tpu.memory_space<hbm>>
    tpu.enqueue_indirect_dma source(%dma_start3A_29 : memref<10000x32xf32, #tpu.memory_space<hbm>>) target(%arg9 : memref<125x32xf32, #tpu.memory_space<vmem>>) offsets(%dma_start3A_26 : memref<125xi32, #tpu.memory_space<vmem>>) semaphore(%arg19 : memref<!tpu.dma_semaphore, #tpu.memory_space<semaphore_mem>>)
    %dma_start3A_30 = arith.constant 2 : i32
    %dma_start3A_31 = arith.constant 0 : i32
    %dma_start3A_32 = tpu.memref_slice %arg6[%dma_start3A_30, %dma_start3A_31] : memref<80x125xi32, #tpu.memory_space<vmem>> -> memref<1x125xi32, #tpu.memory_space<vmem>>
    %dma_start3A_33 = tpu.memref_squeeze %dma_start3A_32 : memref<1x125xi32, #tpu.memory_space<vmem>> -> memref<125xi32, #tpu.memory_space<vmem>>
    %dma_start3A_34 = arith.constant 0 : i32
    %dma_start3A_35 = arith.constant 0 : i32
    %dma_start3A_36 = tpu.memref_slice %arg2[%dma_start3A_34, %dma_start3A_35] : memref<10000x32xf32, #tpu.memory_space<hbm>> -> memref<10000x32xf32, #tpu.memory_space<hbm>>
    tpu.enqueue_indirect_dma source(%dma_start3A_36 : memref<10000x32xf32, #tpu.memory_space<hbm>>) target(%arg10 : memref<125x32xf32, #tpu.memory_space<vmem>>) offsets(%dma_start3A_33 : memref<125xi32, #tpu.memory_space<vmem>>) semaphore(%arg20 : memref<!tpu.dma_semaphore, #tpu.memory_space<semaphore_mem>>)
    %dma_start3A_37 = arith.constant 3 : i32
    %dma_start3A_38 = arith.constant 0 : i32
    %dma_start3A_39 = tpu.memref_slice %arg6[%dma_start3A_37, %dma_start3A_38] : memref<80x125xi32, #tpu.memory_space<vmem>> -> memref<1x125xi32, #tpu.memory_space<vmem>>
    %dma_start3A_40 = tpu.memref_squeeze %dma_start3A_39 : memref<1x125xi32, #tpu.memory_space<vmem>> -> memref<125xi32, #tpu.memory_space<vmem>>
    %dma_start3A_41 = arith.constant 0 : i32
    %dma_start3A_42 = arith.constant 0 : i32
    %dma_start3A_43 = tpu.memref_slice %arg2[%dma_start3A_41, %dma_start3A_42] : memref<10000x32xf32, #tpu.memory_space<hbm>> -> memref<10000x32xf32, #tpu.memory_space<hbm>>
    tpu.enqueue_indirect_dma source(%dma_start3A_43 : memref<10000x32xf32, #tpu.memory_space<hbm>>) target(%arg11 : memref<125x32xf32, #tpu.memory_space<vmem>>) offsets(%dma_start3A_40 : memref<125xi32, #tpu.memory_space<vmem>>) semaphore(%arg21 : memref<!tpu.dma_semaphore, #tpu.memory_space<semaphore_mem>>)
    %dma_start3A_44 = arith.constant 4 : i32
    %dma_start3A_45 = arith.constant 0 : i32
    %dma_start3A_46 = tpu.memref_slice %arg6[%dma_start3A_44, %dma_start3A_45] : memref<80x125xi32, #tpu.memory_space<vmem>> -> memref<1x125xi32, #tpu.memory_space<vmem>>
    %dma_start3A_47 = tpu.memref_squeeze %dma_start3A_46 : memref<1x125xi32, #tpu.memory_space<vmem>> -> memref<125xi32, #tpu.memory_space<vmem>>
    %dma_start3A_48 = arith.constant 0 : i32
    %dma_start3A_49 = arith.constant 0 : i32
    %dma_start3A_50 = tpu.memref_slice %arg2[%dma_start3A_48, %dma_start3A_49] : memref<10000x32xf32, #tpu.memory_space<hbm>> -> memref<10000x32xf32, #tpu.memory_space<hbm>>
    tpu.enqueue_indirect_dma source(%dma_start3A_50 : memref<10000x32xf32, #tpu.memory_space<hbm>>) target(%arg12 : memref<125x32xf32, #tpu.memory_space<vmem>>) offsets(%dma_start3A_47 : memref<125xi32, #tpu.memory_space<vmem>>) semaphore(%arg22 : memref<!tpu.dma_semaphore, #tpu.memory_space<semaphore_mem>>)
    %dma_start3A_51 = arith.constant 5 : i32
    %dma_start3A_52 = arith.constant 0 : i32
    %dma_start3A_53 = tpu.memref_slice %arg6[%dma_start3A_51, %dma_start3A_52] : memref<80x125xi32, #tpu.memory_space<vmem>> -> memref<1x125xi32, #tpu.memory_space<vmem>>
    %dma_start3A_54 = tpu.memref_squeeze %dma_start3A_53 : memref<1x125xi32, #tpu.memory_space<vmem>> -> memref<125xi32, #tpu.memory_space<vmem>>
    %dma_start3A_55 = arith.constant 0 : i32
    %dma_start3A_56 = arith.constant 0 : i32
    %dma_start3A_57 = tpu.memref_slice %arg2[%dma_start3A_55, %dma_start3A_56] : memref<10000x32xf32, #tpu.memory_space<hbm>> -> memref<10000x32xf32, #tpu.memory_space<hbm>>
    tpu.enqueue_indirect_dma source(%dma_start3A_57 : memref<10000x32xf32, #tpu.memory_space<hbm>>) target(%arg13 : memref<125x32xf32, #tpu.memory_space<vmem>>) offsets(%dma_start3A_54 : memref<125xi32, #tpu.memory_space<vmem>>) semaphore(%arg23 : memref<!tpu.dma_semaphore, #tpu.memory_space<semaphore_mem>>)
    %dma_start3A_58 = arith.constant 6 : i32
    %dma_start3A_59 = arith.constant 0 : i32
    %dma_start3A_60 = tpu.memref_slice %arg6[%dma_start3A_58, %dma_start3A_59] : memref<80x125xi32, #tpu.memory_space<vmem>> -> memref<1x125xi32, #tpu.memory_space<vmem>>
    %dma_start3A_61 = tpu.memref_squeeze %dma_start3A_60 : memref<1x125xi32, #tpu.memory_space<vmem>> -> memref<125xi32, #tpu.memory_space<vmem>>
    %dma_start3A_62 = arith.constant 0 : i32
    %dma_start3A_63 = arith.constant 0 : i32
    %dma_start3A_64 = tpu.memref_slice %arg2[%dma_start3A_62, %dma_start3A_63] : memref<10000x32xf32, #tpu.memory_space<hbm>> -> memref<10000x32xf32, #tpu.memory_space<hbm>>
    tpu.enqueue_indirect_dma source(%dma_start3A_64 : memref<10000x32xf32, #tpu.memory_space<hbm>>) target(%arg14 : memref<125x32xf32, #tpu.memory_space<vmem>>) offsets(%dma_start3A_61 : memref<125xi32, #tpu.memory_space<vmem>>) semaphore(%arg24 : memref<!tpu.dma_semaphore, #tpu.memory_space<semaphore_mem>>)
    %dma_start3A_65 = arith.constant 7 : i32
    %dma_start3A_66 = arith.constant 0 : i32
    %dma_start3A_67 = tpu.memref_slice %arg6[%dma_start3A_65, %dma_start3A_66] : memref<80x125xi32, #tpu.memory_space<vmem>> -> memref<1x125xi32, #tpu.memory_space<vmem>>
    %dma_start3A_68 = tpu.memref_squeeze %dma_start3A_67 : memref<1x125xi32, #tpu.memory_space<vmem>> -> memref<125xi32, #tpu.memory_space<vmem>>
    %dma_start3A_69 = arith.constant 0 : i32
    %dma_start3A_70 = arith.constant 0 : i32
    %dma_start3A_71 = tpu.memref_slice %arg2[%dma_start3A_69, %dma_start3A_70] : memref<10000x32xf32, #tpu.memory_space<hbm>> -> memref<10000x32xf32, #tpu.memory_space<hbm>>
    tpu.enqueue_indirect_dma source(%dma_start3A_71 : memref<10000x32xf32, #tpu.memory_space<hbm>>) target(%arg15 : memref<125x32xf32, #tpu.memory_space<vmem>>) offsets(%dma_start3A_68 : memref<125xi32, #tpu.memory_space<vmem>>) semaphore(%arg25 : memref<!tpu.dma_semaphore, #tpu.memory_space<semaphore_mem>>)
    %scan3A_72 = arith.constant 0 : i32
    %scan3A_73 = arith.constant 0 : i32
    %scan3A_74 = arith.constant 10 : i32
    %scan3A_75 = arith.addi %scan3A_73, %scan3A_74 : i32
    %scan3A_76 = arith.constant 1 : i32
    %scan3A_77 = scf.for %scan3A_131 = %scan3A_73 to %scan3A_75 step %scan3A_76 iter_args(%scan3A_132 = %scan3A_72) -> (i32)  : i32 {
      %mul3A_133 = arith.constant 8 : i32
      %mul3A_134 = arith.muli %mul3A_133, %scan3A_131 : i32
      %add3A_135 = arith.constant 0 : i32
      %add3A_136 = arith.addi %mul3A_134, %add3A_135 : i32
      %dma_wait3A_137 = arith.constant 0 : i32
      %dma_wait3A_138 = arith.constant 0 : i32
      %dma_wait3A_139 = tpu.memref_slice %arg2[%dma_wait3A_137, %dma_wait3A_138] : memref<10000x32xf32, #tpu.memory_space<hbm>> -> memref<125x32xf32, #tpu.memory_space<hbm>>
      %dma_wait3A_140 = arith.constant 0 : i32
      %dma_wait3A_141 = arith.constant 0 : i32
      %dma_wait3A_142 = tpu.memref_slice %arg2[%dma_wait3A_140, %dma_wait3A_141] : memref<10000x32xf32, #tpu.memory_space<hbm>> -> memref<125x32xf32, #tpu.memory_space<hbm>>
      tpu.wait_dma2 semaphore(%arg18 : memref<!tpu.dma_semaphore, #tpu.memory_space<semaphore_mem>>) src(%dma_wait3A_142 : memref<125x32xf32, #tpu.memory_space<hbm>>) dst(%arg8 : memref<125x32xf32, #tpu.memory_space<vmem>>)
      "tpu.region"() ({
        %run_scoped3A = tpu.sem_alloc : memref<!tpu.dma_semaphore, #tpu.memory_space<semaphore_mem>>
        %dma_start3A_293 = arith.constant 0 : i32
        %dma_start3A_294 = tpu.memref_slice %arg7[%add3A_136, %dma_start3A_293] : memref<80x125xi32, #tpu.memory_space<vmem>> -> memref<1x125xi32, #tpu.memory_space<vmem>>
        %dma_start3A_295 = tpu.memref_squeeze %dma_start3A_294 : memref<1x125xi32, #tpu.memory_space<vmem>> -> memref<125xi32, #tpu.memory_space<vmem>>
        %dma_start3A_296 = arith.constant 0 : i32
        %dma_start3A_297 = arith.constant 0 : i32
        %dma_start3A_298 = tpu.memref_slice %arg17[%dma_start3A_296, %dma_start3A_297] : memref<10240x32xf32, #tpu.memory_space<vmem_shared>> -> memref<10240x32xf32, #tpu.memory_space<vmem_shared>>
        tpu.enqueue_indirect_dma source(%arg8 : memref<125x32xf32, #tpu.memory_space<vmem>>) target(%dma_start3A_298 : memref<10240x32xf32, #tpu.memory_space<vmem_shared>>) offsets(%dma_start3A_295 : memref<125xi32, #tpu.memory_space<vmem>>) semaphore(%run_scoped3A : memref<!tpu.dma_semaphore, #tpu.memory_space<semaphore_mem>>) {add = true}
        %dma_wait3A_299 = arith.constant 0 : i32
        %dma_wait3A_300 = tpu.memref_slice %arg7[%add3A_136, %dma_wait3A_299] : memref<80x125xi32, #tpu.memory_space<vmem>> -> memref<1x125xi32, #tpu.memory_space<vmem>>
        %dma_wait3A_301 = tpu.memref_squeeze %dma_wait3A_300 : memref<1x125xi32, #tpu.memory_space<vmem>> -> memref<125xi32, #tpu.memory_space<vmem>>
        %dma_wait3A_302 = arith.constant 0 : i32
        %dma_wait3A_303 = arith.constant 0 : i32
        %dma_wait3A_304 = tpu.memref_slice %arg17[%dma_wait3A_302, %dma_wait3A_303] : memref<10240x32xf32, #tpu.memory_space<vmem_shared>> -> memref<10240x32xf32, #tpu.memory_space<vmem_shared>>
        tpu.wait_indirect_dma semaphore(%run_scoped3A : memref<!tpu.dma_semaphore, #tpu.memory_space<semaphore_mem>>) src(%arg8 : memref<125x32xf32, #tpu.memory_space<vmem>>) dst(%dma_wait3A_304 : memref<10240x32xf32, #tpu.memory_space<vmem_shared>>)
        tpu.yield
      }) : () -> ()
      %add3A_143 = arith.constant 8 : i32
      %add3A_144 = arith.addi %add3A_136, %add3A_143 : i32
      %min3A = arith.constant 79 : i32
      %min3A_145 = arith.minsi %add3A_144, %min3A : i32
      %dma_start3A_146 = arith.constant 0 : i32
      %dma_start3A_147 = tpu.memref_slice %arg6[%min3A_145, %dma_start3A_146] : memref<80x125xi32, #tpu.memory_space<vmem>> -> memref<1x125xi32, #tpu.memory_space<vmem>>
      %dma_start3A_148 = tpu.memref_squeeze %dma_start3A_147 : memref<1x125xi32, #tpu.memory_space<vmem>> -> memref<125xi32, #tpu.memory_space<vmem>>
      %dma_start3A_149 = arith.constant 0 : i32
      %dma_start3A_150 = arith.constant 0 : i32
      %dma_start3A_151 = tpu.memref_slice %arg2[%dma_start3A_149, %dma_start3A_150] : memref<10000x32xf32, #tpu.memory_space<hbm>> -> memref<10000x32xf32, #tpu.memory_space<hbm>>
      tpu.enqueue_indirect_dma source(%dma_start3A_151 : memref<10000x32xf32, #tpu.memory_space<hbm>>) target(%arg8 : memref<125x32xf32, #tpu.memory_space<vmem>>) offsets(%dma_start3A_148 : memref<125xi32, #tpu.memory_space<vmem>>) semaphore(%arg18 : memref<!tpu.dma_semaphore, #tpu.memory_space<semaphore_mem>>)
      %mul3A_152 = arith.constant 8 : i32
      %mul3A_153 = arith.muli %mul3A_152, %scan3A_131 : i32
      %add3A_154 = arith.constant 1 : i32
      %add3A_155 = arith.addi %mul3A_153, %add3A_154 : i32
      %dma_wait3A_156 = arith.constant 0 : i32
      %dma_wait3A_157 = arith.constant 0 : i32
      %dma_wait3A_158 = tpu.memref_slice %arg2[%dma_wait3A_156, %dma_wait3A_157] : memref<10000x32xf32, #tpu.memory_space<hbm>> -> memref<125x32xf32, #tpu.memory_space<hbm>>
      %dma_wait3A_159 = arith.constant 0 : i32
      %dma_wait3A_160 = arith.constant 0 : i32
      %dma_wait3A_161 = tpu.memref_slice %arg2[%dma_wait3A_159, %dma_wait3A_160] : memref<10000x32xf32, #tpu.memory_space<hbm>> -> memref<125x32xf32, #tpu.memory_space<hbm>>
      tpu.wait_dma2 semaphore(%arg19 : memref<!tpu.dma_semaphore, #tpu.memory_space<semaphore_mem>>) src(%dma_wait3A_161 : memref<125x32xf32, #tpu.memory_space<hbm>>) dst(%arg9 : memref<125x32xf32, #tpu.memory_space<vmem>>)
      "tpu.region"() ({
        %run_scoped3A = tpu.sem_alloc : memref<!tpu.dma_semaphore, #tpu.memory_space<semaphore_mem>>
        %dma_start3A_293 = arith.constant 0 : i32
        %dma_start3A_294 = tpu.memref_slice %arg7[%add3A_155, %dma_start3A_293] : memref<80x125xi32, #tpu.memory_space<vmem>> -> memref<1x125xi32, #tpu.memory_space<vmem>>
        %dma_start3A_295 = tpu.memref_squeeze %dma_start3A_294 : memref<1x125xi32, #tpu.memory_space<vmem>> -> memref<125xi32, #tpu.memory_space<vmem>>
        %dma_start3A_296 = arith.constant 0 : i32
        %dma_start3A_297 = arith.constant 0 : i32
        %dma_start3A_298 = tpu.memref_slice %arg17[%dma_start3A_296, %dma_start3A_297] : memref<10240x32xf32, #tpu.memory_space<vmem_shared>> -> memref<10240x32xf32, #tpu.memory_space<vmem_shared>>
        tpu.enqueue_indirect_dma source(%arg9 : memref<125x32xf32, #tpu.memory_space<vmem>>) target(%dma_start3A_298 : memref<10240x32xf32, #tpu.memory_space<vmem_shared>>) offsets(%dma_start3A_295 : memref<125xi32, #tpu.memory_space<vmem>>) semaphore(%run_scoped3A : memref<!tpu.dma_semaphore, #tpu.memory_space<semaphore_mem>>) {add = true}
        %dma_wait3A_299 = arith.constant 0 : i32
        %dma_wait3A_300 = tpu.memref_slice %arg7[%add3A_155, %dma_wait3A_299] : memref<80x125xi32, #tpu.memory_space<vmem>> -> memref<1x125xi32, #tpu.memory_space<vmem>>
        %dma_wait3A_301 = tpu.memref_squeeze %dma_wait3A_300 : memref<1x125xi32, #tpu.memory_space<vmem>> -> memref<125xi32, #tpu.memory_space<vmem>>
        %dma_wait3A_302 = arith.constant 0 : i32
        %dma_wait3A_303 = arith.constant 0 : i32
        %dma_wait3A_304 = tpu.memref_slice %arg17[%dma_wait3A_302, %dma_wait3A_303] : memref<10240x32xf32, #tpu.memory_space<vmem_shared>> -> memref<10240x32xf32, #tpu.memory_space<vmem_shared>>
        tpu.wait_indirect_dma semaphore(%run_scoped3A : memref<!tpu.dma_semaphore, #tpu.memory_space<semaphore_mem>>) src(%arg9 : memref<125x32xf32, #tpu.memory_space<vmem>>) dst(%dma_wait3A_304 : memref<10240x32xf32, #tpu.memory_space<vmem_shared>>)
        tpu.yield
      }) : () -> ()
      %add3A_162 = arith.constant 8 : i32
      %add3A_163 = arith.addi %add3A_155, %add3A_162 : i32
      %min3A_164 = arith.constant 79 : i32
      %min3A_165 = arith.minsi %add3A_163, %min3A_164 : i32
      %dma_start3A_166 = arith.constant 0 : i32
      %dma_start3A_167 = tpu.memref_slice %arg6[%min3A_165, %dma_start3A_166] : memref<80x125xi32, #tpu.memory_space<vmem>> -> memref<1x125xi32, #tpu.memory_space<vmem>>
      %dma_start3A_168 = tpu.memref_squeeze %dma_start3A_167 : memref<1x125xi32, #tpu.memory_space<vmem>> -> memref<125xi32, #tpu.memory_space<vmem>>
      %dma_start3A_169 = arith.constant 0 : i32
      %dma_start3A_170 = arith.constant 0 : i32
      %dma_start3A_171 = tpu.memref_slice %arg2[%dma_start3A_169, %dma_start3A_170] : memref<10000x32xf32, #tpu.memory_space<hbm>> -> memref<10000x32xf32, #tpu.memory_space<hbm>>
      tpu.enqueue_indirect_dma source(%dma_start3A_171 : memref<10000x32xf32, #tpu.memory_space<hbm>>) target(%arg9 : memref<125x32xf32, #tpu.memory_space<vmem>>) offsets(%dma_start3A_168 : memref<125xi32, #tpu.memory_space<vmem>>) semaphore(%arg19 : memref<!tpu.dma_semaphore, #tpu.memory_space<semaphore_mem>>)
      %mul3A_172 = arith.constant 8 : i32
      %mul3A_173 = arith.muli %mul3A_172, %scan3A_131 : i32
      %add3A_174 = arith.constant 2 : i32
      %add3A_175 = arith.addi %mul3A_173, %add3A_174 : i32
      %dma_wait3A_176 = arith.constant 0 : i32
      %dma_wait3A_177 = arith.constant 0 : i32
      %dma_wait3A_178 = tpu.memref_slice %arg2[%dma_wait3A_176, %dma_wait3A_177] : memref<10000x32xf32, #tpu.memory_space<hbm>> -> memref<125x32xf32, #tpu.memory_space<hbm>>
      %dma_wait3A_179 = arith.constant 0 : i32
      %dma_wait3A_180 = arith.constant 0 : i32
      %dma_wait3A_181 = tpu.memref_slice %arg2[%dma_wait3A_179, %dma_wait3A_180] : memref<10000x32xf32, #tpu.memory_space<hbm>> -> memref<125x32xf32, #tpu.memory_space<hbm>>
      tpu.wait_dma2 semaphore(%arg20 : memref<!tpu.dma_semaphore, #tpu.memory_space<semaphore_mem>>) src(%dma_wait3A_181 : memref<125x32xf32, #tpu.memory_space<hbm>>) dst(%arg10 : memref<125x32xf32, #tpu.memory_space<vmem>>)
      "tpu.region"() ({
        %run_scoped3A = tpu.sem_alloc : memref<!tpu.dma_semaphore, #tpu.memory_space<semaphore_mem>>
        %dma_start3A_293 = arith.constant 0 : i32
        %dma_start3A_294 = tpu.memref_slice %arg7[%add3A_175, %dma_start3A_293] : memref<80x125xi32, #tpu.memory_space<vmem>> -> memref<1x125xi32, #tpu.memory_space<vmem>>
        %dma_start3A_295 = tpu.memref_squeeze %dma_start3A_294 : memref<1x125xi32, #tpu.memory_space<vmem>> -> memref<125xi32, #tpu.memory_space<vmem>>
        %dma_start3A_296 = arith.constant 0 : i32
        %dma_start3A_297 = arith.constant 0 : i32
        %dma_start3A_298 = tpu.memref_slice %arg17[%dma_start3A_296, %dma_start3A_297] : memref<10240x32xf32, #tpu.memory_space<vmem_shared>> -> memref<10240x32xf32, #tpu.memory_space<vmem_shared>>
        tpu.enqueue_indirect_dma source(%arg10 : memref<125x32xf32, #tpu.memory_space<vmem>>) target(%dma_start3A_298 : memref<10240x32xf32, #tpu.memory_space<vmem_shared>>) offsets(%dma_start3A_295 : memref<125xi32, #tpu.memory_space<vmem>>) semaphore(%run_scoped3A : memref<!tpu.dma_semaphore, #tpu.memory_space<semaphore_mem>>) {add = true}
        %dma_wait3A_299 = arith.constant 0 : i32
        %dma_wait3A_300 = tpu.memref_slice %arg7[%add3A_175, %dma_wait3A_299] : memref<80x125xi32, #tpu.memory_space<vmem>> -> memref<1x125xi32, #tpu.memory_space<vmem>>
        %dma_wait3A_301 = tpu.memref_squeeze %dma_wait3A_300 : memref<1x125xi32, #tpu.memory_space<vmem>> -> memref<125xi32, #tpu.memory_space<vmem>>
        %dma_wait3A_302 = arith.constant 0 : i32
        %dma_wait3A_303 = arith.constant 0 : i32
        %dma_wait3A_304 = tpu.memref_slice %arg17[%dma_wait3A_302, %dma_wait3A_303] : memref<10240x32xf32, #tpu.memory_space<vmem_shared>> -> memref<10240x32xf32, #tpu.memory_space<vmem_shared>>
        tpu.wait_indirect_dma semaphore(%run_scoped3A : memref<!tpu.dma_semaphore, #tpu.memory_space<semaphore_mem>>) src(%arg10 : memref<125x32xf32, #tpu.memory_space<vmem>>) dst(%dma_wait3A_304 : memref<10240x32xf32, #tpu.memory_space<vmem_shared>>)
        tpu.yield
      }) : () -> ()
      %add3A_182 = arith.constant 8 : i32
      %add3A_183 = arith.addi %add3A_175, %add3A_182 : i32
      %min3A_184 = arith.constant 79 : i32
      %min3A_185 = arith.minsi %add3A_183, %min3A_184 : i32
      %dma_start3A_186 = arith.constant 0 : i32
      %dma_start3A_187 = tpu.memref_slice %arg6[%min3A_185, %dma_start3A_186] : memref<80x125xi32, #tpu.memory_space<vmem>> -> memref<1x125xi32, #tpu.memory_space<vmem>>
      %dma_start3A_188 = tpu.memref_squeeze %dma_start3A_187 : memref<1x125xi32, #tpu.memory_space<vmem>> -> memref<125xi32, #tpu.memory_space<vmem>>
      %dma_start3A_189 = arith.constant 0 : i32
      %dma_start3A_190 = arith.constant 0 : i32
      %dma_start3A_191 = tpu.memref_slice %arg2[%dma_start3A_189, %dma_start3A_190] : memref<10000x32xf32, #tpu.memory_space<hbm>> -> memref<10000x32xf32, #tpu.memory_space<hbm>>
      tpu.enqueue_indirect_dma source(%dma_start3A_191 : memref<10000x32xf32, #tpu.memory_space<hbm>>) target(%arg10 : memref<125x32xf32, #tpu.memory_space<vmem>>) offsets(%dma_start3A_188 : memref<125xi32, #tpu.memory_space<vmem>>) semaphore(%arg20 : memref<!tpu.dma_semaphore, #tpu.memory_space<semaphore_mem>>)
      %mul3A_192 = arith.constant 8 : i32
      %mul3A_193 = arith.muli %mul3A_192, %scan3A_131 : i32
      %add3A_194 = arith.constant 3 : i32
      %add3A_195 = arith.addi %mul3A_193, %add3A_194 : i32
      %dma_wait3A_196 = arith.constant 0 : i32
      %dma_wait3A_197 = arith.constant 0 : i32
      %dma_wait3A_198 = tpu.memref_slice %arg2[%dma_wait3A_196, %dma_wait3A_197] : memref<10000x32xf32, #tpu.memory_space<hbm>> -> memref<125x32xf32, #tpu.memory_space<hbm>>
      %dma_wait3A_199 = arith.constant 0 : i32
      %dma_wait3A_200 = arith.constant 0 : i32
      %dma_wait3A_201 = tpu.memref_slice %arg2[%dma_wait3A_199, %dma_wait3A_200] : memref<10000x32xf32, #tpu.memory_space<hbm>> -> memref<125x32xf32, #tpu.memory_space<hbm>>
      tpu.wait_dma2 semaphore(%arg21 : memref<!tpu.dma_semaphore, #tpu.memory_space<semaphore_mem>>) src(%dma_wait3A_201 : memref<125x32xf32, #tpu.memory_space<hbm>>) dst(%arg11 : memref<125x32xf32, #tpu.memory_space<vmem>>)
      "tpu.region"() ({
        %run_scoped3A = tpu.sem_alloc : memref<!tpu.dma_semaphore, #tpu.memory_space<semaphore_mem>>
        %dma_start3A_293 = arith.constant 0 : i32
        %dma_start3A_294 = tpu.memref_slice %arg7[%add3A_195, %dma_start3A_293] : memref<80x125xi32, #tpu.memory_space<vmem>> -> memref<1x125xi32, #tpu.memory_space<vmem>>
        %dma_start3A_295 = tpu.memref_squeeze %dma_start3A_294 : memref<1x125xi32, #tpu.memory_space<vmem>> -> memref<125xi32, #tpu.memory_space<vmem>>
        %dma_start3A_296 = arith.constant 0 : i32
        %dma_start3A_297 = arith.constant 0 : i32
        %dma_start3A_298 = tpu.memref_slice %arg17[%dma_start3A_296, %dma_start3A_297] : memref<10240x32xf32, #tpu.memory_space<vmem_shared>> -> memref<10240x32xf32, #tpu.memory_space<vmem_shared>>
        tpu.enqueue_indirect_dma source(%arg11 : memref<125x32xf32, #tpu.memory_space<vmem>>) target(%dma_start3A_298 : memref<10240x32xf32, #tpu.memory_space<vmem_shared>>) offsets(%dma_start3A_295 : memref<125xi32, #tpu.memory_space<vmem>>) semaphore(%run_scoped3A : memref<!tpu.dma_semaphore, #tpu.memory_space<semaphore_mem>>) {add = true}
        %dma_wait3A_299 = arith.constant 0 : i32
        %dma_wait3A_300 = tpu.memref_slice %arg7[%add3A_195, %dma_wait3A_299] : memref<80x125xi32, #tpu.memory_space<vmem>> -> memref<1x125xi32, #tpu.memory_space<vmem>>
        %dma_wait3A_301 = tpu.memref_squeeze %dma_wait3A_300 : memref<1x125xi32, #tpu.memory_space<vmem>> -> memref<125xi32, #tpu.memory_space<vmem>>
        %dma_wait3A_302 = arith.constant 0 : i32
        %dma_wait3A_303 = arith.constant 0 : i32
        %dma_wait3A_304 = tpu.memref_slice %arg17[%dma_wait3A_302, %dma_wait3A_303] : memref<10240x32xf32, #tpu.memory_space<vmem_shared>> -> memref<10240x32xf32, #tpu.memory_space<vmem_shared>>
        tpu.wait_indirect_dma semaphore(%run_scoped3A : memref<!tpu.dma_semaphore, #tpu.memory_space<semaphore_mem>>) src(%arg11 : memref<125x32xf32, #tpu.memory_space<vmem>>) dst(%dma_wait3A_304 : memref<10240x32xf32, #tpu.memory_space<vmem_shared>>)
        tpu.yield
      }) : () -> ()
      %add3A_202 = arith.constant 8 : i32
      %add3A_203 = arith.addi %add3A_195, %add3A_202 : i32
      %min3A_204 = arith.constant 79 : i32
      %min3A_205 = arith.minsi %add3A_203, %min3A_204 : i32
      %dma_start3A_206 = arith.constant 0 : i32
      %dma_start3A_207 = tpu.memref_slice %arg6[%min3A_205, %dma_start3A_206] : memref<80x125xi32, #tpu.memory_space<vmem>> -> memref<1x125xi32, #tpu.memory_space<vmem>>
      %dma_start3A_208 = tpu.memref_squeeze %dma_start3A_207 : memref<1x125xi32, #tpu.memory_space<vmem>> -> memref<125xi32, #tpu.memory_space<vmem>>
      %dma_start3A_209 = arith.constant 0 : i32
      %dma_start3A_210 = arith.constant 0 : i32
      %dma_start3A_211 = tpu.memref_slice %arg2[%dma_start3A_209, %dma_start3A_210] : memref<10000x32xf32, #tpu.memory_space<hbm>> -> memref<10000x32xf32, #tpu.memory_space<hbm>>
      tpu.enqueue_indirect_dma source(%dma_start3A_211 : memref<10000x32xf32, #tpu.memory_space<hbm>>) target(%arg11 : memref<125x32xf32, #tpu.memory_space<vmem>>) offsets(%dma_start3A_208 : memref<125xi32, #tpu.memory_space<vmem>>) semaphore(%arg21 : memref<!tpu.dma_semaphore, #tpu.memory_space<semaphore_mem>>)
      %mul3A_212 = arith.constant 8 : i32
      %mul3A_213 = arith.muli %mul3A_212, %scan3A_131 : i32
      %add3A_214 = arith.constant 4 : i32
      %add3A_215 = arith.addi %mul3A_213, %add3A_214 : i32
      %dma_wait3A_216 = arith.constant 0 : i32
      %dma_wait3A_217 = arith.constant 0 : i32
      %dma_wait3A_218 = tpu.memref_slice %arg2[%dma_wait3A_216, %dma_wait3A_217] : memref<10000x32xf32, #tpu.memory_space<hbm>> -> memref<125x32xf32, #tpu.memory_space<hbm>>
      %dma_wait3A_219 = arith.constant 0 : i32
      %dma_wait3A_220 = arith.constant 0 : i32
      %dma_wait3A_221 = tpu.memref_slice %arg2[%dma_wait3A_219, %dma_wait3A_220] : memref<10000x32xf32, #tpu.memory_space<hbm>> -> memref<125x32xf32, #tpu.memory_space<hbm>>
      tpu.wait_dma2 semaphore(%arg22 : memref<!tpu.dma_semaphore, #tpu.memory_space<semaphore_mem>>) src(%dma_wait3A_221 : memref<125x32xf32, #tpu.memory_space<hbm>>) dst(%arg12 : memref<125x32xf32, #tpu.memory_space<vmem>>)
      "tpu.region"() ({
        %run_scoped3A = tpu.sem_alloc : memref<!tpu.dma_semaphore, #tpu.memory_space<semaphore_mem>>
        %dma_start3A_293 = arith.constant 0 : i32
        %dma_start3A_294 = tpu.memref_slice %arg7[%add3A_215, %dma_start3A_293] : memref<80x125xi32, #tpu.memory_space<vmem>> -> memref<1x125xi32, #tpu.memory_space<vmem>>
        %dma_start3A_295 = tpu.memref_squeeze %dma_start3A_294 : memref<1x125xi32, #tpu.memory_space<vmem>> -> memref<125xi32, #tpu.memory_space<vmem>>
        %dma_start3A_296 = arith.constant 0 : i32
        %dma_start3A_297 = arith.constant 0 : i32
        %dma_start3A_298 = tpu.memref_slice %arg17[%dma_start3A_296, %dma_start3A_297] : memref<10240x32xf32, #tpu.memory_space<vmem_shared>> -> memref<10240x32xf32, #tpu.memory_space<vmem_shared>>
        tpu.enqueue_indirect_dma source(%arg12 : memref<125x32xf32, #tpu.memory_space<vmem>>) target(%dma_start3A_298 : memref<10240x32xf32, #tpu.memory_space<vmem_shared>>) offsets(%dma_start3A_295 : memref<125xi32, #tpu.memory_space<vmem>>) semaphore(%run_scoped3A : memref<!tpu.dma_semaphore, #tpu.memory_space<semaphore_mem>>) {add = true}
        %dma_wait3A_299 = arith.constant 0 : i32
        %dma_wait3A_300 = tpu.memref_slice %arg7[%add3A_215, %dma_wait3A_299] : memref<80x125xi32, #tpu.memory_space<vmem>> -> memref<1x125xi32, #tpu.memory_space<vmem>>
        %dma_wait3A_301 = tpu.memref_squeeze %dma_wait3A_300 : memref<1x125xi32, #tpu.memory_space<vmem>> -> memref<125xi32, #tpu.memory_space<vmem>>
        %dma_wait3A_302 = arith.constant 0 : i32
        %dma_wait3A_303 = arith.constant 0 : i32
        %dma_wait3A_304 = tpu.memref_slice %arg17[%dma_wait3A_302, %dma_wait3A_303] : memref<10240x32xf32, #tpu.memory_space<vmem_shared>> -> memref<10240x32xf32, #tpu.memory_space<vmem_shared>>
        tpu.wait_indirect_dma semaphore(%run_scoped3A : memref<!tpu.dma_semaphore, #tpu.memory_space<semaphore_mem>>) src(%arg12 : memref<125x32xf32, #tpu.memory_space<vmem>>) dst(%dma_wait3A_304 : memref<10240x32xf32, #tpu.memory_space<vmem_shared>>)
        tpu.yield
      }) : () -> ()
      %add3A_222 = arith.constant 8 : i32
      %add3A_223 = arith.addi %add3A_215, %add3A_222 : i32
      %min3A_224 = arith.constant 79 : i32
      %min3A_225 = arith.minsi %add3A_223, %min3A_224 : i32
      %dma_start3A_226 = arith.constant 0 : i32
      %dma_start3A_227 = tpu.memref_slice %arg6[%min3A_225, %dma_start3A_226] : memref<80x125xi32, #tpu.memory_space<vmem>> -> memref<1x125xi32, #tpu.memory_space<vmem>>
      %dma_start3A_228 = tpu.memref_squeeze %dma_start3A_227 : memref<1x125xi32, #tpu.memory_space<vmem>> -> memref<125xi32, #tpu.memory_space<vmem>>
      %dma_start3A_229 = arith.constant 0 : i32
      %dma_start3A_230 = arith.constant 0 : i32
      %dma_start3A_231 = tpu.memref_slice %arg2[%dma_start3A_229, %dma_start3A_230] : memref<10000x32xf32, #tpu.memory_space<hbm>> -> memref<10000x32xf32, #tpu.memory_space<hbm>>
      tpu.enqueue_indirect_dma source(%dma_start3A_231 : memref<10000x32xf32, #tpu.memory_space<hbm>>) target(%arg12 : memref<125x32xf32, #tpu.memory_space<vmem>>) offsets(%dma_start3A_228 : memref<125xi32, #tpu.memory_space<vmem>>) semaphore(%arg22 : memref<!tpu.dma_semaphore, #tpu.memory_space<semaphore_mem>>)
      %mul3A_232 = arith.constant 8 : i32
      %mul3A_233 = arith.muli %mul3A_232, %scan3A_131 : i32
      %add3A_234 = arith.constant 5 : i32
      %add3A_235 = arith.addi %mul3A_233, %add3A_234 : i32
      %dma_wait3A_236 = arith.constant 0 : i32
      %dma_wait3A_237 = arith.constant 0 : i32
      %dma_wait3A_238 = tpu.memref_slice %arg2[%dma_wait3A_236, %dma_wait3A_237] : memref<10000x32xf32, #tpu.memory_space<hbm>> -> memref<125x32xf32, #tpu.memory_space<hbm>>
      %dma_wait3A_239 = arith.constant 0 : i32
      %dma_wait3A_240 = arith.constant 0 : i32
      %dma_wait3A_241 = tpu.memref_slice %arg2[%dma_wait3A_239, %dma_wait3A_240] : memref<10000x32xf32, #tpu.memory_space<hbm>> -> memref<125x32xf32, #tpu.memory_space<hbm>>
      tpu.wait_dma2 semaphore(%arg23 : memref<!tpu.dma_semaphore, #tpu.memory_space<semaphore_mem>>) src(%dma_wait3A_241 : memref<125x32xf32, #tpu.memory_space<hbm>>) dst(%arg13 : memref<125x32xf32, #tpu.memory_space<vmem>>)
      "tpu.region"() ({
        %run_scoped3A = tpu.sem_alloc : memref<!tpu.dma_semaphore, #tpu.memory_space<semaphore_mem>>
        %dma_start3A_293 = arith.constant 0 : i32
        %dma_start3A_294 = tpu.memref_slice %arg7[%add3A_235, %dma_start3A_293] : memref<80x125xi32, #tpu.memory_space<vmem>> -> memref<1x125xi32, #tpu.memory_space<vmem>>
        %dma_start3A_295 = tpu.memref_squeeze %dma_start3A_294 : memref<1x125xi32, #tpu.memory_space<vmem>> -> memref<125xi32, #tpu.memory_space<vmem>>
        %dma_start3A_296 = arith.constant 0 : i32
        %dma_start3A_297 = arith.constant 0 : i32
        %dma_start3A_298 = tpu.memref_slice %arg17[%dma_start3A_296, %dma_start3A_297] : memref<10240x32xf32, #tpu.memory_space<vmem_shared>> -> memref<10240x32xf32, #tpu.memory_space<vmem_shared>>
        tpu.enqueue_indirect_dma source(%arg13 : memref<125x32xf32, #tpu.memory_space<vmem>>) target(%dma_start3A_298 : memref<10240x32xf32, #tpu.memory_space<vmem_shared>>) offsets(%dma_start3A_295 : memref<125xi32, #tpu.memory_space<vmem>>) semaphore(%run_scoped3A : memref<!tpu.dma_semaphore, #tpu.memory_space<semaphore_mem>>) {add = true}
        %dma_wait3A_299 = arith.constant 0 : i32
        %dma_wait3A_300 = tpu.memref_slice %arg7[%add3A_235, %dma_wait3A_299] : memref<80x125xi32, #tpu.memory_space<vmem>> -> memref<1x125xi32, #tpu.memory_space<vmem>>
        %dma_wait3A_301 = tpu.memref_squeeze %dma_wait3A_300 : memref<1x125xi32, #tpu.memory_space<vmem>> -> memref<125xi32, #tpu.memory_space<vmem>>
        %dma_wait3A_302 = arith.constant 0 : i32
        %dma_wait3A_303 = arith.constant 0 : i32
        %dma_wait3A_304 = tpu.memref_slice %arg17[%dma_wait3A_302, %dma_wait3A_303] : memref<10240x32xf32, #tpu.memory_space<vmem_shared>> -> memref<10240x32xf32, #tpu.memory_space<vmem_shared>>
        tpu.wait_indirect_dma semaphore(%run_scoped3A : memref<!tpu.dma_semaphore, #tpu.memory_space<semaphore_mem>>) src(%arg13 : memref<125x32xf32, #tpu.memory_space<vmem>>) dst(%dma_wait3A_304 : memref<10240x32xf32, #tpu.memory_space<vmem_shared>>)
        tpu.yield
      }) : () -> ()
      %add3A_242 = arith.constant 8 : i32
      %add3A_243 = arith.addi %add3A_235, %add3A_242 : i32
      %min3A_244 = arith.constant 79 : i32
      %min3A_245 = arith.minsi %add3A_243, %min3A_244 : i32
      %dma_start3A_246 = arith.constant 0 : i32
      %dma_start3A_247 = tpu.memref_slice %arg6[%min3A_245, %dma_start3A_246] : memref<80x125xi32, #tpu.memory_space<vmem>> -> memref<1x125xi32, #tpu.memory_space<vmem>>
      %dma_start3A_248 = tpu.memref_squeeze %dma_start3A_247 : memref<1x125xi32, #tpu.memory_space<vmem>> -> memref<125xi32, #tpu.memory_space<vmem>>
      %dma_start3A_249 = arith.constant 0 : i32
      %dma_start3A_250 = arith.constant 0 : i32
      %dma_start3A_251 = tpu.memref_slice %arg2[%dma_start3A_249, %dma_start3A_250] : memref<10000x32xf32, #tpu.memory_space<hbm>> -> memref<10000x32xf32, #tpu.memory_space<hbm>>
      tpu.enqueue_indirect_dma source(%dma_start3A_251 : memref<10000x32xf32, #tpu.memory_space<hbm>>) target(%arg13 : memref<125x32xf32, #tpu.memory_space<vmem>>) offsets(%dma_start3A_248 : memref<125xi32, #tpu.memory_space<vmem>>) semaphore(%arg23 : memref<!tpu.dma_semaphore, #tpu.memory_space<semaphore_mem>>)
      %mul3A_252 = arith.constant 8 : i32
      %mul3A_253 = arith.muli %mul3A_252, %scan3A_131 : i32
      %add3A_254 = arith.constant 6 : i32
      %add3A_255 = arith.addi %mul3A_253, %add3A_254 : i32
      %dma_wait3A_256 = arith.constant 0 : i32
      %dma_wait3A_257 = arith.constant 0 : i32
      %dma_wait3A_258 = tpu.memref_slice %arg2[%dma_wait3A_256, %dma_wait3A_257] : memref<10000x32xf32, #tpu.memory_space<hbm>> -> memref<125x32xf32, #tpu.memory_space<hbm>>
      %dma_wait3A_259 = arith.constant 0 : i32
      %dma_wait3A_260 = arith.constant 0 : i32
      %dma_wait3A_261 = tpu.memref_slice %arg2[%dma_wait3A_259, %dma_wait3A_260] : memref<10000x32xf32, #tpu.memory_space<hbm>> -> memref<125x32xf32, #tpu.memory_space<hbm>>
      tpu.wait_dma2 semaphore(%arg24 : memref<!tpu.dma_semaphore, #tpu.memory_space<semaphore_mem>>) src(%dma_wait3A_261 : memref<125x32xf32, #tpu.memory_space<hbm>>) dst(%arg14 : memref<125x32xf32, #tpu.memory_space<vmem>>)
      "tpu.region"() ({
        %run_scoped3A = tpu.sem_alloc : memref<!tpu.dma_semaphore, #tpu.memory_space<semaphore_mem>>
        %dma_start3A_293 = arith.constant 0 : i32
        %dma_start3A_294 = tpu.memref_slice %arg7[%add3A_255, %dma_start3A_293] : memref<80x125xi32, #tpu.memory_space<vmem>> -> memref<1x125xi32, #tpu.memory_space<vmem>>
        %dma_start3A_295 = tpu.memref_squeeze %dma_start3A_294 : memref<1x125xi32, #tpu.memory_space<vmem>> -> memref<125xi32, #tpu.memory_space<vmem>>
        %dma_start3A_296 = arith.constant 0 : i32
        %dma_start3A_297 = arith.constant 0 : i32
        %dma_start3A_298 = tpu.memref_slice %arg17[%dma_start3A_296, %dma_start3A_297] : memref<10240x32xf32, #tpu.memory_space<vmem_shared>> -> memref<10240x32xf32, #tpu.memory_space<vmem_shared>>
        tpu.enqueue_indirect_dma source(%arg14 : memref<125x32xf32, #tpu.memory_space<vmem>>) target(%dma_start3A_298 : memref<10240x32xf32, #tpu.memory_space<vmem_shared>>) offsets(%dma_start3A_295 : memref<125xi32, #tpu.memory_space<vmem>>) semaphore(%run_scoped3A : memref<!tpu.dma_semaphore, #tpu.memory_space<semaphore_mem>>) {add = true}
        %dma_wait3A_299 = arith.constant 0 : i32
        %dma_wait3A_300 = tpu.memref_slice %arg7[%add3A_255, %dma_wait3A_299] : memref<80x125xi32, #tpu.memory_space<vmem>> -> memref<1x125xi32, #tpu.memory_space<vmem>>
        %dma_wait3A_301 = tpu.memref_squeeze %dma_wait3A_300 : memref<1x125xi32, #tpu.memory_space<vmem>> -> memref<125xi32, #tpu.memory_space<vmem>>
        %dma_wait3A_302 = arith.constant 0 : i32
        %dma_wait3A_303 = arith.constant 0 : i32
        %dma_wait3A_304 = tpu.memref_slice %arg17[%dma_wait3A_302, %dma_wait3A_303] : memref<10240x32xf32, #tpu.memory_space<vmem_shared>> -> memref<10240x32xf32, #tpu.memory_space<vmem_shared>>
        tpu.wait_indirect_dma semaphore(%run_scoped3A : memref<!tpu.dma_semaphore, #tpu.memory_space<semaphore_mem>>) src(%arg14 : memref<125x32xf32, #tpu.memory_space<vmem>>) dst(%dma_wait3A_304 : memref<10240x32xf32, #tpu.memory_space<vmem_shared>>)
        tpu.yield
      }) : () -> ()
      %add3A_262 = arith.constant 8 : i32
      %add3A_263 = arith.addi %add3A_255, %add3A_262 : i32
      %min3A_264 = arith.constant 79 : i32
      %min3A_265 = arith.minsi %add3A_263, %min3A_264 : i32
      %dma_start3A_266 = arith.constant 0 : i32
      %dma_start3A_267 = tpu.memref_slice %arg6[%min3A_265, %dma_start3A_266] : memref<80x125xi32, #tpu.memory_space<vmem>> -> memref<1x125xi32, #tpu.memory_space<vmem>>
      %dma_start3A_268 = tpu.memref_squeeze %dma_start3A_267 : memref<1x125xi32, #tpu.memory_space<vmem>> -> memref<125xi32, #tpu.memory_space<vmem>>
      %dma_start3A_269 = arith.constant 0 : i32
      %dma_start3A_270 = arith.constant 0 : i32
      %dma_start3A_271 = tpu.memref_slice %arg2[%dma_start3A_269, %dma_start3A_270] : memref<10000x32xf32, #tpu.memory_space<hbm>> -> memref<10000x32xf32, #tpu.memory_space<hbm>>
      tpu.enqueue_indirect_dma source(%dma_start3A_271 : memref<10000x32xf32, #tpu.memory_space<hbm>>) target(%arg14 : memref<125x32xf32, #tpu.memory_space<vmem>>) offsets(%dma_start3A_268 : memref<125xi32, #tpu.memory_space<vmem>>) semaphore(%arg24 : memref<!tpu.dma_semaphore, #tpu.memory_space<semaphore_mem>>)
      %mul3A_272 = arith.constant 8 : i32
      %mul3A_273 = arith.muli %mul3A_272, %scan3A_131 : i32
      %add3A_274 = arith.constant 7 : i32
      %add3A_275 = arith.addi %mul3A_273, %add3A_274 : i32
      %dma_wait3A_276 = arith.constant 0 : i32
      %dma_wait3A_277 = arith.constant 0 : i32
      %dma_wait3A_278 = tpu.memref_slice %arg2[%dma_wait3A_276, %dma_wait3A_277] : memref<10000x32xf32, #tpu.memory_space<hbm>> -> memref<125x32xf32, #tpu.memory_space<hbm>>
      %dma_wait3A_279 = arith.constant 0 : i32
      %dma_wait3A_280 = arith.constant 0 : i32
      %dma_wait3A_281 = tpu.memref_slice %arg2[%dma_wait3A_279, %dma_wait3A_280] : memref<10000x32xf32, #tpu.memory_space<hbm>> -> memref<125x32xf32, #tpu.memory_space<hbm>>
      tpu.wait_dma2 semaphore(%arg25 : memref<!tpu.dma_semaphore, #tpu.memory_space<semaphore_mem>>) src(%dma_wait3A_281 : memref<125x32xf32, #tpu.memory_space<hbm>>) dst(%arg15 : memref<125x32xf32, #tpu.memory_space<vmem>>)
      "tpu.region"() ({
        %run_scoped3A = tpu.sem_alloc : memref<!tpu.dma_semaphore, #tpu.memory_space<semaphore_mem>>
        %dma_start3A_293 = arith.constant 0 : i32
        %dma_start3A_294 = tpu.memref_slice %arg7[%add3A_275, %dma_start3A_293] : memref<80x125xi32, #tpu.memory_space<vmem>> -> memref<1x125xi32, #tpu.memory_space<vmem>>
        %dma_start3A_295 = tpu.memref_squeeze %dma_start3A_294 : memref<1x125xi32, #tpu.memory_space<vmem>> -> memref<125xi32, #tpu.memory_space<vmem>>
        %dma_start3A_296 = arith.constant 0 : i32
        %dma_start3A_297 = arith.constant 0 : i32
        %dma_start3A_298 = tpu.memref_slice %arg17[%dma_start3A_296, %dma_start3A_297] : memref<10240x32xf32, #tpu.memory_space<vmem_shared>> -> memref<10240x32xf32, #tpu.memory_space<vmem_shared>>
        tpu.enqueue_indirect_dma source(%arg15 : memref<125x32xf32, #tpu.memory_space<vmem>>) target(%dma_start3A_298 : memref<10240x32xf32, #tpu.memory_space<vmem_shared>>) offsets(%dma_start3A_295 : memref<125xi32, #tpu.memory_space<vmem>>) semaphore(%run_scoped3A : memref<!tpu.dma_semaphore, #tpu.memory_space<semaphore_mem>>) {add = true}
        %dma_wait3A_299 = arith.constant 0 : i32
        %dma_wait3A_300 = tpu.memref_slice %arg7[%add3A_275, %dma_wait3A_299] : memref<80x125xi32, #tpu.memory_space<vmem>> -> memref<1x125xi32, #tpu.memory_space<vmem>>
        %dma_wait3A_301 = tpu.memref_squeeze %dma_wait3A_300 : memref<1x125xi32, #tpu.memory_space<vmem>> -> memref<125xi32, #tpu.memory_space<vmem>>
        %dma_wait3A_302 = arith.constant 0 : i32
        %dma_wait3A_303 = arith.constant 0 : i32
        %dma_wait3A_304 = tpu.memref_slice %arg17[%dma_wait3A_302, %dma_wait3A_303] : memref<10240x32xf32, #tpu.memory_space<vmem_shared>> -> memref<10240x32xf32, #tpu.memory_space<vmem_shared>>
        tpu.wait_indirect_dma semaphore(%run_scoped3A : memref<!tpu.dma_semaphore, #tpu.memory_space<semaphore_mem>>) src(%arg15 : memref<125x32xf32, #tpu.memory_space<vmem>>) dst(%dma_wait3A_304 : memref<10240x32xf32, #tpu.memory_space<vmem_shared>>)
        tpu.yield
      }) : () -> ()
      %add3A_282 = arith.constant 8 : i32
      %add3A_283 = arith.addi %add3A_275, %add3A_282 : i32
      %min3A_284 = arith.constant 79 : i32
      %min3A_285 = arith.minsi %add3A_283, %min3A_284 : i32
      %dma_start3A_286 = arith.constant 0 : i32
      %dma_start3A_287 = tpu.memref_slice %arg6[%min3A_285, %dma_start3A_286] : memref<80x125xi32, #tpu.memory_space<vmem>> -> memref<1x125xi32, #tpu.memory_space<vmem>>
      %dma_start3A_288 = tpu.memref_squeeze %dma_start3A_287 : memref<1x125xi32, #tpu.memory_space<vmem>> -> memref<125xi32, #tpu.memory_space<vmem>>
      %dma_start3A_289 = arith.constant 0 : i32
      %dma_start3A_290 = arith.constant 0 : i32
      %dma_start3A_291 = tpu.memref_slice %arg2[%dma_start3A_289, %dma_start3A_290] : memref<10000x32xf32, #tpu.memory_space<hbm>> -> memref<10000x32xf32, #tpu.memory_space<hbm>>
      tpu.enqueue_indirect_dma source(%dma_start3A_291 : memref<10000x32xf32, #tpu.memory_space<hbm>>) target(%arg15 : memref<125x32xf32, #tpu.memory_space<vmem>>) offsets(%dma_start3A_288 : memref<125xi32, #tpu.memory_space<vmem>>) semaphore(%arg25 : memref<!tpu.dma_semaphore, #tpu.memory_space<semaphore_mem>>)
      %scan3A_292 = arith.constant 0 : i32
      scf.yield %scan3A_292 : i32
    }
    %scan3A_78 = arith.constant 10 : i32
    %dma_wait3A = arith.constant 0 : i32
    %dma_wait3A_79 = arith.constant 0 : i32
    %dma_wait3A_80 = tpu.memref_slice %arg2[%dma_wait3A, %dma_wait3A_79] : memref<10000x32xf32, #tpu.memory_space<hbm>> -> memref<125x32xf32, #tpu.memory_space<hbm>>
    %dma_wait3A_81 = arith.constant 0 : i32
    %dma_wait3A_82 = arith.constant 0 : i32
    %dma_wait3A_83 = tpu.memref_slice %arg2[%dma_wait3A_81, %dma_wait3A_82] : memref<10000x32xf32, #tpu.memory_space<hbm>> -> memref<125x32xf32, #tpu.memory_space<hbm>>
    tpu.wait_dma2 semaphore(%arg18 : memref<!tpu.dma_semaphore, #tpu.memory_space<semaphore_mem>>) src(%dma_wait3A_83 : memref<125x32xf32, #tpu.memory_space<hbm>>) dst(%arg8 : memref<125x32xf32, #tpu.memory_space<vmem>>)
    %dma_wait3A_84 = arith.constant 0 : i32
    %dma_wait3A_85 = arith.constant 0 : i32
    %dma_wait3A_86 = tpu.memref_slice %arg2[%dma_wait3A_84, %dma_wait3A_85] : memref<10000x32xf32, #tpu.memory_space<hbm>> -> memref<125x32xf32, #tpu.memory_space<hbm>>
    %dma_wait3A_87 = arith.constant 0 : i32
    %dma_wait3A_88 = arith.constant 0 : i32
    %dma_wait3A_89 = tpu.memref_slice %arg2[%dma_wait3A_87, %dma_wait3A_88] : memref<10000x32xf32, #tpu.memory_space<hbm>> -> memref<125x32xf32, #tpu.memory_space<hbm>>
    tpu.wait_dma2 semaphore(%arg19 : memref<!tpu.dma_semaphore, #tpu.memory_space<semaphore_mem>>) src(%dma_wait3A_89 : memref<125x32xf32, #tpu.memory_space<hbm>>) dst(%arg9 : memref<125x32xf32, #tpu.memory_space<vmem>>)
    %dma_wait3A_90 = arith.constant 0 : i32
    %dma_wait3A_91 = arith.constant 0 : i32
    %dma_wait3A_92 = tpu.memref_slice %arg2[%dma_wait3A_90, %dma_wait3A_91] : memref<10000x32xf32, #tpu.memory_space<hbm>> -> memref<125x32xf32, #tpu.memory_space<hbm>>
    %dma_wait3A_93 = arith.constant 0 : i32
    %dma_wait3A_94 = arith.constant 0 : i32
    %dma_wait3A_95 = tpu.memref_slice %arg2[%dma_wait3A_93, %dma_wait3A_94] : memref<10000x32xf32, #tpu.memory_space<hbm>> -> memref<125x32xf32, #tpu.memory_space<hbm>>
    tpu.wait_dma2 semaphore(%arg20 : memref<!tpu.dma_semaphore, #tpu.memory_space<semaphore_mem>>) src(%dma_wait3A_95 : memref<125x32xf32, #tpu.memory_space<hbm>>) dst(%arg10 : memref<125x32xf32, #tpu.memory_space<vmem>>)
    %dma_wait3A_96 = arith.constant 0 : i32
    %dma_wait3A_97 = arith.constant 0 : i32
    %dma_wait3A_98 = tpu.memref_slice %arg2[%dma_wait3A_96, %dma_wait3A_97] : memref<10000x32xf32, #tpu.memory_space<hbm>> -> memref<125x32xf32, #tpu.memory_space<hbm>>
    %dma_wait3A_99 = arith.constant 0 : i32
    %dma_wait3A_100 = arith.constant 0 : i32
    %dma_wait3A_101 = tpu.memref_slice %arg2[%dma_wait3A_99, %dma_wait3A_100] : memref<10000x32xf32, #tpu.memory_space<hbm>> -> memref<125x32xf32, #tpu.memory_space<hbm>>
    tpu.wait_dma2 semaphore(%arg21 : memref<!tpu.dma_semaphore, #tpu.memory_space<semaphore_mem>>) src(%dma_wait3A_101 : memref<125x32xf32, #tpu.memory_space<hbm>>) dst(%arg11 : memref<125x32xf32, #tpu.memory_space<vmem>>)
    %dma_wait3A_102 = arith.constant 0 : i32
    %dma_wait3A_103 = arith.constant 0 : i32
    %dma_wait3A_104 = tpu.memref_slice %arg2[%dma_wait3A_102, %dma_wait3A_103] : memref<10000x32xf32, #tpu.memory_space<hbm>> -> memref<125x32xf32, #tpu.memory_space<hbm>>
    %dma_wait3A_105 = arith.constant 0 : i32
    %dma_wait3A_106 = arith.constant 0 : i32
    %dma_wait3A_107 = tpu.memref_slice %arg2[%dma_wait3A_105, %dma_wait3A_106] : memref<10000x32xf32, #tpu.memory_space<hbm>> -> memref<125x32xf32, #tpu.memory_space<hbm>>
    tpu.wait_dma2 semaphore(%arg22 : memref<!tpu.dma_semaphore, #tpu.memory_space<semaphore_mem>>) src(%dma_wait3A_107 : memref<125x32xf32, #tpu.memory_space<hbm>>) dst(%arg12 : memref<125x32xf32, #tpu.memory_space<vmem>>)
    %dma_wait3A_108 = arith.constant 0 : i32
    %dma_wait3A_109 = arith.constant 0 : i32
    %dma_wait3A_110 = tpu.memref_slice %arg2[%dma_wait3A_108, %dma_wait3A_109] : memref<10000x32xf32, #tpu.memory_space<hbm>> -> memref<125x32xf32, #tpu.memory_space<hbm>>
    %dma_wait3A_111 = arith.constant 0 : i32
    %dma_wait3A_112 = arith.constant 0 : i32
    %dma_wait3A_113 = tpu.memref_slice %arg2[%dma_wait3A_111, %dma_wait3A_112] : memref<10000x32xf32, #tpu.memory_space<hbm>> -> memref<125x32xf32, #tpu.memory_space<hbm>>
    tpu.wait_dma2 semaphore(%arg23 : memref<!tpu.dma_semaphore, #tpu.memory_space<semaphore_mem>>) src(%dma_wait3A_113 : memref<125x32xf32, #tpu.memory_space<hbm>>) dst(%arg13 : memref<125x32xf32, #tpu.memory_space<vmem>>)
    %dma_wait3A_114 = arith.constant 0 : i32
    %dma_wait3A_115 = arith.constant 0 : i32
    %dma_wait3A_116 = tpu.memref_slice %arg2[%dma_wait3A_114, %dma_wait3A_115] : memref<10000x32xf32, #tpu.memory_space<hbm>> -> memref<125x32xf32, #tpu.memory_space<hbm>>
    %dma_wait3A_117 = arith.constant 0 : i32
    %dma_wait3A_118 = arith.constant 0 : i32
    %dma_wait3A_119 = tpu.memref_slice %arg2[%dma_wait3A_117, %dma_wait3A_118] : memref<10000x32xf32, #tpu.memory_space<hbm>> -> memref<125x32xf32, #tpu.memory_space<hbm>>
    tpu.wait_dma2 semaphore(%arg24 : memref<!tpu.dma_semaphore, #tpu.memory_space<semaphore_mem>>) src(%dma_wait3A_119 : memref<125x32xf32, #tpu.memory_space<hbm>>) dst(%arg14 : memref<125x32xf32, #tpu.memory_space<vmem>>)
    %dma_wait3A_120 = arith.constant 0 : i32
    %dma_wait3A_121 = arith.constant 0 : i32
    %dma_wait3A_122 = tpu.memref_slice %arg2[%dma_wait3A_120, %dma_wait3A_121] : memref<10000x32xf32, #tpu.memory_space<hbm>> -> memref<125x32xf32, #tpu.memory_space<hbm>>
    %dma_wait3A_123 = arith.constant 0 : i32
    %dma_wait3A_124 = arith.constant 0 : i32
    %dma_wait3A_125 = tpu.memref_slice %arg2[%dma_wait3A_123, %dma_wait3A_124] : memref<10000x32xf32, #tpu.memory_space<hbm>> -> memref<125x32xf32, #tpu.memory_space<hbm>>
    tpu.wait_dma2 semaphore(%arg25 : memref<!tpu.dma_semaphore, #tpu.memory_space<semaphore_mem>>) src(%dma_wait3A_125 : memref<125x32xf32, #tpu.memory_space<hbm>>) dst(%arg15 : memref<125x32xf32, #tpu.memory_space<vmem>>)
    %barrier3A_126 = arith.constant 0 : index
    tpu.barrier barrier_id(%barrier3A_126)
    %mul3A_127 = arith.constant 640 : i32
    %mul3A_128 = arith.muli %arg1, %mul3A_127 : i32
    %mul3A_129 = arith.constant 640 : i32
    %mul3A_130 = arith.muli %arg1, %mul3A_129 : i32
    "tpu.region"() ({
      %run_scoped3A = tpu.sem_alloc : memref<!tpu.dma_semaphore, #tpu.memory_space<semaphore_mem>>
      %dma_start3A_131 = arith.constant 0 : i32
      %dma_start3A_132 = arith.constant 0 : i32
      %dma_start3A_133 = tpu.memref_slice %arg5[%arg0, %dma_start3A_131, %dma_start3A_132] : memref<2x10240x32xf32, #tpu.memory_space<hbm>> -> memref<1x10240x32xf32, #tpu.memory_space<hbm>>
      %dma_start3A_134 = tpu.memref_squeeze %dma_start3A_133 : memref<1x10240x32xf32, #tpu.memory_space<hbm>> -> memref<10240x32xf32, #tpu.memory_space<hbm>>
      %dma_start3A_135 = arith.constant 0 : i32
      %dma_start3A_136 = tpu.memref_slice %dma_start3A_134[%mul3A_130, %dma_start3A_135] : memref<10240x32xf32, #tpu.memory_space<hbm>> -> memref<640x32xf32, #tpu.memory_space<hbm>>
      %dma_start3A_137 = arith.constant 0 : i32
      %dma_start3A_138 = tpu.memref_slice %arg17[%mul3A_128, %dma_start3A_137] : memref<10240x32xf32, #tpu.memory_space<vmem_shared>> -> memref<640x32xf32, #tpu.memory_space<vmem_shared>>
      tpu.enqueue_dma source(%dma_start3A_138 : memref<640x32xf32, #tpu.memory_space<vmem_shared>>) target(%dma_start3A_136 : memref<640x32xf32, #tpu.memory_space<hbm>>) target_semaphore(%run_scoped3A : memref<!tpu.dma_semaphore, #tpu.memory_space<semaphore_mem>>)
      %dma_wait3A_139 = arith.constant 0 : i32
      %dma_wait3A_140 = arith.constant 0 : i32
      %dma_wait3A_141 = tpu.memref_slice %arg5[%arg0, %dma_wait3A_139, %dma_wait3A_140] : memref<2x10240x32xf32, #tpu.memory_space<hbm>> -> memref<1x10240x32xf32, #tpu.memory_space<hbm>>
      %dma_wait3A_142 = tpu.memref_squeeze %dma_wait3A_141 : memref<1x10240x32xf32, #tpu.memory_space<hbm>> -> memref<10240x32xf32, #tpu.memory_space<hbm>>
      %dma_wait3A_143 = arith.constant 0 : i32
      %dma_wait3A_144 = tpu.memref_slice %dma_wait3A_142[%mul3A_130, %dma_wait3A_143] : memref<10240x32xf32, #tpu.memory_space<hbm>> -> memref<640x32xf32, #tpu.memory_space<hbm>>
      %dma_wait3A_145 = arith.constant 0 : i32
      %dma_wait3A_146 = tpu.memref_slice %arg17[%mul3A_128, %dma_wait3A_145] : memref<10240x32xf32, #tpu.memory_space<vmem_shared>> -> memref<640x32xf32, #tpu.memory_space<vmem_shared>>
      tpu.wait_dma2 semaphore(%run_scoped3A : memref<!tpu.dma_semaphore, #tpu.memory_space<semaphore_mem>>) src(%dma_wait3A_146 : memref<640x32xf32, #tpu.memory_space<vmem_shared>>) dst(%dma_wait3A_144 : memref<640x32xf32, #tpu.memory_space<hbm>>)
      tpu.yield
    }) : () -> ()
    return
  }
}

#map = affine_map<(d0, d1) -> (0, 0)>
#map1 = affine_map<(d0, d1) -> (0, 0, 0)>
#map2 = affine_map<(d0, d1) -> (0)>
module attributes {stable_mosaic.version = 14 : i64} {
  func.func @k(%arg0: i32, %arg1: i32, %arg2: memref<10000x64xf32, #tpu.memory_space<hbm>>, %arg3: memref<2560x125xi32, #tpu.memory_space<hbm>>, %arg4: memref<2560x125xi32, #tpu.memory_space<hbm>>, %arg5: memref<2x10240x64xf32, #tpu.memory_space<hbm>>, %arg6: memref<10240xf32, #tpu.memory_space<hbm>>, %arg7: memref<10240xf32, #tpu.memory_space<hbm>>, %arg8: memref<80x125xi32, #tpu.memory_space<vmem>>, %arg9: memref<80x125xi32, #tpu.memory_space<vmem>>, %arg10: memref<125x64xf32, #tpu.memory_space<vmem>>, %arg11: memref<125x64xf32, #tpu.memory_space<vmem>>, %arg12: memref<125x64xf32, #tpu.memory_space<vmem>>, %arg13: memref<125x64xf32, #tpu.memory_space<vmem>>, %arg14: memref<125x64xf32, #tpu.memory_space<vmem>>, %arg15: memref<128x64xf32, #tpu.memory_space<vmem>>, %arg16: memref<10240x64xf32, #tpu.memory_space<vmem_shared>>, %arg17: memref<!tpu.dma_semaphore, #tpu.memory_space<semaphore_mem>>, %arg18: memref<!tpu.dma_semaphore, #tpu.memory_space<semaphore_mem>>, %arg19: memref<!tpu.dma_semaphore, #tpu.memory_space<semaphore_mem>>, %arg20: memref<!tpu.dma_semaphore, #tpu.memory_space<semaphore_mem>>, %arg21: memref<!tpu.dma_semaphore, #tpu.memory_space<semaphore_mem>>, %arg22: memref<125xf32, #tpu.memory_space<vmem>>, %arg23: memref<640xf32, #tpu.memory_space<vmem>>, %arg24: memref<10240xf32, #tpu.memory_space<vmem_shared>>) attributes {dimension_semantics = [#tpu.dimension_semantics<core_parallel>, #tpu.dimension_semantics<subcore_parallel>], iteration_bounds = array<i64: 2, 16>, scalar_prefetch = 0 : i64, scratch_operands = 17 : i64, tpu.core_type = #tpu.core_type<sc_vector_subcore>, window_params = [{transform_indices = #map}, {transform_indices = #map}, {transform_indices = #map}, {transform_indices = #map1}, {transform_indices = #map2}, {transform_indices = #map2}]} {
    %mul3A = arith.constant 2 : i32
    %mul3A_0 = arith.muli %arg1, %mul3A : i32
    %add3A = arith.addi %mul3A_0, %arg0 : i32
    %broadcast_in_dim3A = arith.constant 0.000000e+00 : f32
    %broadcast_in_dim3A_1 = vector.broadcast %broadcast_in_dim3A : f32 to vector<16xf32>
    %scan3A = arith.constant 0 : i32
    %scan3A_2 = arith.constant 0 : i32
    %scan3A_3 = arith.constant 512 : i32
    %scan3A_4 = arith.addi %scan3A_2, %scan3A_3 : i32
    %scan3A_5 = arith.constant 1 : i32
    %scan3A_6 = scf.for %scan3A_117 = %scan3A_2 to %scan3A_4 step %scan3A_5 iter_args(%scan3A_118 = %scan3A) -> (i32)  : i32 {
      %jit3A = arith.constant 4 : i32
      %div3A = arith.divsi %scan3A_117, %jit3A : i32
      %sign3A = arith.constant 0 : i32
      %sign3A_119 = arith.cmpi sgt, %scan3A_117, %sign3A : i32
      %sign3A_120 = arith.extui %sign3A_119 : i1 to i32
      %sign3A_121 = arith.constant 0 : i32
      %sign3A_122 = arith.cmpi slt, %scan3A_117, %sign3A_121 : i32
      %sign3A_123 = arith.extui %sign3A_122 : i1 to i32
      %sign3A_124 = arith.subi %sign3A_120, %sign3A_123 : i32
      %sign3A_125 = arith.constant 0 : i32
      %sign3A_126 = arith.cmpi sgt, %jit3A, %sign3A_125 : i32
      %sign3A_127 = arith.extui %sign3A_126 : i1 to i32
      %sign3A_128 = arith.constant 0 : i32
      %sign3A_129 = arith.cmpi slt, %jit3A, %sign3A_128 : i32
      %sign3A_130 = arith.extui %sign3A_129 : i1 to i32
      %sign3A_131 = arith.subi %sign3A_127, %sign3A_130 : i32
      %ne3A = arith.cmpi ne, %sign3A_124, %sign3A_131 : i32
      %rem3A = arith.remsi %scan3A_117, %jit3A : i32
      %ne3A_132 = arith.constant 0 : i32
      %ne3A_133 = arith.cmpi ne, %rem3A, %ne3A_132 : i32
      %and3A = arith.andi %ne3A, %ne3A_133 : i1
      %sub3A = arith.constant 1 : i32
      %sub3A_134 = arith.subi %div3A, %sub3A : i32
      %select_n3A = arith.select %and3A, %sub3A_134, %div3A : i32
      %jit3A_135 = arith.constant 4 : i32
      %eq3A_136 = arith.constant 0 : i32
      %eq3A_137 = arith.cmpi eq, %jit3A_135, %eq3A_136 : i32
      %jit3A_138 = arith.constant 1 : i32
      %select_n3A_139 = arith.select %eq3A_137, %jit3A_138, %jit3A_135 : i32
      %rem3A_140 = arith.remsi %scan3A_117, %select_n3A_139 : i32
      %ne3A_141 = arith.constant 0 : i32
      %ne3A_142 = arith.cmpi ne, %rem3A_140, %ne3A_141 : i32
      %lt3A = arith.constant 0 : i32
      %lt3A_143 = arith.cmpi slt, %rem3A_140, %lt3A : i32
      %lt3A_144 = arith.constant 0 : i32
      %lt3A_145 = arith.cmpi slt, %select_n3A_139, %lt3A_144 : i32
      %ne3A_146 = arith.xori %lt3A_143, %lt3A_145 : i1
      %and3A_147 = arith.andi %ne3A_146, %ne3A_142 : i1
      %add3A_148 = arith.addi %rem3A_140, %select_n3A_139 : i32
      %select_n3A_149 = arith.select %and3A_147, %add3A_148, %rem3A_140 : i32
      %mul3A_150 = arith.constant 16 : i32
      %mul3A_151 = arith.muli %select_n3A_149, %mul3A_150 : i32
      %swap3A = arith.index_cast %select_n3A : i32 to index
      %swap3A_152 = arith.index_cast %mul3A_151 : i32 to index
      %swap3A_153 = tpu.vector_load %arg15[%swap3A, %swap3A_152] {strides = array<i32>} : memref<128x64xf32, #tpu.memory_space<vmem>>, vector<1x16xf32>,
      %swap3A_154 = vector.shape_cast %swap3A_153 : vector<1x16xf32> to vector<16xf32>
      %swap3A_155 = vector.shape_cast %broadcast_in_dim3A_1 : vector<16xf32> to vector<1x16xf32>
      tpu.vector_store %arg15[%swap3A, %swap3A_152], %swap3A_155 {strides = array<i32>} : memref<128x64xf32, #tpu.memory_space<vmem>>, vector<1x16xf32>,
      %scan3A_156 = arith.constant 0 : i32
      scf.yield %scan3A_156 : i32
    }
    %scan3A_7 = arith.constant 512 : i32
    %scan3A_8 = arith.constant 0 : i32
    %scan3A_9 = arith.constant 0 : i32
    %scan3A_10 = arith.constant 5 : i32
    %scan3A_11 = arith.addi %scan3A_9, %scan3A_10 : i32
    %scan3A_12 = arith.constant 1 : i32
    %scan3A_13 = scf.for %scan3A_117 = %scan3A_9 to %scan3A_11 step %scan3A_12 iter_args(%scan3A_118 = %scan3A_8) -> (i32)  : i32 {
      %mul3A_119 = arith.constant 640 : i32
      %mul3A_120 = arith.muli %arg1, %mul3A_119 : i32
      %mul3A_121 = arith.constant 128 : i32
      %mul3A_122 = arith.muli %scan3A_117, %mul3A_121 : i32
      %add3A_123 = arith.addi %mul3A_120, %mul3A_122 : i32
      "tpu.region"() ({
        %run_scoped3A = tpu.sem_alloc : memref<!tpu.dma_semaphore, #tpu.memory_space<semaphore_mem>>
        %dma_start3A_125 = arith.constant 0 : i32
        %dma_start3A_126 = tpu.memref_slice %arg16[%add3A_123, %dma_start3A_125] : memref<10240x64xf32, #tpu.memory_space<vmem_shared>> -> memref<128x64xf32, #tpu.memory_space<vmem_shared>>
        %dma_start3A_127 = arith.constant 0 : i32
        %dma_start3A_128 = tpu.memref_slice %arg16[%add3A_123, %dma_start3A_127] : memref<10240x64xf32, #tpu.memory_space<vmem_shared>> -> memref<128x64xf32, #tpu.memory_space<vmem_shared>>
        tpu.enqueue_dma source(%arg15 : memref<128x64xf32, #tpu.memory_space<vmem>>) target(%dma_start3A_128 : memref<128x64xf32, #tpu.memory_space<vmem_shared>>) target_semaphore(%run_scoped3A : memref<!tpu.dma_semaphore, #tpu.memory_space<semaphore_mem>>)
        %dma_wait3A_129 = arith.constant 0 : i32
        %dma_wait3A_130 = tpu.memref_slice %arg16[%add3A_123, %dma_wait3A_129] : memref<10240x64xf32, #tpu.memory_space<vmem_shared>> -> memref<128x64xf32, #tpu.memory_space<vmem_shared>>
        %dma_wait3A_131 = arith.constant 0 : i32
        %dma_wait3A_132 = tpu.memref_slice %arg16[%add3A_123, %dma_wait3A_131] : memref<10240x64xf32, #tpu.memory_space<vmem_shared>> -> memref<128x64xf32, #tpu.memory_space<vmem_shared>>
        tpu.wait_dma2 semaphore(%run_scoped3A : memref<!tpu.dma_semaphore, #tpu.memory_space<semaphore_mem>>) src(%arg15 : memref<128x64xf32, #tpu.memory_space<vmem>>) dst(%dma_wait3A_132 : memref<128x64xf32, #tpu.memory_space<vmem_shared>>)
        tpu.yield
      }) : () -> ()
      %scan3A_124 = arith.constant 0 : i32
      scf.yield %scan3A_124 : i32
    }
    %scan3A_14 = arith.constant 5 : i32
    %scan3A_15 = arith.constant 0 : i32
    %scan3A_16 = arith.constant 0 : i32
    %scan3A_17 = arith.constant 40 : i32
    %scan3A_18 = arith.addi %scan3A_16, %scan3A_17 : i32
    %scan3A_19 = arith.constant 1 : i32
    %scan3A_20 = scf.for %scan3A_117 = %scan3A_16 to %scan3A_18 step %scan3A_19 iter_args(%scan3A_118 = %scan3A_15) -> (i32)  : i32 {
      %mul3A_119 = arith.constant 16 : i32
      %mul3A_120 = arith.muli %scan3A_117, %mul3A_119 : i32
      %swap3A = arith.index_cast %mul3A_120 : i32 to index
      %swap3A_121 = tpu.vector_load %arg23[%swap3A] {strides = array<i32>} : memref<640xf32, #tpu.memory_space<vmem>>, vector<16xf32>,
      %swap3A_122 = vector.shape_cast %swap3A_121 : vector<16xf32> to vector<16xf32>
      %swap3A_123 = vector.shape_cast %broadcast_in_dim3A_1 : vector<16xf32> to vector<16xf32>
      tpu.vector_store %arg23[%swap3A], %swap3A_123 {strides = array<i32>} : memref<640xf32, #tpu.memory_space<vmem>>, vector<16xf32>,
      %scan3A_124 = arith.constant 0 : i32
      scf.yield %scan3A_124 : i32
    }
    %scan3A_21 = arith.constant 40 : i32
    %mul3A_22 = arith.constant 640 : i32
    %mul3A_23 = arith.muli %arg1, %mul3A_22 : i32
    "tpu.region"() ({
      %run_scoped3A = tpu.sem_alloc : memref<!tpu.dma_semaphore, #tpu.memory_space<semaphore_mem>>
      %dma_start3A_117 = tpu.memref_slice %arg24[%mul3A_23] : memref<10240xf32, #tpu.memory_space<vmem_shared>> -> memref<640xf32, #tpu.memory_space<vmem_shared>>
      %dma_start3A_118 = tpu.memref_slice %arg24[%mul3A_23] : memref<10240xf32, #tpu.memory_space<vmem_shared>> -> memref<640xf32, #tpu.memory_space<vmem_shared>>
      tpu.enqueue_dma source(%arg23 : memref<640xf32, #tpu.memory_space<vmem>>) target(%dma_start3A_118 : memref<640xf32, #tpu.memory_space<vmem_shared>>) target_semaphore(%run_scoped3A : memref<!tpu.dma_semaphore, #tpu.memory_space<semaphore_mem>>)
      %dma_wait3A_119 = tpu.memref_slice %arg24[%mul3A_23] : memref<10240xf32, #tpu.memory_space<vmem_shared>> -> memref<640xf32, #tpu.memory_space<vmem_shared>>
      %dma_wait3A_120 = tpu.memref_slice %arg24[%mul3A_23] : memref<10240xf32, #tpu.memory_space<vmem_shared>> -> memref<640xf32, #tpu.memory_space<vmem_shared>>
      tpu.wait_dma2 semaphore(%run_scoped3A : memref<!tpu.dma_semaphore, #tpu.memory_space<semaphore_mem>>) src(%arg23 : memref<640xf32, #tpu.memory_space<vmem>>) dst(%dma_wait3A_120 : memref<640xf32, #tpu.memory_space<vmem_shared>>)
      tpu.yield
    }) : () -> ()
    %broadcast_in_dim3A_24 = arith.constant 1.000000e+00 : f32
    %broadcast_in_dim3A_25 = vector.broadcast %broadcast_in_dim3A_24 : f32 to vector<16xf32>
    %scan3A_26 = arith.constant 0 : i32
    %scan3A_27 = arith.constant 0 : i32
    %scan3A_28 = arith.constant 8 : i32
    %scan3A_29 = arith.addi %scan3A_27, %scan3A_28 : i32
    %scan3A_30 = arith.constant 1 : i32
    %scan3A_31 = scf.for %scan3A_117 = %scan3A_27 to %scan3A_29 step %scan3A_30 iter_args(%scan3A_118 = %scan3A_26) -> (i32)  : i32 {
      %mul3A_119 = arith.constant 16 : i32
      %mul3A_120 = arith.muli %scan3A_117, %mul3A_119 : i32
      %min3A = arith.constant 109 : i32
      %min3A_121 = arith.minsi %mul3A_120, %min3A : i32
      %swap3A = arith.index_cast %min3A_121 : i32 to index
      %swap3A_122 = tpu.vector_load %arg22[%swap3A] {strides = array<i32>} : memref<125xf32, #tpu.memory_space<vmem>>, vector<16xf32>,
      %swap3A_123 = vector.shape_cast %swap3A_122 : vector<16xf32> to vector<16xf32>
      %swap3A_124 = vector.shape_cast %broadcast_in_dim3A_25 : vector<16xf32> to vector<16xf32>
      tpu.vector_store %arg22[%swap3A], %swap3A_124 {strides = array<i32>} : memref<125xf32, #tpu.memory_space<vmem>>, vector<16xf32>,
      %scan3A_125 = arith.constant 0 : i32
      scf.yield %scan3A_125 : i32
    }
    %scan3A_32 = arith.constant 8 : i32
    %barrier3A = arith.constant 0 : index
    tpu.barrier barrier_id(%barrier3A)
    %mul3A_33 = arith.constant 80 : i32
    %mul3A_34 = arith.muli %add3A, %mul3A_33 : i32
    "tpu.region"() ({
      %run_scoped3A = tpu.sem_alloc : memref<!tpu.dma_semaphore, #tpu.memory_space<semaphore_mem>>
      %dma_start3A_117 = arith.constant 0 : i32
      %dma_start3A_118 = tpu.memref_slice %arg3[%mul3A_34, %dma_start3A_117] : memref<2560x125xi32, #tpu.memory_space<hbm>> -> memref<80x125xi32, #tpu.memory_space<hbm>>
      %dma_start3A_119 = arith.constant 0 : i32
      %dma_start3A_120 = tpu.memref_slice %arg3[%mul3A_34, %dma_start3A_119] : memref<2560x125xi32, #tpu.memory_space<hbm>> -> memref<80x125xi32, #tpu.memory_space<hbm>>
      tpu.enqueue_dma source(%dma_start3A_120 : memref<80x125xi32, #tpu.memory_space<hbm>>) target(%arg8 : memref<80x125xi32, #tpu.memory_space<vmem>>) target_semaphore(%run_scoped3A : memref<!tpu.dma_semaphore, #tpu.memory_space<semaphore_mem>>)
      %dma_wait3A_121 = arith.constant 0 : i32
      %dma_wait3A_122 = tpu.memref_slice %arg3[%mul3A_34, %dma_wait3A_121] : memref<2560x125xi32, #tpu.memory_space<hbm>> -> memref<80x125xi32, #tpu.memory_space<hbm>>
      %dma_wait3A_123 = arith.constant 0 : i32
      %dma_wait3A_124 = tpu.memref_slice %arg3[%mul3A_34, %dma_wait3A_123] : memref<2560x125xi32, #tpu.memory_space<hbm>> -> memref<80x125xi32, #tpu.memory_space<hbm>>
      tpu.wait_dma2 semaphore(%run_scoped3A : memref<!tpu.dma_semaphore, #tpu.memory_space<semaphore_mem>>) src(%dma_wait3A_124 : memref<80x125xi32, #tpu.memory_space<hbm>>) dst(%arg8 : memref<80x125xi32, #tpu.memory_space<vmem>>)
      tpu.yield
    }) : () -> ()
    "tpu.region"() ({
      %run_scoped3A = tpu.sem_alloc : memref<!tpu.dma_semaphore, #tpu.memory_space<semaphore_mem>>
      %dma_start3A_117 = arith.constant 0 : i32
      %dma_start3A_118 = tpu.memref_slice %arg4[%mul3A_34, %dma_start3A_117] : memref<2560x125xi32, #tpu.memory_space<hbm>> -> memref<80x125xi32, #tpu.memory_space<hbm>>
      %dma_start3A_119 = arith.constant 0 : i32
      %dma_start3A_120 = tpu.memref_slice %arg4[%mul3A_34, %dma_start3A_119] : memref<2560x125xi32, #tpu.memory_space<hbm>> -> memref<80x125xi32, #tpu.memory_space<hbm>>
      tpu.enqueue_dma source(%dma_start3A_120 : memref<80x125xi32, #tpu.memory_space<hbm>>) target(%arg9 : memref<80x125xi32, #tpu.memory_space<vmem>>) target_semaphore(%run_scoped3A : memref<!tpu.dma_semaphore, #tpu.memory_space<semaphore_mem>>)
      %dma_wait3A_121 = arith.constant 0 : i32
      %dma_wait3A_122 = tpu.memref_slice %arg4[%mul3A_34, %dma_wait3A_121] : memref<2560x125xi32, #tpu.memory_space<hbm>> -> memref<80x125xi32, #tpu.memory_space<hbm>>
      %dma_wait3A_123 = arith.constant 0 : i32
      %dma_wait3A_124 = tpu.memref_slice %arg4[%mul3A_34, %dma_wait3A_123] : memref<2560x125xi32, #tpu.memory_space<hbm>> -> memref<80x125xi32, #tpu.memory_space<hbm>>
      tpu.wait_dma2 semaphore(%run_scoped3A : memref<!tpu.dma_semaphore, #tpu.memory_space<semaphore_mem>>) src(%dma_wait3A_124 : memref<80x125xi32, #tpu.memory_space<hbm>>) dst(%arg9 : memref<80x125xi32, #tpu.memory_space<vmem>>)
      tpu.yield
    }) : () -> ()
    %dma_start3A = arith.constant 0 : i32
    %dma_start3A_35 = arith.constant 0 : i32
    %dma_start3A_36 = tpu.memref_slice %arg8[%dma_start3A, %dma_start3A_35] : memref<80x125xi32, #tpu.memory_space<vmem>> -> memref<1x125xi32, #tpu.memory_space<vmem>>
    %dma_start3A_37 = tpu.memref_squeeze %dma_start3A_36 : memref<1x125xi32, #tpu.memory_space<vmem>> -> memref<125xi32, #tpu.memory_space<vmem>>
    %dma_start3A_38 = arith.constant 0 : i32
    %dma_start3A_39 = arith.constant 0 : i32
    %dma_start3A_40 = tpu.memref_slice %arg2[%dma_start3A_38, %dma_start3A_39] : memref<10000x64xf32, #tpu.memory_space<hbm>> -> memref<10000x64xf32, #tpu.memory_space<hbm>>
    tpu.enqueue_indirect_dma source(%dma_start3A_40 : memref<10000x64xf32, #tpu.memory_space<hbm>>) target(%arg10 : memref<125x64xf32, #tpu.memory_space<vmem>>) offsets(%dma_start3A_37 : memref<125xi32, #tpu.memory_space<vmem>>) semaphore(%arg17 : memref<!tpu.dma_semaphore, #tpu.memory_space<semaphore_mem>>)
    %dma_start3A_41 = arith.constant 1 : i32
    %dma_start3A_42 = arith.constant 0 : i32
    %dma_start3A_43 = tpu.memref_slice %arg8[%dma_start3A_41, %dma_start3A_42] : memref<80x125xi32, #tpu.memory_space<vmem>> -> memref<1x125xi32, #tpu.memory_space<vmem>>
    %dma_start3A_44 = tpu.memref_squeeze %dma_start3A_43 : memref<1x125xi32, #tpu.memory_space<vmem>> -> memref<125xi32, #tpu.memory_space<vmem>>
    %dma_start3A_45 = arith.constant 0 : i32
    %dma_start3A_46 = arith.constant 0 : i32
    %dma_start3A_47 = tpu.memref_slice %arg2[%dma_start3A_45, %dma_start3A_46] : memref<10000x64xf32, #tpu.memory_space<hbm>> -> memref<10000x64xf32, #tpu.memory_space<hbm>>
    tpu.enqueue_indirect_dma source(%dma_start3A_47 : memref<10000x64xf32, #tpu.memory_space<hbm>>) target(%arg11 : memref<125x64xf32, #tpu.memory_space<vmem>>) offsets(%dma_start3A_44 : memref<125xi32, #tpu.memory_space<vmem>>) semaphore(%arg18 : memref<!tpu.dma_semaphore, #tpu.memory_space<semaphore_mem>>)
    %dma_start3A_48 = arith.constant 2 : i32
    %dma_start3A_49 = arith.constant 0 : i32
    %dma_start3A_50 = tpu.memref_slice %arg8[%dma_start3A_48, %dma_start3A_49] : memref<80x125xi32, #tpu.memory_space<vmem>> -> memref<1x125xi32, #tpu.memory_space<vmem>>
    %dma_start3A_51 = tpu.memref_squeeze %dma_start3A_50 : memref<1x125xi32, #tpu.memory_space<vmem>> -> memref<125xi32, #tpu.memory_space<vmem>>
    %dma_start3A_52 = arith.constant 0 : i32
    %dma_start3A_53 = arith.constant 0 : i32
    %dma_start3A_54 = tpu.memref_slice %arg2[%dma_start3A_52, %dma_start3A_53] : memref<10000x64xf32, #tpu.memory_space<hbm>> -> memref<10000x64xf32, #tpu.memory_space<hbm>>
    tpu.enqueue_indirect_dma source(%dma_start3A_54 : memref<10000x64xf32, #tpu.memory_space<hbm>>) target(%arg12 : memref<125x64xf32, #tpu.memory_space<vmem>>) offsets(%dma_start3A_51 : memref<125xi32, #tpu.memory_space<vmem>>) semaphore(%arg19 : memref<!tpu.dma_semaphore, #tpu.memory_space<semaphore_mem>>)
    %dma_start3A_55 = arith.constant 3 : i32
    %dma_start3A_56 = arith.constant 0 : i32
    %dma_start3A_57 = tpu.memref_slice %arg8[%dma_start3A_55, %dma_start3A_56] : memref<80x125xi32, #tpu.memory_space<vmem>> -> memref<1x125xi32, #tpu.memory_space<vmem>>
    %dma_start3A_58 = tpu.memref_squeeze %dma_start3A_57 : memref<1x125xi32, #tpu.memory_space<vmem>> -> memref<125xi32, #tpu.memory_space<vmem>>
    %dma_start3A_59 = arith.constant 0 : i32
    %dma_start3A_60 = arith.constant 0 : i32
    %dma_start3A_61 = tpu.memref_slice %arg2[%dma_start3A_59, %dma_start3A_60] : memref<10000x64xf32, #tpu.memory_space<hbm>> -> memref<10000x64xf32, #tpu.memory_space<hbm>>
    tpu.enqueue_indirect_dma source(%dma_start3A_61 : memref<10000x64xf32, #tpu.memory_space<hbm>>) target(%arg13 : memref<125x64xf32, #tpu.memory_space<vmem>>) offsets(%dma_start3A_58 : memref<125xi32, #tpu.memory_space<vmem>>) semaphore(%arg20 : memref<!tpu.dma_semaphore, #tpu.memory_space<semaphore_mem>>)
    %dma_start3A_62 = arith.constant 4 : i32
    %dma_start3A_63 = arith.constant 0 : i32
    %dma_start3A_64 = tpu.memref_slice %arg8[%dma_start3A_62, %dma_start3A_63] : memref<80x125xi32, #tpu.memory_space<vmem>> -> memref<1x125xi32, #tpu.memory_space<vmem>>
    %dma_start3A_65 = tpu.memref_squeeze %dma_start3A_64 : memref<1x125xi32, #tpu.memory_space<vmem>> -> memref<125xi32, #tpu.memory_space<vmem>>
    %dma_start3A_66 = arith.constant 0 : i32
    %dma_start3A_67 = arith.constant 0 : i32
    %dma_start3A_68 = tpu.memref_slice %arg2[%dma_start3A_66, %dma_start3A_67] : memref<10000x64xf32, #tpu.memory_space<hbm>> -> memref<10000x64xf32, #tpu.memory_space<hbm>>
    tpu.enqueue_indirect_dma source(%dma_start3A_68 : memref<10000x64xf32, #tpu.memory_space<hbm>>) target(%arg14 : memref<125x64xf32, #tpu.memory_space<vmem>>) offsets(%dma_start3A_65 : memref<125xi32, #tpu.memory_space<vmem>>) semaphore(%arg21 : memref<!tpu.dma_semaphore, #tpu.memory_space<semaphore_mem>>)
    %scan3A_69 = arith.constant 0 : i32
    %scan3A_70 = arith.constant 0 : i32
    %scan3A_71 = arith.constant 16 : i32
    %scan3A_72 = arith.addi %scan3A_70, %scan3A_71 : i32
    %scan3A_73 = arith.constant 1 : i32
    %scan3A_74 = scf.for %scan3A_117 = %scan3A_70 to %scan3A_72 step %scan3A_73 iter_args(%scan3A_118 = %scan3A_69) -> (i32)  : i32 {
      %mul3A_119 = arith.constant 5 : i32
      %mul3A_120 = arith.muli %mul3A_119, %scan3A_117 : i32
      %add3A_121 = arith.constant 0 : i32
      %add3A_122 = arith.addi %mul3A_120, %add3A_121 : i32
      %dma_wait3A_123 = arith.constant 0 : i32
      %dma_wait3A_124 = arith.constant 0 : i32
      %dma_wait3A_125 = tpu.memref_slice %arg2[%dma_wait3A_123, %dma_wait3A_124] : memref<10000x64xf32, #tpu.memory_space<hbm>> -> memref<125x64xf32, #tpu.memory_space<hbm>>
      %dma_wait3A_126 = arith.constant 0 : i32
      %dma_wait3A_127 = arith.constant 0 : i32
      %dma_wait3A_128 = tpu.memref_slice %arg2[%dma_wait3A_126, %dma_wait3A_127] : memref<10000x64xf32, #tpu.memory_space<hbm>> -> memref<125x64xf32, #tpu.memory_space<hbm>>
      tpu.wait_dma2 semaphore(%arg17 : memref<!tpu.dma_semaphore, #tpu.memory_space<semaphore_mem>>) src(%dma_wait3A_128 : memref<125x64xf32, #tpu.memory_space<hbm>>) dst(%arg10 : memref<125x64xf32, #tpu.memory_space<vmem>>)
      "tpu.region"() ({
        %run_scoped3A = tpu.sem_alloc : memref<!tpu.dma_semaphore, #tpu.memory_space<semaphore_mem>>
        %dma_start3A_219 = arith.constant 0 : i32
        %dma_start3A_220 = tpu.memref_slice %arg9[%add3A_122, %dma_start3A_219] : memref<80x125xi32, #tpu.memory_space<vmem>> -> memref<1x125xi32, #tpu.memory_space<vmem>>
        %dma_start3A_221 = tpu.memref_squeeze %dma_start3A_220 : memref<1x125xi32, #tpu.memory_space<vmem>> -> memref<125xi32, #tpu.memory_space<vmem>>
        %dma_start3A_222 = arith.constant 0 : i32
        %dma_start3A_223 = arith.constant 0 : i32
        %dma_start3A_224 = tpu.memref_slice %arg16[%dma_start3A_222, %dma_start3A_223] : memref<10240x64xf32, #tpu.memory_space<vmem_shared>> -> memref<10240x64xf32, #tpu.memory_space<vmem_shared>>
        tpu.enqueue_indirect_dma source(%arg10 : memref<125x64xf32, #tpu.memory_space<vmem>>) target(%dma_start3A_224 : memref<10240x64xf32, #tpu.memory_space<vmem_shared>>) offsets(%dma_start3A_221 : memref<125xi32, #tpu.memory_space<vmem>>) semaphore(%run_scoped3A : memref<!tpu.dma_semaphore, #tpu.memory_space<semaphore_mem>>) {add = true}
        %dma_wait3A_225 = arith.constant 0 : i32
        %dma_wait3A_226 = tpu.memref_slice %arg9[%add3A_122, %dma_wait3A_225] : memref<80x125xi32, #tpu.memory_space<vmem>> -> memref<1x125xi32, #tpu.memory_space<vmem>>
        %dma_wait3A_227 = tpu.memref_squeeze %dma_wait3A_226 : memref<1x125xi32, #tpu.memory_space<vmem>> -> memref<125xi32, #tpu.memory_space<vmem>>
        %dma_wait3A_228 = arith.constant 0 : i32
        %dma_wait3A_229 = arith.constant 0 : i32
        %dma_wait3A_230 = tpu.memref_slice %arg16[%dma_wait3A_228, %dma_wait3A_229] : memref<10240x64xf32, #tpu.memory_space<vmem_shared>> -> memref<10240x64xf32, #tpu.memory_space<vmem_shared>>
        tpu.wait_indirect_dma semaphore(%run_scoped3A : memref<!tpu.dma_semaphore, #tpu.memory_space<semaphore_mem>>) src(%arg10 : memref<125x64xf32, #tpu.memory_space<vmem>>) dst(%dma_wait3A_230 : memref<10240x64xf32, #tpu.memory_space<vmem_shared>>)
        tpu.yield
      }) : () -> ()
      "tpu.region"() ({
        %run_scoped3A = tpu.sem_alloc : memref<!tpu.dma_semaphore, #tpu.memory_space<semaphore_mem>>
        %dma_start3A_219 = arith.constant 0 : i32
        %dma_start3A_220 = tpu.memref_slice %arg9[%add3A_122, %dma_start3A_219] : memref<80x125xi32, #tpu.memory_space<vmem>> -> memref<1x125xi32, #tpu.memory_space<vmem>>
        %dma_start3A_221 = tpu.memref_squeeze %dma_start3A_220 : memref<1x125xi32, #tpu.memory_space<vmem>> -> memref<125xi32, #tpu.memory_space<vmem>>
        %dma_start3A_222 = arith.constant 0 : i32
        %dma_start3A_223 = tpu.memref_slice %arg24[%dma_start3A_222] : memref<10240xf32, #tpu.memory_space<vmem_shared>> -> memref<10240xf32, #tpu.memory_space<vmem_shared>>
        tpu.enqueue_indirect_dma source(%arg22 : memref<125xf32, #tpu.memory_space<vmem>>) target(%dma_start3A_223 : memref<10240xf32, #tpu.memory_space<vmem_shared>>) offsets(%dma_start3A_221 : memref<125xi32, #tpu.memory_space<vmem>>) semaphore(%run_scoped3A : memref<!tpu.dma_semaphore, #tpu.memory_space<semaphore_mem>>) {add = true}
        %dma_wait3A_224 = arith.constant 0 : i32
        %dma_wait3A_225 = tpu.memref_slice %arg9[%add3A_122, %dma_wait3A_224] : memref<80x125xi32, #tpu.memory_space<vmem>> -> memref<1x125xi32, #tpu.memory_space<vmem>>
        %dma_wait3A_226 = tpu.memref_squeeze %dma_wait3A_225 : memref<1x125xi32, #tpu.memory_space<vmem>> -> memref<125xi32, #tpu.memory_space<vmem>>
        %dma_wait3A_227 = arith.constant 0 : i32
        %dma_wait3A_228 = tpu.memref_slice %arg24[%dma_wait3A_227] : memref<10240xf32, #tpu.memory_space<vmem_shared>> -> memref<10240xf32, #tpu.memory_space<vmem_shared>>
        tpu.wait_indirect_dma semaphore(%run_scoped3A : memref<!tpu.dma_semaphore, #tpu.memory_space<semaphore_mem>>) src(%arg22 : memref<125xf32, #tpu.memory_space<vmem>>) dst(%dma_wait3A_228 : memref<10240xf32, #tpu.memory_space<vmem_shared>>)
        tpu.yield
      }) : () -> ()
      %add3A_129 = arith.constant 5 : i32
      %add3A_130 = arith.addi %add3A_122, %add3A_129 : i32
      %min3A = arith.constant 79 : i32
      %min3A_131 = arith.minsi %add3A_130, %min3A : i32
      %dma_start3A_132 = arith.constant 0 : i32
      %dma_start3A_133 = tpu.memref_slice %arg8[%min3A_131, %dma_start3A_132] : memref<80x125xi32, #tpu.memory_space<vmem>> -> memref<1x125xi32, #tpu.memory_space<vmem>>
      %dma_start3A_134 = tpu.memref_squeeze %dma_start3A_133 : memref<1x125xi32, #tpu.memory_space<vmem>> -> memref<125xi32, #tpu.memory_space<vmem>>
      %dma_start3A_135 = arith.constant 0 : i32
      %dma_start3A_136 = arith.constant 0 : i32
      %dma_start3A_137 = tpu.memref_slice %arg2[%dma_start3A_135, %dma_start3A_136] : memref<10000x64xf32, #tpu.memory_space<hbm>> -> memref<10000x64xf32, #tpu.memory_space<hbm>>
      tpu.enqueue_indirect_dma source(%dma_start3A_137 : memref<10000x64xf32, #tpu.memory_space<hbm>>) target(%arg10 : memref<125x64xf32, #tpu.memory_space<vmem>>) offsets(%dma_start3A_134 : memref<125xi32, #tpu.memory_space<vmem>>) semaphore(%arg17 : memref<!tpu.dma_semaphore, #tpu.memory_space<semaphore_mem>>)
      %mul3A_138 = arith.constant 5 : i32
      %mul3A_139 = arith.muli %mul3A_138, %scan3A_117 : i32
      %add3A_140 = arith.constant 1 : i32
      %add3A_141 = arith.addi %mul3A_139, %add3A_140 : i32
      %dma_wait3A_142 = arith.constant 0 : i32
      %dma_wait3A_143 = arith.constant 0 : i32
      %dma_wait3A_144 = tpu.memref_slice %arg2[%dma_wait3A_142, %dma_wait3A_143] : memref<10000x64xf32, #tpu.memory_space<hbm>> -> memref<125x64xf32, #tpu.memory_space<hbm>>
      %dma_wait3A_145 = arith.constant 0 : i32
      %dma_wait3A_146 = arith.constant 0 : i32
      %dma_wait3A_147 = tpu.memref_slice %arg2[%dma_wait3A_145, %dma_wait3A_146] : memref<10000x64xf32, #tpu.memory_space<hbm>> -> memref<125x64xf32, #tpu.memory_space<hbm>>
      tpu.wait_dma2 semaphore(%arg18 : memref<!tpu.dma_semaphore, #tpu.memory_space<semaphore_mem>>) src(%dma_wait3A_147 : memref<125x64xf32, #tpu.memory_space<hbm>>) dst(%arg11 : memref<125x64xf32, #tpu.memory_space<vmem>>)
      "tpu.region"() ({
        %run_scoped3A = tpu.sem_alloc : memref<!tpu.dma_semaphore, #tpu.memory_space<semaphore_mem>>
        %dma_start3A_219 = arith.constant 0 : i32
        %dma_start3A_220 = tpu.memref_slice %arg9[%add3A_141, %dma_start3A_219] : memref<80x125xi32, #tpu.memory_space<vmem>> -> memref<1x125xi32, #tpu.memory_space<vmem>>
        %dma_start3A_221 = tpu.memref_squeeze %dma_start3A_220 : memref<1x125xi32, #tpu.memory_space<vmem>> -> memref<125xi32, #tpu.memory_space<vmem>>
        %dma_start3A_222 = arith.constant 0 : i32
        %dma_start3A_223 = arith.constant 0 : i32
        %dma_start3A_224 = tpu.memref_slice %arg16[%dma_start3A_222, %dma_start3A_223] : memref<10240x64xf32, #tpu.memory_space<vmem_shared>> -> memref<10240x64xf32, #tpu.memory_space<vmem_shared>>
        tpu.enqueue_indirect_dma source(%arg11 : memref<125x64xf32, #tpu.memory_space<vmem>>) target(%dma_start3A_224 : memref<10240x64xf32, #tpu.memory_space<vmem_shared>>) offsets(%dma_start3A_221 : memref<125xi32, #tpu.memory_space<vmem>>) semaphore(%run_scoped3A : memref<!tpu.dma_semaphore, #tpu.memory_space<semaphore_mem>>) {add = true}
        %dma_wait3A_225 = arith.constant 0 : i32
        %dma_wait3A_226 = tpu.memref_slice %arg9[%add3A_141, %dma_wait3A_225] : memref<80x125xi32, #tpu.memory_space<vmem>> -> memref<1x125xi32, #tpu.memory_space<vmem>>
        %dma_wait3A_227 = tpu.memref_squeeze %dma_wait3A_226 : memref<1x125xi32, #tpu.memory_space<vmem>> -> memref<125xi32, #tpu.memory_space<vmem>>
        %dma_wait3A_228 = arith.constant 0 : i32
        %dma_wait3A_229 = arith.constant 0 : i32
        %dma_wait3A_230 = tpu.memref_slice %arg16[%dma_wait3A_228, %dma_wait3A_229] : memref<10240x64xf32, #tpu.memory_space<vmem_shared>> -> memref<10240x64xf32, #tpu.memory_space<vmem_shared>>
        tpu.wait_indirect_dma semaphore(%run_scoped3A : memref<!tpu.dma_semaphore, #tpu.memory_space<semaphore_mem>>) src(%arg11 : memref<125x64xf32, #tpu.memory_space<vmem>>) dst(%dma_wait3A_230 : memref<10240x64xf32, #tpu.memory_space<vmem_shared>>)
        tpu.yield
      }) : () -> ()
      "tpu.region"() ({
        %run_scoped3A = tpu.sem_alloc : memref<!tpu.dma_semaphore, #tpu.memory_space<semaphore_mem>>
        %dma_start3A_219 = arith.constant 0 : i32
        %dma_start3A_220 = tpu.memref_slice %arg9[%add3A_141, %dma_start3A_219] : memref<80x125xi32, #tpu.memory_space<vmem>> -> memref<1x125xi32, #tpu.memory_space<vmem>>
        %dma_start3A_221 = tpu.memref_squeeze %dma_start3A_220 : memref<1x125xi32, #tpu.memory_space<vmem>> -> memref<125xi32, #tpu.memory_space<vmem>>
        %dma_start3A_222 = arith.constant 0 : i32
        %dma_start3A_223 = tpu.memref_slice %arg24[%dma_start3A_222] : memref<10240xf32, #tpu.memory_space<vmem_shared>> -> memref<10240xf32, #tpu.memory_space<vmem_shared>>
        tpu.enqueue_indirect_dma source(%arg22 : memref<125xf32, #tpu.memory_space<vmem>>) target(%dma_start3A_223 : memref<10240xf32, #tpu.memory_space<vmem_shared>>) offsets(%dma_start3A_221 : memref<125xi32, #tpu.memory_space<vmem>>) semaphore(%run_scoped3A : memref<!tpu.dma_semaphore, #tpu.memory_space<semaphore_mem>>) {add = true}
        %dma_wait3A_224 = arith.constant 0 : i32
        %dma_wait3A_225 = tpu.memref_slice %arg9[%add3A_141, %dma_wait3A_224] : memref<80x125xi32, #tpu.memory_space<vmem>> -> memref<1x125xi32, #tpu.memory_space<vmem>>
        %dma_wait3A_226 = tpu.memref_squeeze %dma_wait3A_225 : memref<1x125xi32, #tpu.memory_space<vmem>> -> memref<125xi32, #tpu.memory_space<vmem>>
        %dma_wait3A_227 = arith.constant 0 : i32
        %dma_wait3A_228 = tpu.memref_slice %arg24[%dma_wait3A_227] : memref<10240xf32, #tpu.memory_space<vmem_shared>> -> memref<10240xf32, #tpu.memory_space<vmem_shared>>
        tpu.wait_indirect_dma semaphore(%run_scoped3A : memref<!tpu.dma_semaphore, #tpu.memory_space<semaphore_mem>>) src(%arg22 : memref<125xf32, #tpu.memory_space<vmem>>) dst(%dma_wait3A_228 : memref<10240xf32, #tpu.memory_space<vmem_shared>>)
        tpu.yield
      }) : () -> ()
      %add3A_148 = arith.constant 5 : i32
      %add3A_149 = arith.addi %add3A_141, %add3A_148 : i32
      %min3A_150 = arith.constant 79 : i32
      %min3A_151 = arith.minsi %add3A_149, %min3A_150 : i32
      %dma_start3A_152 = arith.constant 0 : i32
      %dma_start3A_153 = tpu.memref_slice %arg8[%min3A_151, %dma_start3A_152] : memref<80x125xi32, #tpu.memory_space<vmem>> -> memref<1x125xi32, #tpu.memory_space<vmem>>
      %dma_start3A_154 = tpu.memref_squeeze %dma_start3A_153 : memref<1x125xi32, #tpu.memory_space<vmem>> -> memref<125xi32, #tpu.memory_space<vmem>>
      %dma_start3A_155 = arith.constant 0 : i32
      %dma_start3A_156 = arith.constant 0 : i32
      %dma_start3A_157 = tpu.memref_slice %arg2[%dma_start3A_155, %dma_start3A_156] : memref<10000x64xf32, #tpu.memory_space<hbm>> -> memref<10000x64xf32, #tpu.memory_space<hbm>>
      tpu.enqueue_indirect_dma source(%dma_start3A_157 : memref<10000x64xf32, #tpu.memory_space<hbm>>) target(%arg11 : memref<125x64xf32, #tpu.memory_space<vmem>>) offsets(%dma_start3A_154 : memref<125xi32, #tpu.memory_space<vmem>>) semaphore(%arg18 : memref<!tpu.dma_semaphore, #tpu.memory_space<semaphore_mem>>)
      %mul3A_158 = arith.constant 5 : i32
      %mul3A_159 = arith.muli %mul3A_158, %scan3A_117 : i32
      %add3A_160 = arith.constant 2 : i32
      %add3A_161 = arith.addi %mul3A_159, %add3A_160 : i32
      %dma_wait3A_162 = arith.constant 0 : i32
      %dma_wait3A_163 = arith.constant 0 : i32
      %dma_wait3A_164 = tpu.memref_slice %arg2[%dma_wait3A_162, %dma_wait3A_163] : memref<10000x64xf32, #tpu.memory_space<hbm>> -> memref<125x64xf32, #tpu.memory_space<hbm>>
      %dma_wait3A_165 = arith.constant 0 : i32
      %dma_wait3A_166 = arith.constant 0 : i32
      %dma_wait3A_167 = tpu.memref_slice %arg2[%dma_wait3A_165, %dma_wait3A_166] : memref<10000x64xf32, #tpu.memory_space<hbm>> -> memref<125x64xf32, #tpu.memory_space<hbm>>
      tpu.wait_dma2 semaphore(%arg19 : memref<!tpu.dma_semaphore, #tpu.memory_space<semaphore_mem>>) src(%dma_wait3A_167 : memref<125x64xf32, #tpu.memory_space<hbm>>) dst(%arg12 : memref<125x64xf32, #tpu.memory_space<vmem>>)
      "tpu.region"() ({
        %run_scoped3A = tpu.sem_alloc : memref<!tpu.dma_semaphore, #tpu.memory_space<semaphore_mem>>
        %dma_start3A_219 = arith.constant 0 : i32
        %dma_start3A_220 = tpu.memref_slice %arg9[%add3A_161, %dma_start3A_219] : memref<80x125xi32, #tpu.memory_space<vmem>> -> memref<1x125xi32, #tpu.memory_space<vmem>>
        %dma_start3A_221 = tpu.memref_squeeze %dma_start3A_220 : memref<1x125xi32, #tpu.memory_space<vmem>> -> memref<125xi32, #tpu.memory_space<vmem>>
        %dma_start3A_222 = arith.constant 0 : i32
        %dma_start3A_223 = arith.constant 0 : i32
        %dma_start3A_224 = tpu.memref_slice %arg16[%dma_start3A_222, %dma_start3A_223] : memref<10240x64xf32, #tpu.memory_space<vmem_shared>> -> memref<10240x64xf32, #tpu.memory_space<vmem_shared>>
        tpu.enqueue_indirect_dma source(%arg12 : memref<125x64xf32, #tpu.memory_space<vmem>>) target(%dma_start3A_224 : memref<10240x64xf32, #tpu.memory_space<vmem_shared>>) offsets(%dma_start3A_221 : memref<125xi32, #tpu.memory_space<vmem>>) semaphore(%run_scoped3A : memref<!tpu.dma_semaphore, #tpu.memory_space<semaphore_mem>>) {add = true}
        %dma_wait3A_225 = arith.constant 0 : i32
        %dma_wait3A_226 = tpu.memref_slice %arg9[%add3A_161, %dma_wait3A_225] : memref<80x125xi32, #tpu.memory_space<vmem>> -> memref<1x125xi32, #tpu.memory_space<vmem>>
        %dma_wait3A_227 = tpu.memref_squeeze %dma_wait3A_226 : memref<1x125xi32, #tpu.memory_space<vmem>> -> memref<125xi32, #tpu.memory_space<vmem>>
        %dma_wait3A_228 = arith.constant 0 : i32
        %dma_wait3A_229 = arith.constant 0 : i32
        %dma_wait3A_230 = tpu.memref_slice %arg16[%dma_wait3A_228, %dma_wait3A_229] : memref<10240x64xf32, #tpu.memory_space<vmem_shared>> -> memref<10240x64xf32, #tpu.memory_space<vmem_shared>>
        tpu.wait_indirect_dma semaphore(%run_scoped3A : memref<!tpu.dma_semaphore, #tpu.memory_space<semaphore_mem>>) src(%arg12 : memref<125x64xf32, #tpu.memory_space<vmem>>) dst(%dma_wait3A_230 : memref<10240x64xf32, #tpu.memory_space<vmem_shared>>)
        tpu.yield
      }) : () -> ()
      "tpu.region"() ({
        %run_scoped3A = tpu.sem_alloc : memref<!tpu.dma_semaphore, #tpu.memory_space<semaphore_mem>>
        %dma_start3A_219 = arith.constant 0 : i32
        %dma_start3A_220 = tpu.memref_slice %arg9[%add3A_161, %dma_start3A_219] : memref<80x125xi32, #tpu.memory_space<vmem>> -> memref<1x125xi32, #tpu.memory_space<vmem>>
        %dma_start3A_221 = tpu.memref_squeeze %dma_start3A_220 : memref<1x125xi32, #tpu.memory_space<vmem>> -> memref<125xi32, #tpu.memory_space<vmem>>
        %dma_start3A_222 = arith.constant 0 : i32
        %dma_start3A_223 = tpu.memref_slice %arg24[%dma_start3A_222] : memref<10240xf32, #tpu.memory_space<vmem_shared>> -> memref<10240xf32, #tpu.memory_space<vmem_shared>>
        tpu.enqueue_indirect_dma source(%arg22 : memref<125xf32, #tpu.memory_space<vmem>>) target(%dma_start3A_223 : memref<10240xf32, #tpu.memory_space<vmem_shared>>) offsets(%dma_start3A_221 : memref<125xi32, #tpu.memory_space<vmem>>) semaphore(%run_scoped3A : memref<!tpu.dma_semaphore, #tpu.memory_space<semaphore_mem>>) {add = true}
        %dma_wait3A_224 = arith.constant 0 : i32
        %dma_wait3A_225 = tpu.memref_slice %arg9[%add3A_161, %dma_wait3A_224] : memref<80x125xi32, #tpu.memory_space<vmem>> -> memref<1x125xi32, #tpu.memory_space<vmem>>
        %dma_wait3A_226 = tpu.memref_squeeze %dma_wait3A_225 : memref<1x125xi32, #tpu.memory_space<vmem>> -> memref<125xi32, #tpu.memory_space<vmem>>
        %dma_wait3A_227 = arith.constant 0 : i32
        %dma_wait3A_228 = tpu.memref_slice %arg24[%dma_wait3A_227] : memref<10240xf32, #tpu.memory_space<vmem_shared>> -> memref<10240xf32, #tpu.memory_space<vmem_shared>>
        tpu.wait_indirect_dma semaphore(%run_scoped3A : memref<!tpu.dma_semaphore, #tpu.memory_space<semaphore_mem>>) src(%arg22 : memref<125xf32, #tpu.memory_space<vmem>>) dst(%dma_wait3A_228 : memref<10240xf32, #tpu.memory_space<vmem_shared>>)
        tpu.yield
      }) : () -> ()
      %add3A_168 = arith.constant 5 : i32
      %add3A_169 = arith.addi %add3A_161, %add3A_168 : i32
      %min3A_170 = arith.constant 79 : i32
      %min3A_171 = arith.minsi %add3A_169, %min3A_170 : i32
      %dma_start3A_172 = arith.constant 0 : i32
      %dma_start3A_173 = tpu.memref_slice %arg8[%min3A_171, %dma_start3A_172] : memref<80x125xi32, #tpu.memory_space<vmem>> -> memref<1x125xi32, #tpu.memory_space<vmem>>
      %dma_start3A_174 = tpu.memref_squeeze %dma_start3A_173 : memref<1x125xi32, #tpu.memory_space<vmem>> -> memref<125xi32, #tpu.memory_space<vmem>>
      %dma_start3A_175 = arith.constant 0 : i32
      %dma_start3A_176 = arith.constant 0 : i32
      %dma_start3A_177 = tpu.memref_slice %arg2[%dma_start3A_175, %dma_start3A_176] : memref<10000x64xf32, #tpu.memory_space<hbm>> -> memref<10000x64xf32, #tpu.memory_space<hbm>>
      tpu.enqueue_indirect_dma source(%dma_start3A_177 : memref<10000x64xf32, #tpu.memory_space<hbm>>) target(%arg12 : memref<125x64xf32, #tpu.memory_space<vmem>>) offsets(%dma_start3A_174 : memref<125xi32, #tpu.memory_space<vmem>>) semaphore(%arg19 : memref<!tpu.dma_semaphore, #tpu.memory_space<semaphore_mem>>)
      %mul3A_178 = arith.constant 5 : i32
      %mul3A_179 = arith.muli %mul3A_178, %scan3A_117 : i32
      %add3A_180 = arith.constant 3 : i32
      %add3A_181 = arith.addi %mul3A_179, %add3A_180 : i32
      %dma_wait3A_182 = arith.constant 0 : i32
      %dma_wait3A_183 = arith.constant 0 : i32
      %dma_wait3A_184 = tpu.memref_slice %arg2[%dma_wait3A_182, %dma_wait3A_183] : memref<10000x64xf32, #tpu.memory_space<hbm>> -> memref<125x64xf32, #tpu.memory_space<hbm>>
      %dma_wait3A_185 = arith.constant 0 : i32
      %dma_wait3A_186 = arith.constant 0 : i32
      %dma_wait3A_187 = tpu.memref_slice %arg2[%dma_wait3A_185, %dma_wait3A_186] : memref<10000x64xf32, #tpu.memory_space<hbm>> -> memref<125x64xf32, #tpu.memory_space<hbm>>
      tpu.wait_dma2 semaphore(%arg20 : memref<!tpu.dma_semaphore, #tpu.memory_space<semaphore_mem>>) src(%dma_wait3A_187 : memref<125x64xf32, #tpu.memory_space<hbm>>) dst(%arg13 : memref<125x64xf32, #tpu.memory_space<vmem>>)
      "tpu.region"() ({
        %run_scoped3A = tpu.sem_alloc : memref<!tpu.dma_semaphore, #tpu.memory_space<semaphore_mem>>
        %dma_start3A_219 = arith.constant 0 : i32
        %dma_start3A_220 = tpu.memref_slice %arg9[%add3A_181, %dma_start3A_219] : memref<80x125xi32, #tpu.memory_space<vmem>> -> memref<1x125xi32, #tpu.memory_space<vmem>>
        %dma_start3A_221 = tpu.memref_squeeze %dma_start3A_220 : memref<1x125xi32, #tpu.memory_space<vmem>> -> memref<125xi32, #tpu.memory_space<vmem>>
        %dma_start3A_222 = arith.constant 0 : i32
        %dma_start3A_223 = arith.constant 0 : i32
        %dma_start3A_224 = tpu.memref_slice %arg16[%dma_start3A_222, %dma_start3A_223] : memref<10240x64xf32, #tpu.memory_space<vmem_shared>> -> memref<10240x64xf32, #tpu.memory_space<vmem_shared>>
        tpu.enqueue_indirect_dma source(%arg13 : memref<125x64xf32, #tpu.memory_space<vmem>>) target(%dma_start3A_224 : memref<10240x64xf32, #tpu.memory_space<vmem_shared>>) offsets(%dma_start3A_221 : memref<125xi32, #tpu.memory_space<vmem>>) semaphore(%run_scoped3A : memref<!tpu.dma_semaphore, #tpu.memory_space<semaphore_mem>>) {add = true}
        %dma_wait3A_225 = arith.constant 0 : i32
        %dma_wait3A_226 = tpu.memref_slice %arg9[%add3A_181, %dma_wait3A_225] : memref<80x125xi32, #tpu.memory_space<vmem>> -> memref<1x125xi32, #tpu.memory_space<vmem>>
        %dma_wait3A_227 = tpu.memref_squeeze %dma_wait3A_226 : memref<1x125xi32, #tpu.memory_space<vmem>> -> memref<125xi32, #tpu.memory_space<vmem>>
        %dma_wait3A_228 = arith.constant 0 : i32
        %dma_wait3A_229 = arith.constant 0 : i32
        %dma_wait3A_230 = tpu.memref_slice %arg16[%dma_wait3A_228, %dma_wait3A_229] : memref<10240x64xf32, #tpu.memory_space<vmem_shared>> -> memref<10240x64xf32, #tpu.memory_space<vmem_shared>>
        tpu.wait_indirect_dma semaphore(%run_scoped3A : memref<!tpu.dma_semaphore, #tpu.memory_space<semaphore_mem>>) src(%arg13 : memref<125x64xf32, #tpu.memory_space<vmem>>) dst(%dma_wait3A_230 : memref<10240x64xf32, #tpu.memory_space<vmem_shared>>)
        tpu.yield
      }) : () -> ()
      "tpu.region"() ({
        %run_scoped3A = tpu.sem_alloc : memref<!tpu.dma_semaphore, #tpu.memory_space<semaphore_mem>>
        %dma_start3A_219 = arith.constant 0 : i32
        %dma_start3A_220 = tpu.memref_slice %arg9[%add3A_181, %dma_start3A_219] : memref<80x125xi32, #tpu.memory_space<vmem>> -> memref<1x125xi32, #tpu.memory_space<vmem>>
        %dma_start3A_221 = tpu.memref_squeeze %dma_start3A_220 : memref<1x125xi32, #tpu.memory_space<vmem>> -> memref<125xi32, #tpu.memory_space<vmem>>
        %dma_start3A_222 = arith.constant 0 : i32
        %dma_start3A_223 = tpu.memref_slice %arg24[%dma_start3A_222] : memref<10240xf32, #tpu.memory_space<vmem_shared>> -> memref<10240xf32, #tpu.memory_space<vmem_shared>>
        tpu.enqueue_indirect_dma source(%arg22 : memref<125xf32, #tpu.memory_space<vmem>>) target(%dma_start3A_223 : memref<10240xf32, #tpu.memory_space<vmem_shared>>) offsets(%dma_start3A_221 : memref<125xi32, #tpu.memory_space<vmem>>) semaphore(%run_scoped3A : memref<!tpu.dma_semaphore, #tpu.memory_space<semaphore_mem>>) {add = true}
        %dma_wait3A_224 = arith.constant 0 : i32
        %dma_wait3A_225 = tpu.memref_slice %arg9[%add3A_181, %dma_wait3A_224] : memref<80x125xi32, #tpu.memory_space<vmem>> -> memref<1x125xi32, #tpu.memory_space<vmem>>
        %dma_wait3A_226 = tpu.memref_squeeze %dma_wait3A_225 : memref<1x125xi32, #tpu.memory_space<vmem>> -> memref<125xi32, #tpu.memory_space<vmem>>
        %dma_wait3A_227 = arith.constant 0 : i32
        %dma_wait3A_228 = tpu.memref_slice %arg24[%dma_wait3A_227] : memref<10240xf32, #tpu.memory_space<vmem_shared>> -> memref<10240xf32, #tpu.memory_space<vmem_shared>>
        tpu.wait_indirect_dma semaphore(%run_scoped3A : memref<!tpu.dma_semaphore, #tpu.memory_space<semaphore_mem>>) src(%arg22 : memref<125xf32, #tpu.memory_space<vmem>>) dst(%dma_wait3A_228 : memref<10240xf32, #tpu.memory_space<vmem_shared>>)
        tpu.yield
      }) : () -> ()
      %add3A_188 = arith.constant 5 : i32
      %add3A_189 = arith.addi %add3A_181, %add3A_188 : i32
      %min3A_190 = arith.constant 79 : i32
      %min3A_191 = arith.minsi %add3A_189, %min3A_190 : i32
      %dma_start3A_192 = arith.constant 0 : i32
      %dma_start3A_193 = tpu.memref_slice %arg8[%min3A_191, %dma_start3A_192] : memref<80x125xi32, #tpu.memory_space<vmem>> -> memref<1x125xi32, #tpu.memory_space<vmem>>
      %dma_start3A_194 = tpu.memref_squeeze %dma_start3A_193 : memref<1x125xi32, #tpu.memory_space<vmem>> -> memref<125xi32, #tpu.memory_space<vmem>>
      %dma_start3A_195 = arith.constant 0 : i32
      %dma_start3A_196 = arith.constant 0 : i32
      %dma_start3A_197 = tpu.memref_slice %arg2[%dma_start3A_195, %dma_start3A_196] : memref<10000x64xf32, #tpu.memory_space<hbm>> -> memref<10000x64xf32, #tpu.memory_space<hbm>>
      tpu.enqueue_indirect_dma source(%dma_start3A_197 : memref<10000x64xf32, #tpu.memory_space<hbm>>) target(%arg13 : memref<125x64xf32, #tpu.memory_space<vmem>>) offsets(%dma_start3A_194 : memref<125xi32, #tpu.memory_space<vmem>>) semaphore(%arg20 : memref<!tpu.dma_semaphore, #tpu.memory_space<semaphore_mem>>)
      %mul3A_198 = arith.constant 5 : i32
      %mul3A_199 = arith.muli %mul3A_198, %scan3A_117 : i32
      %add3A_200 = arith.constant 4 : i32
      %add3A_201 = arith.addi %mul3A_199, %add3A_200 : i32
      %dma_wait3A_202 = arith.constant 0 : i32
      %dma_wait3A_203 = arith.constant 0 : i32
      %dma_wait3A_204 = tpu.memref_slice %arg2[%dma_wait3A_202, %dma_wait3A_203] : memref<10000x64xf32, #tpu.memory_space<hbm>> -> memref<125x64xf32, #tpu.memory_space<hbm>>
      %dma_wait3A_205 = arith.constant 0 : i32
      %dma_wait3A_206 = arith.constant 0 : i32
      %dma_wait3A_207 = tpu.memref_slice %arg2[%dma_wait3A_205, %dma_wait3A_206] : memref<10000x64xf32, #tpu.memory_space<hbm>> -> memref<125x64xf32, #tpu.memory_space<hbm>>
      tpu.wait_dma2 semaphore(%arg21 : memref<!tpu.dma_semaphore, #tpu.memory_space<semaphore_mem>>) src(%dma_wait3A_207 : memref<125x64xf32, #tpu.memory_space<hbm>>) dst(%arg14 : memref<125x64xf32, #tpu.memory_space<vmem>>)
      "tpu.region"() ({
        %run_scoped3A = tpu.sem_alloc : memref<!tpu.dma_semaphore, #tpu.memory_space<semaphore_mem>>
        %dma_start3A_219 = arith.constant 0 : i32
        %dma_start3A_220 = tpu.memref_slice %arg9[%add3A_201, %dma_start3A_219] : memref<80x125xi32, #tpu.memory_space<vmem>> -> memref<1x125xi32, #tpu.memory_space<vmem>>
        %dma_start3A_221 = tpu.memref_squeeze %dma_start3A_220 : memref<1x125xi32, #tpu.memory_space<vmem>> -> memref<125xi32, #tpu.memory_space<vmem>>
        %dma_start3A_222 = arith.constant 0 : i32
        %dma_start3A_223 = arith.constant 0 : i32
        %dma_start3A_224 = tpu.memref_slice %arg16[%dma_start3A_222, %dma_start3A_223] : memref<10240x64xf32, #tpu.memory_space<vmem_shared>> -> memref<10240x64xf32, #tpu.memory_space<vmem_shared>>
        tpu.enqueue_indirect_dma source(%arg14 : memref<125x64xf32, #tpu.memory_space<vmem>>) target(%dma_start3A_224 : memref<10240x64xf32, #tpu.memory_space<vmem_shared>>) offsets(%dma_start3A_221 : memref<125xi32, #tpu.memory_space<vmem>>) semaphore(%run_scoped3A : memref<!tpu.dma_semaphore, #tpu.memory_space<semaphore_mem>>) {add = true}
        %dma_wait3A_225 = arith.constant 0 : i32
        %dma_wait3A_226 = tpu.memref_slice %arg9[%add3A_201, %dma_wait3A_225] : memref<80x125xi32, #tpu.memory_space<vmem>> -> memref<1x125xi32, #tpu.memory_space<vmem>>
        %dma_wait3A_227 = tpu.memref_squeeze %dma_wait3A_226 : memref<1x125xi32, #tpu.memory_space<vmem>> -> memref<125xi32, #tpu.memory_space<vmem>>
        %dma_wait3A_228 = arith.constant 0 : i32
        %dma_wait3A_229 = arith.constant 0 : i32
        %dma_wait3A_230 = tpu.memref_slice %arg16[%dma_wait3A_228, %dma_wait3A_229] : memref<10240x64xf32, #tpu.memory_space<vmem_shared>> -> memref<10240x64xf32, #tpu.memory_space<vmem_shared>>
        tpu.wait_indirect_dma semaphore(%run_scoped3A : memref<!tpu.dma_semaphore, #tpu.memory_space<semaphore_mem>>) src(%arg14 : memref<125x64xf32, #tpu.memory_space<vmem>>) dst(%dma_wait3A_230 : memref<10240x64xf32, #tpu.memory_space<vmem_shared>>)
        tpu.yield
      }) : () -> ()
      "tpu.region"() ({
        %run_scoped3A = tpu.sem_alloc : memref<!tpu.dma_semaphore, #tpu.memory_space<semaphore_mem>>
        %dma_start3A_219 = arith.constant 0 : i32
        %dma_start3A_220 = tpu.memref_slice %arg9[%add3A_201, %dma_start3A_219] : memref<80x125xi32, #tpu.memory_space<vmem>> -> memref<1x125xi32, #tpu.memory_space<vmem>>
        %dma_start3A_221 = tpu.memref_squeeze %dma_start3A_220 : memref<1x125xi32, #tpu.memory_space<vmem>> -> memref<125xi32, #tpu.memory_space<vmem>>
        %dma_start3A_222 = arith.constant 0 : i32
        %dma_start3A_223 = tpu.memref_slice %arg24[%dma_start3A_222] : memref<10240xf32, #tpu.memory_space<vmem_shared>> -> memref<10240xf32, #tpu.memory_space<vmem_shared>>
        tpu.enqueue_indirect_dma source(%arg22 : memref<125xf32, #tpu.memory_space<vmem>>) target(%dma_start3A_223 : memref<10240xf32, #tpu.memory_space<vmem_shared>>) offsets(%dma_start3A_221 : memref<125xi32, #tpu.memory_space<vmem>>) semaphore(%run_scoped3A : memref<!tpu.dma_semaphore, #tpu.memory_space<semaphore_mem>>) {add = true}
        %dma_wait3A_224 = arith.constant 0 : i32
        %dma_wait3A_225 = tpu.memref_slice %arg9[%add3A_201, %dma_wait3A_224] : memref<80x125xi32, #tpu.memory_space<vmem>> -> memref<1x125xi32, #tpu.memory_space<vmem>>
        %dma_wait3A_226 = tpu.memref_squeeze %dma_wait3A_225 : memref<1x125xi32, #tpu.memory_space<vmem>> -> memref<125xi32, #tpu.memory_space<vmem>>
        %dma_wait3A_227 = arith.constant 0 : i32
        %dma_wait3A_228 = tpu.memref_slice %arg24[%dma_wait3A_227] : memref<10240xf32, #tpu.memory_space<vmem_shared>> -> memref<10240xf32, #tpu.memory_space<vmem_shared>>
        tpu.wait_indirect_dma semaphore(%run_scoped3A : memref<!tpu.dma_semaphore, #tpu.memory_space<semaphore_mem>>) src(%arg22 : memref<125xf32, #tpu.memory_space<vmem>>) dst(%dma_wait3A_228 : memref<10240xf32, #tpu.memory_space<vmem_shared>>)
        tpu.yield
      }) : () -> ()
      %add3A_208 = arith.constant 5 : i32
      %add3A_209 = arith.addi %add3A_201, %add3A_208 : i32
      %min3A_210 = arith.constant 79 : i32
      %min3A_211 = arith.minsi %add3A_209, %min3A_210 : i32
      %dma_start3A_212 = arith.constant 0 : i32
      %dma_start3A_213 = tpu.memref_slice %arg8[%min3A_211, %dma_start3A_212] : memref<80x125xi32, #tpu.memory_space<vmem>> -> memref<1x125xi32, #tpu.memory_space<vmem>>
      %dma_start3A_214 = tpu.memref_squeeze %dma_start3A_213 : memref<1x125xi32, #tpu.memory_space<vmem>> -> memref<125xi32, #tpu.memory_space<vmem>>
      %dma_start3A_215 = arith.constant 0 : i32
      %dma_start3A_216 = arith.constant 0 : i32
      %dma_start3A_217 = tpu.memref_slice %arg2[%dma_start3A_215, %dma_start3A_216] : memref<10000x64xf32, #tpu.memory_space<hbm>> -> memref<10000x64xf32, #tpu.memory_space<hbm>>
      tpu.enqueue_indirect_dma source(%dma_start3A_217 : memref<10000x64xf32, #tpu.memory_space<hbm>>) target(%arg14 : memref<125x64xf32, #tpu.memory_space<vmem>>) offsets(%dma_start3A_214 : memref<125xi32, #tpu.memory_space<vmem>>) semaphore(%arg21 : memref<!tpu.dma_semaphore, #tpu.memory_space<semaphore_mem>>)
      %scan3A_218 = arith.constant 0 : i32
      scf.yield %scan3A_218 : i32
    }
    %scan3A_75 = arith.constant 16 : i32
    %dma_wait3A = arith.constant 0 : i32
    %dma_wait3A_76 = arith.constant 0 : i32
    %dma_wait3A_77 = tpu.memref_slice %arg2[%dma_wait3A, %dma_wait3A_76] : memref<10000x64xf32, #tpu.memory_space<hbm>> -> memref<125x64xf32, #tpu.memory_space<hbm>>
    %dma_wait3A_78 = arith.constant 0 : i32
    %dma_wait3A_79 = arith.constant 0 : i32
    %dma_wait3A_80 = tpu.memref_slice %arg2[%dma_wait3A_78, %dma_wait3A_79] : memref<10000x64xf32, #tpu.memory_space<hbm>> -> memref<125x64xf32, #tpu.memory_space<hbm>>
    tpu.wait_dma2 semaphore(%arg17 : memref<!tpu.dma_semaphore, #tpu.memory_space<semaphore_mem>>) src(%dma_wait3A_80 : memref<125x64xf32, #tpu.memory_space<hbm>>) dst(%arg10 : memref<125x64xf32, #tpu.memory_space<vmem>>)
    %dma_wait3A_81 = arith.constant 0 : i32
    %dma_wait3A_82 = arith.constant 0 : i32
    %dma_wait3A_83 = tpu.memref_slice %arg2[%dma_wait3A_81, %dma_wait3A_82] : memref<10000x64xf32, #tpu.memory_space<hbm>> -> memref<125x64xf32, #tpu.memory_space<hbm>>
    %dma_wait3A_84 = arith.constant 0 : i32
    %dma_wait3A_85 = arith.constant 0 : i32
    %dma_wait3A_86 = tpu.memref_slice %arg2[%dma_wait3A_84, %dma_wait3A_85] : memref<10000x64xf32, #tpu.memory_space<hbm>> -> memref<125x64xf32, #tpu.memory_space<hbm>>
    tpu.wait_dma2 semaphore(%arg18 : memref<!tpu.dma_semaphore, #tpu.memory_space<semaphore_mem>>) src(%dma_wait3A_86 : memref<125x64xf32, #tpu.memory_space<hbm>>) dst(%arg11 : memref<125x64xf32, #tpu.memory_space<vmem>>)
    %dma_wait3A_87 = arith.constant 0 : i32
    %dma_wait3A_88 = arith.constant 0 : i32
    %dma_wait3A_89 = tpu.memref_slice %arg2[%dma_wait3A_87, %dma_wait3A_88] : memref<10000x64xf32, #tpu.memory_space<hbm>> -> memref<125x64xf32, #tpu.memory_space<hbm>>
    %dma_wait3A_90 = arith.constant 0 : i32
    %dma_wait3A_91 = arith.constant 0 : i32
    %dma_wait3A_92 = tpu.memref_slice %arg2[%dma_wait3A_90, %dma_wait3A_91] : memref<10000x64xf32, #tpu.memory_space<hbm>> -> memref<125x64xf32, #tpu.memory_space<hbm>>
    tpu.wait_dma2 semaphore(%arg19 : memref<!tpu.dma_semaphore, #tpu.memory_space<semaphore_mem>>) src(%dma_wait3A_92 : memref<125x64xf32, #tpu.memory_space<hbm>>) dst(%arg12 : memref<125x64xf32, #tpu.memory_space<vmem>>)
    %dma_wait3A_93 = arith.constant 0 : i32
    %dma_wait3A_94 = arith.constant 0 : i32
    %dma_wait3A_95 = tpu.memref_slice %arg2[%dma_wait3A_93, %dma_wait3A_94] : memref<10000x64xf32, #tpu.memory_space<hbm>> -> memref<125x64xf32, #tpu.memory_space<hbm>>
    %dma_wait3A_96 = arith.constant 0 : i32
    %dma_wait3A_97 = arith.constant 0 : i32
    %dma_wait3A_98 = tpu.memref_slice %arg2[%dma_wait3A_96, %dma_wait3A_97] : memref<10000x64xf32, #tpu.memory_space<hbm>> -> memref<125x64xf32, #tpu.memory_space<hbm>>
    tpu.wait_dma2 semaphore(%arg20 : memref<!tpu.dma_semaphore, #tpu.memory_space<semaphore_mem>>) src(%dma_wait3A_98 : memref<125x64xf32, #tpu.memory_space<hbm>>) dst(%arg13 : memref<125x64xf32, #tpu.memory_space<vmem>>)
    %dma_wait3A_99 = arith.constant 0 : i32
    %dma_wait3A_100 = arith.constant 0 : i32
    %dma_wait3A_101 = tpu.memref_slice %arg2[%dma_wait3A_99, %dma_wait3A_100] : memref<10000x64xf32, #tpu.memory_space<hbm>> -> memref<125x64xf32, #tpu.memory_space<hbm>>
    %dma_wait3A_102 = arith.constant 0 : i32
    %dma_wait3A_103 = arith.constant 0 : i32
    %dma_wait3A_104 = tpu.memref_slice %arg2[%dma_wait3A_102, %dma_wait3A_103] : memref<10000x64xf32, #tpu.memory_space<hbm>> -> memref<125x64xf32, #tpu.memory_space<hbm>>
    tpu.wait_dma2 semaphore(%arg21 : memref<!tpu.dma_semaphore, #tpu.memory_space<semaphore_mem>>) src(%dma_wait3A_104 : memref<125x64xf32, #tpu.memory_space<hbm>>) dst(%arg14 : memref<125x64xf32, #tpu.memory_space<vmem>>)
    %barrier3A_105 = arith.constant 0 : index
    tpu.barrier barrier_id(%barrier3A_105)
    %mul3A_106 = arith.constant 640 : i32
    %mul3A_107 = arith.muli %arg1, %mul3A_106 : i32
    %mul3A_108 = arith.constant 640 : i32
    %mul3A_109 = arith.muli %arg1, %mul3A_108 : i32
    "tpu.region"() ({
      %run_scoped3A = tpu.sem_alloc : memref<!tpu.dma_semaphore, #tpu.memory_space<semaphore_mem>>
      %dma_start3A_117 = arith.constant 0 : i32
      %dma_start3A_118 = arith.constant 0 : i32
      %dma_start3A_119 = tpu.memref_slice %arg5[%arg0, %dma_start3A_117, %dma_start3A_118] : memref<2x10240x64xf32, #tpu.memory_space<hbm>> -> memref<1x10240x64xf32, #tpu.memory_space<hbm>>
      %dma_start3A_120 = tpu.memref_squeeze %dma_start3A_119 : memref<1x10240x64xf32, #tpu.memory_space<hbm>> -> memref<10240x64xf32, #tpu.memory_space<hbm>>
      %dma_start3A_121 = arith.constant 0 : i32
      %dma_start3A_122 = tpu.memref_slice %dma_start3A_120[%mul3A_109, %dma_start3A_121] : memref<10240x64xf32, #tpu.memory_space<hbm>> -> memref<640x64xf32, #tpu.memory_space<hbm>>
      %dma_start3A_123 = arith.constant 0 : i32
      %dma_start3A_124 = tpu.memref_slice %arg16[%mul3A_107, %dma_start3A_123] : memref<10240x64xf32, #tpu.memory_space<vmem_shared>> -> memref<640x64xf32, #tpu.memory_space<vmem_shared>>
      tpu.enqueue_dma source(%dma_start3A_124 : memref<640x64xf32, #tpu.memory_space<vmem_shared>>) target(%dma_start3A_122 : memref<640x64xf32, #tpu.memory_space<hbm>>) target_semaphore(%run_scoped3A : memref<!tpu.dma_semaphore, #tpu.memory_space<semaphore_mem>>)
      %dma_wait3A_125 = arith.constant 0 : i32
      %dma_wait3A_126 = arith.constant 0 : i32
      %dma_wait3A_127 = tpu.memref_slice %arg5[%arg0, %dma_wait3A_125, %dma_wait3A_126] : memref<2x10240x64xf32, #tpu.memory_space<hbm>> -> memref<1x10240x64xf32, #tpu.memory_space<hbm>>
      %dma_wait3A_128 = tpu.memref_squeeze %dma_wait3A_127 : memref<1x10240x64xf32, #tpu.memory_space<hbm>> -> memref<10240x64xf32, #tpu.memory_space<hbm>>
      %dma_wait3A_129 = arith.constant 0 : i32
      %dma_wait3A_130 = tpu.memref_slice %dma_wait3A_128[%mul3A_109, %dma_wait3A_129] : memref<10240x64xf32, #tpu.memory_space<hbm>> -> memref<640x64xf32, #tpu.memory_space<hbm>>
      %dma_wait3A_131 = arith.constant 0 : i32
      %dma_wait3A_132 = tpu.memref_slice %arg16[%mul3A_107, %dma_wait3A_131] : memref<10240x64xf32, #tpu.memory_space<vmem_shared>> -> memref<640x64xf32, #tpu.memory_space<vmem_shared>>
      tpu.wait_dma2 semaphore(%run_scoped3A : memref<!tpu.dma_semaphore, #tpu.memory_space<semaphore_mem>>) src(%dma_wait3A_132 : memref<640x64xf32, #tpu.memory_space<vmem_shared>>) dst(%dma_wait3A_130 : memref<640x64xf32, #tpu.memory_space<hbm>>)
      tpu.yield
    }) : () -> ()
    %eq3A = arith.constant 0 : i32
    %eq3A_110 = arith.cmpi eq, %arg0, %eq3A : i32
    %convert_element_type3A = arith.extui %eq3A_110 : i1 to i32
    %cond3A = arith.constant 0 : i32
    %cond3A_111 = arith.cmpi ne, %convert_element_type3A, %cond3A : i32
    scf.if %cond3A_111 {
      %mul3A_117 = arith.constant 640 : i32
      %mul3A_118 = arith.muli %arg1, %mul3A_117 : i32
      %mul3A_119 = arith.constant 640 : i32
      %mul3A_120 = arith.muli %arg1, %mul3A_119 : i32
      "tpu.region"() ({
        %run_scoped3A = tpu.sem_alloc : memref<!tpu.dma_semaphore, #tpu.memory_space<semaphore_mem>>
        %dma_start3A_121 = tpu.memref_slice %arg6[%mul3A_120] : memref<10240xf32, #tpu.memory_space<hbm>> -> memref<640xf32, #tpu.memory_space<hbm>>
        %dma_start3A_122 = tpu.memref_slice %arg24[%mul3A_118] : memref<10240xf32, #tpu.memory_space<vmem_shared>> -> memref<640xf32, #tpu.memory_space<vmem_shared>>
        tpu.enqueue_dma source(%dma_start3A_122 : memref<640xf32, #tpu.memory_space<vmem_shared>>) target(%dma_start3A_121 : memref<640xf32, #tpu.memory_space<hbm>>) target_semaphore(%run_scoped3A : memref<!tpu.dma_semaphore, #tpu.memory_space<semaphore_mem>>)
        %dma_wait3A_123 = tpu.memref_slice %arg6[%mul3A_120] : memref<10240xf32, #tpu.memory_space<hbm>> -> memref<640xf32, #tpu.memory_space<hbm>>
        %dma_wait3A_124 = tpu.memref_slice %arg24[%mul3A_118] : memref<10240xf32, #tpu.memory_space<vmem_shared>> -> memref<640xf32, #tpu.memory_space<vmem_shared>>
        tpu.wait_dma2 semaphore(%run_scoped3A : memref<!tpu.dma_semaphore, #tpu.memory_space<semaphore_mem>>) src(%dma_wait3A_124 : memref<640xf32, #tpu.memory_space<vmem_shared>>) dst(%dma_wait3A_123 : memref<640xf32, #tpu.memory_space<hbm>>)
        tpu.yield
      }) : () -> ()
    } else {
    }
    %eq3A_112 = arith.constant 1 : i32
    %eq3A_113 = arith.cmpi eq, %arg0, %eq3A_112 : i32
    %convert_element_type3A_114 = arith.extui %eq3A_113 : i1 to i32
    %cond3A_115 = arith.constant 0 : i32
    %cond3A_116 = arith.cmpi ne, %convert_element_type3A_114, %cond3A_115 : i32
    scf.if %cond3A_116 {
      %mul3A_117 = arith.constant 640 : i32
      %mul3A_118 = arith.muli %arg1, %mul3A_117 : i32
      %mul3A_119 = arith.constant 640 : i32
      %mul3A_120 = arith.muli %arg1, %mul3A_119 : i32
      "tpu.region"() ({
        %run_scoped3A = tpu.sem_alloc : memref<!tpu.dma_semaphore, #tpu.memory_space<semaphore_mem>>
        %dma_start3A_121 = tpu.memref_slice %arg7[%mul3A_120] : memref<10240xf32, #tpu.memory_space<hbm>> -> memref<640xf32, #tpu.memory_space<hbm>>
        %dma_start3A_122 = tpu.memref_slice %arg24[%mul3A_118] : memref<10240xf32, #tpu.memory_space<vmem_shared>> -> memref<640xf32, #tpu.memory_space<vmem_shared>>
        tpu.enqueue_dma source(%dma_start3A_122 : memref<640xf32, #tpu.memory_space<vmem_shared>>) target(%dma_start3A_121 : memref<640xf32, #tpu.memory_space<hbm>>) target_semaphore(%run_scoped3A : memref<!tpu.dma_semaphore, #tpu.memory_space<semaphore_mem>>)
        %dma_wait3A_123 = tpu.memref_slice %arg7[%mul3A_120] : memref<10240xf32, #tpu.memory_space<hbm>> -> memref<640xf32, #tpu.memory_space<hbm>>
        %dma_wait3A_124 = tpu.memref_slice %arg24[%mul3A_118] : memref<10240xf32, #tpu.memory_space<vmem_shared>> -> memref<640xf32, #tpu.memory_space<vmem_shared>>
        tpu.wait_dma2 semaphore(%run_scoped3A : memref<!tpu.dma_semaphore, #tpu.memory_space<semaphore_mem>>) src(%dma_wait3A_124 : memref<640xf32, #tpu.memory_space<vmem_shared>>) dst(%dma_wait3A_123 : memref<640xf32, #tpu.memory_space<hbm>>)
        tpu.yield
      }) : () -> ()
    } else {
    }
    return
  }
}

#map = affine_map<(d0, d1) -> (0, 0)>
#map1 = affine_map<(d0, d1) -> (0, 0, 0)>
module attributes {stable_mosaic.version = 14 : i64} {
  func.func @k(%arg0: i32, %arg1: i32, %arg2: memref<10000x32xf32, #tpu.memory_space<hbm>>, %arg3: memref<2560x125xi32, #tpu.memory_space<hbm>>, %arg4: memref<2560x125xi32, #tpu.memory_space<hbm>>, %arg5: memref<2x10240x32xf32, #tpu.memory_space<hbm>>, %arg6: memref<80x125xi32, #tpu.memory_space<vmem>>, %arg7: memref<80x125xi32, #tpu.memory_space<vmem>>, %arg8: memref<125x32xf32, #tpu.memory_space<vmem>>, %arg9: memref<125x32xf32, #tpu.memory_space<vmem>>, %arg10: memref<125x32xf32, #tpu.memory_space<vmem>>, %arg11: memref<125x32xf32, #tpu.memory_space<vmem>>, %arg12: memref<125x32xf32, #tpu.memory_space<vmem>>, %arg13: memref<125x32xf32, #tpu.memory_space<vmem>>, %arg14: memref<125x32xf32, #tpu.memory_space<vmem>>, %arg15: memref<125x32xf32, #tpu.memory_space<vmem>>, %arg16: memref<128x32xf32, #tpu.memory_space<vmem>>, %arg17: memref<10240x32xf32, #tpu.memory_space<vmem_shared>>, %arg18: memref<!tpu.dma_semaphore, #tpu.memory_space<semaphore_mem>>, %arg19: memref<!tpu.dma_semaphore, #tpu.memory_space<semaphore_mem>>, %arg20: memref<!tpu.dma_semaphore, #tpu.memory_space<semaphore_mem>>, %arg21: memref<!tpu.dma_semaphore, #tpu.memory_space<semaphore_mem>>, %arg22: memref<!tpu.dma_semaphore, #tpu.memory_space<semaphore_mem>>, %arg23: memref<!tpu.dma_semaphore, #tpu.memory_space<semaphore_mem>>, %arg24: memref<!tpu.dma_semaphore, #tpu.memory_space<semaphore_mem>>, %arg25: memref<!tpu.dma_semaphore, #tpu.memory_space<semaphore_mem>>) attributes {dimension_semantics = [#tpu.dimension_semantics<core_parallel>, #tpu.dimension_semantics<subcore_parallel>], iteration_bounds = array<i64: 2, 16>, scalar_prefetch = 0 : i64, scratch_operands = 20 : i64, tpu.core_type = #tpu.core_type<sc_vector_subcore>, window_params = [{transform_indices = #map}, {transform_indices = #map}, {transform_indices = #map}, {transform_indices = #map1}]} {
    %mul3A = arith.constant 2 : i32
    %mul3A_0 = arith.muli %arg1, %mul3A : i32
    %add3A = arith.addi %mul3A_0, %arg0 : i32
    %broadcast_in_dim3A = arith.constant 0.000000e+00 : f32
    %broadcast_in_dim3A_1 = vector.broadcast %broadcast_in_dim3A : f32 to vector<16xf32>
    %scan3A = arith.constant 0 : i32
    %scan3A_2 = arith.constant 0 : i32
    %scan3A_3 = arith.constant 256 : i32
    %scan3A_4 = arith.addi %scan3A_2, %scan3A_3 : i32
    %scan3A_5 = arith.constant 1 : i32
    %scan3A_6 = scf.for %scan3A_131 = %scan3A_2 to %scan3A_4 step %scan3A_5 iter_args(%scan3A_132 = %scan3A) -> (i32)  : i32 {
      %jit3A = arith.constant 2 : i32
      %div3A = arith.divsi %scan3A_131, %jit3A : i32
      %sign3A = arith.constant 0 : i32
      %sign3A_133 = arith.cmpi sgt, %scan3A_131, %sign3A : i32
      %sign3A_134 = arith.extui %sign3A_133 : i1 to i32
      %sign3A_135 = arith.constant 0 : i32
      %sign3A_136 = arith.cmpi slt, %scan3A_131, %sign3A_135 : i32
      %sign3A_137 = arith.extui %sign3A_136 : i1 to i32
      %sign3A_138 = arith.subi %sign3A_134, %sign3A_137 : i32
      %sign3A_139 = arith.constant 0 : i32
      %sign3A_140 = arith.cmpi sgt, %jit3A, %sign3A_139 : i32
      %sign3A_141 = arith.extui %sign3A_140 : i1 to i32
      %sign3A_142 = arith.constant 0 : i32
      %sign3A_143 = arith.cmpi slt, %jit3A, %sign3A_142 : i32
      %sign3A_144 = arith.extui %sign3A_143 : i1 to i32
      %sign3A_145 = arith.subi %sign3A_141, %sign3A_144 : i32
      %ne3A = arith.cmpi ne, %sign3A_138, %sign3A_145 : i32
      %rem3A = arith.remsi %scan3A_131, %jit3A : i32
      %ne3A_146 = arith.constant 0 : i32
      %ne3A_147 = arith.cmpi ne, %rem3A, %ne3A_146 : i32
      %and3A = arith.andi %ne3A, %ne3A_147 : i1
      %sub3A = arith.constant 1 : i32
      %sub3A_148 = arith.subi %div3A, %sub3A : i32
      %select_n3A = arith.select %and3A, %sub3A_148, %div3A : i32
      %jit3A_149 = arith.constant 2 : i32
      %eq3A = arith.constant 0 : i32
      %eq3A_150 = arith.cmpi eq, %jit3A_149, %eq3A : i32
      %jit3A_151 = arith.constant 1 : i32
      %select_n3A_152 = arith.select %eq3A_150, %jit3A_151, %jit3A_149 : i32
      %rem3A_153 = arith.remsi %scan3A_131, %select_n3A_152 : i32
      %ne3A_154 = arith.constant 0 : i32
      %ne3A_155 = arith.cmpi ne, %rem3A_153, %ne3A_154 : i32
      %lt3A = arith.constant 0 : i32
      %lt3A_156 = arith.cmpi slt, %rem3A_153, %lt3A : i32
      %lt3A_157 = arith.constant 0 : i32
      %lt3A_158 = arith.cmpi slt, %select_n3A_152, %lt3A_157 : i32
      %ne3A_159 = arith.xori %lt3A_156, %lt3A_158 : i1
      %and3A_160 = arith.andi %ne3A_159, %ne3A_155 : i1
      %add3A_161 = arith.addi %rem3A_153, %select_n3A_152 : i32
      %select_n3A_162 = arith.select %and3A_160, %add3A_161, %rem3A_153 : i32
      %mul3A_163 = arith.constant 16 : i32
      %mul3A_164 = arith.muli %select_n3A_162, %mul3A_163 : i32
      %swap3A = arith.index_cast %select_n3A : i32 to index
      %swap3A_165 = arith.index_cast %mul3A_164 : i32 to index
      %swap3A_166 = tpu.vector_load %arg16[%swap3A, %swap3A_165] {strides = array<i32>} : memref<128x32xf32, #tpu.memory_space<vmem>>, vector<1x16xf32>,
      %swap3A_167 = vector.shape_cast %swap3A_166 : vector<1x16xf32> to vector<16xf32>
      %swap3A_168 = vector.shape_cast %broadcast_in_dim3A_1 : vector<16xf32> to vector<1x16xf32>
      tpu.vector_store %arg16[%swap3A, %swap3A_165], %swap3A_168 {strides = array<i32>} : memref<128x32xf32, #tpu.memory_space<vmem>>, vector<1x16xf32>,
      %scan3A_169 = arith.constant 0 : i32
      scf.yield %scan3A_169 : i32
    }
    %scan3A_7 = arith.constant 256 : i32
    %scan3A_8 = arith.constant 0 : i32
    %scan3A_9 = arith.constant 0 : i32
    %scan3A_10 = arith.constant 5 : i32
    %scan3A_11 = arith.addi %scan3A_9, %scan3A_10 : i32
    %scan3A_12 = arith.constant 1 : i32
    %scan3A_13 = scf.for %scan3A_131 = %scan3A_9 to %scan3A_11 step %scan3A_12 iter_args(%scan3A_132 = %scan3A_8) -> (i32)  : i32 {
      %mul3A_133 = arith.constant 640 : i32
      %mul3A_134 = arith.muli %arg1, %mul3A_133 : i32
      %mul3A_135 = arith.constant 128 : i32
      %mul3A_136 = arith.muli %scan3A_131, %mul3A_135 : i32
      %add3A_137 = arith.addi %mul3A_134, %mul3A_136 : i32
      "tpu.region"() ({
        %run_scoped3A = tpu.sem_alloc : memref<!tpu.dma_semaphore, #tpu.memory_space<semaphore_mem>>
        %dma_start3A_139 = arith.constant 0 : i32
        %dma_start3A_140 = tpu.memref_slice %arg17[%add3A_137, %dma_start3A_139] : memref<10240x32xf32, #tpu.memory_space<vmem_shared>> -> memref<128x32xf32, #tpu.memory_space<vmem_shared>>
        %dma_start3A_141 = arith.constant 0 : i32
        %dma_start3A_142 = tpu.memref_slice %arg17[%add3A_137, %dma_start3A_141] : memref<10240x32xf32, #tpu.memory_space<vmem_shared>> -> memref<128x32xf32, #tpu.memory_space<vmem_shared>>
        tpu.enqueue_dma source(%arg16 : memref<128x32xf32, #tpu.memory_space<vmem>>) target(%dma_start3A_142 : memref<128x32xf32, #tpu.memory_space<vmem_shared>>) target_semaphore(%run_scoped3A : memref<!tpu.dma_semaphore, #tpu.memory_space<semaphore_mem>>)
        %dma_wait3A_143 = arith.constant 0 : i32
        %dma_wait3A_144 = tpu.memref_slice %arg17[%add3A_137, %dma_wait3A_143] : memref<10240x32xf32, #tpu.memory_space<vmem_shared>> -> memref<128x32xf32, #tpu.memory_space<vmem_shared>>
        %dma_wait3A_145 = arith.constant 0 : i32
        %dma_wait3A_146 = tpu.memref_slice %arg17[%add3A_137, %dma_wait3A_145] : memref<10240x32xf32, #tpu.memory_space<vmem_shared>> -> memref<128x32xf32, #tpu.memory_space<vmem_shared>>
        tpu.wait_dma2 semaphore(%run_scoped3A : memref<!tpu.dma_semaphore, #tpu.memory_space<semaphore_mem>>) src(%arg16 : memref<128x32xf32, #tpu.memory_space<vmem>>) dst(%dma_wait3A_146 : memref<128x32xf32, #tpu.memory_space<vmem_shared>>)
        tpu.yield
      }) : () -> ()
      %scan3A_138 = arith.constant 0 : i32
      scf.yield %scan3A_138 : i32
    }
    %scan3A_14 = arith.constant 5 : i32
    %barrier3A = arith.constant 0 : index
    tpu.barrier barrier_id(%barrier3A)
    %mul3A_15 = arith.constant 80 : i32
    %mul3A_16 = arith.muli %add3A, %mul3A_15 : i32
    "tpu.region"() ({
      %run_scoped3A = tpu.sem_alloc : memref<!tpu.dma_semaphore, #tpu.memory_space<semaphore_mem>>
      %dma_start3A_131 = arith.constant 0 : i32
      %dma_start3A_132 = tpu.memref_slice %arg3[%mul3A_16, %dma_start3A_131] : memref<2560x125xi32, #tpu.memory_space<hbm>> -> memref<80x125xi32, #tpu.memory_space<hbm>>
      %dma_start3A_133 = arith.constant 0 : i32
      %dma_start3A_134 = tpu.memref_slice %arg3[%mul3A_16, %dma_start3A_133] : memref<2560x125xi32, #tpu.memory_space<hbm>> -> memref<80x125xi32, #tpu.memory_space<hbm>>
      tpu.enqueue_dma source(%dma_start3A_134 : memref<80x125xi32, #tpu.memory_space<hbm>>) target(%arg6 : memref<80x125xi32, #tpu.memory_space<vmem>>) target_semaphore(%run_scoped3A : memref<!tpu.dma_semaphore, #tpu.memory_space<semaphore_mem>>)
      %dma_wait3A_135 = arith.constant 0 : i32
      %dma_wait3A_136 = tpu.memref_slice %arg3[%mul3A_16, %dma_wait3A_135] : memref<2560x125xi32, #tpu.memory_space<hbm>> -> memref<80x125xi32, #tpu.memory_space<hbm>>
      %dma_wait3A_137 = arith.constant 0 : i32
      %dma_wait3A_138 = tpu.memref_slice %arg3[%mul3A_16, %dma_wait3A_137] : memref<2560x125xi32, #tpu.memory_space<hbm>> -> memref<80x125xi32, #tpu.memory_space<hbm>>
      tpu.wait_dma2 semaphore(%run_scoped3A : memref<!tpu.dma_semaphore, #tpu.memory_space<semaphore_mem>>) src(%dma_wait3A_138 : memref<80x125xi32, #tpu.memory_space<hbm>>) dst(%arg6 : memref<80x125xi32, #tpu.memory_space<vmem>>)
      tpu.yield
    }) : () -> ()
    "tpu.region"() ({
      %run_scoped3A = tpu.sem_alloc : memref<!tpu.dma_semaphore, #tpu.memory_space<semaphore_mem>>
      %dma_start3A_131 = arith.constant 0 : i32
      %dma_start3A_132 = tpu.memref_slice %arg4[%mul3A_16, %dma_start3A_131] : memref<2560x125xi32, #tpu.memory_space<hbm>> -> memref<80x125xi32, #tpu.memory_space<hbm>>
      %dma_start3A_133 = arith.constant 0 : i32
      %dma_start3A_134 = tpu.memref_slice %arg4[%mul3A_16, %dma_start3A_133] : memref<2560x125xi32, #tpu.memory_space<hbm>> -> memref<80x125xi32, #tpu.memory_space<hbm>>
      tpu.enqueue_dma source(%dma_start3A_134 : memref<80x125xi32, #tpu.memory_space<hbm>>) target(%arg7 : memref<80x125xi32, #tpu.memory_space<vmem>>) target_semaphore(%run_scoped3A : memref<!tpu.dma_semaphore, #tpu.memory_space<semaphore_mem>>)
      %dma_wait3A_135 = arith.constant 0 : i32
      %dma_wait3A_136 = tpu.memref_slice %arg4[%mul3A_16, %dma_wait3A_135] : memref<2560x125xi32, #tpu.memory_space<hbm>> -> memref<80x125xi32, #tpu.memory_space<hbm>>
      %dma_wait3A_137 = arith.constant 0 : i32
      %dma_wait3A_138 = tpu.memref_slice %arg4[%mul3A_16, %dma_wait3A_137] : memref<2560x125xi32, #tpu.memory_space<hbm>> -> memref<80x125xi32, #tpu.memory_space<hbm>>
      tpu.wait_dma2 semaphore(%run_scoped3A : memref<!tpu.dma_semaphore, #tpu.memory_space<semaphore_mem>>) src(%dma_wait3A_138 : memref<80x125xi32, #tpu.memory_space<hbm>>) dst(%arg7 : memref<80x125xi32, #tpu.memory_space<vmem>>)
      tpu.yield
    }) : () -> ()
    %dma_start3A = arith.constant 0 : i32
    %dma_start3A_17 = arith.constant 0 : i32
    %dma_start3A_18 = tpu.memref_slice %arg6[%dma_start3A, %dma_start3A_17] : memref<80x125xi32, #tpu.memory_space<vmem>> -> memref<1x125xi32, #tpu.memory_space<vmem>>
    %dma_start3A_19 = tpu.memref_squeeze %dma_start3A_18 : memref<1x125xi32, #tpu.memory_space<vmem>> -> memref<125xi32, #tpu.memory_space<vmem>>
    %dma_start3A_20 = arith.constant 0 : i32
    %dma_start3A_21 = arith.constant 0 : i32
    %dma_start3A_22 = tpu.memref_slice %arg2[%dma_start3A_20, %dma_start3A_21] : memref<10000x32xf32, #tpu.memory_space<hbm>> -> memref<10000x32xf32, #tpu.memory_space<hbm>>
    tpu.enqueue_indirect_dma source(%dma_start3A_22 : memref<10000x32xf32, #tpu.memory_space<hbm>>) target(%arg8 : memref<125x32xf32, #tpu.memory_space<vmem>>) offsets(%dma_start3A_19 : memref<125xi32, #tpu.memory_space<vmem>>) semaphore(%arg18 : memref<!tpu.dma_semaphore, #tpu.memory_space<semaphore_mem>>)
    %dma_start3A_23 = arith.constant 1 : i32
    %dma_start3A_24 = arith.constant 0 : i32
    %dma_start3A_25 = tpu.memref_slice %arg6[%dma_start3A_23, %dma_start3A_24] : memref<80x125xi32, #tpu.memory_space<vmem>> -> memref<1x125xi32, #tpu.memory_space<vmem>>
    %dma_start3A_26 = tpu.memref_squeeze %dma_start3A_25 : memref<1x125xi32, #tpu.memory_space<vmem>> -> memref<125xi32, #tpu.memory_space<vmem>>
    %dma_start3A_27 = arith.constant 0 : i32
    %dma_start3A_28 = arith.constant 0 : i32
    %dma_start3A_29 = tpu.memref_slice %arg2[%dma_start3A_27, %dma_start3A_28] : memref<10000x32xf32, #tpu.memory_space<hbm>> -> memref<10000x32xf32, #tpu.memory_space<hbm>>
    tpu.enqueue_indirect_dma source(%dma_start3A_29 : memref<10000x32xf32, #tpu.memory_space<hbm>>) target(%arg9 : memref<125x32xf32, #tpu.memory_space<vmem>>) offsets(%dma_start3A_26 : memref<125xi32, #tpu.memory_space<vmem>>) semaphore(%arg19 : memref<!tpu.dma_semaphore, #tpu.memory_space<semaphore_mem>>)
    %dma_start3A_30 = arith.constant 2 : i32
    %dma_start3A_31 = arith.constant 0 : i32
    %dma_start3A_32 = tpu.memref_slice %arg6[%dma_start3A_30, %dma_start3A_31] : memref<80x125xi32, #tpu.memory_space<vmem>> -> memref<1x125xi32, #tpu.memory_space<vmem>>
    %dma_start3A_33 = tpu.memref_squeeze %dma_start3A_32 : memref<1x125xi32, #tpu.memory_space<vmem>> -> memref<125xi32, #tpu.memory_space<vmem>>
    %dma_start3A_34 = arith.constant 0 : i32
    %dma_start3A_35 = arith.constant 0 : i32
    %dma_start3A_36 = tpu.memref_slice %arg2[%dma_start3A_34, %dma_start3A_35] : memref<10000x32xf32, #tpu.memory_space<hbm>> -> memref<10000x32xf32, #tpu.memory_space<hbm>>
    tpu.enqueue_indirect_dma source(%dma_start3A_36 : memref<10000x32xf32, #tpu.memory_space<hbm>>) target(%arg10 : memref<125x32xf32, #tpu.memory_space<vmem>>) offsets(%dma_start3A_33 : memref<125xi32, #tpu.memory_space<vmem>>) semaphore(%arg20 : memref<!tpu.dma_semaphore, #tpu.memory_space<semaphore_mem>>)
    %dma_start3A_37 = arith.constant 3 : i32
    %dma_start3A_38 = arith.constant 0 : i32
    %dma_start3A_39 = tpu.memref_slice %arg6[%dma_start3A_37, %dma_start3A_38] : memref<80x125xi32, #tpu.memory_space<vmem>> -> memref<1x125xi32, #tpu.memory_space<vmem>>
    %dma_start3A_40 = tpu.memref_squeeze %dma_start3A_39 : memref<1x125xi32, #tpu.memory_space<vmem>> -> memref<125xi32, #tpu.memory_space<vmem>>
    %dma_start3A_41 = arith.constant 0 : i32
    %dma_start3A_42 = arith.constant 0 : i32
    %dma_start3A_43 = tpu.memref_slice %arg2[%dma_start3A_41, %dma_start3A_42] : memref<10000x32xf32, #tpu.memory_space<hbm>> -> memref<10000x32xf32, #tpu.memory_space<hbm>>
    tpu.enqueue_indirect_dma source(%dma_start3A_43 : memref<10000x32xf32, #tpu.memory_space<hbm>>) target(%arg11 : memref<125x32xf32, #tpu.memory_space<vmem>>) offsets(%dma_start3A_40 : memref<125xi32, #tpu.memory_space<vmem>>) semaphore(%arg21 : memref<!tpu.dma_semaphore, #tpu.memory_space<semaphore_mem>>)
    %dma_start3A_44 = arith.constant 4 : i32
    %dma_start3A_45 = arith.constant 0 : i32
    %dma_start3A_46 = tpu.memref_slice %arg6[%dma_start3A_44, %dma_start3A_45] : memref<80x125xi32, #tpu.memory_space<vmem>> -> memref<1x125xi32, #tpu.memory_space<vmem>>
    %dma_start3A_47 = tpu.memref_squeeze %dma_start3A_46 : memref<1x125xi32, #tpu.memory_space<vmem>> -> memref<125xi32, #tpu.memory_space<vmem>>
    %dma_start3A_48 = arith.constant 0 : i32
    %dma_start3A_49 = arith.constant 0 : i32
    %dma_start3A_50 = tpu.memref_slice %arg2[%dma_start3A_48, %dma_start3A_49] : memref<10000x32xf32, #tpu.memory_space<hbm>> -> memref<10000x32xf32, #tpu.memory_space<hbm>>
    tpu.enqueue_indirect_dma source(%dma_start3A_50 : memref<10000x32xf32, #tpu.memory_space<hbm>>) target(%arg12 : memref<125x32xf32, #tpu.memory_space<vmem>>) offsets(%dma_start3A_47 : memref<125xi32, #tpu.memory_space<vmem>>) semaphore(%arg22 : memref<!tpu.dma_semaphore, #tpu.memory_space<semaphore_mem>>)
    %dma_start3A_51 = arith.constant 5 : i32
    %dma_start3A_52 = arith.constant 0 : i32
    %dma_start3A_53 = tpu.memref_slice %arg6[%dma_start3A_51, %dma_start3A_52] : memref<80x125xi32, #tpu.memory_space<vmem>> -> memref<1x125xi32, #tpu.memory_space<vmem>>
    %dma_start3A_54 = tpu.memref_squeeze %dma_start3A_53 : memref<1x125xi32, #tpu.memory_space<vmem>> -> memref<125xi32, #tpu.memory_space<vmem>>
    %dma_start3A_55 = arith.constant 0 : i32
    %dma_start3A_56 = arith.constant 0 : i32
    %dma_start3A_57 = tpu.memref_slice %arg2[%dma_start3A_55, %dma_start3A_56] : memref<10000x32xf32, #tpu.memory_space<hbm>> -> memref<10000x32xf32, #tpu.memory_space<hbm>>
    tpu.enqueue_indirect_dma source(%dma_start3A_57 : memref<10000x32xf32, #tpu.memory_space<hbm>>) target(%arg13 : memref<125x32xf32, #tpu.memory_space<vmem>>) offsets(%dma_start3A_54 : memref<125xi32, #tpu.memory_space<vmem>>) semaphore(%arg23 : memref<!tpu.dma_semaphore, #tpu.memory_space<semaphore_mem>>)
    %dma_start3A_58 = arith.constant 6 : i32
    %dma_start3A_59 = arith.constant 0 : i32
    %dma_start3A_60 = tpu.memref_slice %arg6[%dma_start3A_58, %dma_start3A_59] : memref<80x125xi32, #tpu.memory_space<vmem>> -> memref<1x125xi32, #tpu.memory_space<vmem>>
    %dma_start3A_61 = tpu.memref_squeeze %dma_start3A_60 : memref<1x125xi32, #tpu.memory_space<vmem>> -> memref<125xi32, #tpu.memory_space<vmem>>
    %dma_start3A_62 = arith.constant 0 : i32
    %dma_start3A_63 = arith.constant 0 : i32
    %dma_start3A_64 = tpu.memref_slice %arg2[%dma_start3A_62, %dma_start3A_63] : memref<10000x32xf32, #tpu.memory_space<hbm>> -> memref<10000x32xf32, #tpu.memory_space<hbm>>
    tpu.enqueue_indirect_dma source(%dma_start3A_64 : memref<10000x32xf32, #tpu.memory_space<hbm>>) target(%arg14 : memref<125x32xf32, #tpu.memory_space<vmem>>) offsets(%dma_start3A_61 : memref<125xi32, #tpu.memory_space<vmem>>) semaphore(%arg24 : memref<!tpu.dma_semaphore, #tpu.memory_space<semaphore_mem>>)
    %dma_start3A_65 = arith.constant 7 : i32
    %dma_start3A_66 = arith.constant 0 : i32
    %dma_start3A_67 = tpu.memref_slice %arg6[%dma_start3A_65, %dma_start3A_66] : memref<80x125xi32, #tpu.memory_space<vmem>> -> memref<1x125xi32, #tpu.memory_space<vmem>>
    %dma_start3A_68 = tpu.memref_squeeze %dma_start3A_67 : memref<1x125xi32, #tpu.memory_space<vmem>> -> memref<125xi32, #tpu.memory_space<vmem>>
    %dma_start3A_69 = arith.constant 0 : i32
    %dma_start3A_70 = arith.constant 0 : i32
    %dma_start3A_71 = tpu.memref_slice %arg2[%dma_start3A_69, %dma_start3A_70] : memref<10000x32xf32, #tpu.memory_space<hbm>> -> memref<10000x32xf32, #tpu.memory_space<hbm>>
    tpu.enqueue_indirect_dma source(%dma_start3A_71 : memref<10000x32xf32, #tpu.memory_space<hbm>>) target(%arg15 : memref<125x32xf32, #tpu.memory_space<vmem>>) offsets(%dma_start3A_68 : memref<125xi32, #tpu.memory_space<vmem>>) semaphore(%arg25 : memref<!tpu.dma_semaphore, #tpu.memory_space<semaphore_mem>>)
    %scan3A_72 = arith.constant 0 : i32
    %scan3A_73 = arith.constant 0 : i32
    %scan3A_74 = arith.constant 10 : i32
    %scan3A_75 = arith.addi %scan3A_73, %scan3A_74 : i32
    %scan3A_76 = arith.constant 1 : i32
    %scan3A_77 = scf.for %scan3A_131 = %scan3A_73 to %scan3A_75 step %scan3A_76 iter_args(%scan3A_132 = %scan3A_72) -> (i32)  : i32 {
      %mul3A_133 = arith.constant 8 : i32
      %mul3A_134 = arith.muli %mul3A_133, %scan3A_131 : i32
      %add3A_135 = arith.constant 0 : i32
      %add3A_136 = arith.addi %mul3A_134, %add3A_135 : i32
      %dma_wait3A_137 = arith.constant 0 : i32
      %dma_wait3A_138 = arith.constant 0 : i32
      %dma_wait3A_139 = tpu.memref_slice %arg2[%dma_wait3A_137, %dma_wait3A_138] : memref<10000x32xf32, #tpu.memory_space<hbm>> -> memref<125x32xf32, #tpu.memory_space<hbm>>
      %dma_wait3A_140 = arith.constant 0 : i32
      %dma_wait3A_141 = arith.constant 0 : i32
      %dma_wait3A_142 = tpu.memref_slice %arg2[%dma_wait3A_140, %dma_wait3A_141] : memref<10000x32xf32, #tpu.memory_space<hbm>> -> memref<125x32xf32, #tpu.memory_space<hbm>>
      tpu.wait_dma2 semaphore(%arg18 : memref<!tpu.dma_semaphore, #tpu.memory_space<semaphore_mem>>) src(%dma_wait3A_142 : memref<125x32xf32, #tpu.memory_space<hbm>>) dst(%arg8 : memref<125x32xf32, #tpu.memory_space<vmem>>)
      "tpu.region"() ({
        %run_scoped3A = tpu.sem_alloc : memref<!tpu.dma_semaphore, #tpu.memory_space<semaphore_mem>>
        %dma_start3A_293 = arith.constant 0 : i32
        %dma_start3A_294 = tpu.memref_slice %arg7[%add3A_136, %dma_start3A_293] : memref<80x125xi32, #tpu.memory_space<vmem>> -> memref<1x125xi32, #tpu.memory_space<vmem>>
        %dma_start3A_295 = tpu.memref_squeeze %dma_start3A_294 : memref<1x125xi32, #tpu.memory_space<vmem>> -> memref<125xi32, #tpu.memory_space<vmem>>
        %dma_start3A_296 = arith.constant 0 : i32
        %dma_start3A_297 = arith.constant 0 : i32
        %dma_start3A_298 = tpu.memref_slice %arg17[%dma_start3A_296, %dma_start3A_297] : memref<10240x32xf32, #tpu.memory_space<vmem_shared>> -> memref<10240x32xf32, #tpu.memory_space<vmem_shared>>
        tpu.enqueue_indirect_dma source(%arg8 : memref<125x32xf32, #tpu.memory_space<vmem>>) target(%dma_start3A_298 : memref<10240x32xf32, #tpu.memory_space<vmem_shared>>) offsets(%dma_start3A_295 : memref<125xi32, #tpu.memory_space<vmem>>) semaphore(%run_scoped3A : memref<!tpu.dma_semaphore, #tpu.memory_space<semaphore_mem>>) {add = true}
        %dma_wait3A_299 = arith.constant 0 : i32
        %dma_wait3A_300 = tpu.memref_slice %arg7[%add3A_136, %dma_wait3A_299] : memref<80x125xi32, #tpu.memory_space<vmem>> -> memref<1x125xi32, #tpu.memory_space<vmem>>
        %dma_wait3A_301 = tpu.memref_squeeze %dma_wait3A_300 : memref<1x125xi32, #tpu.memory_space<vmem>> -> memref<125xi32, #tpu.memory_space<vmem>>
        %dma_wait3A_302 = arith.constant 0 : i32
        %dma_wait3A_303 = arith.constant 0 : i32
        %dma_wait3A_304 = tpu.memref_slice %arg17[%dma_wait3A_302, %dma_wait3A_303] : memref<10240x32xf32, #tpu.memory_space<vmem_shared>> -> memref<10240x32xf32, #tpu.memory_space<vmem_shared>>
        tpu.wait_indirect_dma semaphore(%run_scoped3A : memref<!tpu.dma_semaphore, #tpu.memory_space<semaphore_mem>>) src(%arg8 : memref<125x32xf32, #tpu.memory_space<vmem>>) dst(%dma_wait3A_304 : memref<10240x32xf32, #tpu.memory_space<vmem_shared>>)
        tpu.yield
      }) : () -> ()
      %add3A_143 = arith.constant 8 : i32
      %add3A_144 = arith.addi %add3A_136, %add3A_143 : i32
      %min3A = arith.constant 79 : i32
      %min3A_145 = arith.minsi %add3A_144, %min3A : i32
      %dma_start3A_146 = arith.constant 0 : i32
      %dma_start3A_147 = tpu.memref_slice %arg6[%min3A_145, %dma_start3A_146] : memref<80x125xi32, #tpu.memory_space<vmem>> -> memref<1x125xi32, #tpu.memory_space<vmem>>
      %dma_start3A_148 = tpu.memref_squeeze %dma_start3A_147 : memref<1x125xi32, #tpu.memory_space<vmem>> -> memref<125xi32, #tpu.memory_space<vmem>>
      %dma_start3A_149 = arith.constant 0 : i32
      %dma_start3A_150 = arith.constant 0 : i32
      %dma_start3A_151 = tpu.memref_slice %arg2[%dma_start3A_149, %dma_start3A_150] : memref<10000x32xf32, #tpu.memory_space<hbm>> -> memref<10000x32xf32, #tpu.memory_space<hbm>>
      tpu.enqueue_indirect_dma source(%dma_start3A_151 : memref<10000x32xf32, #tpu.memory_space<hbm>>) target(%arg8 : memref<125x32xf32, #tpu.memory_space<vmem>>) offsets(%dma_start3A_148 : memref<125xi32, #tpu.memory_space<vmem>>) semaphore(%arg18 : memref<!tpu.dma_semaphore, #tpu.memory_space<semaphore_mem>>)
      %mul3A_152 = arith.constant 8 : i32
      %mul3A_153 = arith.muli %mul3A_152, %scan3A_131 : i32
      %add3A_154 = arith.constant 1 : i32
      %add3A_155 = arith.addi %mul3A_153, %add3A_154 : i32
      %dma_wait3A_156 = arith.constant 0 : i32
      %dma_wait3A_157 = arith.constant 0 : i32
      %dma_wait3A_158 = tpu.memref_slice %arg2[%dma_wait3A_156, %dma_wait3A_157] : memref<10000x32xf32, #tpu.memory_space<hbm>> -> memref<125x32xf32, #tpu.memory_space<hbm>>
      %dma_wait3A_159 = arith.constant 0 : i32
      %dma_wait3A_160 = arith.constant 0 : i32
      %dma_wait3A_161 = tpu.memref_slice %arg2[%dma_wait3A_159, %dma_wait3A_160] : memref<10000x32xf32, #tpu.memory_space<hbm>> -> memref<125x32xf32, #tpu.memory_space<hbm>>
      tpu.wait_dma2 semaphore(%arg19 : memref<!tpu.dma_semaphore, #tpu.memory_space<semaphore_mem>>) src(%dma_wait3A_161 : memref<125x32xf32, #tpu.memory_space<hbm>>) dst(%arg9 : memref<125x32xf32, #tpu.memory_space<vmem>>)
      "tpu.region"() ({
        %run_scoped3A = tpu.sem_alloc : memref<!tpu.dma_semaphore, #tpu.memory_space<semaphore_mem>>
        %dma_start3A_293 = arith.constant 0 : i32
        %dma_start3A_294 = tpu.memref_slice %arg7[%add3A_155, %dma_start3A_293] : memref<80x125xi32, #tpu.memory_space<vmem>> -> memref<1x125xi32, #tpu.memory_space<vmem>>
        %dma_start3A_295 = tpu.memref_squeeze %dma_start3A_294 : memref<1x125xi32, #tpu.memory_space<vmem>> -> memref<125xi32, #tpu.memory_space<vmem>>
        %dma_start3A_296 = arith.constant 0 : i32
        %dma_start3A_297 = arith.constant 0 : i32
        %dma_start3A_298 = tpu.memref_slice %arg17[%dma_start3A_296, %dma_start3A_297] : memref<10240x32xf32, #tpu.memory_space<vmem_shared>> -> memref<10240x32xf32, #tpu.memory_space<vmem_shared>>
        tpu.enqueue_indirect_dma source(%arg9 : memref<125x32xf32, #tpu.memory_space<vmem>>) target(%dma_start3A_298 : memref<10240x32xf32, #tpu.memory_space<vmem_shared>>) offsets(%dma_start3A_295 : memref<125xi32, #tpu.memory_space<vmem>>) semaphore(%run_scoped3A : memref<!tpu.dma_semaphore, #tpu.memory_space<semaphore_mem>>) {add = true}
        %dma_wait3A_299 = arith.constant 0 : i32
        %dma_wait3A_300 = tpu.memref_slice %arg7[%add3A_155, %dma_wait3A_299] : memref<80x125xi32, #tpu.memory_space<vmem>> -> memref<1x125xi32, #tpu.memory_space<vmem>>
        %dma_wait3A_301 = tpu.memref_squeeze %dma_wait3A_300 : memref<1x125xi32, #tpu.memory_space<vmem>> -> memref<125xi32, #tpu.memory_space<vmem>>
        %dma_wait3A_302 = arith.constant 0 : i32
        %dma_wait3A_303 = arith.constant 0 : i32
        %dma_wait3A_304 = tpu.memref_slice %arg17[%dma_wait3A_302, %dma_wait3A_303] : memref<10240x32xf32, #tpu.memory_space<vmem_shared>> -> memref<10240x32xf32, #tpu.memory_space<vmem_shared>>
        tpu.wait_indirect_dma semaphore(%run_scoped3A : memref<!tpu.dma_semaphore, #tpu.memory_space<semaphore_mem>>) src(%arg9 : memref<125x32xf32, #tpu.memory_space<vmem>>) dst(%dma_wait3A_304 : memref<10240x32xf32, #tpu.memory_space<vmem_shared>>)
        tpu.yield
      }) : () -> ()
      %add3A_162 = arith.constant 8 : i32
      %add3A_163 = arith.addi %add3A_155, %add3A_162 : i32
      %min3A_164 = arith.constant 79 : i32
      %min3A_165 = arith.minsi %add3A_163, %min3A_164 : i32
      %dma_start3A_166 = arith.constant 0 : i32
      %dma_start3A_167 = tpu.memref_slice %arg6[%min3A_165, %dma_start3A_166] : memref<80x125xi32, #tpu.memory_space<vmem>> -> memref<1x125xi32, #tpu.memory_space<vmem>>
      %dma_start3A_168 = tpu.memref_squeeze %dma_start3A_167 : memref<1x125xi32, #tpu.memory_space<vmem>> -> memref<125xi32, #tpu.memory_space<vmem>>
      %dma_start3A_169 = arith.constant 0 : i32
      %dma_start3A_170 = arith.constant 0 : i32
      %dma_start3A_171 = tpu.memref_slice %arg2[%dma_start3A_169, %dma_start3A_170] : memref<10000x32xf32, #tpu.memory_space<hbm>> -> memref<10000x32xf32, #tpu.memory_space<hbm>>
      tpu.enqueue_indirect_dma source(%dma_start3A_171 : memref<10000x32xf32, #tpu.memory_space<hbm>>) target(%arg9 : memref<125x32xf32, #tpu.memory_space<vmem>>) offsets(%dma_start3A_168 : memref<125xi32, #tpu.memory_space<vmem>>) semaphore(%arg19 : memref<!tpu.dma_semaphore, #tpu.memory_space<semaphore_mem>>)
      %mul3A_172 = arith.constant 8 : i32
      %mul3A_173 = arith.muli %mul3A_172, %scan3A_131 : i32
      %add3A_174 = arith.constant 2 : i32
      %add3A_175 = arith.addi %mul3A_173, %add3A_174 : i32
      %dma_wait3A_176 = arith.constant 0 : i32
      %dma_wait3A_177 = arith.constant 0 : i32
      %dma_wait3A_178 = tpu.memref_slice %arg2[%dma_wait3A_176, %dma_wait3A_177] : memref<10000x32xf32, #tpu.memory_space<hbm>> -> memref<125x32xf32, #tpu.memory_space<hbm>>
      %dma_wait3A_179 = arith.constant 0 : i32
      %dma_wait3A_180 = arith.constant 0 : i32
      %dma_wait3A_181 = tpu.memref_slice %arg2[%dma_wait3A_179, %dma_wait3A_180] : memref<10000x32xf32, #tpu.memory_space<hbm>> -> memref<125x32xf32, #tpu.memory_space<hbm>>
      tpu.wait_dma2 semaphore(%arg20 : memref<!tpu.dma_semaphore, #tpu.memory_space<semaphore_mem>>) src(%dma_wait3A_181 : memref<125x32xf32, #tpu.memory_space<hbm>>) dst(%arg10 : memref<125x32xf32, #tpu.memory_space<vmem>>)
      "tpu.region"() ({
        %run_scoped3A = tpu.sem_alloc : memref<!tpu.dma_semaphore, #tpu.memory_space<semaphore_mem>>
        %dma_start3A_293 = arith.constant 0 : i32
        %dma_start3A_294 = tpu.memref_slice %arg7[%add3A_175, %dma_start3A_293] : memref<80x125xi32, #tpu.memory_space<vmem>> -> memref<1x125xi32, #tpu.memory_space<vmem>>
        %dma_start3A_295 = tpu.memref_squeeze %dma_start3A_294 : memref<1x125xi32, #tpu.memory_space<vmem>> -> memref<125xi32, #tpu.memory_space<vmem>>
        %dma_start3A_296 = arith.constant 0 : i32
        %dma_start3A_297 = arith.constant 0 : i32
        %dma_start3A_298 = tpu.memref_slice %arg17[%dma_start3A_296, %dma_start3A_297] : memref<10240x32xf32, #tpu.memory_space<vmem_shared>> -> memref<10240x32xf32, #tpu.memory_space<vmem_shared>>
        tpu.enqueue_indirect_dma source(%arg10 : memref<125x32xf32, #tpu.memory_space<vmem>>) target(%dma_start3A_298 : memref<10240x32xf32, #tpu.memory_space<vmem_shared>>) offsets(%dma_start3A_295 : memref<125xi32, #tpu.memory_space<vmem>>) semaphore(%run_scoped3A : memref<!tpu.dma_semaphore, #tpu.memory_space<semaphore_mem>>) {add = true}
        %dma_wait3A_299 = arith.constant 0 : i32
        %dma_wait3A_300 = tpu.memref_slice %arg7[%add3A_175, %dma_wait3A_299] : memref<80x125xi32, #tpu.memory_space<vmem>> -> memref<1x125xi32, #tpu.memory_space<vmem>>
        %dma_wait3A_301 = tpu.memref_squeeze %dma_wait3A_300 : memref<1x125xi32, #tpu.memory_space<vmem>> -> memref<125xi32, #tpu.memory_space<vmem>>
        %dma_wait3A_302 = arith.constant 0 : i32
        %dma_wait3A_303 = arith.constant 0 : i32
        %dma_wait3A_304 = tpu.memref_slice %arg17[%dma_wait3A_302, %dma_wait3A_303] : memref<10240x32xf32, #tpu.memory_space<vmem_shared>> -> memref<10240x32xf32, #tpu.memory_space<vmem_shared>>
        tpu.wait_indirect_dma semaphore(%run_scoped3A : memref<!tpu.dma_semaphore, #tpu.memory_space<semaphore_mem>>) src(%arg10 : memref<125x32xf32, #tpu.memory_space<vmem>>) dst(%dma_wait3A_304 : memref<10240x32xf32, #tpu.memory_space<vmem_shared>>)
        tpu.yield
      }) : () -> ()
      %add3A_182 = arith.constant 8 : i32
      %add3A_183 = arith.addi %add3A_175, %add3A_182 : i32
      %min3A_184 = arith.constant 79 : i32
      %min3A_185 = arith.minsi %add3A_183, %min3A_184 : i32
      %dma_start3A_186 = arith.constant 0 : i32
      %dma_start3A_187 = tpu.memref_slice %arg6[%min3A_185, %dma_start3A_186] : memref<80x125xi32, #tpu.memory_space<vmem>> -> memref<1x125xi32, #tpu.memory_space<vmem>>
      %dma_start3A_188 = tpu.memref_squeeze %dma_start3A_187 : memref<1x125xi32, #tpu.memory_space<vmem>> -> memref<125xi32, #tpu.memory_space<vmem>>
      %dma_start3A_189 = arith.constant 0 : i32
      %dma_start3A_190 = arith.constant 0 : i32
      %dma_start3A_191 = tpu.memref_slice %arg2[%dma_start3A_189, %dma_start3A_190] : memref<10000x32xf32, #tpu.memory_space<hbm>> -> memref<10000x32xf32, #tpu.memory_space<hbm>>
      tpu.enqueue_indirect_dma source(%dma_start3A_191 : memref<10000x32xf32, #tpu.memory_space<hbm>>) target(%arg10 : memref<125x32xf32, #tpu.memory_space<vmem>>) offsets(%dma_start3A_188 : memref<125xi32, #tpu.memory_space<vmem>>) semaphore(%arg20 : memref<!tpu.dma_semaphore, #tpu.memory_space<semaphore_mem>>)
      %mul3A_192 = arith.constant 8 : i32
      %mul3A_193 = arith.muli %mul3A_192, %scan3A_131 : i32
      %add3A_194 = arith.constant 3 : i32
      %add3A_195 = arith.addi %mul3A_193, %add3A_194 : i32
      %dma_wait3A_196 = arith.constant 0 : i32
      %dma_wait3A_197 = arith.constant 0 : i32
      %dma_wait3A_198 = tpu.memref_slice %arg2[%dma_wait3A_196, %dma_wait3A_197] : memref<10000x32xf32, #tpu.memory_space<hbm>> -> memref<125x32xf32, #tpu.memory_space<hbm>>
      %dma_wait3A_199 = arith.constant 0 : i32
      %dma_wait3A_200 = arith.constant 0 : i32
      %dma_wait3A_201 = tpu.memref_slice %arg2[%dma_wait3A_199, %dma_wait3A_200] : memref<10000x32xf32, #tpu.memory_space<hbm>> -> memref<125x32xf32, #tpu.memory_space<hbm>>
      tpu.wait_dma2 semaphore(%arg21 : memref<!tpu.dma_semaphore, #tpu.memory_space<semaphore_mem>>) src(%dma_wait3A_201 : memref<125x32xf32, #tpu.memory_space<hbm>>) dst(%arg11 : memref<125x32xf32, #tpu.memory_space<vmem>>)
      "tpu.region"() ({
        %run_scoped3A = tpu.sem_alloc : memref<!tpu.dma_semaphore, #tpu.memory_space<semaphore_mem>>
        %dma_start3A_293 = arith.constant 0 : i32
        %dma_start3A_294 = tpu.memref_slice %arg7[%add3A_195, %dma_start3A_293] : memref<80x125xi32, #tpu.memory_space<vmem>> -> memref<1x125xi32, #tpu.memory_space<vmem>>
        %dma_start3A_295 = tpu.memref_squeeze %dma_start3A_294 : memref<1x125xi32, #tpu.memory_space<vmem>> -> memref<125xi32, #tpu.memory_space<vmem>>
        %dma_start3A_296 = arith.constant 0 : i32
        %dma_start3A_297 = arith.constant 0 : i32
        %dma_start3A_298 = tpu.memref_slice %arg17[%dma_start3A_296, %dma_start3A_297] : memref<10240x32xf32, #tpu.memory_space<vmem_shared>> -> memref<10240x32xf32, #tpu.memory_space<vmem_shared>>
        tpu.enqueue_indirect_dma source(%arg11 : memref<125x32xf32, #tpu.memory_space<vmem>>) target(%dma_start3A_298 : memref<10240x32xf32, #tpu.memory_space<vmem_shared>>) offsets(%dma_start3A_295 : memref<125xi32, #tpu.memory_space<vmem>>) semaphore(%run_scoped3A : memref<!tpu.dma_semaphore, #tpu.memory_space<semaphore_mem>>) {add = true}
        %dma_wait3A_299 = arith.constant 0 : i32
        %dma_wait3A_300 = tpu.memref_slice %arg7[%add3A_195, %dma_wait3A_299] : memref<80x125xi32, #tpu.memory_space<vmem>> -> memref<1x125xi32, #tpu.memory_space<vmem>>
        %dma_wait3A_301 = tpu.memref_squeeze %dma_wait3A_300 : memref<1x125xi32, #tpu.memory_space<vmem>> -> memref<125xi32, #tpu.memory_space<vmem>>
        %dma_wait3A_302 = arith.constant 0 : i32
        %dma_wait3A_303 = arith.constant 0 : i32
        %dma_wait3A_304 = tpu.memref_slice %arg17[%dma_wait3A_302, %dma_wait3A_303] : memref<10240x32xf32, #tpu.memory_space<vmem_shared>> -> memref<10240x32xf32, #tpu.memory_space<vmem_shared>>
        tpu.wait_indirect_dma semaphore(%run_scoped3A : memref<!tpu.dma_semaphore, #tpu.memory_space<semaphore_mem>>) src(%arg11 : memref<125x32xf32, #tpu.memory_space<vmem>>) dst(%dma_wait3A_304 : memref<10240x32xf32, #tpu.memory_space<vmem_shared>>)
        tpu.yield
      }) : () -> ()
      %add3A_202 = arith.constant 8 : i32
      %add3A_203 = arith.addi %add3A_195, %add3A_202 : i32
      %min3A_204 = arith.constant 79 : i32
      %min3A_205 = arith.minsi %add3A_203, %min3A_204 : i32
      %dma_start3A_206 = arith.constant 0 : i32
      %dma_start3A_207 = tpu.memref_slice %arg6[%min3A_205, %dma_start3A_206] : memref<80x125xi32, #tpu.memory_space<vmem>> -> memref<1x125xi32, #tpu.memory_space<vmem>>
      %dma_start3A_208 = tpu.memref_squeeze %dma_start3A_207 : memref<1x125xi32, #tpu.memory_space<vmem>> -> memref<125xi32, #tpu.memory_space<vmem>>
      %dma_start3A_209 = arith.constant 0 : i32
      %dma_start3A_210 = arith.constant 0 : i32
      %dma_start3A_211 = tpu.memref_slice %arg2[%dma_start3A_209, %dma_start3A_210] : memref<10000x32xf32, #tpu.memory_space<hbm>> -> memref<10000x32xf32, #tpu.memory_space<hbm>>
      tpu.enqueue_indirect_dma source(%dma_start3A_211 : memref<10000x32xf32, #tpu.memory_space<hbm>>) target(%arg11 : memref<125x32xf32, #tpu.memory_space<vmem>>) offsets(%dma_start3A_208 : memref<125xi32, #tpu.memory_space<vmem>>) semaphore(%arg21 : memref<!tpu.dma_semaphore, #tpu.memory_space<semaphore_mem>>)
      %mul3A_212 = arith.constant 8 : i32
      %mul3A_213 = arith.muli %mul3A_212, %scan3A_131 : i32
      %add3A_214 = arith.constant 4 : i32
      %add3A_215 = arith.addi %mul3A_213, %add3A_214 : i32
      %dma_wait3A_216 = arith.constant 0 : i32
      %dma_wait3A_217 = arith.constant 0 : i32
      %dma_wait3A_218 = tpu.memref_slice %arg2[%dma_wait3A_216, %dma_wait3A_217] : memref<10000x32xf32, #tpu.memory_space<hbm>> -> memref<125x32xf32, #tpu.memory_space<hbm>>
      %dma_wait3A_219 = arith.constant 0 : i32
      %dma_wait3A_220 = arith.constant 0 : i32
      %dma_wait3A_221 = tpu.memref_slice %arg2[%dma_wait3A_219, %dma_wait3A_220] : memref<10000x32xf32, #tpu.memory_space<hbm>> -> memref<125x32xf32, #tpu.memory_space<hbm>>
      tpu.wait_dma2 semaphore(%arg22 : memref<!tpu.dma_semaphore, #tpu.memory_space<semaphore_mem>>) src(%dma_wait3A_221 : memref<125x32xf32, #tpu.memory_space<hbm>>) dst(%arg12 : memref<125x32xf32, #tpu.memory_space<vmem>>)
      "tpu.region"() ({
        %run_scoped3A = tpu.sem_alloc : memref<!tpu.dma_semaphore, #tpu.memory_space<semaphore_mem>>
        %dma_start3A_293 = arith.constant 0 : i32
        %dma_start3A_294 = tpu.memref_slice %arg7[%add3A_215, %dma_start3A_293] : memref<80x125xi32, #tpu.memory_space<vmem>> -> memref<1x125xi32, #tpu.memory_space<vmem>>
        %dma_start3A_295 = tpu.memref_squeeze %dma_start3A_294 : memref<1x125xi32, #tpu.memory_space<vmem>> -> memref<125xi32, #tpu.memory_space<vmem>>
        %dma_start3A_296 = arith.constant 0 : i32
        %dma_start3A_297 = arith.constant 0 : i32
        %dma_start3A_298 = tpu.memref_slice %arg17[%dma_start3A_296, %dma_start3A_297] : memref<10240x32xf32, #tpu.memory_space<vmem_shared>> -> memref<10240x32xf32, #tpu.memory_space<vmem_shared>>
        tpu.enqueue_indirect_dma source(%arg12 : memref<125x32xf32, #tpu.memory_space<vmem>>) target(%dma_start3A_298 : memref<10240x32xf32, #tpu.memory_space<vmem_shared>>) offsets(%dma_start3A_295 : memref<125xi32, #tpu.memory_space<vmem>>) semaphore(%run_scoped3A : memref<!tpu.dma_semaphore, #tpu.memory_space<semaphore_mem>>) {add = true}
        %dma_wait3A_299 = arith.constant 0 : i32
        %dma_wait3A_300 = tpu.memref_slice %arg7[%add3A_215, %dma_wait3A_299] : memref<80x125xi32, #tpu.memory_space<vmem>> -> memref<1x125xi32, #tpu.memory_space<vmem>>
        %dma_wait3A_301 = tpu.memref_squeeze %dma_wait3A_300 : memref<1x125xi32, #tpu.memory_space<vmem>> -> memref<125xi32, #tpu.memory_space<vmem>>
        %dma_wait3A_302 = arith.constant 0 : i32
        %dma_wait3A_303 = arith.constant 0 : i32
        %dma_wait3A_304 = tpu.memref_slice %arg17[%dma_wait3A_302, %dma_wait3A_303] : memref<10240x32xf32, #tpu.memory_space<vmem_shared>> -> memref<10240x32xf32, #tpu.memory_space<vmem_shared>>
        tpu.wait_indirect_dma semaphore(%run_scoped3A : memref<!tpu.dma_semaphore, #tpu.memory_space<semaphore_mem>>) src(%arg12 : memref<125x32xf32, #tpu.memory_space<vmem>>) dst(%dma_wait3A_304 : memref<10240x32xf32, #tpu.memory_space<vmem_shared>>)
        tpu.yield
      }) : () -> ()
      %add3A_222 = arith.constant 8 : i32
      %add3A_223 = arith.addi %add3A_215, %add3A_222 : i32
      %min3A_224 = arith.constant 79 : i32
      %min3A_225 = arith.minsi %add3A_223, %min3A_224 : i32
      %dma_start3A_226 = arith.constant 0 : i32
      %dma_start3A_227 = tpu.memref_slice %arg6[%min3A_225, %dma_start3A_226] : memref<80x125xi32, #tpu.memory_space<vmem>> -> memref<1x125xi32, #tpu.memory_space<vmem>>
      %dma_start3A_228 = tpu.memref_squeeze %dma_start3A_227 : memref<1x125xi32, #tpu.memory_space<vmem>> -> memref<125xi32, #tpu.memory_space<vmem>>
      %dma_start3A_229 = arith.constant 0 : i32
      %dma_start3A_230 = arith.constant 0 : i32
      %dma_start3A_231 = tpu.memref_slice %arg2[%dma_start3A_229, %dma_start3A_230] : memref<10000x32xf32, #tpu.memory_space<hbm>> -> memref<10000x32xf32, #tpu.memory_space<hbm>>
      tpu.enqueue_indirect_dma source(%dma_start3A_231 : memref<10000x32xf32, #tpu.memory_space<hbm>>) target(%arg12 : memref<125x32xf32, #tpu.memory_space<vmem>>) offsets(%dma_start3A_228 : memref<125xi32, #tpu.memory_space<vmem>>) semaphore(%arg22 : memref<!tpu.dma_semaphore, #tpu.memory_space<semaphore_mem>>)
      %mul3A_232 = arith.constant 8 : i32
      %mul3A_233 = arith.muli %mul3A_232, %scan3A_131 : i32
      %add3A_234 = arith.constant 5 : i32
      %add3A_235 = arith.addi %mul3A_233, %add3A_234 : i32
      %dma_wait3A_236 = arith.constant 0 : i32
      %dma_wait3A_237 = arith.constant 0 : i32
      %dma_wait3A_238 = tpu.memref_slice %arg2[%dma_wait3A_236, %dma_wait3A_237] : memref<10000x32xf32, #tpu.memory_space<hbm>> -> memref<125x32xf32, #tpu.memory_space<hbm>>
      %dma_wait3A_239 = arith.constant 0 : i32
      %dma_wait3A_240 = arith.constant 0 : i32
      %dma_wait3A_241 = tpu.memref_slice %arg2[%dma_wait3A_239, %dma_wait3A_240] : memref<10000x32xf32, #tpu.memory_space<hbm>> -> memref<125x32xf32, #tpu.memory_space<hbm>>
      tpu.wait_dma2 semaphore(%arg23 : memref<!tpu.dma_semaphore, #tpu.memory_space<semaphore_mem>>) src(%dma_wait3A_241 : memref<125x32xf32, #tpu.memory_space<hbm>>) dst(%arg13 : memref<125x32xf32, #tpu.memory_space<vmem>>)
      "tpu.region"() ({
        %run_scoped3A = tpu.sem_alloc : memref<!tpu.dma_semaphore, #tpu.memory_space<semaphore_mem>>
        %dma_start3A_293 = arith.constant 0 : i32
        %dma_start3A_294 = tpu.memref_slice %arg7[%add3A_235, %dma_start3A_293] : memref<80x125xi32, #tpu.memory_space<vmem>> -> memref<1x125xi32, #tpu.memory_space<vmem>>
        %dma_start3A_295 = tpu.memref_squeeze %dma_start3A_294 : memref<1x125xi32, #tpu.memory_space<vmem>> -> memref<125xi32, #tpu.memory_space<vmem>>
        %dma_start3A_296 = arith.constant 0 : i32
        %dma_start3A_297 = arith.constant 0 : i32
        %dma_start3A_298 = tpu.memref_slice %arg17[%dma_start3A_296, %dma_start3A_297] : memref<10240x32xf32, #tpu.memory_space<vmem_shared>> -> memref<10240x32xf32, #tpu.memory_space<vmem_shared>>
        tpu.enqueue_indirect_dma source(%arg13 : memref<125x32xf32, #tpu.memory_space<vmem>>) target(%dma_start3A_298 : memref<10240x32xf32, #tpu.memory_space<vmem_shared>>) offsets(%dma_start3A_295 : memref<125xi32, #tpu.memory_space<vmem>>) semaphore(%run_scoped3A : memref<!tpu.dma_semaphore, #tpu.memory_space<semaphore_mem>>) {add = true}
        %dma_wait3A_299 = arith.constant 0 : i32
        %dma_wait3A_300 = tpu.memref_slice %arg7[%add3A_235, %dma_wait3A_299] : memref<80x125xi32, #tpu.memory_space<vmem>> -> memref<1x125xi32, #tpu.memory_space<vmem>>
        %dma_wait3A_301 = tpu.memref_squeeze %dma_wait3A_300 : memref<1x125xi32, #tpu.memory_space<vmem>> -> memref<125xi32, #tpu.memory_space<vmem>>
        %dma_wait3A_302 = arith.constant 0 : i32
        %dma_wait3A_303 = arith.constant 0 : i32
        %dma_wait3A_304 = tpu.memref_slice %arg17[%dma_wait3A_302, %dma_wait3A_303] : memref<10240x32xf32, #tpu.memory_space<vmem_shared>> -> memref<10240x32xf32, #tpu.memory_space<vmem_shared>>
        tpu.wait_indirect_dma semaphore(%run_scoped3A : memref<!tpu.dma_semaphore, #tpu.memory_space<semaphore_mem>>) src(%arg13 : memref<125x32xf32, #tpu.memory_space<vmem>>) dst(%dma_wait3A_304 : memref<10240x32xf32, #tpu.memory_space<vmem_shared>>)
        tpu.yield
      }) : () -> ()
      %add3A_242 = arith.constant 8 : i32
      %add3A_243 = arith.addi %add3A_235, %add3A_242 : i32
      %min3A_244 = arith.constant 79 : i32
      %min3A_245 = arith.minsi %add3A_243, %min3A_244 : i32
      %dma_start3A_246 = arith.constant 0 : i32
      %dma_start3A_247 = tpu.memref_slice %arg6[%min3A_245, %dma_start3A_246] : memref<80x125xi32, #tpu.memory_space<vmem>> -> memref<1x125xi32, #tpu.memory_space<vmem>>
      %dma_start3A_248 = tpu.memref_squeeze %dma_start3A_247 : memref<1x125xi32, #tpu.memory_space<vmem>> -> memref<125xi32, #tpu.memory_space<vmem>>
      %dma_start3A_249 = arith.constant 0 : i32
      %dma_start3A_250 = arith.constant 0 : i32
      %dma_start3A_251 = tpu.memref_slice %arg2[%dma_start3A_249, %dma_start3A_250] : memref<10000x32xf32, #tpu.memory_space<hbm>> -> memref<10000x32xf32, #tpu.memory_space<hbm>>
      tpu.enqueue_indirect_dma source(%dma_start3A_251 : memref<10000x32xf32, #tpu.memory_space<hbm>>) target(%arg13 : memref<125x32xf32, #tpu.memory_space<vmem>>) offsets(%dma_start3A_248 : memref<125xi32, #tpu.memory_space<vmem>>) semaphore(%arg23 : memref<!tpu.dma_semaphore, #tpu.memory_space<semaphore_mem>>)
      %mul3A_252 = arith.constant 8 : i32
      %mul3A_253 = arith.muli %mul3A_252, %scan3A_131 : i32
      %add3A_254 = arith.constant 6 : i32
      %add3A_255 = arith.addi %mul3A_253, %add3A_254 : i32
      %dma_wait3A_256 = arith.constant 0 : i32
      %dma_wait3A_257 = arith.constant 0 : i32
      %dma_wait3A_258 = tpu.memref_slice %arg2[%dma_wait3A_256, %dma_wait3A_257] : memref<10000x32xf32, #tpu.memory_space<hbm>> -> memref<125x32xf32, #tpu.memory_space<hbm>>
      %dma_wait3A_259 = arith.constant 0 : i32
      %dma_wait3A_260 = arith.constant 0 : i32
      %dma_wait3A_261 = tpu.memref_slice %arg2[%dma_wait3A_259, %dma_wait3A_260] : memref<10000x32xf32, #tpu.memory_space<hbm>> -> memref<125x32xf32, #tpu.memory_space<hbm>>
      tpu.wait_dma2 semaphore(%arg24 : memref<!tpu.dma_semaphore, #tpu.memory_space<semaphore_mem>>) src(%dma_wait3A_261 : memref<125x32xf32, #tpu.memory_space<hbm>>) dst(%arg14 : memref<125x32xf32, #tpu.memory_space<vmem>>)
      "tpu.region"() ({
        %run_scoped3A = tpu.sem_alloc : memref<!tpu.dma_semaphore, #tpu.memory_space<semaphore_mem>>
        %dma_start3A_293 = arith.constant 0 : i32
        %dma_start3A_294 = tpu.memref_slice %arg7[%add3A_255, %dma_start3A_293] : memref<80x125xi32, #tpu.memory_space<vmem>> -> memref<1x125xi32, #tpu.memory_space<vmem>>
        %dma_start3A_295 = tpu.memref_squeeze %dma_start3A_294 : memref<1x125xi32, #tpu.memory_space<vmem>> -> memref<125xi32, #tpu.memory_space<vmem>>
        %dma_start3A_296 = arith.constant 0 : i32
        %dma_start3A_297 = arith.constant 0 : i32
        %dma_start3A_298 = tpu.memref_slice %arg17[%dma_start3A_296, %dma_start3A_297] : memref<10240x32xf32, #tpu.memory_space<vmem_shared>> -> memref<10240x32xf32, #tpu.memory_space<vmem_shared>>
        tpu.enqueue_indirect_dma source(%arg14 : memref<125x32xf32, #tpu.memory_space<vmem>>) target(%dma_start3A_298 : memref<10240x32xf32, #tpu.memory_space<vmem_shared>>) offsets(%dma_start3A_295 : memref<125xi32, #tpu.memory_space<vmem>>) semaphore(%run_scoped3A : memref<!tpu.dma_semaphore, #tpu.memory_space<semaphore_mem>>) {add = true}
        %dma_wait3A_299 = arith.constant 0 : i32
        %dma_wait3A_300 = tpu.memref_slice %arg7[%add3A_255, %dma_wait3A_299] : memref<80x125xi32, #tpu.memory_space<vmem>> -> memref<1x125xi32, #tpu.memory_space<vmem>>
        %dma_wait3A_301 = tpu.memref_squeeze %dma_wait3A_300 : memref<1x125xi32, #tpu.memory_space<vmem>> -> memref<125xi32, #tpu.memory_space<vmem>>
        %dma_wait3A_302 = arith.constant 0 : i32
        %dma_wait3A_303 = arith.constant 0 : i32
        %dma_wait3A_304 = tpu.memref_slice %arg17[%dma_wait3A_302, %dma_wait3A_303] : memref<10240x32xf32, #tpu.memory_space<vmem_shared>> -> memref<10240x32xf32, #tpu.memory_space<vmem_shared>>
        tpu.wait_indirect_dma semaphore(%run_scoped3A : memref<!tpu.dma_semaphore, #tpu.memory_space<semaphore_mem>>) src(%arg14 : memref<125x32xf32, #tpu.memory_space<vmem>>) dst(%dma_wait3A_304 : memref<10240x32xf32, #tpu.memory_space<vmem_shared>>)
        tpu.yield
      }) : () -> ()
      %add3A_262 = arith.constant 8 : i32
      %add3A_263 = arith.addi %add3A_255, %add3A_262 : i32
      %min3A_264 = arith.constant 79 : i32
      %min3A_265 = arith.minsi %add3A_263, %min3A_264 : i32
      %dma_start3A_266 = arith.constant 0 : i32
      %dma_start3A_267 = tpu.memref_slice %arg6[%min3A_265, %dma_start3A_266] : memref<80x125xi32, #tpu.memory_space<vmem>> -> memref<1x125xi32, #tpu.memory_space<vmem>>
      %dma_start3A_268 = tpu.memref_squeeze %dma_start3A_267 : memref<1x125xi32, #tpu.memory_space<vmem>> -> memref<125xi32, #tpu.memory_space<vmem>>
      %dma_start3A_269 = arith.constant 0 : i32
      %dma_start3A_270 = arith.constant 0 : i32
      %dma_start3A_271 = tpu.memref_slice %arg2[%dma_start3A_269, %dma_start3A_270] : memref<10000x32xf32, #tpu.memory_space<hbm>> -> memref<10000x32xf32, #tpu.memory_space<hbm>>
      tpu.enqueue_indirect_dma source(%dma_start3A_271 : memref<10000x32xf32, #tpu.memory_space<hbm>>) target(%arg14 : memref<125x32xf32, #tpu.memory_space<vmem>>) offsets(%dma_start3A_268 : memref<125xi32, #tpu.memory_space<vmem>>) semaphore(%arg24 : memref<!tpu.dma_semaphore, #tpu.memory_space<semaphore_mem>>)
      %mul3A_272 = arith.constant 8 : i32
      %mul3A_273 = arith.muli %mul3A_272, %scan3A_131 : i32
      %add3A_274 = arith.constant 7 : i32
      %add3A_275 = arith.addi %mul3A_273, %add3A_274 : i32
      %dma_wait3A_276 = arith.constant 0 : i32
      %dma_wait3A_277 = arith.constant 0 : i32
      %dma_wait3A_278 = tpu.memref_slice %arg2[%dma_wait3A_276, %dma_wait3A_277] : memref<10000x32xf32, #tpu.memory_space<hbm>> -> memref<125x32xf32, #tpu.memory_space<hbm>>
      %dma_wait3A_279 = arith.constant 0 : i32
      %dma_wait3A_280 = arith.constant 0 : i32
      %dma_wait3A_281 = tpu.memref_slice %arg2[%dma_wait3A_279, %dma_wait3A_280] : memref<10000x32xf32, #tpu.memory_space<hbm>> -> memref<125x32xf32, #tpu.memory_space<hbm>>
      tpu.wait_dma2 semaphore(%arg25 : memref<!tpu.dma_semaphore, #tpu.memory_space<semaphore_mem>>) src(%dma_wait3A_281 : memref<125x32xf32, #tpu.memory_space<hbm>>) dst(%arg15 : memref<125x32xf32, #tpu.memory_space<vmem>>)
      "tpu.region"() ({
        %run_scoped3A = tpu.sem_alloc : memref<!tpu.dma_semaphore, #tpu.memory_space<semaphore_mem>>
        %dma_start3A_293 = arith.constant 0 : i32
        %dma_start3A_294 = tpu.memref_slice %arg7[%add3A_275, %dma_start3A_293] : memref<80x125xi32, #tpu.memory_space<vmem>> -> memref<1x125xi32, #tpu.memory_space<vmem>>
        %dma_start3A_295 = tpu.memref_squeeze %dma_start3A_294 : memref<1x125xi32, #tpu.memory_space<vmem>> -> memref<125xi32, #tpu.memory_space<vmem>>
        %dma_start3A_296 = arith.constant 0 : i32
        %dma_start3A_297 = arith.constant 0 : i32
        %dma_start3A_298 = tpu.memref_slice %arg17[%dma_start3A_296, %dma_start3A_297] : memref<10240x32xf32, #tpu.memory_space<vmem_shared>> -> memref<10240x32xf32, #tpu.memory_space<vmem_shared>>
        tpu.enqueue_indirect_dma source(%arg15 : memref<125x32xf32, #tpu.memory_space<vmem>>) target(%dma_start3A_298 : memref<10240x32xf32, #tpu.memory_space<vmem_shared>>) offsets(%dma_start3A_295 : memref<125xi32, #tpu.memory_space<vmem>>) semaphore(%run_scoped3A : memref<!tpu.dma_semaphore, #tpu.memory_space<semaphore_mem>>) {add = true}
        %dma_wait3A_299 = arith.constant 0 : i32
        %dma_wait3A_300 = tpu.memref_slice %arg7[%add3A_275, %dma_wait3A_299] : memref<80x125xi32, #tpu.memory_space<vmem>> -> memref<1x125xi32, #tpu.memory_space<vmem>>
        %dma_wait3A_301 = tpu.memref_squeeze %dma_wait3A_300 : memref<1x125xi32, #tpu.memory_space<vmem>> -> memref<125xi32, #tpu.memory_space<vmem>>
        %dma_wait3A_302 = arith.constant 0 : i32
        %dma_wait3A_303 = arith.constant 0 : i32
        %dma_wait3A_304 = tpu.memref_slice %arg17[%dma_wait3A_302, %dma_wait3A_303] : memref<10240x32xf32, #tpu.memory_space<vmem_shared>> -> memref<10240x32xf32, #tpu.memory_space<vmem_shared>>
        tpu.wait_indirect_dma semaphore(%run_scoped3A : memref<!tpu.dma_semaphore, #tpu.memory_space<semaphore_mem>>) src(%arg15 : memref<125x32xf32, #tpu.memory_space<vmem>>) dst(%dma_wait3A_304 : memref<10240x32xf32, #tpu.memory_space<vmem_shared>>)
        tpu.yield
      }) : () -> ()
      %add3A_282 = arith.constant 8 : i32
      %add3A_283 = arith.addi %add3A_275, %add3A_282 : i32
      %min3A_284 = arith.constant 79 : i32
      %min3A_285 = arith.minsi %add3A_283, %min3A_284 : i32
      %dma_start3A_286 = arith.constant 0 : i32
      %dma_start3A_287 = tpu.memref_slice %arg6[%min3A_285, %dma_start3A_286] : memref<80x125xi32, #tpu.memory_space<vmem>> -> memref<1x125xi32, #tpu.memory_space<vmem>>
      %dma_start3A_288 = tpu.memref_squeeze %dma_start3A_287 : memref<1x125xi32, #tpu.memory_space<vmem>> -> memref<125xi32, #tpu.memory_space<vmem>>
      %dma_start3A_289 = arith.constant 0 : i32
      %dma_start3A_290 = arith.constant 0 : i32
      %dma_start3A_291 = tpu.memref_slice %arg2[%dma_start3A_289, %dma_start3A_290] : memref<10000x32xf32, #tpu.memory_space<hbm>> -> memref<10000x32xf32, #tpu.memory_space<hbm>>
      tpu.enqueue_indirect_dma source(%dma_start3A_291 : memref<10000x32xf32, #tpu.memory_space<hbm>>) target(%arg15 : memref<125x32xf32, #tpu.memory_space<vmem>>) offsets(%dma_start3A_288 : memref<125xi32, #tpu.memory_space<vmem>>) semaphore(%arg25 : memref<!tpu.dma_semaphore, #tpu.memory_space<semaphore_mem>>)
      %scan3A_292 = arith.constant 0 : i32
      scf.yield %scan3A_292 : i32
    }
    %scan3A_78 = arith.constant 10 : i32
    %dma_wait3A = arith.constant 0 : i32
    %dma_wait3A_79 = arith.constant 0 : i32
    %dma_wait3A_80 = tpu.memref_slice %arg2[%dma_wait3A, %dma_wait3A_79] : memref<10000x32xf32, #tpu.memory_space<hbm>> -> memref<125x32xf32, #tpu.memory_space<hbm>>
    %dma_wait3A_81 = arith.constant 0 : i32
    %dma_wait3A_82 = arith.constant 0 : i32
    %dma_wait3A_83 = tpu.memref_slice %arg2[%dma_wait3A_81, %dma_wait3A_82] : memref<10000x32xf32, #tpu.memory_space<hbm>> -> memref<125x32xf32, #tpu.memory_space<hbm>>
    tpu.wait_dma2 semaphore(%arg18 : memref<!tpu.dma_semaphore, #tpu.memory_space<semaphore_mem>>) src(%dma_wait3A_83 : memref<125x32xf32, #tpu.memory_space<hbm>>) dst(%arg8 : memref<125x32xf32, #tpu.memory_space<vmem>>)
    %dma_wait3A_84 = arith.constant 0 : i32
    %dma_wait3A_85 = arith.constant 0 : i32
    %dma_wait3A_86 = tpu.memref_slice %arg2[%dma_wait3A_84, %dma_wait3A_85] : memref<10000x32xf32, #tpu.memory_space<hbm>> -> memref<125x32xf32, #tpu.memory_space<hbm>>
    %dma_wait3A_87 = arith.constant 0 : i32
    %dma_wait3A_88 = arith.constant 0 : i32
    %dma_wait3A_89 = tpu.memref_slice %arg2[%dma_wait3A_87, %dma_wait3A_88] : memref<10000x32xf32, #tpu.memory_space<hbm>> -> memref<125x32xf32, #tpu.memory_space<hbm>>
    tpu.wait_dma2 semaphore(%arg19 : memref<!tpu.dma_semaphore, #tpu.memory_space<semaphore_mem>>) src(%dma_wait3A_89 : memref<125x32xf32, #tpu.memory_space<hbm>>) dst(%arg9 : memref<125x32xf32, #tpu.memory_space<vmem>>)
    %dma_wait3A_90 = arith.constant 0 : i32
    %dma_wait3A_91 = arith.constant 0 : i32
    %dma_wait3A_92 = tpu.memref_slice %arg2[%dma_wait3A_90, %dma_wait3A_91] : memref<10000x32xf32, #tpu.memory_space<hbm>> -> memref<125x32xf32, #tpu.memory_space<hbm>>
    %dma_wait3A_93 = arith.constant 0 : i32
    %dma_wait3A_94 = arith.constant 0 : i32
    %dma_wait3A_95 = tpu.memref_slice %arg2[%dma_wait3A_93, %dma_wait3A_94] : memref<10000x32xf32, #tpu.memory_space<hbm>> -> memref<125x32xf32, #tpu.memory_space<hbm>>
    tpu.wait_dma2 semaphore(%arg20 : memref<!tpu.dma_semaphore, #tpu.memory_space<semaphore_mem>>) src(%dma_wait3A_95 : memref<125x32xf32, #tpu.memory_space<hbm>>) dst(%arg10 : memref<125x32xf32, #tpu.memory_space<vmem>>)
    %dma_wait3A_96 = arith.constant 0 : i32
    %dma_wait3A_97 = arith.constant 0 : i32
    %dma_wait3A_98 = tpu.memref_slice %arg2[%dma_wait3A_96, %dma_wait3A_97] : memref<10000x32xf32, #tpu.memory_space<hbm>> -> memref<125x32xf32, #tpu.memory_space<hbm>>
    %dma_wait3A_99 = arith.constant 0 : i32
    %dma_wait3A_100 = arith.constant 0 : i32
    %dma_wait3A_101 = tpu.memref_slice %arg2[%dma_wait3A_99, %dma_wait3A_100] : memref<10000x32xf32, #tpu.memory_space<hbm>> -> memref<125x32xf32, #tpu.memory_space<hbm>>
    tpu.wait_dma2 semaphore(%arg21 : memref<!tpu.dma_semaphore, #tpu.memory_space<semaphore_mem>>) src(%dma_wait3A_101 : memref<125x32xf32, #tpu.memory_space<hbm>>) dst(%arg11 : memref<125x32xf32, #tpu.memory_space<vmem>>)
    %dma_wait3A_102 = arith.constant 0 : i32
    %dma_wait3A_103 = arith.constant 0 : i32
    %dma_wait3A_104 = tpu.memref_slice %arg2[%dma_wait3A_102, %dma_wait3A_103] : memref<10000x32xf32, #tpu.memory_space<hbm>> -> memref<125x32xf32, #tpu.memory_space<hbm>>
    %dma_wait3A_105 = arith.constant 0 : i32
    %dma_wait3A_106 = arith.constant 0 : i32
    %dma_wait3A_107 = tpu.memref_slice %arg2[%dma_wait3A_105, %dma_wait3A_106] : memref<10000x32xf32, #tpu.memory_space<hbm>> -> memref<125x32xf32, #tpu.memory_space<hbm>>
    tpu.wait_dma2 semaphore(%arg22 : memref<!tpu.dma_semaphore, #tpu.memory_space<semaphore_mem>>) src(%dma_wait3A_107 : memref<125x32xf32, #tpu.memory_space<hbm>>) dst(%arg12 : memref<125x32xf32, #tpu.memory_space<vmem>>)
    %dma_wait3A_108 = arith.constant 0 : i32
    %dma_wait3A_109 = arith.constant 0 : i32
    %dma_wait3A_110 = tpu.memref_slice %arg2[%dma_wait3A_108, %dma_wait3A_109] : memref<10000x32xf32, #tpu.memory_space<hbm>> -> memref<125x32xf32, #tpu.memory_space<hbm>>
    %dma_wait3A_111 = arith.constant 0 : i32
    %dma_wait3A_112 = arith.constant 0 : i32
    %dma_wait3A_113 = tpu.memref_slice %arg2[%dma_wait3A_111, %dma_wait3A_112] : memref<10000x32xf32, #tpu.memory_space<hbm>> -> memref<125x32xf32, #tpu.memory_space<hbm>>
    tpu.wait_dma2 semaphore(%arg23 : memref<!tpu.dma_semaphore, #tpu.memory_space<semaphore_mem>>) src(%dma_wait3A_113 : memref<125x32xf32, #tpu.memory_space<hbm>>) dst(%arg13 : memref<125x32xf32, #tpu.memory_space<vmem>>)
    %dma_wait3A_114 = arith.constant 0 : i32
    %dma_wait3A_115 = arith.constant 0 : i32
    %dma_wait3A_116 = tpu.memref_slice %arg2[%dma_wait3A_114, %dma_wait3A_115] : memref<10000x32xf32, #tpu.memory_space<hbm>> -> memref<125x32xf32, #tpu.memory_space<hbm>>
    %dma_wait3A_117 = arith.constant 0 : i32
    %dma_wait3A_118 = arith.constant 0 : i32
    %dma_wait3A_119 = tpu.memref_slice %arg2[%dma_wait3A_117, %dma_wait3A_118] : memref<10000x32xf32, #tpu.memory_space<hbm>> -> memref<125x32xf32, #tpu.memory_space<hbm>>
    tpu.wait_dma2 semaphore(%arg24 : memref<!tpu.dma_semaphore, #tpu.memory_space<semaphore_mem>>) src(%dma_wait3A_119 : memref<125x32xf32, #tpu.memory_space<hbm>>) dst(%arg14 : memref<125x32xf32, #tpu.memory_space<vmem>>)
    %dma_wait3A_120 = arith.constant 0 : i32
    %dma_wait3A_121 = arith.constant 0 : i32
    %dma_wait3A_122 = tpu.memref_slice %arg2[%dma_wait3A_120, %dma_wait3A_121] : memref<10000x32xf32, #tpu.memory_space<hbm>> -> memref<125x32xf32, #tpu.memory_space<hbm>>
    %dma_wait3A_123 = arith.constant 0 : i32
    %dma_wait3A_124 = arith.constant 0 : i32
    %dma_wait3A_125 = tpu.memref_slice %arg2[%dma_wait3A_123, %dma_wait3A_124] : memref<10000x32xf32, #tpu.memory_space<hbm>> -> memref<125x32xf32, #tpu.memory_space<hbm>>
    tpu.wait_dma2 semaphore(%arg25 : memref<!tpu.dma_semaphore, #tpu.memory_space<semaphore_mem>>) src(%dma_wait3A_125 : memref<125x32xf32, #tpu.memory_space<hbm>>) dst(%arg15 : memref<125x32xf32, #tpu.memory_space<vmem>>)
    %barrier3A_126 = arith.constant 0 : index
    tpu.barrier barrier_id(%barrier3A_126)
    %mul3A_127 = arith.constant 640 : i32
    %mul3A_128 = arith.muli %arg1, %mul3A_127 : i32
    %mul3A_129 = arith.constant 640 : i32
    %mul3A_130 = arith.muli %arg1, %mul3A_129 : i32
    "tpu.region"() ({
      %run_scoped3A = tpu.sem_alloc : memref<!tpu.dma_semaphore, #tpu.memory_space<semaphore_mem>>
      %dma_start3A_131 = arith.constant 0 : i32
      %dma_start3A_132 = arith.constant 0 : i32
      %dma_start3A_133 = tpu.memref_slice %arg5[%arg0, %dma_start3A_131, %dma_start3A_132] : memref<2x10240x32xf32, #tpu.memory_space<hbm>> -> memref<1x10240x32xf32, #tpu.memory_space<hbm>>
      %dma_start3A_134 = tpu.memref_squeeze %dma_start3A_133 : memref<1x10240x32xf32, #tpu.memory_space<hbm>> -> memref<10240x32xf32, #tpu.memory_space<hbm>>
      %dma_start3A_135 = arith.constant 0 : i32
      %dma_start3A_136 = tpu.memref_slice %dma_start3A_134[%mul3A_130, %dma_start3A_135] : memref<10240x32xf32, #tpu.memory_space<hbm>> -> memref<640x32xf32, #tpu.memory_space<hbm>>
      %dma_start3A_137 = arith.constant 0 : i32
      %dma_start3A_138 = tpu.memref_slice %arg17[%mul3A_128, %dma_start3A_137] : memref<10240x32xf32, #tpu.memory_space<vmem_shared>> -> memref<640x32xf32, #tpu.memory_space<vmem_shared>>
      tpu.enqueue_dma source(%dma_start3A_138 : memref<640x32xf32, #tpu.memory_space<vmem_shared>>) target(%dma_start3A_136 : memref<640x32xf32, #tpu.memory_space<hbm>>) target_semaphore(%run_scoped3A : memref<!tpu.dma_semaphore, #tpu.memory_space<semaphore_mem>>)
      %dma_wait3A_139 = arith.constant 0 : i32
      %dma_wait3A_140 = arith.constant 0 : i32
      %dma_wait3A_141 = tpu.memref_slice %arg5[%arg0, %dma_wait3A_139, %dma_wait3A_140] : memref<2x10240x32xf32, #tpu.memory_space<hbm>> -> memref<1x10240x32xf32, #tpu.memory_space<hbm>>
      %dma_wait3A_142 = tpu.memref_squeeze %dma_wait3A_141 : memref<1x10240x32xf32, #tpu.memory_space<hbm>> -> memref<10240x32xf32, #tpu.memory_space<hbm>>
      %dma_wait3A_143 = arith.constant 0 : i32
      %dma_wait3A_144 = tpu.memref_slice %dma_wait3A_142[%mul3A_130, %dma_wait3A_143] : memref<10240x32xf32, #tpu.memory_space<hbm>> -> memref<640x32xf32, #tpu.memory_space<hbm>>
      %dma_wait3A_145 = arith.constant 0 : i32
      %dma_wait3A_146 = tpu.memref_slice %arg17[%mul3A_128, %dma_wait3A_145] : memref<10240x32xf32, #tpu.memory_space<vmem_shared>> -> memref<640x32xf32, #tpu.memory_space<vmem_shared>>
      tpu.wait_dma2 semaphore(%run_scoped3A : memref<!tpu.dma_semaphore, #tpu.memory_space<semaphore_mem>>) src(%dma_wait3A_146 : memref<640x32xf32, #tpu.memory_space<vmem_shared>>) dst(%dma_wait3A_144 : memref<640x32xf32, #tpu.memory_space<hbm>>)
      tpu.yield
    }) : () -> ()
    return
  }
}

module attributes {stable_mosaic.version = 14 : i64} {
  func.func @body(%arg0: i32, %arg1: memref<2000x128xf32, #tpu.memory_space<vmem>>, %arg2: memref<128x64xf32, #tpu.memory_space<vmem>>, %arg3: memref<128x64xf32, #tpu.memory_space<vmem>>, %arg4: memref<2000x64xf32, #tpu.memory_space<vmem>>, %arg5: memref<2000x64xf32, #tpu.memory_space<vmem>>) attributes {dimension_semantics = [#tpu.dimension_semantics<arbitrary>], iteration_bounds = array<i64: 5>, scalar_prefetch = 0 : i64, scratch_operands = 0 : i64, tpu.core_type = #tpu.core_type<tc>, window_params = [{transform_indices = @transform_0, window_bounds = array<i64: 2000, 128>}, {pipeline_mode = #tpu.pipeline_mode<synchronous>, transform_indices = @transform_1, window_bounds = array<i64: 128, 64>}, {pipeline_mode = #tpu.pipeline_mode<synchronous>, transform_indices = @transform_2, window_bounds = array<i64: 128, 64>}, {transform_indices = @transform_3, window_bounds = array<i64: 2000, 64>}, {transform_indices = @transform_4, window_bounds = array<i64: 2000, 64>}]} {
    %get3A = arith.constant 0 : index
    %get3A_0 = arith.constant 0 : index
    %get3A_1 = vector.load %arg1[%get3A, %get3A_0] : memref<2000x128xf32, #tpu.memory_space<vmem>>, vector<2000x128xf32>
    %get3A_2 = arith.constant 0 : index
    %get3A_3 = arith.constant 0 : index
    %get3A_4 = vector.load %arg2[%get3A_2, %get3A_3] : memref<128x64xf32, #tpu.memory_space<vmem>>, vector<128x64xf32>
    %dot_general3A = arith.constant dense<0.000000e+00> : vector<2000x64xf32>
    %dot_general3A_5 = tpu.matmul %get3A_1, %get3A_4, %dot_general3A {dimension_numbers = #tpu.dot_dimension_numbers<[1], [0], [0], [1], [0, 0, 1, 1], [], []>, transpose_lhs_hint = false} : vector<2000x128xf32>, vector<128x64xf32>, vector<2000x64xf32> -> vector<2000x64xf32>
    %swap3A = arith.constant 0 : index
    %swap3A_6 = arith.constant 0 : index
    %swap3A_7 = vector.load %arg4[%swap3A, %swap3A_6] : memref<2000x64xf32, #tpu.memory_space<vmem>>, vector<2000x64xf32>
    tpu.vector_store %arg4[%swap3A, %swap3A_6], %dot_general3A_5 {strides = array<i32>} : memref<2000x64xf32, #tpu.memory_space<vmem>>, vector<2000x64xf32>,
    %get3A_8 = arith.constant 0 : index
    %get3A_9 = arith.constant 0 : index
    %get3A_10 = vector.load %arg3[%get3A_8, %get3A_9] : memref<128x64xf32, #tpu.memory_space<vmem>>, vector<128x64xf32>
    %dot_general3A_11 = arith.constant dense<0.000000e+00> : vector<2000x64xf32>
    %dot_general3A_12 = tpu.matmul %get3A_1, %get3A_10, %dot_general3A_11 {dimension_numbers = #tpu.dot_dimension_numbers<[1], [0], [0], [1], [0, 0, 1, 1], [], []>, transpose_lhs_hint = false} : vector<2000x128xf32>, vector<128x64xf32>, vector<2000x64xf32> -> vector<2000x64xf32>
    %swap3A_13 = arith.constant 0 : index
    %swap3A_14 = arith.constant 0 : index
    %swap3A_15 = vector.load %arg5[%swap3A_13, %swap3A_14] : memref<2000x64xf32, #tpu.memory_space<vmem>>, vector<2000x64xf32>
    tpu.vector_store %arg5[%swap3A_13, %swap3A_14], %dot_general3A_12 {strides = array<i32>} : memref<2000x64xf32, #tpu.memory_space<vmem>>, vector<2000x64xf32>,
    return
  }
  func.func @transform_0(%arg0: i32) -> (i32, i32) {
    %c0_i32 = arith.constant 0 : i32
    %c0_i32_0 = arith.constant 0 : i32
    return %arg0, %c0_i32 : i32, i32
  }
  func.func @transform_1(%arg0: i32) -> (i32, i32) {
    %c0_i32 = arith.constant 0 : i32
    %c0_i32_0 = arith.constant 0 : i32
    %c0_i32_1 = arith.constant 0 : i32
    return %c0_i32, %c0_i32_0 : i32, i32
  }
  func.func @transform_2(%arg0: i32) -> (i32, i32) {
    %c0_i32 = arith.constant 0 : i32
    %c0_i32_0 = arith.constant 0 : i32
    %c0_i32_1 = arith.constant 0 : i32
    return %c0_i32, %c0_i32_0 : i32, i32
  }
  func.func @transform_3(%arg0: i32) -> (i32, i32) {
    %c0_i32 = arith.constant 0 : i32
    %c0_i32_0 = arith.constant 0 : i32
    return %arg0, %c0_i32 : i32, i32
  }
  func.func @transform_4(%arg0: i32) -> (i32, i32) {
    %c0_i32 = arith.constant 0 : i32
    %c0_i32_0 = arith.constant 0 : i32
    return %arg0, %c0_i32 : i32, i32
  }
}

module attributes {stable_mosaic.version = 14 : i64} {
  func.func @body(%arg0: i32, %arg1: memref<1x2000x64xf32, #tpu.memory_space<vmem>>, %arg2: memref<1x2000x64xf32, #tpu.memory_space<vmem>>, %arg3: memref<2000x1xf32, #tpu.memory_space<vmem>>, %arg4: memref<2000x1xf32, #tpu.memory_space<vmem>>, %arg5: memref<2000x64xf32, #tpu.memory_space<vmem>>, %arg6: memref<1x64xf32, #tpu.memory_space<vmem>>, %arg7: memref<64x32xf32, #tpu.memory_space<vmem>>, %arg8: memref<64x32xf32, #tpu.memory_space<vmem>>, %arg9: memref<2000x32xf32, #tpu.memory_space<vmem>>, %arg10: memref<2000x32xf32, #tpu.memory_space<vmem>>, %arg11: memref<2000x1xf32, #tpu.memory_space<vmem>>) attributes {dimension_semantics = [#tpu.dimension_semantics<arbitrary>], iteration_bounds = array<i64: 5>, scalar_prefetch = 0 : i64, scratch_operands = 0 : i64, tpu.core_type = #tpu.core_type<tc>, window_params = [{transform_indices = @transform_0, window_bounds = array<i64: 1, 2000, 64>}, {transform_indices = @transform_1, window_bounds = array<i64: 1, 2000, 64>}, {transform_indices = @transform_2, window_bounds = array<i64: 2000, 1>}, {transform_indices = @transform_3, window_bounds = array<i64: 2000, 1>}, {transform_indices = @transform_4, window_bounds = array<i64: 2000, 64>}, {pipeline_mode = #tpu.pipeline_mode<synchronous>, transform_indices = @transform_5, window_bounds = array<i64: 1, 64>}, {pipeline_mode = #tpu.pipeline_mode<synchronous>, transform_indices = @transform_6, window_bounds = array<i64: 64, 32>}, {pipeline_mode = #tpu.pipeline_mode<synchronous>, transform_indices = @transform_7, window_bounds = array<i64: 64, 32>}, {transform_indices = @transform_8, window_bounds = array<i64: 2000, 32>}, {transform_indices = @transform_9, window_bounds = array<i64: 2000, 32>}, {transform_indices = @transform_10, window_bounds = array<i64: 2000, 1>}]} {
    %get3A = arith.constant 0 : index
    %get3A_0 = arith.constant 0 : index
    %get3A_1 = vector.load %arg3[%get3A, %get3A_0] : memref<2000x1xf32, #tpu.memory_space<vmem>>, vector<2000x1xf32>
    %get3A_2 = arith.constant 0 : index
    %get3A_3 = arith.constant 0 : index
    %get3A_4 = vector.load %arg4[%get3A_2, %get3A_3] : memref<2000x1xf32, #tpu.memory_space<vmem>>, vector<2000x1xf32>
    %add3A = arith.addf %get3A_1, %get3A_4 : vector<2000x1xf32>
    %max3A = arith.constant 1.000000e+00 : f32
    %max3A_5 = vector.broadcast %max3A : f32 to vector<2000x1xf32>
    %max3A_6 = arith.maximumf %add3A, %max3A_5 : vector<2000x1xf32>
    %div3A = arith.constant 1.000000e+00 : f32
    %div3A_7 = vector.broadcast %div3A : f32 to vector<2000x1xf32>
    %div3A_8 = arith.divf %div3A_7, %max3A_6 : vector<2000x1xf32>
    %get3A_9 = arith.constant 0 : index
    %get3A_10 = arith.constant 0 : index
    %get3A_11 = arith.constant 0 : index
    %get3A_12 = vector.load %arg1[%get3A_9, %get3A_10, %get3A_11] : memref<1x2000x64xf32, #tpu.memory_space<vmem>>, vector<1x2000x64xf32>
    %get3A_13 = vector.shape_cast %get3A_12 : vector<1x2000x64xf32> to vector<2000x64xf32>
    %get3A_14 = arith.constant 0 : index
    %get3A_15 = arith.constant 0 : index
    %get3A_16 = arith.constant 0 : index
    %get3A_17 = vector.load %arg2[%get3A_14, %get3A_15, %get3A_16] : memref<1x2000x64xf32, #tpu.memory_space<vmem>>, vector<1x2000x64xf32>
    %get3A_18 = vector.shape_cast %get3A_17 : vector<1x2000x64xf32> to vector<2000x64xf32>
    %get3A_19 = arith.constant 0 : index
    %get3A_20 = arith.constant 0 : index
    %get3A_21 = vector.load %arg5[%get3A_19, %get3A_20] : memref<2000x64xf32, #tpu.memory_space<vmem>>, vector<2000x64xf32>
    %get3A_22 = arith.constant 0 : index
    %get3A_23 = arith.constant 0 : index
    %get3A_24 = vector.load %arg6[%get3A_22, %get3A_23] : memref<1x64xf32, #tpu.memory_space<vmem>>, vector<1x64xf32>
    %add3A_25 = arith.addf %get3A_13, %get3A_18 : vector<2000x64xf32>
    %mul3A = vector.broadcast %div3A_8 : vector<2000x1xf32> to vector<2000x64xf32>
    %mul3A_26 = arith.mulf %add3A_25, %mul3A : vector<2000x64xf32>
    %add3A_27 = vector.broadcast %get3A_24 : vector<1x64xf32> to vector<2000x64xf32>
    %add3A_28 = arith.addf %mul3A_26, %add3A_27 : vector<2000x64xf32>
    %add3A_29 = arith.addf %add3A_28, %get3A_21 : vector<2000x64xf32>
    %mul3A_30 = arith.mulf %add3A_29, %add3A_29 : vector<2000x64xf32>
    %reduce_sum3A = arith.constant dense<0.000000e+00> : vector<2000xf32>
    %reduce_sum3A_31 = vector.multi_reduction <add>, %mul3A_30, %reduce_sum3A [1] : vector<2000x64xf32> to vector<2000xf32>
    %broadcast_in_dim3A = vector.shape_cast %reduce_sum3A_31 : vector<2000xf32> to vector<2000x1xf32>
    %sqrt3A = math.sqrt %broadcast_in_dim3A : vector<2000x1xf32>
    %max3A_32 = arith.constant 9.99999996E-13 : f32
    %max3A_33 = vector.broadcast %max3A_32 : f32 to vector<2000x1xf32>
    %max3A_34 = arith.maximumf %sqrt3A, %max3A_33 : vector<2000x1xf32>
    %div3A_35 = vector.broadcast %max3A_34 : vector<2000x1xf32> to vector<2000x64xf32>
    %div3A_36 = arith.divf %add3A_29, %div3A_35 : vector<2000x64xf32>
    %max3A_37 = arith.constant 0.000000e+00 : f32
    %max3A_38 = vector.broadcast %max3A_37 : f32 to vector<2000x64xf32>
    %max3A_39 = arith.maximumf %div3A_36, %max3A_38 : vector<2000x64xf32>
    %get3A_40 = arith.constant 0 : index
    %get3A_41 = arith.constant 0 : index
    %get3A_42 = vector.load %arg7[%get3A_40, %get3A_41] : memref<64x32xf32, #tpu.memory_space<vmem>>, vector<64x32xf32>
    %dot_general3A = arith.constant dense<0.000000e+00> : vector<2000x32xf32>
    %dot_general3A_43 = tpu.matmul %max3A_39, %get3A_42, %dot_general3A {dimension_numbers = #tpu.dot_dimension_numbers<[1], [0], [0], [1], [0, 0, 1, 1], [], []>, transpose_lhs_hint = false} : vector<2000x64xf32>, vector<64x32xf32>, vector<2000x32xf32> -> vector<2000x32xf32>
    %swap3A = arith.constant 0 : index
    %swap3A_44 = arith.constant 0 : index
    %swap3A_45 = vector.load %arg9[%swap3A, %swap3A_44] : memref<2000x32xf32, #tpu.memory_space<vmem>>, vector<2000x32xf32>
    tpu.vector_store %arg9[%swap3A, %swap3A_44], %dot_general3A_43 {strides = array<i32>} : memref<2000x32xf32, #tpu.memory_space<vmem>>, vector<2000x32xf32>,
    %get3A_46 = arith.constant 0 : index
    %get3A_47 = arith.constant 0 : index
    %get3A_48 = vector.load %arg8[%get3A_46, %get3A_47] : memref<64x32xf32, #tpu.memory_space<vmem>>, vector<64x32xf32>
    %dot_general3A_49 = arith.constant dense<0.000000e+00> : vector<2000x32xf32>
    %dot_general3A_50 = tpu.matmul %max3A_39, %get3A_48, %dot_general3A_49 {dimension_numbers = #tpu.dot_dimension_numbers<[1], [0], [0], [1], [0, 0, 1, 1], [], []>, transpose_lhs_hint = false} : vector<2000x64xf32>, vector<64x32xf32>, vector<2000x32xf32> -> vector<2000x32xf32>
    %swap3A_51 = arith.constant 0 : index
    %swap3A_52 = arith.constant 0 : index
    %swap3A_53 = vector.load %arg10[%swap3A_51, %swap3A_52] : memref<2000x32xf32, #tpu.memory_space<vmem>>, vector<2000x32xf32>
    tpu.vector_store %arg10[%swap3A_51, %swap3A_52], %dot_general3A_50 {strides = array<i32>} : memref<2000x32xf32, #tpu.memory_space<vmem>>, vector<2000x32xf32>,
    %swap3A_54 = arith.constant 0 : index
    %swap3A_55 = arith.constant 0 : index
    %swap3A_56 = vector.load %arg11[%swap3A_54, %swap3A_55] : memref<2000x1xf32, #tpu.memory_space<vmem>>, vector<2000x1xf32>
    tpu.vector_store %arg11[%swap3A_54, %swap3A_55], %div3A_8 {strides = array<i32>} : memref<2000x1xf32, #tpu.memory_space<vmem>>, vector<2000x1xf32>,
    return
  }
  func.func @transform_0(%arg0: i32) -> (i32, i32, i32) {
    %c0_i32 = arith.constant 0 : i32
    %c0_i32_0 = arith.constant 0 : i32
    %c0_i32_1 = arith.constant 0 : i32
    return %c0_i32, %arg0, %c0_i32_0 : i32, i32, i32
  }
  func.func @transform_1(%arg0: i32) -> (i32, i32, i32) {
    %c1_i32 = arith.constant 1 : i32
    %c0_i32 = arith.constant 0 : i32
    %c0_i32_0 = arith.constant 0 : i32
    return %c1_i32, %arg0, %c0_i32 : i32, i32, i32
  }
  func.func @transform_2(%arg0: i32) -> (i32, i32) {
    %c0_i32 = arith.constant 0 : i32
    %c0_i32_0 = arith.constant 0 : i32
    return %arg0, %c0_i32 : i32, i32
  }
  func.func @transform_3(%arg0: i32) -> (i32, i32) {
    %c0_i32 = arith.constant 0 : i32
    %c0_i32_0 = arith.constant 0 : i32
    return %arg0, %c0_i32 : i32, i32
  }
  func.func @transform_4(%arg0: i32) -> (i32, i32) {
    %c0_i32 = arith.constant 0 : i32
    %c0_i32_0 = arith.constant 0 : i32
    return %arg0, %c0_i32 : i32, i32
  }
  func.func @transform_5(%arg0: i32) -> (i32, i32) {
    %c0_i32 = arith.constant 0 : i32
    %c0_i32_0 = arith.constant 0 : i32
    %c0_i32_1 = arith.constant 0 : i32
    return %c0_i32, %c0_i32_0 : i32, i32
  }
  func.func @transform_6(%arg0: i32) -> (i32, i32) {
    %c0_i32 = arith.constant 0 : i32
    %c0_i32_0 = arith.constant 0 : i32
    %c0_i32_1 = arith.constant 0 : i32
    return %c0_i32, %c0_i32_0 : i32, i32
  }
  func.func @transform_7(%arg0: i32) -> (i32, i32) {
    %c0_i32 = arith.constant 0 : i32
    %c0_i32_0 = arith.constant 0 : i32
    %c0_i32_1 = arith.constant 0 : i32
    return %c0_i32, %c0_i32_0 : i32, i32
  }
  func.func @transform_8(%arg0: i32) -> (i32, i32) {
    %c0_i32 = arith.constant 0 : i32
    %c0_i32_0 = arith.constant 0 : i32
    return %arg0, %c0_i32 : i32, i32
  }
  func.func @transform_9(%arg0: i32) -> (i32, i32) {
    %c0_i32 = arith.constant 0 : i32
    %c0_i32_0 = arith.constant 0 : i32
    return %arg0, %c0_i32 : i32, i32
  }
  func.func @transform_10(%arg0: i32) -> (i32, i32) {
    %c0_i32 = arith.constant 0 : i32
    %c0_i32_0 = arith.constant 0 : i32
    return %arg0, %c0_i32 : i32, i32
  }
}

module attributes {stable_mosaic.version = 14 : i64} {
  func.func @body(%arg0: i32, %arg1: memref<1x2000x32xf32, #tpu.memory_space<vmem>>, %arg2: memref<1x2000x32xf32, #tpu.memory_space<vmem>>, %arg3: memref<2000x1xf32, #tpu.memory_space<vmem>>, %arg4: memref<2000x32xf32, #tpu.memory_space<vmem>>, %arg5: memref<1x32xf32, #tpu.memory_space<vmem>>, %arg6: memref<32x32xf32, #tpu.memory_space<vmem>>, %arg7: memref<32x32xf32, #tpu.memory_space<vmem>>, %arg8: memref<2000x32xf32, #tpu.memory_space<vmem>>, %arg9: memref<2000x32xf32, #tpu.memory_space<vmem>>) attributes {dimension_semantics = [#tpu.dimension_semantics<arbitrary>], iteration_bounds = array<i64: 5>, scalar_prefetch = 0 : i64, scratch_operands = 0 : i64, tpu.core_type = #tpu.core_type<tc>, window_params = [{transform_indices = @transform_0, window_bounds = array<i64: 1, 2000, 32>}, {transform_indices = @transform_1, window_bounds = array<i64: 1, 2000, 32>}, {transform_indices = @transform_2, window_bounds = array<i64: 2000, 1>}, {transform_indices = @transform_3, window_bounds = array<i64: 2000, 32>}, {pipeline_mode = #tpu.pipeline_mode<synchronous>, transform_indices = @transform_4, window_bounds = array<i64: 1, 32>}, {pipeline_mode = #tpu.pipeline_mode<synchronous>, transform_indices = @transform_5, window_bounds = array<i64: 32, 32>}, {pipeline_mode = #tpu.pipeline_mode<synchronous>, transform_indices = @transform_6, window_bounds = array<i64: 32, 32>}, {transform_indices = @transform_7, window_bounds = array<i64: 2000, 32>}, {transform_indices = @transform_8, window_bounds = array<i64: 2000, 32>}]} {
    %get3A = arith.constant 0 : index
    %get3A_0 = arith.constant 0 : index
    %get3A_1 = arith.constant 0 : index
    %get3A_2 = vector.load %arg1[%get3A, %get3A_0, %get3A_1] : memref<1x2000x32xf32, #tpu.memory_space<vmem>>, vector<1x2000x32xf32>
    %get3A_3 = vector.shape_cast %get3A_2 : vector<1x2000x32xf32> to vector<2000x32xf32>
    %get3A_4 = arith.constant 0 : index
    %get3A_5 = arith.constant 0 : index
    %get3A_6 = arith.constant 0 : index
    %get3A_7 = vector.load %arg2[%get3A_4, %get3A_5, %get3A_6] : memref<1x2000x32xf32, #tpu.memory_space<vmem>>, vector<1x2000x32xf32>
    %get3A_8 = vector.shape_cast %get3A_7 : vector<1x2000x32xf32> to vector<2000x32xf32>
    %get3A_9 = arith.constant 0 : index
    %get3A_10 = arith.constant 0 : index
    %get3A_11 = vector.load %arg3[%get3A_9, %get3A_10] : memref<2000x1xf32, #tpu.memory_space<vmem>>, vector<2000x1xf32>
    %get3A_12 = arith.constant 0 : index
    %get3A_13 = arith.constant 0 : index
    %get3A_14 = vector.load %arg4[%get3A_12, %get3A_13] : memref<2000x32xf32, #tpu.memory_space<vmem>>, vector<2000x32xf32>
    %get3A_15 = arith.constant 0 : index
    %get3A_16 = arith.constant 0 : index
    %get3A_17 = vector.load %arg5[%get3A_15, %get3A_16] : memref<1x32xf32, #tpu.memory_space<vmem>>, vector<1x32xf32>
    %add3A = arith.addf %get3A_3, %get3A_8 : vector<2000x32xf32>
    %mul3A = vector.broadcast %get3A_11 : vector<2000x1xf32> to vector<2000x32xf32>
    %mul3A_18 = arith.mulf %add3A, %mul3A : vector<2000x32xf32>
    %add3A_19 = vector.broadcast %get3A_17 : vector<1x32xf32> to vector<2000x32xf32>
    %add3A_20 = arith.addf %mul3A_18, %add3A_19 : vector<2000x32xf32>
    %add3A_21 = arith.addf %add3A_20, %get3A_14 : vector<2000x32xf32>
    %mul3A_22 = arith.mulf %add3A_21, %add3A_21 : vector<2000x32xf32>
    %reduce_sum3A = arith.constant dense<0.000000e+00> : vector<2000xf32>
    %reduce_sum3A_23 = vector.multi_reduction <add>, %mul3A_22, %reduce_sum3A [1] : vector<2000x32xf32> to vector<2000xf32>
    %broadcast_in_dim3A = vector.shape_cast %reduce_sum3A_23 : vector<2000xf32> to vector<2000x1xf32>
    %sqrt3A = math.sqrt %broadcast_in_dim3A : vector<2000x1xf32>
    %max3A = arith.constant 9.99999996E-13 : f32
    %max3A_24 = vector.broadcast %max3A : f32 to vector<2000x1xf32>
    %max3A_25 = arith.maximumf %sqrt3A, %max3A_24 : vector<2000x1xf32>
    %div3A = vector.broadcast %max3A_25 : vector<2000x1xf32> to vector<2000x32xf32>
    %div3A_26 = arith.divf %add3A_21, %div3A : vector<2000x32xf32>
    %max3A_27 = arith.constant 0.000000e+00 : f32
    %max3A_28 = vector.broadcast %max3A_27 : f32 to vector<2000x32xf32>
    %max3A_29 = arith.maximumf %div3A_26, %max3A_28 : vector<2000x32xf32>
    %get3A_30 = arith.constant 0 : index
    %get3A_31 = arith.constant 0 : index
    %get3A_32 = vector.load %arg6[%get3A_30, %get3A_31] : memref<32x32xf32, #tpu.memory_space<vmem>>, vector<32x32xf32>
    %dot_general3A = arith.constant dense<0.000000e+00> : vector<2000x32xf32>
    %dot_general3A_33 = tpu.matmul %max3A_29, %get3A_32, %dot_general3A {dimension_numbers = #tpu.dot_dimension_numbers<[1], [0], [0], [1], [0, 0, 1, 1], [], []>, transpose_lhs_hint = false} : vector<2000x32xf32>, vector<32x32xf32>, vector<2000x32xf32> -> vector<2000x32xf32>
    %swap3A = arith.constant 0 : index
    %swap3A_34 = arith.constant 0 : index
    %swap3A_35 = vector.load %arg8[%swap3A, %swap3A_34] : memref<2000x32xf32, #tpu.memory_space<vmem>>, vector<2000x32xf32>
    tpu.vector_store %arg8[%swap3A, %swap3A_34], %dot_general3A_33 {strides = array<i32>} : memref<2000x32xf32, #tpu.memory_space<vmem>>, vector<2000x32xf32>,
    %get3A_36 = arith.constant 0 : index
    %get3A_37 = arith.constant 0 : index
    %get3A_38 = vector.load %arg7[%get3A_36, %get3A_37] : memref<32x32xf32, #tpu.memory_space<vmem>>, vector<32x32xf32>
    %dot_general3A_39 = arith.constant dense<0.000000e+00> : vector<2000x32xf32>
    %dot_general3A_40 = tpu.matmul %max3A_29, %get3A_38, %dot_general3A_39 {dimension_numbers = #tpu.dot_dimension_numbers<[1], [0], [0], [1], [0, 0, 1, 1], [], []>, transpose_lhs_hint = false} : vector<2000x32xf32>, vector<32x32xf32>, vector<2000x32xf32> -> vector<2000x32xf32>
    %swap3A_41 = arith.constant 0 : index
    %swap3A_42 = arith.constant 0 : index
    %swap3A_43 = vector.load %arg9[%swap3A_41, %swap3A_42] : memref<2000x32xf32, #tpu.memory_space<vmem>>, vector<2000x32xf32>
    tpu.vector_store %arg9[%swap3A_41, %swap3A_42], %dot_general3A_40 {strides = array<i32>} : memref<2000x32xf32, #tpu.memory_space<vmem>>, vector<2000x32xf32>,
    return
  }
  func.func @transform_0(%arg0: i32) -> (i32, i32, i32) {
    %c0_i32 = arith.constant 0 : i32
    %c0_i32_0 = arith.constant 0 : i32
    %c0_i32_1 = arith.constant 0 : i32
    return %c0_i32, %arg0, %c0_i32_0 : i32, i32, i32
  }
  func.func @transform_1(%arg0: i32) -> (i32, i32, i32) {
    %c1_i32 = arith.constant 1 : i32
    %c0_i32 = arith.constant 0 : i32
    %c0_i32_0 = arith.constant 0 : i32
    return %c1_i32, %arg0, %c0_i32 : i32, i32, i32
  }
  func.func @transform_2(%arg0: i32) -> (i32, i32) {
    %c0_i32 = arith.constant 0 : i32
    %c0_i32_0 = arith.constant 0 : i32
    return %arg0, %c0_i32 : i32, i32
  }
  func.func @transform_3(%arg0: i32) -> (i32, i32) {
    %c0_i32 = arith.constant 0 : i32
    %c0_i32_0 = arith.constant 0 : i32
    return %arg0, %c0_i32 : i32, i32
  }
  func.func @transform_4(%arg0: i32) -> (i32, i32) {
    %c0_i32 = arith.constant 0 : i32
    %c0_i32_0 = arith.constant 0 : i32
    %c0_i32_1 = arith.constant 0 : i32
    return %c0_i32, %c0_i32_0 : i32, i32
  }
  func.func @transform_5(%arg0: i32) -> (i32, i32) {
    %c0_i32 = arith.constant 0 : i32
    %c0_i32_0 = arith.constant 0 : i32
    %c0_i32_1 = arith.constant 0 : i32
    return %c0_i32, %c0_i32_0 : i32, i32
  }
  func.func @transform_6(%arg0: i32) -> (i32, i32) {
    %c0_i32 = arith.constant 0 : i32
    %c0_i32_0 = arith.constant 0 : i32
    %c0_i32_1 = arith.constant 0 : i32
    return %c0_i32, %c0_i32_0 : i32, i32
  }
  func.func @transform_7(%arg0: i32) -> (i32, i32) {
    %c0_i32 = arith.constant 0 : i32
    %c0_i32_0 = arith.constant 0 : i32
    return %arg0, %c0_i32 : i32, i32
  }
  func.func @transform_8(%arg0: i32) -> (i32, i32) {
    %c0_i32 = arith.constant 0 : i32
    %c0_i32_0 = arith.constant 0 : i32
    return %arg0, %c0_i32 : i32, i32
  }
}

module attributes {stable_mosaic.version = 14 : i64} {
  func.func @body(%arg0: i32, %arg1: memref<1x2000x32xf32, #tpu.memory_space<vmem>>, %arg2: memref<1x2000x32xf32, #tpu.memory_space<vmem>>, %arg3: memref<2000x1xf32, #tpu.memory_space<vmem>>, %arg4: memref<2000x32xf32, #tpu.memory_space<vmem>>, %arg5: memref<1x32xf32, #tpu.memory_space<vmem>>, %arg6: memref<2000x32xf32, #tpu.memory_space<vmem>>) attributes {dimension_semantics = [#tpu.dimension_semantics<arbitrary>], iteration_bounds = array<i64: 5>, scalar_prefetch = 0 : i64, scratch_operands = 0 : i64, tpu.core_type = #tpu.core_type<tc>, window_params = [{transform_indices = @transform_0, window_bounds = array<i64: 1, 2000, 32>}, {transform_indices = @transform_1, window_bounds = array<i64: 1, 2000, 32>}, {transform_indices = @transform_2, window_bounds = array<i64: 2000, 1>}, {transform_indices = @transform_3, window_bounds = array<i64: 2000, 32>}, {pipeline_mode = #tpu.pipeline_mode<synchronous>, transform_indices = @transform_4, window_bounds = array<i64: 1, 32>}, {transform_indices = @transform_5, window_bounds = array<i64: 2000, 32>}]} {
    %get3A = arith.constant 0 : index
    %get3A_0 = arith.constant 0 : index
    %get3A_1 = arith.constant 0 : index
    %get3A_2 = vector.load %arg1[%get3A, %get3A_0, %get3A_1] : memref<1x2000x32xf32, #tpu.memory_space<vmem>>, vector<1x2000x32xf32>
    %get3A_3 = vector.shape_cast %get3A_2 : vector<1x2000x32xf32> to vector<2000x32xf32>
    %get3A_4 = arith.constant 0 : index
    %get3A_5 = arith.constant 0 : index
    %get3A_6 = arith.constant 0 : index
    %get3A_7 = vector.load %arg2[%get3A_4, %get3A_5, %get3A_6] : memref<1x2000x32xf32, #tpu.memory_space<vmem>>, vector<1x2000x32xf32>
    %get3A_8 = vector.shape_cast %get3A_7 : vector<1x2000x32xf32> to vector<2000x32xf32>
    %get3A_9 = arith.constant 0 : index
    %get3A_10 = arith.constant 0 : index
    %get3A_11 = vector.load %arg3[%get3A_9, %get3A_10] : memref<2000x1xf32, #tpu.memory_space<vmem>>, vector<2000x1xf32>
    %get3A_12 = arith.constant 0 : index
    %get3A_13 = arith.constant 0 : index
    %get3A_14 = vector.load %arg4[%get3A_12, %get3A_13] : memref<2000x32xf32, #tpu.memory_space<vmem>>, vector<2000x32xf32>
    %get3A_15 = arith.constant 0 : index
    %get3A_16 = arith.constant 0 : index
    %get3A_17 = vector.load %arg5[%get3A_15, %get3A_16] : memref<1x32xf32, #tpu.memory_space<vmem>>, vector<1x32xf32>
    %add3A = arith.addf %get3A_3, %get3A_8 : vector<2000x32xf32>
    %mul3A = vector.broadcast %get3A_11 : vector<2000x1xf32> to vector<2000x32xf32>
    %mul3A_18 = arith.mulf %add3A, %mul3A : vector<2000x32xf32>
    %add3A_19 = vector.broadcast %get3A_17 : vector<1x32xf32> to vector<2000x32xf32>
    %add3A_20 = arith.addf %mul3A_18, %add3A_19 : vector<2000x32xf32>
    %add3A_21 = arith.addf %add3A_20, %get3A_14 : vector<2000x32xf32>
    %mul3A_22 = arith.mulf %add3A_21, %add3A_21 : vector<2000x32xf32>
    %reduce_sum3A = arith.constant dense<0.000000e+00> : vector<2000xf32>
    %reduce_sum3A_23 = vector.multi_reduction <add>, %mul3A_22, %reduce_sum3A [1] : vector<2000x32xf32> to vector<2000xf32>
    %broadcast_in_dim3A = vector.shape_cast %reduce_sum3A_23 : vector<2000xf32> to vector<2000x1xf32>
    %sqrt3A = math.sqrt %broadcast_in_dim3A : vector<2000x1xf32>
    %max3A = arith.constant 9.99999996E-13 : f32
    %max3A_24 = vector.broadcast %max3A : f32 to vector<2000x1xf32>
    %max3A_25 = arith.maximumf %sqrt3A, %max3A_24 : vector<2000x1xf32>
    %div3A = vector.broadcast %max3A_25 : vector<2000x1xf32> to vector<2000x32xf32>
    %div3A_26 = arith.divf %add3A_21, %div3A : vector<2000x32xf32>
    %reduce_max3A = arith.constant dense<0xFF800000> : vector<2000xf32>
    %reduce_max3A_27 = vector.multi_reduction <maximumf>, %div3A_26, %reduce_max3A [1] : vector<2000x32xf32> to vector<2000xf32>
    %broadcast_in_dim3A_28 = vector.shape_cast %reduce_max3A_27 : vector<2000xf32> to vector<2000x1xf32>
    %sub3A = vector.broadcast %broadcast_in_dim3A_28 : vector<2000x1xf32> to vector<2000x32xf32>
    %sub3A_29 = arith.subf %div3A_26, %sub3A : vector<2000x32xf32>
    %exp3A = math.exp %sub3A_29 : vector<2000x32xf32>
    %reduce_sum3A_30 = arith.constant dense<0.000000e+00> : vector<2000xf32>
    %reduce_sum3A_31 = vector.multi_reduction <add>, %exp3A, %reduce_sum3A_30 [1] : vector<2000x32xf32> to vector<2000xf32>
    %broadcast_in_dim3A_32 = vector.shape_cast %reduce_sum3A_31 : vector<2000xf32> to vector<2000x1xf32>
    %log3A = math.log %broadcast_in_dim3A_32 : vector<2000x1xf32>
    %sub3A_33 = vector.broadcast %log3A : vector<2000x1xf32> to vector<2000x32xf32>
    %sub3A_34 = arith.subf %sub3A_29, %sub3A_33 : vector<2000x32xf32>
    %swap3A = arith.constant 0 : index
    %swap3A_35 = arith.constant 0 : index
    %swap3A_36 = vector.load %arg6[%swap3A, %swap3A_35] : memref<2000x32xf32, #tpu.memory_space<vmem>>, vector<2000x32xf32>
    tpu.vector_store %arg6[%swap3A, %swap3A_35], %sub3A_34 {strides = array<i32>} : memref<2000x32xf32, #tpu.memory_space<vmem>>, vector<2000x32xf32>,
    return
  }
  func.func @transform_0(%arg0: i32) -> (i32, i32, i32) {
    %c0_i32 = arith.constant 0 : i32
    %c0_i32_0 = arith.constant 0 : i32
    %c0_i32_1 = arith.constant 0 : i32
    return %c0_i32, %arg0, %c0_i32_0 : i32, i32, i32
  }
  func.func @transform_1(%arg0: i32) -> (i32, i32, i32) {
    %c1_i32 = arith.constant 1 : i32
    %c0_i32 = arith.constant 0 : i32
    %c0_i32_0 = arith.constant 0 : i32
    return %c1_i32, %arg0, %c0_i32 : i32, i32, i32
  }
  func.func @transform_2(%arg0: i32) -> (i32, i32) {
    %c0_i32 = arith.constant 0 : i32
    %c0_i32_0 = arith.constant 0 : i32
    return %arg0, %c0_i32 : i32, i32
  }
  func.func @transform_3(%arg0: i32) -> (i32, i32) {
    %c0_i32 = arith.constant 0 : i32
    %c0_i32_0 = arith.constant 0 : i32
    return %arg0, %c0_i32 : i32, i32
  }
  func.func @transform_4(%arg0: i32) -> (i32, i32) {
    %c0_i32 = arith.constant 0 : i32
    %c0_i32_0 = arith.constant 0 : i32
    %c0_i32_1 = arith.constant 0 : i32
    return %c0_i32, %c0_i32_0 : i32, i32
  }
  func.func @transform_5(%arg0: i32) -> (i32, i32) {
    %c0_i32 = arith.constant 0 : i32
    %c0_i32_0 = arith.constant 0 : i32
    return %arg0, %c0_i32 : i32, i32
  }
}

</mosaic_0001>

<sc_bundles>
// kernel: kernel.12.cloned.1.call-start
scs
__scs_entry_jumppad:
0x0: {  	(pc) =	sbr.rel $0x88, $3  }
0x1: {  	(tag) =	ssettag $0x0;
	lr =	simm.s32 $0x1  }
0x2: {  	[smem:$0x3F96] =	sst lr;
	_ =	strace $0xD0000000  }
0x3: {  	_ = 	snop  }
0x4: {  	_ = 	snop  }
0x5: {  	_ = 	snop  }
0x6: {  	_ = 	snop  }
0x7: {  	_ = 	snop  }
__scs_overlays_trampoline_lowered:
0x8: {  	[smem:$0x3FA5] =	sst s0  }
0x9: {  	[smem:$0x3FA6] =	sst s1  }
0xa: {  	[smem:$0x3FA7] =	sst s2  }
0xb: {  	[smem:$0x3FA8] =	sst s3  }
0xc: {  	[smem:$0x3FA9] =	sst s4  }
0xd: {  	[smem:$0x3FAA] =	sst s5  }
0xe: {  	[smem:$0x3FAB] =	sst s6  }
0xf: {  	[smem:$0x3FAC] =	sst s7  }
0x10: {  	[smem:$0x3FAD] =	sst s8  }
0x11: {  	[smem:$0x3FAE] =	sst s9;
	s0 =	simm.s32 @!p0 $0x0  }
0x12: {  	s1 =	sld [smem:$0x3F94];
	s0 =	simm.s32 @p0 $0x1  }
0x13: {  	[smem:$0x3FAF] =	sst s0;
	s0 =	simm.s32 @!p1 $0x0  }
0x14: {  	s2 =	sld [smem:$0x3F93];
	s0 =	simm.s32 @p1 $0x1  }
0x15: {  	[smem:$0x3FB0] =	sst s0;
	s0 =	simm.s32 @!p2 $0x0  }
0x16: {  	s3 =	sld [smem:$0x3FDB];
	s0 =	simm.s32 @p2 $0x1  }
0x17: {  	s4 =	simm.s32 $0x1BF5;
	[smem:$0x3FB2] =	sst s0  }
0x18: {  	s0 =	sld [smem:$0x3F95];
	_ =	swait.ge [sflag:s4], $0x0  }
0x19: {  	s7 =	sld [smem:$0x3F96]  }
0x1a: {  	s8 =	sadd.s32 $0xFFFFE003, lr  }
0x1b: {  	s9 =	sadd.s32 $0xFFFFFEF7, lr;
	s5 =	simm.s32 $0xFFFFFFFF;
	p2 =	slt.u32 s8, $0xFFFFF086  }
0x1c: {  	p1 =	slt.u32 s9, $0xF7A;
	s5 =	simm.s32 @!p2 $0x0  }
0x1d: {  	s5 =	simm.s32 @p1 $0x1;
	p0 =	seq.s32 s7, s2  }
0x1e: {  	s7 =	smul.u32 @!p0 $0xF7A, s2;
	p2 =	seq.s32 @!p0 s5, $0x0  }
0x1f: {  	s9 =	smul.u32 $0xF7A, s1;
	s8 =	simm.s32 @!p0 $0x1BF5;
	p2 =	por !p2, p0  }
0x20: {  	[sflag:s8] =	ssyncset.s32 @!p0 $0xFFFFF086;
	s6 =	sadd.s32 @!p0 s3, s7;
	s7 =	simm.s32 @!p0 $0x108  }
0x21: {  	s3 =	sadd.s32 s3, s9;
	s6 =	sadd.s32 @!p0 $0x88, s6;
	s7 =	simm.s32 @p2 $0x1082  }
0x22: {  	[simem:s7], [sflag:s8] =	dma.local @!p0 [hbm:s6], $0xF7A  }
0x23: {  	s9 =	sor.u32 $0xD0000000, s2;
	s6 =	simm.s32 $0x108;
	_ =	swait.ge @!p0 [sflag:s8], $0x0  }
0x24: {  	s3 =	sadd.s32 $0x88, s3;
	s6 =	simm.s32 @!p1 $0x1082;
	[sflag:s4] =	ssyncset.s32 $0xFFFFF086  }
0x25: {  	[simem:s6], [sflag:s4] =	dma.local [hbm:s3], $0xF7A  }
0x26: {  	[smem:$0x3F96] =	sst s1;
	(tag) =	ssettag s2;
	_ =	strace s9  }
0x27: {  	s1 =	sld [smem:$0x3FA6]  }
0x28: {  	s2 =	sld [smem:$0x3FA7]  }
0x29: {  	s4 =	sld [smem:$0x3FA9]  }
0x2a: {  	p0 =	seq.s32 s5, $0x0;
	s5 =	sld [smem:$0x3FAA]  }
0x2b: {  	s6 =	sld [smem:$0x3FAB]  }
0x2c: {  	s7 =	sld [smem:$0x3FAC]  }
0x2d: {  	s3 =	simm.s32 $0x108;
	s8 =	sld [smem:$0x3FAD]  }
0x2e: {  	s3 =	simm.s32 @!p0 $0x1082;
	s9 =	sld [smem:$0x3FAE]  }
0x2f: {  	lr =	sadd.s32 s0, s3;
	s0 =	sld [smem:$0x3FA5]  }
0x30: {  	s3 =	sld [smem:$0x3FA8]  }
0x31: {  	[smem:$0x3FB1] =	sst s10  }
0x32: {  	s10 =	sld [smem:$0x3FAF];
	_ =	sdelay $0x3  }
0x33: {  	p0 =	seq.s32 s10, $0x1;
	s10 =	sld [smem:$0x3FB1];
	_ =	sdelay $0x3  }
0x34: {  	[smem:$0x3FB1] =	sst s10  }
0x35: {  	s10 =	sld [smem:$0x3FB0];
	_ =	sdelay $0x3  }
0x36: {  	p1 =	seq.s32 s10, $0x1;
	s10 =	sld [smem:$0x3FB1];
	_ =	sdelay $0x3  }
0x37: {  	[smem:$0x3FB1] =	sst s10  }
0x38: {  	s10 =	sld [smem:$0x3FB2]  }
0x39: {  	_ = 	snop;
	(pc) =	sbr.ind lr, $3  }
0x3a: {  	_ = 	snop  }
0x3b: {  	_ = 	snop  }
0x3c: {  	p2 =	seq.s32 s10, $0x1;
	s10 =	sld [smem:$0x3FB1]  }
0x3d: {  	_ =	shalt  }
0x3e: {  	_ =	shalt  }
0x3f: {  	_ =	shalt  }
0x40: {  	_ =	shalt  }
0x41: {  	_ =	shalt  }
0x42: {  	_ =	shalt  }
0x43: {  	_ =	shalt  }
0x44: {  	_ =	shalt  }
0x45: {  	_ =	shalt  }
0x46: {  	_ =	shalt  }
0x47: {  	_ =	shalt  }
0x48: {  	_ =	shalt  }
0x49: {  	_ =	shalt  }
0x4a: {  	_ =	shalt  }
0x4b: {  	_ =	shalt  }
0x4c: {  	_ =	shalt  }
0x4d: {  	_ =	shalt  }
0x4e: {  	_ =	shalt  }
0x4f: {  	_ =	shalt  }
0x50: {  	_ =	shalt  }
0x51: {  	_ =	shalt  }
0x52: {  	_ =	shalt  }
0x53: {  	_ =	shalt  }
0x54: {  	_ =	shalt  }
0x55: {  	_ =	shalt  }
0x56: {  	_ =	shalt  }
0x57: {  	_ =	shalt  }
0x58: {  	_ =	shalt  }
0x59: {  	_ =	shalt  }
0x5a: {  	_ =	shalt  }
0x5b: {  	_ =	shalt  }
0x5c: {  	_ =	shalt  }
0x5d: {  	_ =	shalt  }
0x5e: {  	_ =	shalt  }
0x5f: {  	_ =	shalt  }
0x60: {  	_ =	shalt  }
0x61: {  	_ =	shalt  }
0x62: {  	_ =	shalt  }
0x63: {  	_ =	shalt  }
0x64: {  	_ =	shalt  }
0x65: {  	_ =	shalt  }
0x66: {  	_ =	shalt  }
0x67: {  	_ =	shalt  }
0x68: {  	_ =	shalt  }
0x69: {  	_ =	shalt  }
0x6a: {  	_ =	shalt  }
0x6b: {  	_ =	shalt  }
0x6c: {  	_ =	shalt  }
0x6d: {  	_ =	shalt  }
0x6e: {  	_ =	shalt  }
0x6f: {  	_ =	shalt  }
0x70: {  	_ =	shalt  }
0x71: {  	_ =	shalt  }
0x72: {  	_ =	shalt  }
0x73: {  	_ =	shalt  }
0x74: {  	_ =	shalt  }
0x75: {  	_ =	shalt  }
0x76: {  	_ =	shalt  }
0x77: {  	_ =	shalt  }
0x78: {  	_ =	shalt  }
0x79: {  	_ =	shalt  }
0x7a: {  	_ =	shalt  }
0x7b: {  	_ =	shalt  }
0x7c: {  	_ =	shalt  }
0x7d: {  	_ =	shalt  }
0x7e: {  	_ =	shalt  }
0x7f: {  	_ =	shalt  }
0x80: {  	_ =	shalt  }
0x81: {  	_ =	shalt  }
0x82: {  	_ =	shalt  }
0x83: {  	_ =	shalt  }
0x84: {  	_ =	shalt  }
0x85: {  	_ =	shalt  }
0x86: {  	_ =	shalt  }
0x87: {  	_ =	shalt  }
.Lfunc_end0:
.L_simem_size_0:
called_computation.1_lowered:
.L_overlay_start_0:
0x88: {  	s2 =	sld [smem:$0x3FD9]  }
0x89: {  	s3 =	sld [smem:$0x3FFE];
	_ =	sdelay $0x1  }
0x8a: {  	s1 =	srdreg.scid  }
0x8b: {  	s0 =	sand.u32 $0x1, s1  }
0x8c: {  	s17 =	sshll.u32 s0, $0xA;
	s2 =	sadd.s32 s3, s2  }
0x8d: {  	s2 =	sadd.s32 s2, s17  }
0x8e: {  	[smem:$0x3FBD] =	sst s2  }
0x8f: {  	_ = 	snop  }
0x90: {  	s2 =	sld [smem:$0x3FD0];
	(tm) =	ssettm $0x1  }
0x91: {  	s18 =	sld [smem:$0x3FFB];
	_ =	sdelay $0x3  }
0x92: {  	_ =	strace s18  }
0x93: {  	s3 =	sld [smem:$0x3FFC];
	_ =	sdelay $0x3  }
0x94: {  	_ =	strace s3  }
0x95: {  	s3 =	sld [smem:$0x3FFD];
	_ =	sdelay $0x3  }
0x96: {  	_ =	strace s3  }
0x97: {  	_ =	strace $0x8FFFFFFF  }
0x98: {  	s19 =	sld [smem:$0x3FDB];
	_ =	sdelay $0x1  }
0x99: {  	s4 =	simm.s32 $_scs_section_size  }
0x9a: {  	s5 =	simm.s32 $_size__tile_overlayer_lowered;
	s6 =	simm.s32 $_tile_overlayer_lowered  }
0x9b: {  	s22 =	simm.s32 $0x1BFF;
	s21 =	sshll.u32 s6, $0x1;
	s3 =	sadd.s32 s4, s19  }
0x9c: {  	s7 =	simm.s32 $0x0;
	s20 =	sshll.u32 s5, $0x1;
	s5 =	sadd.s32 s21, s3  }
0x9d: {  	[timem:s7], [sflag:s22] =	dma.local [hbm:s5], s20  }
0x9e: {  	_ =	swait.ge [sflag:s22], s20  }
0x9f: {  	s4 =	ssub.s32 $0x0, s20;
	[sflag:s22] =	ssyncset.done $0x0  }
0xa0: {  	[sflag:s22] =	ssyncadd.s32 s4;
	_ =	sdelay $0x1  }
0xa1: {  	s23 =	simm.s32 $0x1B8B  }
0xa2: {  	_ =	swait.ge [sflag:s23], $0x1  }
0xa3: {  	[sflag:s23] =	ssyncset.done $0x0  }
0xa4: {  	s25 =	simm.s32 $0x1B8E;
	s24 =	sld [smem:$0x3FFE];
	[sflag:s23] =	ssyncadd.s32 $0xFFFFFFFF  }
0xa5: {  	s26 =	simm.s32 $execute0_lowered;
	[smem:$0x3FD2] =	sst s25  }
0xa6: {  	s5 =	sshll.u32 s26, $0x1;
	_ =	strace $0x80000049;
	[dreg:$0x1] =	wrdreg $0xFFFFFFFF  }
0xa7: {  	s28 =	simm.s32 $_size_execute0_lowered;
	s3 =	sadd.s32 s3, s5;
	[dreg:$0x0] =	wrdreg $0x0  }
0xa8: {  	s5 =	sshll.u32 s28, $0x1;
	[dreg:$0x2] =	wrdreg s3  }
0xa9: {  	[dreg:$0x3] =	wrdreg s5  }
0xaa: {  	[dreg:$0x4] =	wrdreg $0xC0  }
0xab: {  	_ =	task [dreg:s7], $0x5FFFF  }
0xac: {  	[dreg:$0x1] =	wrdreg $0xFFFFFFFF  }
0xad: {  	[dreg:$0x0] =	wrdreg $0x60  }
0xae: {  	[dreg:$0x2] =	wrdreg s2  }
0xaf: {  	[dreg:$0x3] =	wrdreg s24  }
0xb0: {  	[dreg:$0x4] =	wrdreg $0xDD000  }
0xb1: {  	[dreg:$0x5] =	wrdreg $0x9  }
0xb2: {  	_ =	task.clear_ibuf [dreg:s7], $0x6FFFF;
	_ =	strace $0x90000049  }
0xb3: {  	s29 =	simm.s32 $0x9;
	_ =	strace $0x8000004B  }
0xb4: {  	_ =	swait.ge [sflag:s29], $0x1  }
0xb5: {  	[sflag:s29] =	ssyncadd.s32 $0xFFFFFFFF  }
0xb6: {  	_ =	strace $0x9000004B  }
0xb7: {  	_ =	sfence  }
0xb8: {  	s30 =	sld [smem:$0x0];
	_ =	sdelay $0x2  }
0xb9: {  	s31 =	sshll.u32 s1, $0xD;
	s1 =	sshrl.u32 s1, $0x2  }
0xba: {  	s3 =	sand.u32 $0x4000, s31;
	s1 =	sadd.s32 s1, s30  }
0xbb: {  	s0 =	sor.u32 s3, s0;
	s1 =	sshll.u32 s1, $0x11  }
0xbc: {  	s0 =	sor.u32 s1, s0  }
0xbd: {  	s0 =	sadd.s32 $0x8F2B, s0  }
0xbe: {  	[sflag:s0] =	ssyncadd.remote.s32 $0x1  }
0xbf: {  	_ =	sfence.sel $0xFFFF  }
0xc0: {  	[dreg:$0x0] =	wrdreg $0xFFFFFFFF;
	(pc) =	sbr.abs _section_cstart, $3  }
0xc1: {  	[dreg:$0x1] =	wrdreg $0xFFFFFFFF  }
0xc2: {  	_ =	task.clear_ibuf [dreg:s7], $0x2FFFF;
	_ =	strace $0x9FFFFFFF  }
0xc3: {  	(tm) =	ssettm $0x7FFFFFFF  }
tec
execute0_lowered:
.L_overlay_start_1:
0x0: {  	(tag) =	ssettag $0x1  }
0x1: {  	s1 =	rddreg [dreg:$0x0]  }
0x2: {  	s0 =	srdreg.scid;
	s2 =	rddreg [dreg:$0x1]  }
0x3: {  	s7 =	stileid.u32;
	s3 =	rddreg [dreg:$0x2]  }
0x4: {  	s5 =	simm.s32 $0x0;
	s13 =	simm.s32 $0xCD00;
	s14 =	simm.s32 $0x9  }
0x5: {  	s16 =	simm.s32 $0x7D;
	s21 =	simm.s32 $0x6F40;
	s24 =	simm.s32 $0x7EE0  }
0x6: {  	s28 =	simm.s32 $0x8E80;
	s30 =	simm.s32 $0x9E20;
	s29 =	simm.s32 $0x5  }
0x7: {  	s31 =	simm.s32 $0x6;
	s15 =	simm.s32 $0x7;
	s6 =	smul.u32 $0x14000, s7  }
0x8: {  	s0 =	sand.u32 $0x1, s0;
	s4 =	sshll.u32 s7, $0x1;
	s7 =	smul.u32 $0x5000, s7  }
0x9: {  	[smem:$0x7FF] =	sst s5;
	s4 =	sor.u32 s0, s4;
	s17 =	smul.u32 $0xA000, s0  }
0xa: {  	_ =	strace $0x8000004A;
	s0 =	ssub.s32 $0x2, s0;
	s4 =	smul.u32 $0x500, s4  }
0xb: {  	s18 =	sshrl.u32 s0, $0x1;
	s6 =	sshrl.u32 s6, $0x2;
	s20 =	sshrl.u32 s7, $0x3  }
0xc: {  	s22 =	sadd.s32 s7, s3;
	s0 =	ssub.s32 s0, s18;
	s5 =	sadd.s32 s6, s3  }
0xd: {  	s18 =	simm.s32 $0xBD60;
	s6 =	simm.s32 $0x0;
	s4 =	sadd.s32 s4, s2  }
0xe: {  	s2 =	sadd.s32 s17, s2;
	s0 =	smax.u32 s0, $0x1;
	s25 =	sadd.s32 $0x1000, s5  }
0xf: {  	s26 =	sadd.s32 $0x2000, s5;
	s11 =	sadd.s32 $0x3000, s5;
	s12 =	sadd.s32 $0x4000, s5  }
0x10: {  	s17 =	simm.s32 $0x5000;
	s19 =	sadd.s32 $0xCA00, s4;
	[dreg:$0x6] =	wrdreg s0  }
0x11: {  	s4 =	sadd.s32 $0x2A00, s4;
	s2 =	sadd.s32 $0x16A00, s2;
	[dreg:$0x7] =	wrdreg s25  }
0x12: {  	[dreg:$0x8] =	wrdreg s26;
	s25 =	sshrl.u32 s22, $0x3;
	s22 =	simm.s32 $0x2  }
0x13: {  	s26 =	simm.s32 $0x3;
	s0 =	simm.s32 $0x4;
	[dreg:$0x4] =	wrdreg s19  }
0x14: {  	[dreg:$0x5] =	wrdreg s4;
	s19 =	simm.s32 $0x5FA0;
	s23 =	sadd.s32 s20, s2  }
0x15: {  	v0 =	vimm.f32 $0.0e+00;
	s2 =	simm.s32 $0xADC0;
	s20 =	simm.s32 $0x1;
	s4 =	simm.s32 $0x8  }
.LBB2_1:
0x16: {  	s8 =	simm.s32 $0x0  }
0x17: {  	s7 =	sand.u32 $0x3F80, s8  }
0x18: {  	s8 =	sand.u32 $0x10, s8;
	s9 =	sshrl.u32 s7, $0x2  }
0x19: {  	s7 =	simm.s32 $0x40;
	s9 =	sor.u32 s8, s9;
	s8 =	simm.s32 $0x0  }
.LBB2_2:
0x1a: {  	p0 =	sne.s32 s7, $0x3FC0  }
0x1b: {  	[tilespmem:s9+$0xCD00] =	vst v0;
	s8 =	sadd.s32 $0x10, s8;
	s9 =	smov.u32 s7;
	s7 =	sadd.s32 $0x40, s7  }
.Ltmp0:
0x1c: {  	(pc) =	sbr.rel @p0 .LBB2_2-.Ltmp0, $4  }
0x1d: {  	_ = 	snop  }
0x1e: {  	s9 =	sand.u32 $0x3F80, s9  }
0x1f: {  	s10 =	sand.u32 $0x10, s8;
	s9 =	sshrl.u32 s9, $0x2  }
0x20: {  	s9 =	sor.u32 s10, s9  }
0x21: {  	[tilespmem:s9+$0xCD00] =	vst v0  }
0x22: {  	[spmem:s5] =	stream.linear.scatter [tilespmem:s13], [sflag:$0x9], $0x1000, $0x38;
	[tilespmem:$0x12D00] =	vst v63  }
0x23: {  	_ =	swait.ge [sflag:s14], $0x1000  }
0x24: {  	[sflag:s14] =	ssyncset.done $0x0  }
0x25: {  	s7 =	rddreg [dreg:$0x7];
	[sflag:s14] =	ssyncadd.s32 $0xFFFFF000  }
0x26: {  	[spmem:s7] =	stream.linear.scatter [tilespmem:s13], [sflag:$0x9], $0x1000, $0x38;
	[tilespmem:$0x12D00] =	vst v63  }
0x27: {  	_ =	swait.ge [sflag:s14], $0x1000  }
0x28: {  	[sflag:s14] =	ssyncset.done $0x0  }
0x29: {  	s8 =	rddreg [dreg:$0x8];
	[sflag:s14] =	ssyncadd.s32 $0xFFFFF000  }
0x2a: {  	[spmem:s8] =	stream.linear.scatter [tilespmem:s13], [sflag:$0x9], $0x1000, $0x38;
	[tilespmem:$0x12D00] =	vst v63  }
0x2b: {  	_ =	swait.ge [sflag:s14], $0x1000  }
0x2c: {  	[sflag:s14] =	ssyncset.done $0x0  }
0x2d: {  	[sflag:s14] =	ssyncadd.s32 $0xFFFFF000  }
0x2e: {  	[spmem:s11] =	stream.linear.scatter [tilespmem:s13], [sflag:$0x9], $0x1000, $0x38;
	[tilespmem:$0x12D00] =	vst v63  }
0x2f: {  	_ =	swait.ge [sflag:s14], $0x1000  }
0x30: {  	[sflag:s14] =	ssyncset.done $0x0  }
0x31: {  	[sflag:s14] =	ssyncadd.s32 $0xFFFFF000  }
0x32: {  	[spmem:s12] =	stream.linear.scatter [tilespmem:s13], [sflag:$0x9], $0x1000, $0x38;
	[tilespmem:$0x12D00] =	vst v63  }
0x33: {  	_ =	swait.ge [sflag:s14], $0x1000  }
0x34: {  	[sflag:s14] =	ssyncset.done $0x0  }
0x35: {  	[sflag:s14] =	ssyncadd.s32 $0xFFFFF000  }
0x36: {  	[bflag:$0x0] =	sbarrier.arrive $0xFFFF  }
0x37: {  	s7 =	simm.s32 $0x0;
	s8 =	rddreg [dreg:$0x4]  }
0x38: {  	[tilespmem:s7], [sflag:$0x9] =	stream.linear.gather [hbm4b:s8+s7], $0x2800, $0x38;
	[tilespmem:$0x12D00] =	vst v63  }
0x39: {  	_ =	swait.ge [sflag:s14], $0x2800  }
0x3a: {  	[sflag:s14] =	ssyncset.done $0x0  }
0x3b: {  	s10 =	simm.s32 $0x2800;
	s9 =	rddreg [dreg:$0x5];
	[sflag:s14] =	ssyncadd.s32 $0xFFFFD800  }
0x3c: {  	[tilespmem:s10], [sflag:$0x9] =	stream.linear.gather [hbm4b:s9+s7], $0x2800, $0x38;
	[tilespmem:$0x12D00] =	vst v63  }
0x3d: {  	_ =	swait.ge [sflag:s14], $0x2800  }
0x3e: {  	[sflag:s14] =	ssyncset.done $0x0  }
0x3f: {  	[sflag:s14] =	ssyncadd.s32 $0xFFFFD800  }
0x40: {  	[tilespmem:s17], [sflag:$0x1] =	stream.indirect.gather [hbm4b:s1+s16], $0x20, s7, s16, $0xb8;
	[tilespmem:$0x12D00] =	vst v63  }
0x41: {  	s10 =	simm.s32 $0x80  }
0x42: {  	[tilespmem:s19], [sflag:$0x2] =	stream.indirect.gather [hbm4b:s1+s16], $0x20, s10, s16, $0xb8;
	[tilespmem:$0x12D00] =	vst v63  }
0x43: {  	s9 =	simm.s32 $0x100  }
0x44: {  	[tilespmem:s21], [sflag:$0x3] =	stream.indirect.gather [hbm4b:s1+s16], $0x20, s9, s16, $0xb8;
	[tilespmem:$0x12D00] =	vst v63  }
0x45: {  	s10 =	simm.s32 $0x180  }
0x46: {  	[tilespmem:s24], [sflag:$0x4] =	stream.indirect.gather [hbm4b:s1+s16], $0x20, s10, s16, $0xb8;
	[tilespmem:$0x12D00] =	vst v63  }
0x47: {  	s9 =	simm.s32 $0x200  }
0x48: {  	[tilespmem:s28], [sflag:$0x5] =	stream.indirect.gather [hbm4b:s1+s16], $0x20, s9, s16, $0xb8;
	[tilespmem:$0x12D00] =	vst v63  }
0x49: {  	s10 =	simm.s32 $0x280  }
0x4a: {  	[tilespmem:s30], [sflag:$0x6] =	stream.indirect.gather [hbm4b:s1+s16], $0x20, s10, s16, $0xb8;
	[tilespmem:$0x12D00] =	vst v63  }
0x4b: {  	s9 =	simm.s32 $0x300  }
0x4c: {  	[tilespmem:s2], [sflag:$0x7] =	stream.indirect.gather [hbm4b:s1+s16], $0x20, s9, s16, $0xb8;
	[tilespmem:$0x12D00] =	vst v63  }
0x4d: {  	s10 =	simm.s32 $0x380  }
0x4e: {  	[tilespmem:s18], [sflag:$0x8] =	stream.indirect.gather [hbm4b:s1+s16], $0x20, s10, s16, $0xb8;
	[tilespmem:$0x12D00] =	vst v63  }
0x4f: {  	_ =	swait.ge [sflag:s20], $0xFA0  }
0x50: {  	[sflag:s20] =	ssyncset.done $0x0  }
0x51: {  	s9 =	simm.s32 $0x2800;
	[sflag:s20] =	ssyncadd.s32 $0xFFFFF060  }
0x52: {  	[spmem:s3] =	stream.indirect.scatter.add.f32 [tilespmem:s17], [sflag:$0x9], $0x20, s9, s16, $0xb8;
	[tilespmem:$0x12D00] =	vst v63  }
0x53: {  	s10 =	smin.u32 s7, $0x47;
	_ =	swait.ge [sflag:s14], $0xFA0  }
0x54: {  	s8 =	sshll.u32 s10, $0x7;
	[sflag:s14] =	ssyncset.done $0x0  }
0x55: {  	s8 =	sadd.s32 $0x400, s8;
	[sflag:s14] =	ssyncadd.s32 $0xFFFFF060  }
0x56: {  	[tilespmem:s17], [sflag:$0x1] =	stream.indirect.gather [hbm4b:s1+s16], $0x20, s8, s16, $0xb8;
	[tilespmem:$0x12D00] =	vst v63  }
0x57: {  	_ =	swait.ge [sflag:s22], $0xFA0  }
0x58: {  	[sflag:s22] =	ssyncset.done $0x0  }
0x59: {  	s9 =	simm.s32 $0x2880;
	[sflag:s22] =	ssyncadd.s32 $0xFFFFF060  }
0x5a: {  	[spmem:s3] =	stream.indirect.scatter.add.f32 [tilespmem:s19], [sflag:$0x9], $0x20, s9, s16, $0xb8;
	[tilespmem:$0x12D00] =	vst v63  }
0x5b: {  	s10 =	smin.u32 s7, $0x46;
	_ =	swait.ge [sflag:s14], $0xFA0  }
0x5c: {  	s8 =	sshll.u32 s10, $0x7;
	[sflag:s14] =	ssyncset.done $0x0  }
0x5d: {  	s8 =	sadd.s32 $0x480, s8;
	[sflag:s14] =	ssyncadd.s32 $0xFFFFF060  }
0x5e: {  	[tilespmem:s19], [sflag:$0x2] =	stream.indirect.gather [hbm4b:s1+s16], $0x20, s8, s16, $0xb8;
	[tilespmem:$0x12D00] =	vst v63  }
0x5f: {  	_ =	swait.ge [sflag:s26], $0xFA0  }
0x60: {  	[sflag:s26] =	ssyncset.done $0x0  }
0x61: {  	s9 =	simm.s32 $0x2900;
	[sflag:s26] =	ssyncadd.s32 $0xFFFFF060  }
0x62: {  	[spmem:s3] =	stream.indirect.scatter.add.f32 [tilespmem:s21], [sflag:$0x9], $0x20, s9, s16, $0xb8;
	[tilespmem:$0x12D00] =	vst v63  }
0x63: {  	s10 =	smin.u32 s7, $0x45;
	_ =	swait.ge [sflag:s14], $0xFA0  }
0x64: {  	s8 =	sshll.u32 s10, $0x7;
	[sflag:s14] =	ssyncset.done $0x0  }
0x65: {  	s8 =	sadd.s32 $0x500, s8;
	[sflag:s14] =	ssyncadd.s32 $0xFFFFF060  }
0x66: {  	[tilespmem:s21], [sflag:$0x3] =	stream.indirect.gather [hbm4b:s1+s16], $0x20, s8, s16, $0xb8;
	[tilespmem:$0x12D00] =	vst v63  }
0x67: {  	_ =	swait.ge [sflag:s0], $0xFA0  }
0x68: {  	[sflag:s0] =	ssyncset.done $0x0  }
0x69: {  	s9 =	simm.s32 $0x2980;
	[sflag:s0] =	ssyncadd.s32 $0xFFFFF060  }
0x6a: {  	[spmem:s3] =	stream.indirect.scatter.add.f32 [tilespmem:s24], [sflag:$0x9], $0x20, s9, s16, $0xb8;
	[tilespmem:$0x12D00] =	vst v63  }
0x6b: {  	s10 =	smin.u32 s7, $0x44;
	_ =	swait.ge [sflag:s14], $0xFA0  }
0x6c: {  	s8 =	sshll.u32 s10, $0x7;
	[sflag:s14] =	ssyncset.done $0x0  }
0x6d: {  	s8 =	sadd.s32 $0x580, s8;
	[sflag:s14] =	ssyncadd.s32 $0xFFFFF060  }
0x6e: {  	[tilespmem:s24], [sflag:$0x4] =	stream.indirect.gather [hbm4b:s1+s16], $0x20, s8, s16, $0xb8;
	[tilespmem:$0x12D00] =	vst v63  }
0x6f: {  	_ =	swait.ge [sflag:s29], $0xFA0  }
0x70: {  	[sflag:s29] =	ssyncset.done $0x0  }
0x71: {  	s9 =	simm.s32 $0x2A00;
	[sflag:s29] =	ssyncadd.s32 $0xFFFFF060  }
0x72: {  	[spmem:s3] =	stream.indirect.scatter.add.f32 [tilespmem:s28], [sflag:$0x9], $0x20, s9, s16, $0xb8;
	[tilespmem:$0x12D00] =	vst v63  }
0x73: {  	s10 =	smin.u32 s7, $0x43;
	_ =	swait.ge [sflag:s14], $0xFA0  }
0x74: {  	s8 =	sshll.u32 s10, $0x7;
	[sflag:s14] =	ssyncset.done $0x0  }
0x75: {  	s8 =	sadd.s32 $0x600, s8;
	[sflag:s14] =	ssyncadd.s32 $0xFFFFF060  }
0x76: {  	[tilespmem:s28], [sflag:$0x5] =	stream.indirect.gather [hbm4b:s1+s16], $0x20, s8, s16, $0xb8;
	[tilespmem:$0x12D00] =	vst v63  }
0x77: {  	_ =	swait.ge [sflag:s31], $0xFA0  }
0x78: {  	[sflag:s31] =	ssyncset.done $0x0  }
0x79: {  	s9 =	simm.s32 $0x2A80;
	[sflag:s31] =	ssyncadd.s32 $0xFFFFF060  }
0x7a: {  	[spmem:s3] =	stream.indirect.scatter.add.f32 [tilespmem:s30], [sflag:$0x9], $0x20, s9, s16, $0xb8;
	[tilespmem:$0x12D00] =	vst v63  }
0x7b: {  	s10 =	smin.u32 s7, $0x42;
	_ =	swait.ge [sflag:s14], $0xFA0  }
0x7c: {  	s8 =	sshll.u32 s10, $0x7;
	[sflag:s14] =	ssyncset.done $0x0  }
0x7d: {  	s8 =	sadd.s32 $0x680, s8;
	[sflag:s14] =	ssyncadd.s32 $0xFFFFF060  }
0x7e: {  	[tilespmem:s30], [sflag:$0x6] =	stream.indirect.gather [hbm4b:s1+s16], $0x20, s8, s16, $0xb8;
	[tilespmem:$0x12D00] =	vst v63  }
0x7f: {  	_ =	swait.ge [sflag:s15], $0xFA0  }
0x80: {  	[sflag:s15] =	ssyncset.done $0x0  }
0x81: {  	s9 =	simm.s32 $0x2B00;
	[sflag:s15] =	ssyncadd.s32 $0xFFFFF060  }
0x82: {  	[spmem:s3] =	stream.indirect.scatter.add.f32 [tilespmem:s2], [sflag:$0x9], $0x20, s9, s16, $0xb8;
	[tilespmem:$0x12D00] =	vst v63  }
0x83: {  	s10 =	smin.u32 s7, $0x41;
	_ =	swait.ge [sflag:s14], $0xFA0  }
0x84: {  	s8 =	sshll.u32 s10, $0x7;
	[sflag:s14] =	ssyncset.done $0x0  }
0x85: {  	s8 =	sadd.s32 $0x700, s8;
	[sflag:s14] =	ssyncadd.s32 $0xFFFFF060  }
0x86: {  	[tilespmem:s2], [sflag:$0x7] =	stream.indirect.gather [hbm4b:s1+s16], $0x20, s8, s16, $0xb8;
	[tilespmem:$0x12D00] =	vst v63  }
0x87: {  	_ =	swait.ge [sflag:s4], $0xFA0  }
0x88: {  	[sflag:s4] =	ssyncset.done $0x0  }
0x89: {  	s9 =	simm.s32 $0x2B80;
	[sflag:s4] =	ssyncadd.s32 $0xFFFFF060  }
0x8a: {  	[spmem:s3] =	stream.indirect.scatter.add.f32 [tilespmem:s18], [sflag:$0x9], $0x20, s9, s16, $0xb8;
	[tilespmem:$0x12D00] =	vst v63  }
0x8b: {  	s10 =	smin.u32 s7, $0x40;
	_ =	swait.ge [sflag:s14], $0xFA0  }
0x8c: {  	s7 =	simm.s32 $0x1000;
	s8 =	sshll.u32 s10, $0x7;
	[sflag:s14] =	ssyncset.done $0x0  }
0x8d: {  	s9 =	sadd.s32 $0x780, s8;
	s8 =	simm.s32 $0x8;
	[sflag:s14] =	ssyncadd.s32 $0xFFFFF060  }
.LBB2_4:
0x8e: {  	[tilespmem:s18], [sflag:$0x8] =	stream.indirect.gather [hbm4b:s1+s16], $0x20, s9, s16, $0xb8;
	[tilespmem:$0x12D00] =	vst v63  }
0x8f: {  	s9 =	smov.u32 s7  }
0x90: {  	p0 =	sne.s32 s7, $0x9000;
	s7 =	sadd.s32 $0x1000, s7;
	_ =	swait.ge [sflag:s20], $0xFA0  }
0x91: {  	s9 =	sshra.s32 s9, $0x2;
	[sflag:s20] =	ssyncset.done $0x0  }
0x92: {  	s10 =	sadd.s32 $0x2800, s9;
	[sflag:s20] =	ssyncadd.s32 $0xFFFFF060  }
0x93: {  	[spmem:s3] =	stream.indirect.scatter.add.f32 [tilespmem:s17], [sflag:$0x9], $0x20, s10, s16, $0xb8;
	[tilespmem:$0x12D00] =	vst v63  }
0x94: {  	s10 =	smin.u32 s8, $0x47;
	_ =	swait.ge [sflag:s14], $0xFA0  }
0x95: {  	s10 =	sshll.u32 s10, $0x7;
	[sflag:s14] =	ssyncset.done $0x0  }
0x96: {  	s10 =	sadd.s32 $0x400, s10;
	[sflag:s14] =	ssyncadd.s32 $0xFFFFF060  }
0x97: {  	[tilespmem:s17], [sflag:$0x1] =	stream.indirect.gather [hbm4b:s1+s16], $0x20, s10, s16, $0xb8;
	[tilespmem:$0x12D00] =	vst v63  }
0x98: {  	_ =	swait.ge [sflag:s22], $0xFA0  }
0x99: {  	[sflag:s22] =	ssyncset.done $0x0  }
0x9a: {  	s10 =	sadd.s32 $0x2880, s9;
	[sflag:s22] =	ssyncadd.s32 $0xFFFFF060  }
0x9b: {  	[spmem:s3] =	stream.indirect.scatter.add.f32 [tilespmem:s19], [sflag:$0x9], $0x20, s10, s16, $0xb8;
	[tilespmem:$0x12D00] =	vst v63  }
0x9c: {  	s10 =	smin.u32 s8, $0x46;
	_ =	swait.ge [sflag:s14], $0xFA0  }
0x9d: {  	s10 =	sshll.u32 s10, $0x7;
	[sflag:s14] =	ssyncset.done $0x0  }
0x9e: {  	s10 =	sadd.s32 $0x480, s10;
	[sflag:s14] =	ssyncadd.s32 $0xFFFFF060  }
0x9f: {  	[tilespmem:s19], [sflag:$0x2] =	stream.indirect.gather [hbm4b:s1+s16], $0x20, s10, s16, $0xb8;
	[tilespmem:$0x12D00] =	vst v63  }
0xa0: {  	_ =	swait.ge [sflag:s26], $0xFA0  }
0xa1: {  	[sflag:s26] =	ssyncset.done $0x0  }
0xa2: {  	s10 =	sadd.s32 $0x2900, s9;
	[sflag:s26] =	ssyncadd.s32 $0xFFFFF060  }
0xa3: {  	[spmem:s3] =	stream.indirect.scatter.add.f32 [tilespmem:s21], [sflag:$0x9], $0x20, s10, s16, $0xb8;
	[tilespmem:$0x12D00] =	vst v63  }
0xa4: {  	s10 =	smin.u32 s8, $0x45;
	_ =	swait.ge [sflag:s14], $0xFA0  }
0xa5: {  	s10 =	sshll.u32 s10, $0x7;
	[sflag:s14] =	ssyncset.done $0x0  }
0xa6: {  	s10 =	sadd.s32 $0x500, s10;
	[sflag:s14] =	ssyncadd.s32 $0xFFFFF060  }
0xa7: {  	[tilespmem:s21], [sflag:$0x3] =	stream.indirect.gather [hbm4b:s1+s16], $0x20, s10, s16, $0xb8;
	[tilespmem:$0x12D00] =	vst v63  }
0xa8: {  	_ =	swait.ge [sflag:s0], $0xFA0  }
0xa9: {  	[sflag:s0] =	ssyncset.done $0x0  }
0xaa: {  	s10 =	sadd.s32 $0x2980, s9;
	[sflag:s0] =	ssyncadd.s32 $0xFFFFF060  }
0xab: {  	[spmem:s3] =	stream.indirect.scatter.add.f32 [tilespmem:s24], [sflag:$0x9], $0x20, s10, s16, $0xb8;
	[tilespmem:$0x12D00] =	vst v63  }
0xac: {  	s10 =	smin.u32 s8, $0x44;
	_ =	swait.ge [sflag:s14], $0xFA0  }
0xad: {  	s10 =	sshll.u32 s10, $0x7;
	[sflag:s14] =	ssyncset.done $0x0  }
0xae: {  	s10 =	sadd.s32 $0x580, s10;
	[sflag:s14] =	ssyncadd.s32 $0xFFFFF060  }
0xaf: {  	[tilespmem:s24], [sflag:$0x4] =	stream.indirect.gather [hbm4b:s1+s16], $0x20, s10, s16, $0xb8;
	[tilespmem:$0x12D00] =	vst v63  }
0xb0: {  	_ =	swait.ge [sflag:s29], $0xFA0  }
0xb1: {  	[sflag:s29] =	ssyncset.done $0x0  }
0xb2: {  	s10 =	sadd.s32 $0x2A00, s9;
	[sflag:s29] =	ssyncadd.s32 $0xFFFFF060  }
0xb3: {  	[spmem:s3] =	stream.indirect.scatter.add.f32 [tilespmem:s28], [sflag:$0x9], $0x20, s10, s16, $0xb8;
	[tilespmem:$0x12D00] =	vst v63  }
0xb4: {  	s10 =	smin.u32 s8, $0x43;
	_ =	swait.ge [sflag:s14], $0xFA0  }
0xb5: {  	s10 =	sshll.u32 s10, $0x7;
	[sflag:s14] =	ssyncset.done $0x0  }
0xb6: {  	s10 =	sadd.s32 $0x600, s10;
	[sflag:s14] =	ssyncadd.s32 $0xFFFFF060  }
0xb7: {  	[tilespmem:s28], [sflag:$0x5] =	stream.indirect.gather [hbm4b:s1+s16], $0x20, s10, s16, $0xb8;
	[tilespmem:$0x12D00] =	vst v63  }
0xb8: {  	_ =	swait.ge [sflag:s31], $0xFA0  }
0xb9: {  	[sflag:s31] =	ssyncset.done $0x0  }
0xba: {  	s10 =	sadd.s32 $0x2A80, s9;
	[sflag:s31] =	ssyncadd.s32 $0xFFFFF060  }
0xbb: {  	[spmem:s3] =	stream.indirect.scatter.add.f32 [tilespmem:s30], [sflag:$0x9], $0x20, s10, s16, $0xb8;
	[tilespmem:$0x12D00] =	vst v63  }
0xbc: {  	s10 =	smin.u32 s8, $0x42;
	_ =	swait.ge [sflag:s14], $0xFA0  }
0xbd: {  	s10 =	sshll.u32 s10, $0x7;
	[sflag:s14] =	ssyncset.done $0x0  }
0xbe: {  	s10 =	sadd.s32 $0x680, s10;
	[sflag:s14] =	ssyncadd.s32 $0xFFFFF060  }
0xbf: {  	[tilespmem:s30], [sflag:$0x6] =	stream.indirect.gather [hbm4b:s1+s16], $0x20, s10, s16, $0xb8;
	[tilespmem:$0x12D00] =	vst v63  }
0xc0: {  	_ =	swait.ge [sflag:s15], $0xFA0  }
0xc1: {  	[sflag:s15] =	ssyncset.done $0x0  }
0xc2: {  	s10 =	sadd.s32 $0x2B00, s9;
	[sflag:s15] =	ssyncadd.s32 $0xFFFFF060  }
0xc3: {  	[spmem:s3] =	stream.indirect.scatter.add.f32 [tilespmem:s2], [sflag:$0x9], $0x20, s10, s16, $0xb8;
	[tilespmem:$0x12D00] =	vst v63  }
0xc4: {  	s10 =	smin.u32 s8, $0x41;
	_ =	swait.ge [sflag:s14], $0xFA0  }
0xc5: {  	s10 =	sshll.u32 s10, $0x7;
	[sflag:s14] =	ssyncset.done $0x0  }
0xc6: {  	s10 =	sadd.s32 $0x700, s10;
	[sflag:s14] =	ssyncadd.s32 $0xFFFFF060  }
0xc7: {  	[tilespmem:s2], [sflag:$0x7] =	stream.indirect.gather [hbm4b:s1+s16], $0x20, s10, s16, $0xb8;
	[tilespmem:$0x12D00] =	vst v63  }
0xc8: {  	_ =	swait.ge [sflag:s4], $0xFA0  }
0xc9: {  	[sflag:s4] =	ssyncset.done $0x0  }
.Ltmp1:
0xca: {  	s9 =	sadd.s32 $0x2B80, s9;
	[sflag:s4] =	ssyncadd.s32 $0xFFFFF060;
	(pc) =	sbr.rel @p0 .LBB2_4-.Ltmp1, $4  }
0xcb: {  	[spmem:s3] =	stream.indirect.scatter.add.f32 [tilespmem:s18], [sflag:$0x9], $0x20, s9, s16, $0xb8;
	[tilespmem:$0x12D00] =	vst v63  }
0xcc: {  	s9 =	smin.u32 s8, $0x40;
	_ =	swait.ge [sflag:s14], $0xFA0  }
0xcd: {  	s9 =	sshll.u32 s9, $0x7;
	[sflag:s14] =	ssyncset.done $0x0  }
0xce: {  	s8 =	sadd.s32 $0x8, s8;
	s9 =	sadd.s32 $0x780, s9;
	[sflag:s14] =	ssyncadd.s32 $0xFFFFF060  }
0xcf: {  	[tilespmem:s18], [sflag:$0x8] =	stream.indirect.gather [hbm4b:s1+s16], $0x20, s9, s16, $0xb8;
	[tilespmem:$0x12D00] =	vst v63  }
0xd0: {  	_ =	swait.ge [sflag:s20], $0xFA0  }
0xd1: {  	[sflag:s20] =	ssyncset.done $0x0  }
0xd2: {  	[sflag:s20] =	ssyncadd.s32 $0xFFFFF060  }
0xd3: {  	_ =	swait.ge [sflag:s22], $0xFA0  }
0xd4: {  	[sflag:s22] =	ssyncset.done $0x0  }
0xd5: {  	[sflag:s22] =	ssyncadd.s32 $0xFFFFF060  }
0xd6: {  	_ =	swait.ge [sflag:s26], $0xFA0  }
0xd7: {  	[sflag:s26] =	ssyncset.done $0x0  }
0xd8: {  	[sflag:s26] =	ssyncadd.s32 $0xFFFFF060  }
0xd9: {  	_ =	swait.ge [sflag:s0], $0xFA0  }
0xda: {  	[sflag:s0] =	ssyncset.done $0x0  }
0xdb: {  	[sflag:s0] =	ssyncadd.s32 $0xFFFFF060  }
0xdc: {  	_ =	swait.ge [sflag:s29], $0xFA0  }
0xdd: {  	[sflag:s29] =	ssyncset.done $0x0  }
0xde: {  	[sflag:s29] =	ssyncadd.s32 $0xFFFFF060  }
0xdf: {  	_ =	swait.ge [sflag:s31], $0xFA0  }
0xe0: {  	[sflag:s31] =	ssyncset.done $0x0  }
0xe1: {  	[sflag:s31] =	ssyncadd.s32 $0xFFFFF060  }
0xe2: {  	_ =	swait.ge [sflag:s15], $0xFA0  }
0xe3: {  	[sflag:s15] =	ssyncset.done $0x0  }
0xe4: {  	[sflag:s15] =	ssyncadd.s32 $0xFFFFF060  }
0xe5: {  	_ =	swait.ge [sflag:s4], $0xFA0  }
0xe6: {  	s7 =	stileid.u32;
	[sflag:s4] =	ssyncset.done $0x0  }
0xe7: {  	s7 =	sshll.u32 s7, $0x6;
	[sflag:s4] =	ssyncadd.s32 $0xFFFFF060  }
0xe8: {  	s7 =	sor.u32 $0x1C09, s7;
	[bflag:$0x0] =	sbarrier.arrive $0xFFFF  }
0xe9: {  	[hbm:s23], [sflag:s7] =	dma.local [spmem:s25], $0xA00  }
0xea: {  	_ =	swait.ge [sflag:s14], $0xA00  }
0xeb: {  	s6 =	sadd.s32 $0x1, s6;
	s10 =	rddreg [dreg:$0x6]  }
0xec: {  	p0 =	sne.s32 s6, s10  }
.Ltmp2:
0xed: {  	_ = 	snop;
	(pc) =	sbr.rel @p0 .LBB2_1-.Ltmp2, $3  }
0xee: {  	_ =	sdelay $0x1  }
0xef: {  	[sflag:s14] =	ssyncset.done $0x0  }
0xf0: {  	[sflag:s14] =	ssyncadd.s32 $0xFFFFF600  }
0xf1: {  	_ =	sfence.sel $0x180000  }
0xf2: {  	[bflag:$0x0] =	sbarrier.arrive $0xFFFF  }
0xf3: {  	_ =	strace $0x9000004A  }
0xf4: {  	s0 =	stileid.u32;
	[bflag:$0x2] =	sbarrier.arrive $0xFFFF  }
0xf5: {  	p0 =	sne.s32 s0, $0x0;
	s0 =	rddreg [dreg:$0x3]  }
0xf6: {  	s0 =	sadd.s32 @!p0 $0x100000, s0  }
0xf7: {  	[sflag:s0] =	ssyncadd.tile.s32 @!p0 $0x1;
	_ =	shalt  }
.Lfunc_end2:
_tile_overlayer_lowered:
.L_overlay_start_2:
0xf8: {  	(tag) =	ssettag $0x2  }
0xf9: {  	s0 =	rddreg [dreg:$0x0];
	s2 =	stileid.u32  }
0xfa: {  	s1 =	rddreg [dreg:$0x1];
	p0 =	sne.s32 s2, $0x0  }
0xfb: {  	s3 =	rddreg [dreg:$0x2];
	[bflag:$0x3] =	sbarrier.arrive $0xFFFF;
	s2 =	simm.s32 @!p0 $0x1C09  }
0xfc: {  	[timem:s3], [sflag:s2] =	dma.local @!p0 [hbm:s0], s1  }
0xfd: {  	s0 =	simm.s32 @!p0 $0x9  }
0xfe: {  	_ =	swait.ge @!p0 [sflag:s0], s1  }
0xff: {  	s1 =	ssub.s32 @!p0 $0x0, s1;
	[sflag:s0] =	ssyncset.done @!p0 $0x0  }
0x100: {  	[sflag:s0] =	ssyncadd.s32 @!p0 s1  }
0x101: {  	[bflag:$0x3] =	sbarrier.arrive $0xFFFF  }
0x102: {  	_ =	shalt  }

// kernel: kernel.15.cloned.1.call-start
scs
__scs_entry_jumppad:
0x0: {  	(pc) =	sbr.rel $0x88, $3  }
0x1: {  	(tag) =	ssettag $0x0;
	lr =	simm.s32 $0x1  }
0x2: {  	[smem:$0x3F96] =	sst lr;
	_ =	strace $0xD0000000  }
0x3: {  	_ = 	snop  }
0x4: {  	_ = 	snop  }
0x5: {  	_ = 	snop  }
0x6: {  	_ = 	snop  }
0x7: {  	_ = 	snop  }
__scs_overlays_trampoline_lowered:
0x8: {  	[smem:$0x3FA5] =	sst s0  }
0x9: {  	[smem:$0x3FA6] =	sst s1  }
0xa: {  	[smem:$0x3FA7] =	sst s2  }
0xb: {  	[smem:$0x3FA8] =	sst s3  }
0xc: {  	[smem:$0x3FA9] =	sst s4  }
0xd: {  	[smem:$0x3FAA] =	sst s5  }
0xe: {  	[smem:$0x3FAB] =	sst s6  }
0xf: {  	[smem:$0x3FAC] =	sst s7  }
0x10: {  	[smem:$0x3FAD] =	sst s8  }
0x11: {  	[smem:$0x3FAE] =	sst s9;
	s0 =	simm.s32 @!p0 $0x0  }
0x12: {  	s1 =	sld [smem:$0x3F94];
	s0 =	simm.s32 @p0 $0x1  }
0x13: {  	[smem:$0x3FAF] =	sst s0;
	s0 =	simm.s32 @!p1 $0x0  }
0x14: {  	s2 =	sld [smem:$0x3F93];
	s0 =	simm.s32 @p1 $0x1  }
0x15: {  	[smem:$0x3FB0] =	sst s0;
	s0 =	simm.s32 @!p2 $0x0  }
0x16: {  	s3 =	sld [smem:$0x3FDB];
	s0 =	simm.s32 @p2 $0x1  }
0x17: {  	s4 =	simm.s32 $0x1BF5;
	[smem:$0x3FB2] =	sst s0  }
0x18: {  	s0 =	sld [smem:$0x3F95];
	_ =	swait.ge [sflag:s4], $0x0  }
0x19: {  	s7 =	sld [smem:$0x3F96]  }
0x1a: {  	s8 =	sadd.s32 $0xFFFFE003, lr  }
0x1b: {  	s9 =	sadd.s32 $0xFFFFFEF7, lr;
	s5 =	simm.s32 $0xFFFFFFFF;
	p2 =	slt.u32 s8, $0xFFFFF086  }
0x1c: {  	p1 =	slt.u32 s9, $0xF7A;
	s5 =	simm.s32 @!p2 $0x0  }
0x1d: {  	s5 =	simm.s32 @p1 $0x1;
	p0 =	seq.s32 s7, s2  }
0x1e: {  	s7 =	smul.u32 @!p0 $0xF7A, s2;
	p2 =	seq.s32 @!p0 s5, $0x0  }
0x1f: {  	s9 =	smul.u32 $0xF7A, s1;
	s8 =	simm.s32 @!p0 $0x1BF5;
	p2 =	por !p2, p0  }
0x20: {  	[sflag:s8] =	ssyncset.s32 @!p0 $0xFFFFF086;
	s6 =	sadd.s32 @!p0 s3, s7;
	s7 =	simm.s32 @!p0 $0x108  }
0x21: {  	s3 =	sadd.s32 s3, s9;
	s6 =	sadd.s32 @!p0 $0x88, s6;
	s7 =	simm.s32 @p2 $0x1082  }
0x22: {  	[simem:s7], [sflag:s8] =	dma.local @!p0 [hbm:s6], $0xF7A  }
0x23: {  	s9 =	sor.u32 $0xD0000000, s2;
	s6 =	simm.s32 $0x108;
	_ =	swait.ge @!p0 [sflag:s8], $0x0  }
0x24: {  	s3 =	sadd.s32 $0x88, s3;
	s6 =	simm.s32 @!p1 $0x1082;
	[sflag:s4] =	ssyncset.s32 $0xFFFFF086  }
0x25: {  	[simem:s6], [sflag:s4] =	dma.local [hbm:s3], $0xF7A  }
0x26: {  	[smem:$0x3F96] =	sst s1;
	(tag) =	ssettag s2;
	_ =	strace s9  }
0x27: {  	s1 =	sld [smem:$0x3FA6]  }
0x28: {  	s2 =	sld [smem:$0x3FA7]  }
0x29: {  	s4 =	sld [smem:$0x3FA9]  }
0x2a: {  	p0 =	seq.s32 s5, $0x0;
	s5 =	sld [smem:$0x3FAA]  }
0x2b: {  	s6 =	sld [smem:$0x3FAB]  }
0x2c: {  	s7 =	sld [smem:$0x3FAC]  }
0x2d: {  	s3 =	simm.s32 $0x108;
	s8 =	sld [smem:$0x3FAD]  }
0x2e: {  	s3 =	simm.s32 @!p0 $0x1082;
	s9 =	sld [smem:$0x3FAE]  }
0x2f: {  	lr =	sadd.s32 s0, s3;
	s0 =	sld [smem:$0x3FA5]  }
0x30: {  	s3 =	sld [smem:$0x3FA8]  }
0x31: {  	[smem:$0x3FB1] =	sst s10  }
0x32: {  	s10 =	sld [smem:$0x3FAF];
	_ =	sdelay $0x3  }
0x33: {  	p0 =	seq.s32 s10, $0x1;
	s10 =	sld [smem:$0x3FB1];
	_ =	sdelay $0x3  }
0x34: {  	[smem:$0x3FB1] =	sst s10  }
0x35: {  	s10 =	sld [smem:$0x3FB0];
	_ =	sdelay $0x3  }
0x36: {  	p1 =	seq.s32 s10, $0x1;
	s10 =	sld [smem:$0x3FB1];
	_ =	sdelay $0x3  }
0x37: {  	[smem:$0x3FB1] =	sst s10  }
0x38: {  	s10 =	sld [smem:$0x3FB2]  }
0x39: {  	_ = 	snop;
	(pc) =	sbr.ind lr, $3  }
0x3a: {  	_ = 	snop  }
0x3b: {  	_ = 	snop  }
0x3c: {  	p2 =	seq.s32 s10, $0x1;
	s10 =	sld [smem:$0x3FB1]  }
0x3d: {  	_ =	shalt  }
0x3e: {  	_ =	shalt  }
0x3f: {  	_ =	shalt  }
0x40: {  	_ =	shalt  }
0x41: {  	_ =	shalt  }
0x42: {  	_ =	shalt  }
0x43: {  	_ =	shalt  }
0x44: {  	_ =	shalt  }
0x45: {  	_ =	shalt  }
0x46: {  	_ =	shalt  }
0x47: {  	_ =	shalt  }
0x48: {  	_ =	shalt  }
0x49: {  	_ =	shalt  }
0x4a: {  	_ =	shalt  }
0x4b: {  	_ =	shalt  }
0x4c: {  	_ =	shalt  }
0x4d: {  	_ =	shalt  }
0x4e: {  	_ =	shalt  }
0x4f: {  	_ =	shalt  }
0x50: {  	_ =	shalt  }
0x51: {  	_ =	shalt  }
0x52: {  	_ =	shalt  }
0x53: {  	_ =	shalt  }
0x54: {  	_ =	shalt  }
0x55: {  	_ =	shalt  }
0x56: {  	_ =	shalt  }
0x57: {  	_ =	shalt  }
0x58: {  	_ =	shalt  }
0x59: {  	_ =	shalt  }
0x5a: {  	_ =	shalt  }
0x5b: {  	_ =	shalt  }
0x5c: {  	_ =	shalt  }
0x5d: {  	_ =	shalt  }
0x5e: {  	_ =	shalt  }
0x5f: {  	_ =	shalt  }
0x60: {  	_ =	shalt  }
0x61: {  	_ =	shalt  }
0x62: {  	_ =	shalt  }
0x63: {  	_ =	shalt  }
0x64: {  	_ =	shalt  }
0x65: {  	_ =	shalt  }
0x66: {  	_ =	shalt  }
0x67: {  	_ =	shalt  }
0x68: {  	_ =	shalt  }
0x69: {  	_ =	shalt  }
0x6a: {  	_ =	shalt  }
0x6b: {  	_ =	shalt  }
0x6c: {  	_ =	shalt  }
0x6d: {  	_ =	shalt  }
0x6e: {  	_ =	shalt  }
0x6f: {  	_ =	shalt  }
0x70: {  	_ =	shalt  }
0x71: {  	_ =	shalt  }
0x72: {  	_ =	shalt  }
0x73: {  	_ =	shalt  }
0x74: {  	_ =	shalt  }
0x75: {  	_ =	shalt  }
0x76: {  	_ =	shalt  }
0x77: {  	_ =	shalt  }
0x78: {  	_ =	shalt  }
0x79: {  	_ =	shalt  }
0x7a: {  	_ =	shalt  }
0x7b: {  	_ =	shalt  }
0x7c: {  	_ =	shalt  }
0x7d: {  	_ =	shalt  }
0x7e: {  	_ =	shalt  }
0x7f: {  	_ =	shalt  }
0x80: {  	_ =	shalt  }
0x81: {  	_ =	shalt  }
0x82: {  	_ =	shalt  }
0x83: {  	_ =	shalt  }
0x84: {  	_ =	shalt  }
0x85: {  	_ =	shalt  }
0x86: {  	_ =	shalt  }
0x87: {  	_ =	shalt  }
.Lfunc_end0:
.L_simem_size_0:
called_computation.2_lowered:
.L_overlay_start_0:
0x88: {  	s2 =	sld [smem:$0x3FD9]  }
0x89: {  	s3 =	sld [smem:$0x3FFE];
	_ =	sdelay $0x1  }
0x8a: {  	s1 =	srdreg.scid  }
0x8b: {  	s0 =	sand.u32 $0x1, s1  }
0x8c: {  	s17 =	sshll.u32 s0, $0xA;
	s2 =	sadd.s32 s3, s2  }
0x8d: {  	s2 =	sadd.s32 s2, s17  }
0x8e: {  	[smem:$0x3FBD] =	sst s2  }
0x8f: {  	_ = 	snop  }
0x90: {  	s2 =	sld [smem:$0x3FD0];
	(tm) =	ssettm $0x1  }
0x91: {  	s18 =	sld [smem:$0x3FFB];
	_ =	sdelay $0x3  }
0x92: {  	_ =	strace s18  }
0x93: {  	s3 =	sld [smem:$0x3FFC];
	_ =	sdelay $0x3  }
0x94: {  	_ =	strace s3  }
0x95: {  	s3 =	sld [smem:$0x3FFD];
	_ =	sdelay $0x3  }
0x96: {  	_ =	strace s3  }
0x97: {  	_ =	strace $0x8FFFFFFF  }
0x98: {  	s19 =	sld [smem:$0x3FDB];
	_ =	sdelay $0x1  }
0x99: {  	s4 =	simm.s32 $_scs_section_size  }
0x9a: {  	s5 =	simm.s32 $_size__tile_overlayer_lowered;
	s6 =	simm.s32 $_tile_overlayer_lowered  }
0x9b: {  	s22 =	simm.s32 $0x1BFF;
	s21 =	sshll.u32 s6, $0x1;
	s3 =	sadd.s32 s4, s19  }
0x9c: {  	s7 =	simm.s32 $0x0;
	s20 =	sshll.u32 s5, $0x1;
	s5 =	sadd.s32 s21, s3  }
0x9d: {  	[timem:s7], [sflag:s22] =	dma.local [hbm:s5], s20  }
0x9e: {  	_ =	swait.ge [sflag:s22], s20  }
0x9f: {  	s4 =	ssub.s32 $0x0, s20;
	[sflag:s22] =	ssyncset.done $0x0  }
0xa0: {  	[sflag:s22] =	ssyncadd.s32 s4;
	_ =	sdelay $0x1  }
0xa1: {  	s23 =	simm.s32 $0x1B8B  }
0xa2: {  	_ =	swait.ge [sflag:s23], $0x1  }
0xa3: {  	[sflag:s23] =	ssyncset.done $0x0  }
0xa4: {  	s25 =	simm.s32 $0x1B8E;
	s24 =	sld [smem:$0x3FFE];
	[sflag:s23] =	ssyncadd.s32 $0xFFFFFFFF  }
0xa5: {  	s26 =	simm.s32 $execute0_lowered;
	[smem:$0x3FD2] =	sst s25  }
0xa6: {  	s5 =	sshll.u32 s26, $0x1;
	_ =	strace $0x8000004C;
	[dreg:$0x1] =	wrdreg $0xFFFFFFFF  }
0xa7: {  	s28 =	simm.s32 $_size_execute0_lowered;
	s3 =	sadd.s32 s3, s5;
	[dreg:$0x0] =	wrdreg $0x0  }
0xa8: {  	s5 =	sshll.u32 s28, $0x1;
	[dreg:$0x2] =	wrdreg s3  }
0xa9: {  	[dreg:$0x3] =	wrdreg s5  }
0xaa: {  	[dreg:$0x4] =	wrdreg $0xC0  }
0xab: {  	_ =	task [dreg:s7], $0x5FFFF  }
0xac: {  	[dreg:$0x1] =	wrdreg $0xFFFFFFFF  }
0xad: {  	[dreg:$0x0] =	wrdreg $0x60  }
0xae: {  	[dreg:$0x2] =	wrdreg s2  }
0xaf: {  	[dreg:$0x3] =	wrdreg s24  }
0xb0: {  	[dreg:$0x4] =	wrdreg $0xDD000  }
0xb1: {  	[dreg:$0x5] =	wrdreg $0x9  }
0xb2: {  	_ =	task.clear_ibuf [dreg:s7], $0x6FFFF;
	_ =	strace $0x9000004C  }
0xb3: {  	s29 =	simm.s32 $0x9;
	_ =	strace $0x8000004E  }
0xb4: {  	_ =	swait.ge [sflag:s29], $0x1  }
0xb5: {  	[sflag:s29] =	ssyncadd.s32 $0xFFFFFFFF  }
0xb6: {  	_ =	strace $0x9000004E  }
0xb7: {  	_ =	sfence  }
0xb8: {  	s30 =	sld [smem:$0x0];
	_ =	sdelay $0x2  }
0xb9: {  	s31 =	sshll.u32 s1, $0xD;
	s1 =	sshrl.u32 s1, $0x2  }
0xba: {  	s3 =	sand.u32 $0x4000, s31;
	s1 =	sadd.s32 s1, s30  }
0xbb: {  	s0 =	sor.u32 s3, s0;
	s1 =	sshll.u32 s1, $0x11  }
0xbc: {  	s0 =	sor.u32 s1, s0  }
0xbd: {  	s0 =	sadd.s32 $0x8F2B, s0  }
0xbe: {  	[sflag:s0] =	ssyncadd.remote.s32 $0x1  }
0xbf: {  	_ =	sfence.sel $0xFFFF  }
0xc0: {  	[dreg:$0x0] =	wrdreg $0xFFFFFFFF;
	(pc) =	sbr.abs _section_cstart, $3  }
0xc1: {  	[dreg:$0x1] =	wrdreg $0xFFFFFFFF  }
0xc2: {  	_ =	task.clear_ibuf [dreg:s7], $0x2FFFF;
	_ =	strace $0x9FFFFFFF  }
0xc3: {  	(tm) =	ssettm $0x7FFFFFFF  }
tec
execute0_lowered:
.L_overlay_start_1:
0x0: {  	(tag) =	ssettag $0x1  }
0x1: {  	s1 =	rddreg [dreg:$0x0]  }
0x2: {  	s0 =	srdreg.scid;
	s2 =	rddreg [dreg:$0x1]  }
0x3: {  	s7 =	stileid.u32;
	s3 =	rddreg [dreg:$0x2]  }
0x4: {  	s5 =	simm.s32 $0x0;
	s13 =	simm.s32 $0xCD00;
	s14 =	simm.s32 $0x9  }
0x5: {  	s16 =	simm.s32 $0x7D;
	s21 =	simm.s32 $0x6F40;
	s24 =	simm.s32 $0x7EE0  }
0x6: {  	s28 =	simm.s32 $0x8E80;
	s30 =	simm.s32 $0x9E20;
	s29 =	simm.s32 $0x5  }
0x7: {  	s31 =	simm.s32 $0x6;
	s15 =	simm.s32 $0x7;
	s6 =	smul.u32 $0x14000, s7  }
0x8: {  	s0 =	sand.u32 $0x1, s0;
	s4 =	sshll.u32 s7, $0x1;
	s7 =	smul.u32 $0x5000, s7  }
0x9: {  	[smem:$0x7FF] =	sst s5;
	s4 =	sor.u32 s0, s4;
	s17 =	smul.u32 $0xA000, s0  }
0xa: {  	_ =	strace $0x8000004D;
	s0 =	ssub.s32 $0x2, s0;
	s4 =	smul.u32 $0x500, s4  }
0xb: {  	s18 =	sshrl.u32 s0, $0x1;
	s6 =	sshrl.u32 s6, $0x2;
	s20 =	sshrl.u32 s7, $0x3  }
0xc: {  	s22 =	sadd.s32 s7, s3;
	s0 =	ssub.s32 s0, s18;
	s5 =	sadd.s32 s6, s3  }
0xd: {  	s18 =	simm.s32 $0xBD60;
	s6 =	simm.s32 $0x0;
	s4 =	sadd.s32 s4, s2  }
0xe: {  	s2 =	sadd.s32 s17, s2;
	s0 =	smax.u32 s0, $0x1;
	s25 =	sadd.s32 $0x1000, s5  }
0xf: {  	s26 =	sadd.s32 $0x2000, s5;
	s11 =	sadd.s32 $0x3000, s5;
	s12 =	sadd.s32 $0x4000, s5  }
0x10: {  	s17 =	simm.s32 $0x5000;
	s19 =	sadd.s32 $0xCA00, s4;
	[dreg:$0x6] =	wrdreg s0  }
0x11: {  	s4 =	sadd.s32 $0x2A00, s4;
	s2 =	sadd.s32 $0x16A00, s2;
	[dreg:$0x7] =	wrdreg s25  }
0x12: {  	[dreg:$0x8] =	wrdreg s26;
	s25 =	sshrl.u32 s22, $0x3;
	s22 =	simm.s32 $0x2  }
0x13: {  	s26 =	simm.s32 $0x3;
	s0 =	simm.s32 $0x4;
	[dreg:$0x4] =	wrdreg s19  }
0x14: {  	[dreg:$0x5] =	wrdreg s4;
	s19 =	simm.s32 $0x5FA0;
	s23 =	sadd.s32 s20, s2  }
0x15: {  	v0 =	vimm.f32 $0.0e+00;
	s2 =	simm.s32 $0xADC0;
	s20 =	simm.s32 $0x1;
	s4 =	simm.s32 $0x8  }
.LBB2_1:
0x16: {  	s8 =	simm.s32 $0x0  }
0x17: {  	s7 =	sand.u32 $0x3F80, s8  }
0x18: {  	s8 =	sand.u32 $0x10, s8;
	s9 =	sshrl.u32 s7, $0x2  }
0x19: {  	s7 =	simm.s32 $0x40;
	s9 =	sor.u32 s8, s9;
	s8 =	simm.s32 $0x0  }
.LBB2_2:
0x1a: {  	p0 =	sne.s32 s7, $0x3FC0  }
0x1b: {  	[tilespmem:s9+$0xCD00] =	vst v0;
	s8 =	sadd.s32 $0x10, s8;
	s9 =	smov.u32 s7;
	s7 =	sadd.s32 $0x40, s7  }
.Ltmp0:
0x1c: {  	(pc) =	sbr.rel @p0 .LBB2_2-.Ltmp0, $4  }
0x1d: {  	_ = 	snop  }
0x1e: {  	s9 =	sand.u32 $0x3F80, s9  }
0x1f: {  	s10 =	sand.u32 $0x10, s8;
	s9 =	sshrl.u32 s9, $0x2  }
0x20: {  	s9 =	sor.u32 s10, s9  }
0x21: {  	[tilespmem:s9+$0xCD00] =	vst v0  }
0x22: {  	[spmem:s5] =	stream.linear.scatter [tilespmem:s13], [sflag:$0x9], $0x1000, $0x38;
	[tilespmem:$0x12D00] =	vst v63  }
0x23: {  	_ =	swait.ge [sflag:s14], $0x1000  }
0x24: {  	[sflag:s14] =	ssyncset.done $0x0  }
0x25: {  	s7 =	rddreg [dreg:$0x7];
	[sflag:s14] =	ssyncadd.s32 $0xFFFFF000  }
0x26: {  	[spmem:s7] =	stream.linear.scatter [tilespmem:s13], [sflag:$0x9], $0x1000, $0x38;
	[tilespmem:$0x12D00] =	vst v63  }
0x27: {  	_ =	swait.ge [sflag:s14], $0x1000  }
0x28: {  	[sflag:s14] =	ssyncset.done $0x0  }
0x29: {  	s8 =	rddreg [dreg:$0x8];
	[sflag:s14] =	ssyncadd.s32 $0xFFFFF000  }
0x2a: {  	[spmem:s8] =	stream.linear.scatter [tilespmem:s13], [sflag:$0x9], $0x1000, $0x38;
	[tilespmem:$0x12D00] =	vst v63  }
0x2b: {  	_ =	swait.ge [sflag:s14], $0x1000  }
0x2c: {  	[sflag:s14] =	ssyncset.done $0x0  }
0x2d: {  	[sflag:s14] =	ssyncadd.s32 $0xFFFFF000  }
0x2e: {  	[spmem:s11] =	stream.linear.scatter [tilespmem:s13], [sflag:$0x9], $0x1000, $0x38;
	[tilespmem:$0x12D00] =	vst v63  }
0x2f: {  	_ =	swait.ge [sflag:s14], $0x1000  }
0x30: {  	[sflag:s14] =	ssyncset.done $0x0  }
0x31: {  	[sflag:s14] =	ssyncadd.s32 $0xFFFFF000  }
0x32: {  	[spmem:s12] =	stream.linear.scatter [tilespmem:s13], [sflag:$0x9], $0x1000, $0x38;
	[tilespmem:$0x12D00] =	vst v63  }
0x33: {  	_ =	swait.ge [sflag:s14], $0x1000  }
0x34: {  	[sflag:s14] =	ssyncset.done $0x0  }
0x35: {  	[sflag:s14] =	ssyncadd.s32 $0xFFFFF000  }
0x36: {  	[bflag:$0x0] =	sbarrier.arrive $0xFFFF  }
0x37: {  	s7 =	simm.s32 $0x0;
	s8 =	rddreg [dreg:$0x4]  }
0x38: {  	[tilespmem:s7], [sflag:$0x9] =	stream.linear.gather [hbm4b:s8+s7], $0x2800, $0x38;
	[tilespmem:$0x12D00] =	vst v63  }
0x39: {  	_ =	swait.ge [sflag:s14], $0x2800  }
0x3a: {  	[sflag:s14] =	ssyncset.done $0x0  }
0x3b: {  	s10 =	simm.s32 $0x2800;
	s9 =	rddreg [dreg:$0x5];
	[sflag:s14] =	ssyncadd.s32 $0xFFFFD800  }
0x3c: {  	[tilespmem:s10], [sflag:$0x9] =	stream.linear.gather [hbm4b:s9+s7], $0x2800, $0x38;
	[tilespmem:$0x12D00] =	vst v63  }
0x3d: {  	_ =	swait.ge [sflag:s14], $0x2800  }
0x3e: {  	[sflag:s14] =	ssyncset.done $0x0  }
0x3f: {  	[sflag:s14] =	ssyncadd.s32 $0xFFFFD800  }
0x40: {  	[tilespmem:s17], [sflag:$0x1] =	stream.indirect.gather [hbm4b:s1+s16], $0x20, s7, s16, $0xb8;
	[tilespmem:$0x12D00] =	vst v63  }
0x41: {  	s10 =	simm.s32 $0x80  }
0x42: {  	[tilespmem:s19], [sflag:$0x2] =	stream.indirect.gather [hbm4b:s1+s16], $0x20, s10, s16, $0xb8;
	[tilespmem:$0x12D00] =	vst v63  }
0x43: {  	s9 =	simm.s32 $0x100  }
0x44: {  	[tilespmem:s21], [sflag:$0x3] =	stream.indirect.gather [hbm4b:s1+s16], $0x20, s9, s16, $0xb8;
	[tilespmem:$0x12D00] =	vst v63  }
0x45: {  	s10 =	simm.s32 $0x180  }
0x46: {  	[tilespmem:s24], [sflag:$0x4] =	stream.indirect.gather [hbm4b:s1+s16], $0x20, s10, s16, $0xb8;
	[tilespmem:$0x12D00] =	vst v63  }
0x47: {  	s9 =	simm.s32 $0x200  }
0x48: {  	[tilespmem:s28], [sflag:$0x5] =	stream.indirect.gather [hbm4b:s1+s16], $0x20, s9, s16, $0xb8;
	[tilespmem:$0x12D00] =	vst v63  }
0x49: {  	s10 =	simm.s32 $0x280  }
0x4a: {  	[tilespmem:s30], [sflag:$0x6] =	stream.indirect.gather [hbm4b:s1+s16], $0x20, s10, s16, $0xb8;
	[tilespmem:$0x12D00] =	vst v63  }
0x4b: {  	s9 =	simm.s32 $0x300  }
0x4c: {  	[tilespmem:s2], [sflag:$0x7] =	stream.indirect.gather [hbm4b:s1+s16], $0x20, s9, s16, $0xb8;
	[tilespmem:$0x12D00] =	vst v63  }
0x4d: {  	s10 =	simm.s32 $0x380  }
0x4e: {  	[tilespmem:s18], [sflag:$0x8] =	stream.indirect.gather [hbm4b:s1+s16], $0x20, s10, s16, $0xb8;
	[tilespmem:$0x12D00] =	vst v63  }
0x4f: {  	_ =	swait.ge [sflag:s20], $0xFA0  }
0x50: {  	[sflag:s20] =	ssyncset.done $0x0  }
0x51: {  	s9 =	simm.s32 $0x2800;
	[sflag:s20] =	ssyncadd.s32 $0xFFFFF060  }
0x52: {  	[spmem:s3] =	stream.indirect.scatter.add.f32 [tilespmem:s17], [sflag:$0x9], $0x20, s9, s16, $0xb8;
	[tilespmem:$0x12D00] =	vst v63  }
0x53: {  	s10 =	smin.u32 s7, $0x47;
	_ =	swait.ge [sflag:s14], $0xFA0  }
0x54: {  	s8 =	sshll.u32 s10, $0x7;
	[sflag:s14] =	ssyncset.done $0x0  }
0x55: {  	s8 =	sadd.s32 $0x400, s8;
	[sflag:s14] =	ssyncadd.s32 $0xFFFFF060  }
0x56: {  	[tilespmem:s17], [sflag:$0x1] =	stream.indirect.gather [hbm4b:s1+s16], $0x20, s8, s16, $0xb8;
	[tilespmem:$0x12D00] =	vst v63  }
0x57: {  	_ =	swait.ge [sflag:s22], $0xFA0  }
0x58: {  	[sflag:s22] =	ssyncset.done $0x0  }
0x59: {  	s9 =	simm.s32 $0x2880;
	[sflag:s22] =	ssyncadd.s32 $0xFFFFF060  }
0x5a: {  	[spmem:s3] =	stream.indirect.scatter.add.f32 [tilespmem:s19], [sflag:$0x9], $0x20, s9, s16, $0xb8;
	[tilespmem:$0x12D00] =	vst v63  }
0x5b: {  	s10 =	smin.u32 s7, $0x46;
	_ =	swait.ge [sflag:s14], $0xFA0  }
0x5c: {  	s8 =	sshll.u32 s10, $0x7;
	[sflag:s14] =	ssyncset.done $0x0  }
0x5d: {  	s8 =	sadd.s32 $0x480, s8;
	[sflag:s14] =	ssyncadd.s32 $0xFFFFF060  }
0x5e: {  	[tilespmem:s19], [sflag:$0x2] =	stream.indirect.gather [hbm4b:s1+s16], $0x20, s8, s16, $0xb8;
	[tilespmem:$0x12D00] =	vst v63  }
0x5f: {  	_ =	swait.ge [sflag:s26], $0xFA0  }
0x60: {  	[sflag:s26] =	ssyncset.done $0x0  }
0x61: {  	s9 =	simm.s32 $0x2900;
	[sflag:s26] =	ssyncadd.s32 $0xFFFFF060  }
0x62: {  	[spmem:s3] =	stream.indirect.scatter.add.f32 [tilespmem:s21], [sflag:$0x9], $0x20, s9, s16, $0xb8;
	[tilespmem:$0x12D00] =	vst v63  }
0x63: {  	s10 =	smin.u32 s7, $0x45;
	_ =	swait.ge [sflag:s14], $0xFA0  }
0x64: {  	s8 =	sshll.u32 s10, $0x7;
	[sflag:s14] =	ssyncset.done $0x0  }
0x65: {  	s8 =	sadd.s32 $0x500, s8;
	[sflag:s14] =	ssyncadd.s32 $0xFFFFF060  }
0x66: {  	[tilespmem:s21], [sflag:$0x3] =	stream.indirect.gather [hbm4b:s1+s16], $0x20, s8, s16, $0xb8;
	[tilespmem:$0x12D00] =	vst v63  }
0x67: {  	_ =	swait.ge [sflag:s0], $0xFA0  }
0x68: {  	[sflag:s0] =	ssyncset.done $0x0  }
0x69: {  	s9 =	simm.s32 $0x2980;
	[sflag:s0] =	ssyncadd.s32 $0xFFFFF060  }
0x6a: {  	[spmem:s3] =	stream.indirect.scatter.add.f32 [tilespmem:s24], [sflag:$0x9], $0x20, s9, s16, $0xb8;
	[tilespmem:$0x12D00] =	vst v63  }
0x6b: {  	s10 =	smin.u32 s7, $0x44;
	_ =	swait.ge [sflag:s14], $0xFA0  }
0x6c: {  	s8 =	sshll.u32 s10, $0x7;
	[sflag:s14] =	ssyncset.done $0x0  }
0x6d: {  	s8 =	sadd.s32 $0x580, s8;
	[sflag:s14] =	ssyncadd.s32 $0xFFFFF060  }
0x6e: {  	[tilespmem:s24], [sflag:$0x4] =	stream.indirect.gather [hbm4b:s1+s16], $0x20, s8, s16, $0xb8;
	[tilespmem:$0x12D00] =	vst v63  }
0x6f: {  	_ =	swait.ge [sflag:s29], $0xFA0  }
0x70: {  	[sflag:s29] =	ssyncset.done $0x0  }
0x71: {  	s9 =	simm.s32 $0x2A00;
	[sflag:s29] =	ssyncadd.s32 $0xFFFFF060  }
0x72: {  	[spmem:s3] =	stream.indirect.scatter.add.f32 [tilespmem:s28], [sflag:$0x9], $0x20, s9, s16, $0xb8;
	[tilespmem:$0x12D00] =	vst v63  }
0x73: {  	s10 =	smin.u32 s7, $0x43;
	_ =	swait.ge [sflag:s14], $0xFA0  }
0x74: {  	s8 =	sshll.u32 s10, $0x7;
	[sflag:s14] =	ssyncset.done $0x0  }
0x75: {  	s8 =	sadd.s32 $0x600, s8;
	[sflag:s14] =	ssyncadd.s32 $0xFFFFF060  }
0x76: {  	[tilespmem:s28], [sflag:$0x5] =	stream.indirect.gather [hbm4b:s1+s16], $0x20, s8, s16, $0xb8;
	[tilespmem:$0x12D00] =	vst v63  }
0x77: {  	_ =	swait.ge [sflag:s31], $0xFA0  }
0x78: {  	[sflag:s31] =	ssyncset.done $0x0  }
0x79: {  	s9 =	simm.s32 $0x2A80;
	[sflag:s31] =	ssyncadd.s32 $0xFFFFF060  }
0x7a: {  	[spmem:s3] =	stream.indirect.scatter.add.f32 [tilespmem:s30], [sflag:$0x9], $0x20, s9, s16, $0xb8;
	[tilespmem:$0x12D00] =	vst v63  }
0x7b: {  	s10 =	smin.u32 s7, $0x42;
	_ =	swait.ge [sflag:s14], $0xFA0  }
0x7c: {  	s8 =	sshll.u32 s10, $0x7;
	[sflag:s14] =	ssyncset.done $0x0  }
0x7d: {  	s8 =	sadd.s32 $0x680, s8;
	[sflag:s14] =	ssyncadd.s32 $0xFFFFF060  }
0x7e: {  	[tilespmem:s30], [sflag:$0x6] =	stream.indirect.gather [hbm4b:s1+s16], $0x20, s8, s16, $0xb8;
	[tilespmem:$0x12D00] =	vst v63  }
0x7f: {  	_ =	swait.ge [sflag:s15], $0xFA0  }
0x80: {  	[sflag:s15] =	ssyncset.done $0x0  }
0x81: {  	s9 =	simm.s32 $0x2B00;
	[sflag:s15] =	ssyncadd.s32 $0xFFFFF060  }
0x82: {  	[spmem:s3] =	stream.indirect.scatter.add.f32 [tilespmem:s2], [sflag:$0x9], $0x20, s9, s16, $0xb8;
	[tilespmem:$0x12D00] =	vst v63  }
0x83: {  	s10 =	smin.u32 s7, $0x41;
	_ =	swait.ge [sflag:s14], $0xFA0  }
0x84: {  	s8 =	sshll.u32 s10, $0x7;
	[sflag:s14] =	ssyncset.done $0x0  }
0x85: {  	s8 =	sadd.s32 $0x700, s8;
	[sflag:s14] =	ssyncadd.s32 $0xFFFFF060  }
0x86: {  	[tilespmem:s2], [sflag:$0x7] =	stream.indirect.gather [hbm4b:s1+s16], $0x20, s8, s16, $0xb8;
	[tilespmem:$0x12D00] =	vst v63  }
0x87: {  	_ =	swait.ge [sflag:s4], $0xFA0  }
0x88: {  	[sflag:s4] =	ssyncset.done $0x0  }
0x89: {  	s9 =	simm.s32 $0x2B80;
	[sflag:s4] =	ssyncadd.s32 $0xFFFFF060  }
0x8a: {  	[spmem:s3] =	stream.indirect.scatter.add.f32 [tilespmem:s18], [sflag:$0x9], $0x20, s9, s16, $0xb8;
	[tilespmem:$0x12D00] =	vst v63  }
0x8b: {  	s10 =	smin.u32 s7, $0x40;
	_ =	swait.ge [sflag:s14], $0xFA0  }
0x8c: {  	s7 =	simm.s32 $0x1000;
	s8 =	sshll.u32 s10, $0x7;
	[sflag:s14] =	ssyncset.done $0x0  }
0x8d: {  	s9 =	sadd.s32 $0x780, s8;
	s8 =	simm.s32 $0x8;
	[sflag:s14] =	ssyncadd.s32 $0xFFFFF060  }
.LBB2_4:
0x8e: {  	[tilespmem:s18], [sflag:$0x8] =	stream.indirect.gather [hbm4b:s1+s16], $0x20, s9, s16, $0xb8;
	[tilespmem:$0x12D00] =	vst v63  }
0x8f: {  	s9 =	smov.u32 s7  }
0x90: {  	p0 =	sne.s32 s7, $0x9000;
	s7 =	sadd.s32 $0x1000, s7;
	_ =	swait.ge [sflag:s20], $0xFA0  }
0x91: {  	s9 =	sshra.s32 s9, $0x2;
	[sflag:s20] =	ssyncset.done $0x0  }
0x92: {  	s10 =	sadd.s32 $0x2800, s9;
	[sflag:s20] =	ssyncadd.s32 $0xFFFFF060  }
0x93: {  	[spmem:s3] =	stream.indirect.scatter.add.f32 [tilespmem:s17], [sflag:$0x9], $0x20, s10, s16, $0xb8;
	[tilespmem:$0x12D00] =	vst v63  }
0x94: {  	s10 =	smin.u32 s8, $0x47;
	_ =	swait.ge [sflag:s14], $0xFA0  }
0x95: {  	s10 =	sshll.u32 s10, $0x7;
	[sflag:s14] =	ssyncset.done $0x0  }
0x96: {  	s10 =	sadd.s32 $0x400, s10;
	[sflag:s14] =	ssyncadd.s32 $0xFFFFF060  }
0x97: {  	[tilespmem:s17], [sflag:$0x1] =	stream.indirect.gather [hbm4b:s1+s16], $0x20, s10, s16, $0xb8;
	[tilespmem:$0x12D00] =	vst v63  }
0x98: {  	_ =	swait.ge [sflag:s22], $0xFA0  }
0x99: {  	[sflag:s22] =	ssyncset.done $0x0  }
0x9a: {  	s10 =	sadd.s32 $0x2880, s9;
	[sflag:s22] =	ssyncadd.s32 $0xFFFFF060  }
0x9b: {  	[spmem:s3] =	stream.indirect.scatter.add.f32 [tilespmem:s19], [sflag:$0x9], $0x20, s10, s16, $0xb8;
	[tilespmem:$0x12D00] =	vst v63  }
0x9c: {  	s10 =	smin.u32 s8, $0x46;
	_ =	swait.ge [sflag:s14], $0xFA0  }
0x9d: {  	s10 =	sshll.u32 s10, $0x7;
	[sflag:s14] =	ssyncset.done $0x0  }
0x9e: {  	s10 =	sadd.s32 $0x480, s10;
	[sflag:s14] =	ssyncadd.s32 $0xFFFFF060  }
0x9f: {  	[tilespmem:s19], [sflag:$0x2] =	stream.indirect.gather [hbm4b:s1+s16], $0x20, s10, s16, $0xb8;
	[tilespmem:$0x12D00] =	vst v63  }
0xa0: {  	_ =	swait.ge [sflag:s26], $0xFA0  }
0xa1: {  	[sflag:s26] =	ssyncset.done $0x0  }
0xa2: {  	s10 =	sadd.s32 $0x2900, s9;
	[sflag:s26] =	ssyncadd.s32 $0xFFFFF060  }
0xa3: {  	[spmem:s3] =	stream.indirect.scatter.add.f32 [tilespmem:s21], [sflag:$0x9], $0x20, s10, s16, $0xb8;
	[tilespmem:$0x12D00] =	vst v63  }
0xa4: {  	s10 =	smin.u32 s8, $0x45;
	_ =	swait.ge [sflag:s14], $0xFA0  }
0xa5: {  	s10 =	sshll.u32 s10, $0x7;
	[sflag:s14] =	ssyncset.done $0x0  }
0xa6: {  	s10 =	sadd.s32 $0x500, s10;
	[sflag:s14] =	ssyncadd.s32 $0xFFFFF060  }
0xa7: {  	[tilespmem:s21], [sflag:$0x3] =	stream.indirect.gather [hbm4b:s1+s16], $0x20, s10, s16, $0xb8;
	[tilespmem:$0x12D00] =	vst v63  }
0xa8: {  	_ =	swait.ge [sflag:s0], $0xFA0  }
0xa9: {  	[sflag:s0] =	ssyncset.done $0x0  }
0xaa: {  	s10 =	sadd.s32 $0x2980, s9;
	[sflag:s0] =	ssyncadd.s32 $0xFFFFF060  }
0xab: {  	[spmem:s3] =	stream.indirect.scatter.add.f32 [tilespmem:s24], [sflag:$0x9], $0x20, s10, s16, $0xb8;
	[tilespmem:$0x12D00] =	vst v63  }
0xac: {  	s10 =	smin.u32 s8, $0x44;
	_ =	swait.ge [sflag:s14], $0xFA0  }
0xad: {  	s10 =	sshll.u32 s10, $0x7;
	[sflag:s14] =	ssyncset.done $0x0  }
0xae: {  	s10 =	sadd.s32 $0x580, s10;
	[sflag:s14] =	ssyncadd.s32 $0xFFFFF060  }
0xaf: {  	[tilespmem:s24], [sflag:$0x4] =	stream.indirect.gather [hbm4b:s1+s16], $0x20, s10, s16, $0xb8;
	[tilespmem:$0x12D00] =	vst v63  }
0xb0: {  	_ =	swait.ge [sflag:s29], $0xFA0  }
0xb1: {  	[sflag:s29] =	ssyncset.done $0x0  }
0xb2: {  	s10 =	sadd.s32 $0x2A00, s9;
	[sflag:s29] =	ssyncadd.s32 $0xFFFFF060  }
0xb3: {  	[spmem:s3] =	stream.indirect.scatter.add.f32 [tilespmem:s28], [sflag:$0x9], $0x20, s10, s16, $0xb8;
	[tilespmem:$0x12D00] =	vst v63  }
0xb4: {  	s10 =	smin.u32 s8, $0x43;
	_ =	swait.ge [sflag:s14], $0xFA0  }
0xb5: {  	s10 =	sshll.u32 s10, $0x7;
	[sflag:s14] =	ssyncset.done $0x0  }
0xb6: {  	s10 =	sadd.s32 $0x600, s10;
	[sflag:s14] =	ssyncadd.s32 $0xFFFFF060  }
0xb7: {  	[tilespmem:s28], [sflag:$0x5] =	stream.indirect.gather [hbm4b:s1+s16], $0x20, s10, s16, $0xb8;
	[tilespmem:$0x12D00] =	vst v63  }
0xb8: {  	_ =	swait.ge [sflag:s31], $0xFA0  }
0xb9: {  	[sflag:s31] =	ssyncset.done $0x0  }
0xba: {  	s10 =	sadd.s32 $0x2A80, s9;
	[sflag:s31] =	ssyncadd.s32 $0xFFFFF060  }
0xbb: {  	[spmem:s3] =	stream.indirect.scatter.add.f32 [tilespmem:s30], [sflag:$0x9], $0x20, s10, s16, $0xb8;
	[tilespmem:$0x12D00] =	vst v63  }
0xbc: {  	s10 =	smin.u32 s8, $0x42;
	_ =	swait.ge [sflag:s14], $0xFA0  }
0xbd: {  	s10 =	sshll.u32 s10, $0x7;
	[sflag:s14] =	ssyncset.done $0x0  }
0xbe: {  	s10 =	sadd.s32 $0x680, s10;
	[sflag:s14] =	ssyncadd.s32 $0xFFFFF060  }
0xbf: {  	[tilespmem:s30], [sflag:$0x6] =	stream.indirect.gather [hbm4b:s1+s16], $0x20, s10, s16, $0xb8;
	[tilespmem:$0x12D00] =	vst v63  }
0xc0: {  	_ =	swait.ge [sflag:s15], $0xFA0  }
0xc1: {  	[sflag:s15] =	ssyncset.done $0x0  }
0xc2: {  	s10 =	sadd.s32 $0x2B00, s9;
	[sflag:s15] =	ssyncadd.s32 $0xFFFFF060  }
0xc3: {  	[spmem:s3] =	stream.indirect.scatter.add.f32 [tilespmem:s2], [sflag:$0x9], $0x20, s10, s16, $0xb8;
	[tilespmem:$0x12D00] =	vst v63  }
0xc4: {  	s10 =	smin.u32 s8, $0x41;
	_ =	swait.ge [sflag:s14], $0xFA0  }
0xc5: {  	s10 =	sshll.u32 s10, $0x7;
	[sflag:s14] =	ssyncset.done $0x0  }
0xc6: {  	s10 =	sadd.s32 $0x700, s10;
	[sflag:s14] =	ssyncadd.s32 $0xFFFFF060  }
0xc7: {  	[tilespmem:s2], [sflag:$0x7] =	stream.indirect.gather [hbm4b:s1+s16], $0x20, s10, s16, $0xb8;
	[tilespmem:$0x12D00] =	vst v63  }
0xc8: {  	_ =	swait.ge [sflag:s4], $0xFA0  }
0xc9: {  	[sflag:s4] =	ssyncset.done $0x0  }
.Ltmp1:
0xca: {  	s9 =	sadd.s32 $0x2B80, s9;
	[sflag:s4] =	ssyncadd.s32 $0xFFFFF060;
	(pc) =	sbr.rel @p0 .LBB2_4-.Ltmp1, $4  }
0xcb: {  	[spmem:s3] =	stream.indirect.scatter.add.f32 [tilespmem:s18], [sflag:$0x9], $0x20, s9, s16, $0xb8;
	[tilespmem:$0x12D00] =	vst v63  }
0xcc: {  	s9 =	smin.u32 s8, $0x40;
	_ =	swait.ge [sflag:s14], $0xFA0  }
0xcd: {  	s9 =	sshll.u32 s9, $0x7;
	[sflag:s14] =	ssyncset.done $0x0  }
0xce: {  	s8 =	sadd.s32 $0x8, s8;
	s9 =	sadd.s32 $0x780, s9;
	[sflag:s14] =	ssyncadd.s32 $0xFFFFF060  }
0xcf: {  	[tilespmem:s18], [sflag:$0x8] =	stream.indirect.gather [hbm4b:s1+s16], $0x20, s9, s16, $0xb8;
	[tilespmem:$0x12D00] =	vst v63  }
0xd0: {  	_ =	swait.ge [sflag:s20], $0xFA0  }
0xd1: {  	[sflag:s20] =	ssyncset.done $0x0  }
0xd2: {  	[sflag:s20] =	ssyncadd.s32 $0xFFFFF060  }
0xd3: {  	_ =	swait.ge [sflag:s22], $0xFA0  }
0xd4: {  	[sflag:s22] =	ssyncset.done $0x0  }
0xd5: {  	[sflag:s22] =	ssyncadd.s32 $0xFFFFF060  }
0xd6: {  	_ =	swait.ge [sflag:s26], $0xFA0  }
0xd7: {  	[sflag:s26] =	ssyncset.done $0x0  }
0xd8: {  	[sflag:s26] =	ssyncadd.s32 $0xFFFFF060  }
0xd9: {  	_ =	swait.ge [sflag:s0], $0xFA0  }
0xda: {  	[sflag:s0] =	ssyncset.done $0x0  }
0xdb: {  	[sflag:s0] =	ssyncadd.s32 $0xFFFFF060  }
0xdc: {  	_ =	swait.ge [sflag:s29], $0xFA0  }
0xdd: {  	[sflag:s29] =	ssyncset.done $0x0  }
0xde: {  	[sflag:s29] =	ssyncadd.s32 $0xFFFFF060  }
0xdf: {  	_ =	swait.ge [sflag:s31], $0xFA0  }
0xe0: {  	[sflag:s31] =	ssyncset.done $0x0  }
0xe1: {  	[sflag:s31] =	ssyncadd.s32 $0xFFFFF060  }
0xe2: {  	_ =	swait.ge [sflag:s15], $0xFA0  }
0xe3: {  	[sflag:s15] =	ssyncset.done $0x0  }
0xe4: {  	[sflag:s15] =	ssyncadd.s32 $0xFFFFF060  }
0xe5: {  	_ =	swait.ge [sflag:s4], $0xFA0  }
0xe6: {  	s7 =	stileid.u32;
	[sflag:s4] =	ssyncset.done $0x0  }
0xe7: {  	s7 =	sshll.u32 s7, $0x6;
	[sflag:s4] =	ssyncadd.s32 $0xFFFFF060  }
0xe8: {  	s7 =	sor.u32 $0x1C09, s7;
	[bflag:$0x0] =	sbarrier.arrive $0xFFFF  }
0xe9: {  	[hbm:s23], [sflag:s7] =	dma.local [spmem:s25], $0xA00  }
0xea: {  	_ =	swait.ge [sflag:s14], $0xA00  }
0xeb: {  	s6 =	sadd.s32 $0x1, s6;
	s10 =	rddreg [dreg:$0x6]  }
0xec: {  	p0 =	sne.s32 s6, s10  }
.Ltmp2:
0xed: {  	_ = 	snop;
	(pc) =	sbr.rel @p0 .LBB2_1-.Ltmp2, $3  }
0xee: {  	_ =	sdelay $0x1  }
0xef: {  	[sflag:s14] =	ssyncset.done $0x0  }
0xf0: {  	[sflag:s14] =	ssyncadd.s32 $0xFFFFF600  }
0xf1: {  	_ =	sfence.sel $0x180000  }
0xf2: {  	[bflag:$0x0] =	sbarrier.arrive $0xFFFF  }
0xf3: {  	_ =	strace $0x9000004D  }
0xf4: {  	s0 =	stileid.u32;
	[bflag:$0x2] =	sbarrier.arrive $0xFFFF  }
0xf5: {  	p0 =	sne.s32 s0, $0x0;
	s0 =	rddreg [dreg:$0x3]  }
0xf6: {  	s0 =	sadd.s32 @!p0 $0x100000, s0  }
0xf7: {  	[sflag:s0] =	ssyncadd.tile.s32 @!p0 $0x1;
	_ =	shalt  }
.Lfunc_end2:
_tile_overlayer_lowered:
.L_overlay_start_2:
0xf8: {  	(tag) =	ssettag $0x2  }
0xf9: {  	s0 =	rddreg [dreg:$0x0];
	s2 =	stileid.u32  }
0xfa: {  	s1 =	rddreg [dreg:$0x1];
	p0 =	sne.s32 s2, $0x0  }
0xfb: {  	s3 =	rddreg [dreg:$0x2];
	[bflag:$0x3] =	sbarrier.arrive $0xFFFF;
	s2 =	simm.s32 @!p0 $0x1C09  }
0xfc: {  	[timem:s3], [sflag:s2] =	dma.local @!p0 [hbm:s0], s1  }
0xfd: {  	s0 =	simm.s32 @!p0 $0x9  }
0xfe: {  	_ =	swait.ge @!p0 [sflag:s0], s1  }
0xff: {  	s1 =	ssub.s32 @!p0 $0x0, s1;
	[sflag:s0] =	ssyncset.done @!p0 $0x0  }
0x100: {  	[sflag:s0] =	ssyncadd.s32 @!p0 s1  }
0x101: {  	[bflag:$0x3] =	sbarrier.arrive $0xFFFF  }
0x102: {  	_ =	shalt  }

// kernel: kernel.9.cloned.1.call-start
scs
__scs_entry_jumppad:
0x0: {  	(pc) =	sbr.rel $0x88, $3  }
0x1: {  	(tag) =	ssettag $0x0;
	lr =	simm.s32 $0x1  }
0x2: {  	[smem:$0x3F96] =	sst lr;
	_ =	strace $0xD0000000  }
0x3: {  	_ = 	snop  }
0x4: {  	_ = 	snop  }
0x5: {  	_ = 	snop  }
0x6: {  	_ = 	snop  }
0x7: {  	_ = 	snop  }
__scs_overlays_trampoline_lowered:
0x8: {  	[smem:$0x3FA5] =	sst s0  }
0x9: {  	[smem:$0x3FA6] =	sst s1  }
0xa: {  	[smem:$0x3FA7] =	sst s2  }
0xb: {  	[smem:$0x3FA8] =	sst s3  }
0xc: {  	[smem:$0x3FA9] =	sst s4  }
0xd: {  	[smem:$0x3FAA] =	sst s5  }
0xe: {  	[smem:$0x3FAB] =	sst s6  }
0xf: {  	[smem:$0x3FAC] =	sst s7  }
0x10: {  	[smem:$0x3FAD] =	sst s8  }
0x11: {  	[smem:$0x3FAE] =	sst s9;
	s0 =	simm.s32 @!p0 $0x0  }
0x12: {  	s1 =	sld [smem:$0x3F94];
	s0 =	simm.s32 @p0 $0x1  }
0x13: {  	[smem:$0x3FAF] =	sst s0;
	s0 =	simm.s32 @!p1 $0x0  }
0x14: {  	s2 =	sld [smem:$0x3F93];
	s0 =	simm.s32 @p1 $0x1  }
0x15: {  	[smem:$0x3FB0] =	sst s0;
	s0 =	simm.s32 @!p2 $0x0  }
0x16: {  	s3 =	sld [smem:$0x3FDB];
	s0 =	simm.s32 @p2 $0x1  }
0x17: {  	s4 =	simm.s32 $0x1BF5;
	[smem:$0x3FB2] =	sst s0  }
0x18: {  	s0 =	sld [smem:$0x3F95];
	_ =	swait.ge [sflag:s4], $0x0  }
0x19: {  	s7 =	sld [smem:$0x3F96]  }
0x1a: {  	s8 =	sadd.s32 $0xFFFFE003, lr  }
0x1b: {  	s9 =	sadd.s32 $0xFFFFFEF7, lr;
	s5 =	simm.s32 $0xFFFFFFFF;
	p2 =	slt.u32 s8, $0xFFFFF086  }
0x1c: {  	p1 =	slt.u32 s9, $0xF7A;
	s5 =	simm.s32 @!p2 $0x0  }
0x1d: {  	s5 =	simm.s32 @p1 $0x1;
	p0 =	seq.s32 s7, s2  }
0x1e: {  	s7 =	smul.u32 @!p0 $0xF7A, s2;
	p2 =	seq.s32 @!p0 s5, $0x0  }
0x1f: {  	s9 =	smul.u32 $0xF7A, s1;
	s8 =	simm.s32 @!p0 $0x1BF5;
	p2 =	por !p2, p0  }
0x20: {  	[sflag:s8] =	ssyncset.s32 @!p0 $0xFFFFF086;
	s6 =	sadd.s32 @!p0 s3, s7;
	s7 =	simm.s32 @!p0 $0x108  }
0x21: {  	s3 =	sadd.s32 s3, s9;
	s6 =	sadd.s32 @!p0 $0x88, s6;
	s7 =	simm.s32 @p2 $0x1082  }
0x22: {  	[simem:s7], [sflag:s8] =	dma.local @!p0 [hbm:s6], $0xF7A  }
0x23: {  	s9 =	sor.u32 $0xD0000000, s2;
	s6 =	simm.s32 $0x108;
	_ =	swait.ge @!p0 [sflag:s8], $0x0  }
0x24: {  	s3 =	sadd.s32 $0x88, s3;
	s6 =	simm.s32 @!p1 $0x1082;
	[sflag:s4] =	ssyncset.s32 $0xFFFFF086  }
0x25: {  	[simem:s6], [sflag:s4] =	dma.local [hbm:s3], $0xF7A  }
0x26: {  	[smem:$0x3F96] =	sst s1;
	(tag) =	ssettag s2;
	_ =	strace s9  }
0x27: {  	s1 =	sld [smem:$0x3FA6]  }
0x28: {  	s2 =	sld [smem:$0x3FA7]  }
0x29: {  	s4 =	sld [smem:$0x3FA9]  }
0x2a: {  	p0 =	seq.s32 s5, $0x0;
	s5 =	sld [smem:$0x3FAA]  }
0x2b: {  	s6 =	sld [smem:$0x3FAB]  }
0x2c: {  	s7 =	sld [smem:$0x3FAC]  }
0x2d: {  	s3 =	simm.s32 $0x108;
	s8 =	sld [smem:$0x3FAD]  }
0x2e: {  	s3 =	simm.s32 @!p0 $0x1082;
	s9 =	sld [smem:$0x3FAE]  }
0x2f: {  	lr =	sadd.s32 s0, s3;
	s0 =	sld [smem:$0x3FA5]  }
0x30: {  	s3 =	sld [smem:$0x3FA8]  }
0x31: {  	[smem:$0x3FB1] =	sst s10  }
0x32: {  	s10 =	sld [smem:$0x3FAF];
	_ =	sdelay $0x3  }
0x33: {  	p0 =	seq.s32 s10, $0x1;
	s10 =	sld [smem:$0x3FB1];
	_ =	sdelay $0x3  }
0x34: {  	[smem:$0x3FB1] =	sst s10  }
0x35: {  	s10 =	sld [smem:$0x3FB0];
	_ =	sdelay $0x3  }
0x36: {  	p1 =	seq.s32 s10, $0x1;
	s10 =	sld [smem:$0x3FB1];
	_ =	sdelay $0x3  }
0x37: {  	[smem:$0x3FB1] =	sst s10  }
0x38: {  	s10 =	sld [smem:$0x3FB2]  }
0x39: {  	_ = 	snop;
	(pc) =	sbr.ind lr, $3  }
0x3a: {  	_ = 	snop  }
0x3b: {  	_ = 	snop  }
0x3c: {  	p2 =	seq.s32 s10, $0x1;
	s10 =	sld [smem:$0x3FB1]  }
0x3d: {  	_ =	shalt  }
0x3e: {  	_ =	shalt  }
0x3f: {  	_ =	shalt  }
0x40: {  	_ =	shalt  }
0x41: {  	_ =	shalt  }
0x42: {  	_ =	shalt  }
0x43: {  	_ =	shalt  }
0x44: {  	_ =	shalt  }
0x45: {  	_ =	shalt  }
0x46: {  	_ =	shalt  }
0x47: {  	_ =	shalt  }
0x48: {  	_ =	shalt  }
0x49: {  	_ =	shalt  }
0x4a: {  	_ =	shalt  }
0x4b: {  	_ =	shalt  }
0x4c: {  	_ =	shalt  }
0x4d: {  	_ =	shalt  }
0x4e: {  	_ =	shalt  }
0x4f: {  	_ =	shalt  }
0x50: {  	_ =	shalt  }
0x51: {  	_ =	shalt  }
0x52: {  	_ =	shalt  }
0x53: {  	_ =	shalt  }
0x54: {  	_ =	shalt  }
0x55: {  	_ =	shalt  }
0x56: {  	_ =	shalt  }
0x57: {  	_ =	shalt  }
0x58: {  	_ =	shalt  }
0x59: {  	_ =	shalt  }
0x5a: {  	_ =	shalt  }
0x5b: {  	_ =	shalt  }
0x5c: {  	_ =	shalt  }
0x5d: {  	_ =	shalt  }
0x5e: {  	_ =	shalt  }
0x5f: {  	_ =	shalt  }
0x60: {  	_ =	shalt  }
0x61: {  	_ =	shalt  }
0x62: {  	_ =	shalt  }
0x63: {  	_ =	shalt  }
0x64: {  	_ =	shalt  }
0x65: {  	_ =	shalt  }
0x66: {  	_ =	shalt  }
0x67: {  	_ =	shalt  }
0x68: {  	_ =	shalt  }
0x69: {  	_ =	shalt  }
0x6a: {  	_ =	shalt  }
0x6b: {  	_ =	shalt  }
0x6c: {  	_ =	shalt  }
0x6d: {  	_ =	shalt  }
0x6e: {  	_ =	shalt  }
0x6f: {  	_ =	shalt  }
0x70: {  	_ =	shalt  }
0x71: {  	_ =	shalt  }
0x72: {  	_ =	shalt  }
0x73: {  	_ =	shalt  }
0x74: {  	_ =	shalt  }
0x75: {  	_ =	shalt  }
0x76: {  	_ =	shalt  }
0x77: {  	_ =	shalt  }
0x78: {  	_ =	shalt  }
0x79: {  	_ =	shalt  }
0x7a: {  	_ =	shalt  }
0x7b: {  	_ =	shalt  }
0x7c: {  	_ =	shalt  }
0x7d: {  	_ =	shalt  }
0x7e: {  	_ =	shalt  }
0x7f: {  	_ =	shalt  }
0x80: {  	_ =	shalt  }
0x81: {  	_ =	shalt  }
0x82: {  	_ =	shalt  }
0x83: {  	_ =	shalt  }
0x84: {  	_ =	shalt  }
0x85: {  	_ =	shalt  }
0x86: {  	_ =	shalt  }
0x87: {  	_ =	shalt  }
.Lfunc_end0:
.L_simem_size_0:
called_computation_lowered:
.L_overlay_start_0:
0x88: {  	s2 =	sld [smem:$0x3FD9]  }
0x89: {  	s3 =	sld [smem:$0x3FFE];
	_ =	sdelay $0x1  }
0x8a: {  	s1 =	srdreg.scid  }
0x8b: {  	s0 =	sand.u32 $0x1, s1  }
0x8c: {  	s17 =	sshll.u32 s0, $0xA;
	s2 =	sadd.s32 s3, s2  }
0x8d: {  	s2 =	sadd.s32 s2, s17  }
0x8e: {  	[smem:$0x3FBD] =	sst s2  }
0x8f: {  	_ = 	snop  }
0x90: {  	s2 =	sld [smem:$0x3FD0];
	(tm) =	ssettm $0x1  }
0x91: {  	s18 =	sld [smem:$0x3FFB];
	_ =	sdelay $0x3  }
0x92: {  	_ =	strace s18  }
0x93: {  	s3 =	sld [smem:$0x3FFC];
	_ =	sdelay $0x3  }
0x94: {  	_ =	strace s3  }
0x95: {  	s3 =	sld [smem:$0x3FFD];
	_ =	sdelay $0x3  }
0x96: {  	_ =	strace s3  }
0x97: {  	_ =	strace $0x8FFFFFFF  }
0x98: {  	s19 =	sld [smem:$0x3FDB];
	_ =	sdelay $0x1  }
0x99: {  	s4 =	simm.s32 $_scs_section_size  }
0x9a: {  	s5 =	simm.s32 $_size__tile_overlayer_lowered;
	s6 =	simm.s32 $_tile_overlayer_lowered  }
0x9b: {  	s22 =	simm.s32 $0x1BFF;
	s21 =	sshll.u32 s6, $0x1;
	s3 =	sadd.s32 s4, s19  }
0x9c: {  	s7 =	simm.s32 $0x0;
	s20 =	sshll.u32 s5, $0x1;
	s5 =	sadd.s32 s21, s3  }
0x9d: {  	[timem:s7], [sflag:s22] =	dma.local [hbm:s5], s20  }
0x9e: {  	_ =	swait.ge [sflag:s22], s20  }
0x9f: {  	s4 =	ssub.s32 $0x0, s20;
	[sflag:s22] =	ssyncset.done $0x0  }
0xa0: {  	[sflag:s22] =	ssyncadd.s32 s4;
	_ =	sdelay $0x1  }
0xa1: {  	s23 =	simm.s32 $0x1B8B  }
0xa2: {  	_ =	swait.ge [sflag:s23], $0x1  }
0xa3: {  	[sflag:s23] =	ssyncset.done $0x0  }
0xa4: {  	s25 =	simm.s32 $0x1B8E;
	s24 =	sld [smem:$0x3FFE];
	[sflag:s23] =	ssyncadd.s32 $0xFFFFFFFF  }
0xa5: {  	s26 =	simm.s32 $execute0_lowered;
	[smem:$0x3FD2] =	sst s25  }
0xa6: {  	s5 =	sshll.u32 s26, $0x1;
	_ =	strace $0x80000046;
	[dreg:$0x1] =	wrdreg $0xFFFFFFFF  }
0xa7: {  	s28 =	simm.s32 $_size_execute0_lowered;
	s3 =	sadd.s32 s3, s5;
	[dreg:$0x0] =	wrdreg $0x0  }
0xa8: {  	s5 =	sshll.u32 s28, $0x1;
	[dreg:$0x2] =	wrdreg s3  }
0xa9: {  	[dreg:$0x3] =	wrdreg s5  }
0xaa: {  	[dreg:$0x4] =	wrdreg $0xC0  }
0xab: {  	_ =	task [dreg:s7], $0x5FFFF  }
0xac: {  	[dreg:$0x1] =	wrdreg $0xFFFFFFFF  }
0xad: {  	[dreg:$0x0] =	wrdreg $0x60  }
0xae: {  	[dreg:$0x2] =	wrdreg s24  }
0xaf: {  	[dreg:$0x3] =	wrdreg s2  }
0xb0: {  	[dreg:$0x4] =	wrdreg $0x10C400  }
0xb1: {  	[dreg:$0x5] =	wrdreg $0x1AF400  }
0xb2: {  	[dreg:$0x6] =	wrdreg $0x9  }
0xb3: {  	_ =	task.clear_ibuf [dreg:s7], $0x7FFFF;
	_ =	strace $0x90000046  }
0xb4: {  	s29 =	simm.s32 $0x9;
	_ =	strace $0x80000048  }
0xb5: {  	_ =	swait.ge [sflag:s29], $0x1  }
0xb6: {  	[sflag:s29] =	ssyncadd.s32 $0xFFFFFFFF  }
0xb7: {  	_ =	strace $0x90000048  }
0xb8: {  	_ =	sfence  }
0xb9: {  	s30 =	sld [smem:$0x0];
	_ =	sdelay $0x2  }
0xba: {  	s31 =	sshll.u32 s1, $0xD;
	s1 =	sshrl.u32 s1, $0x2  }
0xbb: {  	s3 =	sand.u32 $0x4000, s31;
	s1 =	sadd.s32 s1, s30  }
0xbc: {  	s0 =	sor.u32 s3, s0;
	s1 =	sshll.u32 s1, $0x11  }
0xbd: {  	s0 =	sor.u32 s1, s0  }
0xbe: {  	s0 =	sadd.s32 $0x8F2B, s0  }
0xbf: {  	[sflag:s0] =	ssyncadd.remote.s32 $0x1  }
0xc0: {  	_ =	sfence.sel $0xFFFF  }
0xc1: {  	[dreg:$0x0] =	wrdreg $0xFFFFFFFF;
	(pc) =	sbr.abs _section_cstart, $3  }
0xc2: {  	[dreg:$0x1] =	wrdreg $0xFFFFFFFF  }
0xc3: {  	_ =	task.clear_ibuf [dreg:s7], $0x2FFFF;
	_ =	strace $0x9FFFFFFF  }
0xc4: {  	(tm) =	ssettm $0x7FFFFFFF  }
0xc5: {  	_ =	shalt  }
tec
execute0_lowered:
.L_overlay_start_1:
0x0: {  	(tag) =	ssettag $0x1  }
0x1: {  	s0 =	rddreg [dreg:$0x0]  }
0x2: {  	s1 =	rddreg [dreg:$0x1]  }
0x3: {  	s2 =	rddreg [dreg:$0x2];
	s4 =	srdreg.scid  }
0x4: {  	s12 =	stileid.u32;
	s3 =	rddreg [dreg:$0x3];
	s6 =	simm.s32 $0x0  }
0x5: {  	s28 =	simm.s32 $0x8E80;
	s30 =	simm.s32 $0xADC0;
	s29 =	simm.s32 $0x4  }
0x6: {  	s31 =	simm.s32 $0x5;
	s4 =	sand.u32 $0x1, s4;
	s16 =	smul.u32 $0x28000, s12  }
0x7: {  	s5 =	sshll.u32 s12, $0x1;
	[smem:$0x7FF] =	sst s6;
	s11 =	smul.u32 $0x280, s12  }
0x8: {  	s12 =	smul.u32 $0xA000, s12;
	s5 =	sor.u32 s4, s5;
	_ =	strace $0x80000047  }
0x9: {  	s7 =	smul.u32 $0x14000, s4;
	s17 =	ssub.s32 $0x2, s4;
	p0 =	seq.s32 s4, $0x1  }
0xa: {  	s4 =	simm.s32 $0x4D80;
	s15 =	smul.u32 $0x500, s5;
	s5 =	sadd.s32 $0x3DC00, s0  }
0xb: {  	s10 =	sshrl.u32 s17, $0x1;
	s6 =	sshrl.u32 s16, $0x2;
	s19 =	sshrl.u32 s12, $0x3  }
0xc: {  	s12 =	sadd.s32 s12, s2;
	s20 =	sshrl.u32 s11, $0x3;
	s16 =	simm.s32 $0xEC40  }
0xd: {  	s9 =	sadd.s32 s7, s0;
	s10 =	ssub.s32 s17, s10;
	s6 =	sadd.s32 s6, s2  }
0xe: {  	s7 =	sadd.s32 s11, s3;
	s17 =	simm.s32 $0x6;
	s11 =	simm.s32 $0x4F80  }
0xf: {  	s8 =	sadd.s32 s15, s0;
	s0 =	sadd.s32 $0x51600, s0;
	s10 =	smax.u32 s10, $0x1  }
0x10: {  	s18 =	sadd.s32 $0x51C00, s9;
	s21 =	sadd.s32 $0x2000, s6;
	[dreg:$0x7] =	wrdreg s10  }
0x11: {  	s22 =	sadd.s32 $0x4000, s6;
	s23 =	sadd.s32 $0x6000, s6;
	[dreg:$0x8] =	wrdreg s21  }
0x12: {  	s24 =	sadd.s32 $0x8000, s6;
	s9 =	simm.s32 $0x4E80;
	[dreg:$0x9] =	wrdreg s22  }
0x13: {  	s13 =	sadd.s32 $0xCA00, s8;
	s8 =	sadd.s32 $0x2A00, s8;
	[dreg:$0xa] =	wrdreg s23  }
0x14: {  	s1 =	smov.u32 @p0 s0;
	[dreg:$0xb] =	wrdreg s24;
	s21 =	simm.s32 $0x5000  }
0x15: {  	s26 =	sadd.s32 s19, s18;
	s24 =	simm.s32 $0x6F40;
	s18 =	simm.s32 $0x1  }
0x16: {  	s19 =	simm.s32 $0x1AC40;
	s22 =	simm.s32 $0x2;
	[dreg:$0x5] =	wrdreg s13  }
0x17: {  	s0 =	simm.s32 $0x2780;
	s10 =	simm.s32 $0x4F00;
	[dreg:$0x6] =	wrdreg s8  }
0x18: {  	s25 =	sadd.s32 s1, s20;
	s20 =	simm.s32 $0x7D;
	[dreg:$0xd] =	wrdreg s26  }
0x19: {  	s1 =	simm.s32 $0xCD00;
	s26 =	simm.s32 $0x3;
	s8 =	simm.s32 $0x4E00  }
0x1a: {  	v0 =	vimm.f32 $0.0e+00;
	v1 =	vimm.f32 $1.000000000e+00;
	[dreg:$0xc] =	wrdreg s25;
	s25 =	sshrl.u32 s12, $0x3;
	s12 =	simm.s32 $0x0  }
.LBB2_1:
0x1b: {  	s14 =	simm.s32 $0x0  }
0x1c: {  	s13 =	sand.u32 $0x7F00, s14  }
0x1d: {  	s14 =	sand.u32 $0x30, s14;
	s15 =	sshrl.u32 s13, $0x2  }
0x1e: {  	s13 =	simm.s32 $0x40;
	s15 =	sor.u32 s14, s15;
	s14 =	simm.s32 $0x0  }
.LBB2_2:
0x1f: {  	p0 =	sne.s32 s13, $0x7FC0  }
0x20: {  	[tilespmem:s15+$0xEC40] =	vst v0;
	s14 =	sadd.s32 $0x10, s14;
	s15 =	smov.u32 s13;
	s13 =	sadd.s32 $0x40, s13  }
.Ltmp0:
0x21: {  	(pc) =	sbr.rel @p0 .LBB2_2-.Ltmp0, $4  }
0x22: {  	_ = 	snop  }
0x23: {  	s15 =	sand.u32 $0x7F00, s15  }
0x24: {  	s23 =	sand.u32 $0x30, s14;
	s15 =	sshrl.u32 s15, $0x2  }
0x25: {  	s15 =	sor.u32 s23, s15  }
0x26: {  	[tilespmem:s15+$0xEC40] =	vst v0  }
0x27: {  	[spmem:s6] =	stream.linear.scatter [tilespmem:s16], [sflag:$0x6], $0x2000, $0x38;
	[tilespmem:$0x1B1C0] =	vst v63  }
0x28: {  	_ =	swait.ge [sflag:s17], $0x2000  }
0x29: {  	[sflag:s17] =	ssyncset.done $0x0  }
0x2a: {  	s13 =	rddreg [dreg:$0x8];
	[sflag:s17] =	ssyncadd.s32 $0xFFFFE000  }
0x2b: {  	[spmem:s13] =	stream.linear.scatter [tilespmem:s16], [sflag:$0x6], $0x2000, $0x38;
	[tilespmem:$0x1B1C0] =	vst v63  }
0x2c: {  	_ =	swait.ge [sflag:s17], $0x2000  }
0x2d: {  	[sflag:s17] =	ssyncset.done $0x0  }
0x2e: {  	s14 =	rddreg [dreg:$0x9];
	[sflag:s17] =	ssyncadd.s32 $0xFFFFE000  }
0x2f: {  	[spmem:s14] =	stream.linear.scatter [tilespmem:s16], [sflag:$0x6], $0x2000, $0x38;
	[tilespmem:$0x1B1C0] =	vst v63  }
0x30: {  	_ =	swait.ge [sflag:s17], $0x2000  }
0x31: {  	[sflag:s17] =	ssyncset.done $0x0  }
0x32: {  	s15 =	rddreg [dreg:$0xa];
	[sflag:s17] =	ssyncadd.s32 $0xFFFFE000  }
0x33: {  	[spmem:s15] =	stream.linear.scatter [tilespmem:s16], [sflag:$0x6], $0x2000, $0x38;
	[tilespmem:$0x1B1C0] =	vst v63  }
0x34: {  	_ =	swait.ge [sflag:s17], $0x2000  }
0x35: {  	[sflag:s17] =	ssyncset.done $0x0  }
0x36: {  	s23 =	rddreg [dreg:$0xb];
	[sflag:s17] =	ssyncadd.s32 $0xFFFFE000  }
0x37: {  	[spmem:s23] =	stream.linear.scatter [tilespmem:s16], [sflag:$0x6], $0x2000, $0x38;
	[tilespmem:$0x1B1C0] =	vst v63  }
0x38: {  	_ =	swait.ge [sflag:s17], $0x2000  }
0x39: {  	[sflag:s17] =	ssyncset.done $0x0  }
0x3a: {  	[sflag:s17] =	ssyncadd.s32 $0xFFFFE000  }
0x3b: {  	[tilespmem:$0x1ACC0] =	vst v0  }
0x3c: {  	[tilespmem:$0x1ACD0] =	vst v0  }
0x3d: {  	[tilespmem:$0x1ACE0] =	vst v0  }
0x3e: {  	[tilespmem:$0x1ACF0] =	vst v0  }
0x3f: {  	[tilespmem:$0x1AD00] =	vst v0  }
0x40: {  	[tilespmem:$0x1AD10] =	vst v0  }
0x41: {  	[tilespmem:$0x1AD20] =	vst v0  }
0x42: {  	[tilespmem:$0x1AD30] =	vst v0  }
0x43: {  	[tilespmem:$0x1AD40] =	vst v0  }
0x44: {  	[tilespmem:$0x1AD50] =	vst v0  }
0x45: {  	[tilespmem:$0x1AD60] =	vst v0  }
0x46: {  	[tilespmem:$0x1AD70] =	vst v0  }
0x47: {  	[tilespmem:$0x1AD80] =	vst v0  }
0x48: {  	[tilespmem:$0x1AD90] =	vst v0  }
0x49: {  	[tilespmem:$0x1ADA0] =	vst v0  }
0x4a: {  	[tilespmem:$0x1ADB0] =	vst v0  }
0x4b: {  	[tilespmem:$0x1ADC0] =	vst v0  }
0x4c: {  	[tilespmem:$0x1ADD0] =	vst v0  }
0x4d: {  	[tilespmem:$0x1ADE0] =	vst v0  }
0x4e: {  	[tilespmem:$0x1ADF0] =	vst v0  }
0x4f: {  	[tilespmem:$0x1AE00] =	vst v0  }
0x50: {  	[tilespmem:$0x1AE10] =	vst v0  }
0x51: {  	[tilespmem:$0x1AE20] =	vst v0  }
0x52: {  	[tilespmem:$0x1AE30] =	vst v0  }
0x53: {  	[tilespmem:$0x1AE40] =	vst v0  }
0x54: {  	[tilespmem:$0x1AE50] =	vst v0  }
0x55: {  	[tilespmem:$0x1AE60] =	vst v0  }
0x56: {  	[tilespmem:$0x1AE70] =	vst v0  }
0x57: {  	[tilespmem:$0x1AE80] =	vst v0  }
0x58: {  	[tilespmem:$0x1AE90] =	vst v0  }
0x59: {  	[tilespmem:$0x1AEA0] =	vst v0  }
0x5a: {  	[tilespmem:$0x1AEB0] =	vst v0  }
0x5b: {  	[tilespmem:$0x1AEC0] =	vst v0  }
0x5c: {  	[tilespmem:$0x1AED0] =	vst v0  }
0x5d: {  	[tilespmem:$0x1AEE0] =	vst v0  }
0x5e: {  	[tilespmem:$0x1AEF0] =	vst v0  }
0x5f: {  	[tilespmem:$0x1AF00] =	vst v0  }
0x60: {  	[tilespmem:$0x1AF10] =	vst v0  }
0x61: {  	[tilespmem:$0x1AF20] =	vst v0  }
0x62: {  	s14 =	simm.s32 $0x1ACC0;
	[tilespmem:$0x1AF30] =	vst v0  }
0x63: {  	[spmem:s7] =	stream.linear.scatter [tilespmem:s14], [sflag:$0x6], $0x280, $0x38;
	[tilespmem:$0x1B1C0] =	vst v63  }
0x64: {  	_ =	swait.ge [sflag:s17], $0x280  }
0x65: {  	[sflag:s17] =	ssyncset.done $0x0  }
0x66: {  	[sflag:s17] =	ssyncadd.s32 $0xFFFFFD80  }
0x67: {  	[tilespmem:$0x1AC40] =	vst v1  }
0x68: {  	[tilespmem:$0x1AC50] =	vst v1  }
0x69: {  	[tilespmem:$0x1AC60] =	vst v1  }
0x6a: {  	[tilespmem:$0x1AC70] =	vst v1  }
0x6b: {  	[tilespmem:$0x1AC80] =	vst v1  }
0x6c: {  	[tilespmem:$0x1AC90] =	vst v1  }
0x6d: {  	[tilespmem:$0x1ACA0] =	vst v1  }
0x6e: {  	[tilespmem:$0x1ACAD] =	vst v1  }
0x6f: {  	[bflag:$0x0] =	sbarrier.arrive $0xFFFF  }
0x70: {  	s13 =	simm.s32 $0x0;
	s14 =	rddreg [dreg:$0x5]  }
0x71: {  	[tilespmem:s13], [sflag:$0x6] =	stream.linear.gather [hbm4b:s14+s13], $0x2800, $0x38;
	[tilespmem:$0x1B1C0] =	vst v63  }
0x72: {  	_ =	swait.ge [sflag:s17], $0x2800  }
0x73: {  	[sflag:s17] =	ssyncset.done $0x0  }
0x74: {  	s23 =	simm.s32 $0x2800;
	s15 =	rddreg [dreg:$0x6];
	[sflag:s17] =	ssyncadd.s32 $0xFFFFD800  }
0x75: {  	[tilespmem:s23], [sflag:$0x6] =	stream.linear.gather [hbm4b:s15+s13], $0x2800, $0x38;
	[tilespmem:$0x1B1C0] =	vst v63  }
0x76: {  	_ =	swait.ge [sflag:s17], $0x2800  }
0x77: {  	[sflag:s17] =	ssyncset.done $0x0  }
0x78: {  	[sflag:s17] =	ssyncadd.s32 $0xFFFFD800  }
0x79: {  	[tilespmem:s21], [sflag:$0x1] =	stream.indirect.gather [hbm4b:s5+s20], $0x40, s13, s20, $0xb8;
	[tilespmem:$0x1B1C0] =	vst v63  }
0x7a: {  	s23 =	simm.s32 $0x80  }
0x7b: {  	[tilespmem:s24], [sflag:$0x2] =	stream.indirect.gather [hbm4b:s5+s20], $0x40, s23, s20, $0xb8;
	[tilespmem:$0x1B1C0] =	vst v63  }
0x7c: {  	s14 =	simm.s32 $0x100  }
0x7d: {  	[tilespmem:s28], [sflag:$0x3] =	stream.indirect.gather [hbm4b:s5+s20], $0x40, s14, s20, $0xb8;
	[tilespmem:$0x1B1C0] =	vst v63  }
0x7e: {  	s15 =	simm.s32 $0x180  }
0x7f: {  	[tilespmem:s30], [sflag:$0x4] =	stream.indirect.gather [hbm4b:s5+s20], $0x40, s15, s20, $0xb8;
	[tilespmem:$0x1B1C0] =	vst v63  }
0x80: {  	s23 =	simm.s32 $0x200  }
0x81: {  	[tilespmem:s1], [sflag:$0x5] =	stream.indirect.gather [hbm4b:s5+s20], $0x40, s23, s20, $0xb8;
	[tilespmem:$0x1B1C0] =	vst v63  }
0x82: {  	_ =	swait.ge [sflag:s18], $0x1F40  }
0x83: {  	[sflag:s18] =	ssyncset.done $0x0  }
0x84: {  	s14 =	simm.s32 $0x2800;
	[sflag:s18] =	ssyncadd.s32 $0xFFFFE0C0  }
0x85: {  	[spmem:s2] =	stream.indirect.scatter.add.f32 [tilespmem:s21], [sflag:$0x6], $0x40, s14, s20, $0xb8;
	[tilespmem:$0x1B1C0] =	vst v63  }
0x86: {  	_ =	swait.ge [sflag:s17], $0x1F40  }
0x87: {  	[sflag:s17] =	ssyncset.done $0x0  }
0x88: {  	[sflag:s17] =	ssyncadd.s32 $0xFFFFE0C0  }
0x89: {  	[spmem:s3] =	stream.indirect.scatter.add.f32 [tilespmem:s19], [sflag:$0x6], $0x1, s14, s20, $0xb8;
	[tilespmem:$0x1B1C0] =	vst v63  }
0x8a: {  	_ =	swait.ge [sflag:s17], $0x7D  }
0x8b: {  	[sflag:s17] =	ssyncset.done $0x0  }
0x8c: {  	s15 =	simm.s32 $0x280;
	[sflag:s17] =	ssyncadd.s32 $0xFFFFFF83  }
0x8d: {  	[tilespmem:s21], [sflag:$0x1] =	stream.indirect.gather [hbm4b:s5+s20], $0x40, s15, s20, $0xb8;
	[tilespmem:$0x1B1C0] =	vst v63  }
0x8e: {  	_ =	swait.ge [sflag:s22], $0x1F40  }
0x8f: {  	[sflag:s22] =	ssyncset.done $0x0  }
0x90: {  	s23 =	simm.s32 $0x2880;
	[sflag:s22] =	ssyncadd.s32 $0xFFFFE0C0  }
0x91: {  	[spmem:s2] =	stream.indirect.scatter.add.f32 [tilespmem:s24], [sflag:$0x6], $0x40, s23, s20, $0xb8;
	[tilespmem:$0x1B1C0] =	vst v63  }
0x92: {  	_ =	swait.ge [sflag:s17], $0x1F40  }
0x93: {  	[sflag:s17] =	ssyncset.done $0x0  }
0x94: {  	[sflag:s17] =	ssyncadd.s32 $0xFFFFE0C0  }
0x95: {  	[spmem:s3] =	stream.indirect.scatter.add.f32 [tilespmem:s19], [sflag:$0x6], $0x1, s23, s20, $0xb8;
	[tilespmem:$0x1B1C0] =	vst v63  }
0x96: {  	_ =	swait.ge [sflag:s17], $0x7D  }
0x97: {  	[sflag:s17] =	ssyncset.done $0x0  }
0x98: {  	s14 =	simm.s32 $0x300;
	[sflag:s17] =	ssyncadd.s32 $0xFFFFFF83  }
0x99: {  	[tilespmem:s24], [sflag:$0x2] =	stream.indirect.gather [hbm4b:s5+s20], $0x40, s14, s20, $0xb8;
	[tilespmem:$0x1B1C0] =	vst v63  }
0x9a: {  	_ =	swait.ge [sflag:s26], $0x1F40  }
0x9b: {  	[sflag:s26] =	ssyncset.done $0x0  }
0x9c: {  	s15 =	simm.s32 $0x2900;
	[sflag:s26] =	ssyncadd.s32 $0xFFFFE0C0  }
0x9d: {  	[spmem:s2] =	stream.indirect.scatter.add.f32 [tilespmem:s28], [sflag:$0x6], $0x40, s15, s20, $0xb8;
	[tilespmem:$0x1B1C0] =	vst v63  }
0x9e: {  	_ =	swait.ge [sflag:s17], $0x1F40  }
0x9f: {  	[sflag:s17] =	ssyncset.done $0x0  }
0xa0: {  	[sflag:s17] =	ssyncadd.s32 $0xFFFFE0C0  }
0xa1: {  	[spmem:s3] =	stream.indirect.scatter.add.f32 [tilespmem:s19], [sflag:$0x6], $0x1, s15, s20, $0xb8;
	[tilespmem:$0x1B1C0] =	vst v63  }
0xa2: {  	_ =	swait.ge [sflag:s17], $0x7D  }
0xa3: {  	[sflag:s17] =	ssyncset.done $0x0  }
0xa4: {  	s23 =	simm.s32 $0x380;
	[sflag:s17] =	ssyncadd.s32 $0xFFFFFF83  }
0xa5: {  	[tilespmem:s28], [sflag:$0x3] =	stream.indirect.gather [hbm4b:s5+s20], $0x40, s23, s20, $0xb8;
	[tilespmem:$0x1B1C0] =	vst v63  }
0xa6: {  	_ =	swait.ge [sflag:s29], $0x1F40  }
0xa7: {  	[sflag:s29] =	ssyncset.done $0x0  }
0xa8: {  	s14 =	simm.s32 $0x2980;
	[sflag:s29] =	ssyncadd.s32 $0xFFFFE0C0  }
0xa9: {  	[spmem:s2] =	stream.indirect.scatter.add.f32 [tilespmem:s30], [sflag:$0x6], $0x40, s14, s20, $0xb8;
	[tilespmem:$0x1B1C0] =	vst v63  }
0xaa: {  	_ =	swait.ge [sflag:s17], $0x1F40  }
0xab: {  	[sflag:s17] =	ssyncset.done $0x0  }
0xac: {  	[sflag:s17] =	ssyncadd.s32 $0xFFFFE0C0  }
0xad: {  	[spmem:s3] =	stream.indirect.scatter.add.f32 [tilespmem:s19], [sflag:$0x6], $0x1, s14, s20, $0xb8;
	[tilespmem:$0x1B1C0] =	vst v63  }
0xae: {  	_ =	swait.ge [sflag:s17], $0x7D  }
0xaf: {  	[sflag:s17] =	ssyncset.done $0x0  }
0xb0: {  	s15 =	simm.s32 $0x400;
	[sflag:s17] =	ssyncadd.s32 $0xFFFFFF83  }
0xb1: {  	[tilespmem:s30], [sflag:$0x4] =	stream.indirect.gather [hbm4b:s5+s20], $0x40, s15, s20, $0xb8;
	[tilespmem:$0x1B1C0] =	vst v63  }
0xb2: {  	_ =	swait.ge [sflag:s31], $0x1F40  }
0xb3: {  	[sflag:s31] =	ssyncset.done $0x0  }
0xb4: {  	s23 =	simm.s32 $0x2A00;
	[sflag:s31] =	ssyncadd.s32 $0xFFFFE0C0  }
0xb5: {  	[spmem:s2] =	stream.indirect.scatter.add.f32 [tilespmem:s1], [sflag:$0x6], $0x40, s23, s20, $0xb8;
	[tilespmem:$0x1B1C0] =	vst v63  }
0xb6: {  	_ =	swait.ge [sflag:s17], $0x1F40  }
0xb7: {  	[sflag:s17] =	ssyncset.done $0x0  }
0xb8: {  	[sflag:s17] =	ssyncadd.s32 $0xFFFFE0C0  }
0xb9: {  	[spmem:s3] =	stream.indirect.scatter.add.f32 [tilespmem:s19], [sflag:$0x6], $0x1, s23, s20, $0xb8;
	[tilespmem:$0x1B1C0] =	vst v63  }
0xba: {  	_ =	swait.ge [sflag:s17], $0x7D  }
0xbb: {  	[sflag:s17] =	ssyncset.done $0x0  }
0xbc: {  	s13 =	simm.s32 $0xA00;
	s14 =	simm.s32 $0x480;
	[sflag:s17] =	ssyncadd.s32 $0xFFFFFF83  }
.LBB2_4:
0xbd: {  	[tilespmem:s1], [sflag:$0x5] =	stream.indirect.gather [hbm4b:s5+s20], $0x40, s14, s20, $0xb8;
	[tilespmem:$0x1B1C0] =	vst v63  }
0xbe: {  	s14 =	smov.u32 s13;
	s13 =	sadd.s32 $0xA00, s13;
	_ =	swait.ge [sflag:s18], $0x1F40  }
0xbf: {  	s14 =	sshra.s32 s14, $0x2;
	p0 =	sne.s32 s13, $0x8C00;
	[sflag:s18] =	ssyncset.done $0x0  }
0xc0: {  	s15 =	sadd.s32 $0x2800, s14;
	[sflag:s18] =	ssyncadd.s32 $0xFFFFE0C0  }
0xc1: {  	[spmem:s2] =	stream.indirect.scatter.add.f32 [tilespmem:s21], [sflag:$0x6], $0x40, s15, s20, $0xb8;
	[tilespmem:$0x1B1C0] =	vst v63  }
0xc2: {  	_ =	swait.ge [sflag:s17], $0x1F40  }
0xc3: {  	[sflag:s17] =	ssyncset.done $0x0  }
0xc4: {  	[sflag:s17] =	ssyncadd.s32 $0xFFFFE0C0  }
0xc5: {  	[spmem:s3] =	stream.indirect.scatter.add.f32 [tilespmem:s19], [sflag:$0x6], $0x1, s15, s20, $0xb8;
	[tilespmem:$0x1B1C0] =	vst v63  }
0xc6: {  	_ =	swait.ge [sflag:s17], $0x7D  }
0xc7: {  	[sflag:s17] =	ssyncset.done $0x0  }
0xc8: {  	s15 =	sadd.s32 $0x280, s14;
	[sflag:s17] =	ssyncadd.s32 $0xFFFFFF83  }
0xc9: {  	[tilespmem:s21], [sflag:$0x1] =	stream.indirect.gather [hbm4b:s5+s20], $0x40, s15, s20, $0xb8;
	[tilespmem:$0x1B1C0] =	vst v63  }
0xca: {  	_ =	swait.ge [sflag:s22], $0x1F40  }
0xcb: {  	[sflag:s22] =	ssyncset.done $0x0  }
0xcc: {  	s15 =	sadd.s32 $0x2880, s14;
	[sflag:s22] =	ssyncadd.s32 $0xFFFFE0C0  }
0xcd: {  	[spmem:s2] =	stream.indirect.scatter.add.f32 [tilespmem:s24], [sflag:$0x6], $0x40, s15, s20, $0xb8;
	[tilespmem:$0x1B1C0] =	vst v63  }
0xce: {  	_ =	swait.ge [sflag:s17], $0x1F40  }
0xcf: {  	[sflag:s17] =	ssyncset.done $0x0  }
0xd0: {  	[sflag:s17] =	ssyncadd.s32 $0xFFFFE0C0  }
0xd1: {  	[spmem:s3] =	stream.indirect.scatter.add.f32 [tilespmem:s19], [sflag:$0x6], $0x1, s15, s20, $0xb8;
	[tilespmem:$0x1B1C0] =	vst v63  }
0xd2: {  	_ =	swait.ge [sflag:s17], $0x7D  }
0xd3: {  	[sflag:s17] =	ssyncset.done $0x0  }
0xd4: {  	s15 =	sadd.s32 $0x300, s14;
	[sflag:s17] =	ssyncadd.s32 $0xFFFFFF83  }
0xd5: {  	[tilespmem:s24], [sflag:$0x2] =	stream.indirect.gather [hbm4b:s5+s20], $0x40, s15, s20, $0xb8;
	[tilespmem:$0x1B1C0] =	vst v63  }
0xd6: {  	_ =	swait.ge [sflag:s26], $0x1F40  }
0xd7: {  	[sflag:s26] =	ssyncset.done $0x0  }
0xd8: {  	s15 =	sadd.s32 $0x2900, s14;
	[sflag:s26] =	ssyncadd.s32 $0xFFFFE0C0  }
0xd9: {  	[spmem:s2] =	stream.indirect.scatter.add.f32 [tilespmem:s28], [sflag:$0x6], $0x40, s15, s20, $0xb8;
	[tilespmem:$0x1B1C0] =	vst v63  }
0xda: {  	_ =	swait.ge [sflag:s17], $0x1F40  }
0xdb: {  	[sflag:s17] =	ssyncset.done $0x0  }
0xdc: {  	[sflag:s17] =	ssyncadd.s32 $0xFFFFE0C0  }
0xdd: {  	[spmem:s3] =	stream.indirect.scatter.add.f32 [tilespmem:s19], [sflag:$0x6], $0x1, s15, s20, $0xb8;
	[tilespmem:$0x1B1C0] =	vst v63  }
0xde: {  	_ =	swait.ge [sflag:s17], $0x7D  }
0xdf: {  	[sflag:s17] =	ssyncset.done $0x0  }
0xe0: {  	s15 =	sadd.s32 $0x380, s14;
	[sflag:s17] =	ssyncadd.s32 $0xFFFFFF83  }
0xe1: {  	[tilespmem:s28], [sflag:$0x3] =	stream.indirect.gather [hbm4b:s5+s20], $0x40, s15, s20, $0xb8;
	[tilespmem:$0x1B1C0] =	vst v63  }
0xe2: {  	_ =	swait.ge [sflag:s29], $0x1F40  }
0xe3: {  	[sflag:s29] =	ssyncset.done $0x0  }
0xe4: {  	s15 =	sadd.s32 $0x2980, s14;
	[sflag:s29] =	ssyncadd.s32 $0xFFFFE0C0  }
0xe5: {  	[spmem:s2] =	stream.indirect.scatter.add.f32 [tilespmem:s30], [sflag:$0x6], $0x40, s15, s20, $0xb8;
	[tilespmem:$0x1B1C0] =	vst v63  }
0xe6: {  	_ =	swait.ge [sflag:s17], $0x1F40  }
0xe7: {  	[sflag:s17] =	ssyncset.done $0x0  }
0xe8: {  	[sflag:s17] =	ssyncadd.s32 $0xFFFFE0C0  }
0xe9: {  	[spmem:s3] =	stream.indirect.scatter.add.f32 [tilespmem:s19], [sflag:$0x6], $0x1, s15, s20, $0xb8;
	[tilespmem:$0x1B1C0] =	vst v63  }
0xea: {  	_ =	swait.ge [sflag:s17], $0x7D  }
0xeb: {  	[sflag:s17] =	ssyncset.done $0x0  }
0xec: {  	s15 =	sadd.s32 $0x400, s14;
	[sflag:s17] =	ssyncadd.s32 $0xFFFFFF83  }
0xed: {  	[tilespmem:s30], [sflag:$0x4] =	stream.indirect.gather [hbm4b:s5+s20], $0x40, s15, s20, $0xb8;
	[tilespmem:$0x1B1C0] =	vst v63  }
0xee: {  	_ =	swait.ge [sflag:s31], $0x1F40  }
0xef: {  	[sflag:s31] =	ssyncset.done $0x0  }
0xf0: {  	s15 =	sadd.s32 $0x2A00, s14;
	[sflag:s31] =	ssyncadd.s32 $0xFFFFE0C0  }
0xf1: {  	[spmem:s2] =	stream.indirect.scatter.add.f32 [tilespmem:s1], [sflag:$0x6], $0x40, s15, s20, $0xb8;
	[tilespmem:$0x1B1C0] =	vst v63  }
0xf2: {  	_ =	swait.ge [sflag:s17], $0x1F40  }
0xf3: {  	[sflag:s17] =	ssyncset.done $0x0  }
.Ltmp1:
0xf4: {  	[sflag:s17] =	ssyncadd.s32 $0xFFFFE0C0;
	(pc) =	sbr.rel @p0 .LBB2_4-.Ltmp1, $4  }
0xf5: {  	[spmem:s3] =	stream.indirect.scatter.add.f32 [tilespmem:s19], [sflag:$0x6], $0x1, s15, s20, $0xb8;
	[tilespmem:$0x1B1C0] =	vst v63  }
0xf6: {  	_ =	swait.ge [sflag:s17], $0x7D  }
0xf7: {  	[sflag:s17] =	ssyncset.done $0x0  }
0xf8: {  	s14 =	sadd.s32 $0x480, s14;
	[sflag:s17] =	ssyncadd.s32 $0xFFFFFF83  }
0xf9: {  	[tilespmem:s1], [sflag:$0x5] =	stream.indirect.gather [hbm4b:s5+s20], $0x40, s14, s20, $0xb8;
	[tilespmem:$0x1B1C0] =	vst v63  }
0xfa: {  	_ =	swait.ge [sflag:s18], $0x1F40  }
0xfb: {  	s13 =	sshra.s32 s13, $0x2;
	[sflag:s18] =	ssyncset.done $0x0  }
0xfc: {  	s15 =	sadd.s32 $0x2800, s13;
	[sflag:s18] =	ssyncadd.s32 $0xFFFFE0C0  }
0xfd: {  	[spmem:s2] =	stream.indirect.scatter.add.f32 [tilespmem:s21], [sflag:$0x6], $0x40, s15, s20, $0xb8;
	[tilespmem:$0x1B1C0] =	vst v63  }
0xfe: {  	_ =	swait.ge [sflag:s17], $0x1F40  }
0xff: {  	[sflag:s17] =	ssyncset.done $0x0  }
0x100: {  	[sflag:s17] =	ssyncadd.s32 $0xFFFFE0C0  }
0x101: {  	[spmem:s3] =	stream.indirect.scatter.add.f32 [tilespmem:s19], [sflag:$0x6], $0x1, s15, s20, $0xb8;
	[tilespmem:$0x1B1C0] =	vst v63  }
0x102: {  	_ =	swait.ge [sflag:s17], $0x7D  }
0x103: {  	[sflag:s17] =	ssyncset.done $0x0  }
0x104: {  	s23 =	simm.s32 $0x2580;
	[sflag:s17] =	ssyncadd.s32 $0xFFFFFF83  }
0x105: {  	[tilespmem:s21], [sflag:$0x1] =	stream.indirect.gather [hbm4b:s5+s20], $0x40, s23, s20, $0xb8;
	[tilespmem:$0x1B1C0] =	vst v63  }
0x106: {  	_ =	swait.ge [sflag:s22], $0x1F40  }
0x107: {  	[sflag:s22] =	ssyncset.done $0x0  }
0x108: {  	s15 =	sadd.s32 $0x2880, s13;
	[sflag:s22] =	ssyncadd.s32 $0xFFFFE0C0  }
0x109: {  	[spmem:s2] =	stream.indirect.scatter.add.f32 [tilespmem:s24], [sflag:$0x6], $0x40, s15, s20, $0xb8;
	[tilespmem:$0x1B1C0] =	vst v63  }
0x10a: {  	_ =	swait.ge [sflag:s17], $0x1F40  }
0x10b: {  	[sflag:s17] =	ssyncset.done $0x0  }
0x10c: {  	[sflag:s17] =	ssyncadd.s32 $0xFFFFE0C0  }
0x10d: {  	[spmem:s3] =	stream.indirect.scatter.add.f32 [tilespmem:s19], [sflag:$0x6], $0x1, s15, s20, $0xb8;
	[tilespmem:$0x1B1C0] =	vst v63  }
0x10e: {  	_ =	swait.ge [sflag:s17], $0x7D  }
0x10f: {  	[sflag:s17] =	ssyncset.done $0x0  }
0x110: {  	s23 =	simm.s32 $0x2600;
	[sflag:s17] =	ssyncadd.s32 $0xFFFFFF83  }
0x111: {  	[tilespmem:s24], [sflag:$0x2] =	stream.indirect.gather [hbm4b:s5+s20], $0x40, s23, s20, $0xb8;
	[tilespmem:$0x1B1C0] =	vst v63  }
0x112: {  	_ =	swait.ge [sflag:s26], $0x1F40  }
0x113: {  	[sflag:s26] =	ssyncset.done $0x0  }
0x114: {  	s15 =	sadd.s32 $0x2900, s13;
	[sflag:s26] =	ssyncadd.s32 $0xFFFFE0C0  }
0x115: {  	[spmem:s2] =	stream.indirect.scatter.add.f32 [tilespmem:s28], [sflag:$0x6], $0x40, s15, s20, $0xb8;
	[tilespmem:$0x1B1C0] =	vst v63  }
0x116: {  	_ =	swait.ge [sflag:s17], $0x1F40  }
0x117: {  	[sflag:s17] =	ssyncset.done $0x0  }
0x118: {  	[sflag:s17] =	ssyncadd.s32 $0xFFFFE0C0  }
0x119: {  	[spmem:s3] =	stream.indirect.scatter.add.f32 [tilespmem:s19], [sflag:$0x6], $0x1, s15, s20, $0xb8;
	[tilespmem:$0x1B1C0] =	vst v63  }
0x11a: {  	_ =	swait.ge [sflag:s17], $0x7D  }
0x11b: {  	[sflag:s17] =	ssyncset.done $0x0  }
0x11c: {  	s23 =	simm.s32 $0x2680;
	[sflag:s17] =	ssyncadd.s32 $0xFFFFFF83  }
0x11d: {  	[tilespmem:s28], [sflag:$0x3] =	stream.indirect.gather [hbm4b:s5+s20], $0x40, s23, s20, $0xb8;
	[tilespmem:$0x1B1C0] =	vst v63  }
0x11e: {  	_ =	swait.ge [sflag:s29], $0x1F40  }
0x11f: {  	[sflag:s29] =	ssyncset.done $0x0  }
0x120: {  	s15 =	sadd.s32 $0x2980, s13;
	[sflag:s29] =	ssyncadd.s32 $0xFFFFE0C0  }
0x121: {  	[spmem:s2] =	stream.indirect.scatter.add.f32 [tilespmem:s30], [sflag:$0x6], $0x40, s15, s20, $0xb8;
	[tilespmem:$0x1B1C0] =	vst v63  }
0x122: {  	_ =	swait.ge [sflag:s17], $0x1F40  }
0x123: {  	[sflag:s17] =	ssyncset.done $0x0  }
0x124: {  	[sflag:s17] =	ssyncadd.s32 $0xFFFFE0C0  }
0x125: {  	[spmem:s3] =	stream.indirect.scatter.add.f32 [tilespmem:s19], [sflag:$0x6], $0x1, s15, s20, $0xb8;
	[tilespmem:$0x1B1C0] =	vst v63  }
0x126: {  	_ =	swait.ge [sflag:s17], $0x7D  }
0x127: {  	[sflag:s17] =	ssyncset.done $0x0  }
0x128: {  	s23 =	simm.s32 $0x2700;
	[sflag:s17] =	ssyncadd.s32 $0xFFFFFF83  }
0x129: {  	[tilespmem:s30], [sflag:$0x4] =	stream.indirect.gather [hbm4b:s5+s20], $0x40, s23, s20, $0xb8;
	[tilespmem:$0x1B1C0] =	vst v63  }
0x12a: {  	_ =	swait.ge [sflag:s31], $0x1F40  }
0x12b: {  	[sflag:s31] =	ssyncset.done $0x0  }
0x12c: {  	s13 =	sadd.s32 $0x2A00, s13;
	[sflag:s31] =	ssyncadd.s32 $0xFFFFE0C0  }
0x12d: {  	[spmem:s2] =	stream.indirect.scatter.add.f32 [tilespmem:s1], [sflag:$0x6], $0x40, s13, s20, $0xb8;
	[tilespmem:$0x1B1C0] =	vst v63  }
0x12e: {  	_ =	swait.ge [sflag:s17], $0x1F40  }
0x12f: {  	[sflag:s17] =	ssyncset.done $0x0  }
0x130: {  	[sflag:s17] =	ssyncadd.s32 $0xFFFFE0C0  }
0x131: {  	[spmem:s3] =	stream.indirect.scatter.add.f32 [tilespmem:s19], [sflag:$0x6], $0x1, s13, s20, $0xb8;
	[tilespmem:$0x1B1C0] =	vst v63  }
0x132: {  	_ =	swait.ge [sflag:s17], $0x7D  }
0x133: {  	[sflag:s17] =	ssyncset.done $0x0  }
0x134: {  	[sflag:s17] =	ssyncadd.s32 $0xFFFFFF83  }
0x135: {  	[tilespmem:s1], [sflag:$0x5] =	stream.indirect.gather [hbm4b:s5+s20], $0x40, s0, s20, $0xb8;
	[tilespmem:$0x1B1C0] =	vst v63  }
0x136: {  	_ =	swait.ge [sflag:s18], $0x1F40  }
0x137: {  	[sflag:s18] =	ssyncset.done $0x0  }
0x138: {  	[sflag:s18] =	ssyncadd.s32 $0xFFFFE0C0  }
0x139: {  	[spmem:s2] =	stream.indirect.scatter.add.f32 [tilespmem:s21], [sflag:$0x6], $0x40, s4, s20, $0xb8;
	[tilespmem:$0x1B1C0] =	vst v63  }
0x13a: {  	_ =	swait.ge [sflag:s17], $0x1F40  }
0x13b: {  	[sflag:s17] =	ssyncset.done $0x0  }
0x13c: {  	[sflag:s17] =	ssyncadd.s32 $0xFFFFE0C0  }
0x13d: {  	[spmem:s3] =	stream.indirect.scatter.add.f32 [tilespmem:s19], [sflag:$0x6], $0x1, s4, s20, $0xb8;
	[tilespmem:$0x1B1C0] =	vst v63  }
0x13e: {  	_ =	swait.ge [sflag:s17], $0x7D  }
0x13f: {  	[sflag:s17] =	ssyncset.done $0x0  }
0x140: {  	[sflag:s17] =	ssyncadd.s32 $0xFFFFFF83  }
0x141: {  	[tilespmem:s21], [sflag:$0x1] =	stream.indirect.gather [hbm4b:s5+s20], $0x40, s0, s20, $0xb8;
	[tilespmem:$0x1B1C0] =	vst v63  }
0x142: {  	_ =	swait.ge [sflag:s22], $0x1F40  }
0x143: {  	[sflag:s22] =	ssyncset.done $0x0  }
0x144: {  	[sflag:s22] =	ssyncadd.s32 $0xFFFFE0C0  }
0x145: {  	[spmem:s2] =	stream.indirect.scatter.add.f32 [tilespmem:s24], [sflag:$0x6], $0x40, s8, s20, $0xb8;
	[tilespmem:$0x1B1C0] =	vst v63  }
0x146: {  	_ =	swait.ge [sflag:s17], $0x1F40  }
0x147: {  	[sflag:s17] =	ssyncset.done $0x0  }
0x148: {  	[sflag:s17] =	ssyncadd.s32 $0xFFFFE0C0  }
0x149: {  	[spmem:s3] =	stream.indirect.scatter.add.f32 [tilespmem:s19], [sflag:$0x6], $0x1, s8, s20, $0xb8;
	[tilespmem:$0x1B1C0] =	vst v63  }
0x14a: {  	_ =	swait.ge [sflag:s17], $0x7D  }
0x14b: {  	[sflag:s17] =	ssyncset.done $0x0  }
0x14c: {  	[sflag:s17] =	ssyncadd.s32 $0xFFFFFF83  }
0x14d: {  	[tilespmem:s24], [sflag:$0x2] =	stream.indirect.gather [hbm4b:s5+s20], $0x40, s0, s20, $0xb8;
	[tilespmem:$0x1B1C0] =	vst v63  }
0x14e: {  	_ =	swait.ge [sflag:s26], $0x1F40  }
0x14f: {  	[sflag:s26] =	ssyncset.done $0x0  }
0x150: {  	[sflag:s26] =	ssyncadd.s32 $0xFFFFE0C0  }
0x151: {  	[spmem:s2] =	stream.indirect.scatter.add.f32 [tilespmem:s28], [sflag:$0x6], $0x40, s9, s20, $0xb8;
	[tilespmem:$0x1B1C0] =	vst v63  }
0x152: {  	_ =	swait.ge [sflag:s17], $0x1F40  }
0x153: {  	[sflag:s17] =	ssyncset.done $0x0  }
0x154: {  	[sflag:s17] =	ssyncadd.s32 $0xFFFFE0C0  }
0x155: {  	[spmem:s3] =	stream.indirect.scatter.add.f32 [tilespmem:s19], [sflag:$0x6], $0x1, s9, s20, $0xb8;
	[tilespmem:$0x1B1C0] =	vst v63  }
0x156: {  	_ =	swait.ge [sflag:s17], $0x7D  }
0x157: {  	[sflag:s17] =	ssyncset.done $0x0  }
0x158: {  	[sflag:s17] =	ssyncadd.s32 $0xFFFFFF83  }
0x159: {  	[tilespmem:s28], [sflag:$0x3] =	stream.indirect.gather [hbm4b:s5+s20], $0x40, s0, s20, $0xb8;
	[tilespmem:$0x1B1C0] =	vst v63  }
0x15a: {  	_ =	swait.ge [sflag:s29], $0x1F40  }
0x15b: {  	[sflag:s29] =	ssyncset.done $0x0  }
0x15c: {  	[sflag:s29] =	ssyncadd.s32 $0xFFFFE0C0  }
0x15d: {  	[spmem:s2] =	stream.indirect.scatter.add.f32 [tilespmem:s30], [sflag:$0x6], $0x40, s10, s20, $0xb8;
	[tilespmem:$0x1B1C0] =	vst v63  }
0x15e: {  	_ =	swait.ge [sflag:s17], $0x1F40  }
0x15f: {  	[sflag:s17] =	ssyncset.done $0x0  }
0x160: {  	[sflag:s17] =	ssyncadd.s32 $0xFFFFE0C0  }
0x161: {  	[spmem:s3] =	stream.indirect.scatter.add.f32 [tilespmem:s19], [sflag:$0x6], $0x1, s10, s20, $0xb8;
	[tilespmem:$0x1B1C0] =	vst v63  }
0x162: {  	_ =	swait.ge [sflag:s17], $0x7D  }
0x163: {  	[sflag:s17] =	ssyncset.done $0x0  }
0x164: {  	[sflag:s17] =	ssyncadd.s32 $0xFFFFFF83  }
0x165: {  	[tilespmem:s30], [sflag:$0x4] =	stream.indirect.gather [hbm4b:s5+s20], $0x40, s0, s20, $0xb8;
	[tilespmem:$0x1B1C0] =	vst v63  }
0x166: {  	_ =	swait.ge [sflag:s31], $0x1F40  }
0x167: {  	[sflag:s31] =	ssyncset.done $0x0  }
0x168: {  	[sflag:s31] =	ssyncadd.s32 $0xFFFFE0C0  }
0x169: {  	[spmem:s2] =	stream.indirect.scatter.add.f32 [tilespmem:s1], [sflag:$0x6], $0x40, s11, s20, $0xb8;
	[tilespmem:$0x1B1C0] =	vst v63  }
0x16a: {  	_ =	swait.ge [sflag:s17], $0x1F40  }
0x16b: {  	[sflag:s17] =	ssyncset.done $0x0  }
0x16c: {  	[sflag:s17] =	ssyncadd.s32 $0xFFFFE0C0  }
0x16d: {  	[spmem:s3] =	stream.indirect.scatter.add.f32 [tilespmem:s19], [sflag:$0x6], $0x1, s11, s20, $0xb8;
	[tilespmem:$0x1B1C0] =	vst v63  }
0x16e: {  	_ =	swait.ge [sflag:s17], $0x7D  }
0x16f: {  	[sflag:s17] =	ssyncset.done $0x0  }
0x170: {  	[sflag:s17] =	ssyncadd.s32 $0xFFFFFF83  }
0x171: {  	[tilespmem:s1], [sflag:$0x5] =	stream.indirect.gather [hbm4b:s5+s20], $0x40, s0, s20, $0xb8;
	[tilespmem:$0x1B1C0] =	vst v63  }
0x172: {  	_ =	swait.ge [sflag:s18], $0x1F40  }
0x173: {  	[sflag:s18] =	ssyncset.done $0x0  }
0x174: {  	[sflag:s18] =	ssyncadd.s32 $0xFFFFE0C0  }
0x175: {  	_ =	swait.ge [sflag:s22], $0x1F40  }
0x176: {  	[sflag:s22] =	ssyncset.done $0x0  }
0x177: {  	[sflag:s22] =	ssyncadd.s32 $0xFFFFE0C0  }
0x178: {  	_ =	swait.ge [sflag:s26], $0x1F40  }
0x179: {  	[sflag:s26] =	ssyncset.done $0x0  }
0x17a: {  	[sflag:s26] =	ssyncadd.s32 $0xFFFFE0C0  }
0x17b: {  	_ =	swait.ge [sflag:s29], $0x1F40  }
0x17c: {  	[sflag:s29] =	ssyncset.done $0x0  }
0x17d: {  	[sflag:s29] =	ssyncadd.s32 $0xFFFFE0C0  }
0x17e: {  	_ =	swait.ge [sflag:s31], $0x1F40  }
0x17f: {  	[sflag:s31] =	ssyncset.done $0x0  }
0x180: {  	s14 =	stileid.u32;
	[sflag:s31] =	ssyncadd.s32 $0xFFFFE0C0  }
0x181: {  	s13 =	sshll.u32 s14, $0x6;
	[bflag:$0x0] =	sbarrier.arrive $0xFFFF  }
0x182: {  	s13 =	sor.u32 $0x1C06, s13;
	s15 =	rddreg [dreg:$0xd]  }
0x183: {  	[hbm:s15], [sflag:s13] =	dma.local [spmem:s25], $0x1400  }
0x184: {  	_ =	swait.ge [sflag:s17], $0x1400  }
0x185: {  	[sflag:s17] =	ssyncset.done $0x0  }
0x186: {  	s23 =	sshrl.u32 s7, $0x3;
	s15 =	rddreg [dreg:$0xc];
	[sflag:s17] =	ssyncadd.s32 $0xFFFFEC00  }
0x187: {  	[hbm:s15], [sflag:s13] =	dma.local [spmem:s23], $0x50  }
0x188: {  	_ =	swait.ge [sflag:s17], $0x50  }
0x189: {  	s12 =	sadd.s32 $0x1, s12;
	s23 =	rddreg [dreg:$0x7]  }
0x18a: {  	p0 =	sne.s32 s12, s23  }
.Ltmp2:
0x18b: {  	_ = 	snop;
	(pc) =	sbr.rel @p0 .LBB2_1-.Ltmp2, $3  }
0x18c: {  	_ =	sdelay $0x1  }
0x18d: {  	[sflag:s17] =	ssyncset.done $0x0  }
0x18e: {  	[sflag:s17] =	ssyncadd.s32 $0xFFFFFFB0  }
0x18f: {  	_ =	sfence.sel $0x180000  }
0x190: {  	[bflag:$0x0] =	sbarrier.arrive $0xFFFF  }
0x191: {  	_ =	strace $0x90000047  }
0x192: {  	s0 =	stileid.u32;
	[bflag:$0x2] =	sbarrier.arrive $0xFFFF  }
0x193: {  	p0 =	sne.s32 s0, $0x0;
	s0 =	rddreg [dreg:$0x4]  }
0x194: {  	s0 =	sadd.s32 @!p0 $0x100000, s0  }
0x195: {  	[sflag:s0] =	ssyncadd.tile.s32 @!p0 $0x1;
	_ =	shalt  }
.Lfunc_end2:
_tile_overlayer_lowered:
.L_overlay_start_2:
0x196: {  	(tag) =	ssettag $0x2  }
0x197: {  	s0 =	rddreg [dreg:$0x0];
	s2 =	stileid.u32  }
0x198: {  	s1 =	rddreg [dreg:$0x1];
	p0 =	sne.s32 s2, $0x0  }
0x199: {  	s3 =	rddreg [dreg:$0x2];
	[bflag:$0x3] =	sbarrier.arrive $0xFFFF;
	s2 =	simm.s32 @!p0 $0x1C06  }
0x19a: {  	[timem:s3], [sflag:s2] =	dma.local @!p0 [hbm:s0], s1  }
0x19b: {  	s0 =	simm.s32 @!p0 $0x6  }
0x19c: {  	_ =	swait.ge @!p0 [sflag:s0], s1  }
0x19d: {  	s1 =	ssub.s32 @!p0 $0x0, s1;
	[sflag:s0] =	ssyncset.done @!p0 $0x0  }
0x19e: {  	[sflag:s0] =	ssyncadd.s32 @!p0 s1  }
0x19f: {  	[bflag:$0x3] =	sbarrier.arrive $0xFFFF  }
0x1a0: {  	_ =	shalt  }

</sc_bundles>
